<compile_context>
chip_gen: v7x
topology: tpu7x:2x2x1
jax: 0.10.2.dev20260603
libtpu: 0.0.44.dev20260713+nightly
codegen_flags: <defaults>
</compile_context>

<pallas_src>
import functools

import jax
import jax.numpy as jnp
from jax import lax
from jax.experimental import pallas as pl
from jax.experimental.pallas import tpu as pltpu
from jax.experimental.pallas import tpu_sc as plsc

KNN = 32
EPSV = 1e-5
NEG = float("-inf")
CW = 128


def _make_scores_topk(B, N, C, R, interpret=False):
    NT = N // R

    def body(x_ref, xt_ref, idx_ref):
        b = pl.program_id(0)
        xt = x_ref[0]
        xf = xt_ref[0]
        inner = (-2.0) * jnp.dot(xt, xf, preferred_element_type=jnp.float32)
        xx_row = jnp.sum(xt * xt, axis=1, keepdims=True)
        xx_col = jnp.sum(xf * xf, axis=0, keepdims=True)
        s = (-xx_col - inner) - xx_row
        lane = lax.broadcasted_iota(jnp.int32, (R, N), 1)
        kiota = lax.broadcasted_iota(jnp.int32, (R, KNN), 1)

        def it(k, carry):
            s, acc = carry
            m = jnp.max(s, axis=1, keepdims=True)
            cand = jnp.where(s == m, lane, jnp.int32(N))
            a = jnp.min(cand, axis=1, keepdims=True)
            acc = jnp.where(kiota == k, a, acc)
            s = jnp.where(lane == a, NEG, s)
            return s, acc

        _, acc = lax.fori_loop(
            0, KNN, it, (s, jnp.zeros((R, KNN), jnp.int32)))
        idx_ref[0] = acc + b * N

    return pl.pallas_call(
        body,
        grid=(B, NT),
        in_specs=[
            pl.BlockSpec((1, R, C), lambda b, t: (b, t, 0)),
            pl.BlockSpec((1, C, N), lambda b, t: (b, 0, 0)),
        ],
        out_specs=pl.BlockSpec((1, R, KNN), lambda b, t: (b, t, 0)),
        out_shape=jax.ShapeDtypeStruct((B, N, KNN), jnp.int32),
        interpret=interpret,
    )


def _make_sc_gather(BN):
    info = plsc.get_sparse_core_info()
    NC, NS = info.num_cores, info.num_subcores
    NW = NC * NS
    PPW = BN // NW
    P = 16
    NCH = PPW // P
    mesh = plsc.VectorSubcoreMesh(core_axis_name="c", subcore_axis_name="s")
    f32 = jnp.float32

    @functools.partial(
        pl.kernel,
        mesh=mesh,
        out_type=jax.ShapeDtypeStruct((BN * KNN, CW), f32),
        scratch_types=[
            pltpu.VMEM((PPW * KNN,), jnp.int32),
            pltpu.VMEM((P * KNN, CW), f32),
            pltpu.SemaphoreType.DMA,
        ],
    )
    def k(x_hbm, idx_hbm, g_hbm, idx_v, rows_v, sem):
        wid = lax.axis_index("s") * NC + lax.axis_index("c")
        base_pt = wid * PPW
        pltpu.sync_copy(idx_hbm.at[pl.ds(base_pt * KNN, PPW * KNN)], idx_v)

        def chunk_body(ci, _):
            off = ci * (P * KNN)
            pltpu.async_copy(
                x_hbm.at[idx_v.at[pl.ds(off, P * KNN)]], rows_v, sem).wait()
            ebase = (base_pt + ci * P) * KNN
            pltpu.sync_copy(rows_v, g_hbm.at[pl.ds(ebase, P * KNN)])
            return 0

        lax.fori_loop(0, NCH, chunk_body, 0)

    return k


def _make_edge_conv(BN, C, Cout, T, interpret=False):
    def body(g_ref, x_ref, w_ref, m_ref, o1_ref, o2_ref):
        i = pl.program_id(0)
        ctr = x_ref[...][:, :C]
        M = jnp.full((T, Cout), NEG, jnp.float32)
        a1 = jnp.zeros((1, Cout), jnp.float32)
        a2 = jnp.zeros((1, Cout), jnp.float32)
        for k in range(KNN):
            fd = g_ref[:, k, :C] - ctr
            f2 = jnp.concatenate([fd, ctr], axis=1)
            h = jnp.dot(f2, w_ref[...],
                        preferred_element_type=jnp.float32)
            M = jnp.maximum(M, h)
            a1 = a1 + jnp.sum(h, axis=0, keepdims=True)
            a2 = a2 + jnp.sum(h * h, axis=0, keepdims=True)
        m_ref[...] = M

        @pl.when(i == 0)
        def _():
            o1_ref[...] = a1
            o2_ref[...] = a2

        @pl.when(i > 0)
        def _():
            o1_ref[...] += a1
            o2_ref[...] += a2

    return pl.pallas_call(
        body,
        grid=(BN // T,),
        in_specs=[
            pl.BlockSpec((T, KNN, CW), lambda i: (i, 0, 0)),
            pl.BlockSpec((T, CW), lambda i: (i, 0)),
            pl.BlockSpec((2 * C, Cout), lambda i: (0, 0)),
        ],
        out_specs=[
            pl.BlockSpec((T, Cout), lambda i: (i, 0)),
            pl.BlockSpec((1, Cout), lambda i: (0, 0)),
            pl.BlockSpec((1, Cout), lambda i: (0, 0)),
        ],
        out_shape=[
            jax.ShapeDtypeStruct((BN, Cout), jnp.float32),
            jax.ShapeDtypeStruct((1, Cout), jnp.float32),
            jax.ShapeDtypeStruct((1, Cout), jnp.float32),
        ],
        interpret=interpret,
    )


def _make_apply(BN, Cout, RT, interpret=False):
    def body(m_ref, mean_ref, sd_ref, o_ref):
        h = (m_ref[...] - mean_ref[...]) / sd_ref[...]
        o_ref[...] = jnp.where(h >= 0, h, 0.2 * h)

    return pl.pallas_call(
        body,
        grid=(BN // RT,),
        in_specs=[
            pl.BlockSpec((RT, Cout), lambda i: (i, 0)),
            pl.BlockSpec((1, Cout), lambda i: (0, 0)),
            pl.BlockSpec((1, Cout), lambda i: (0, 0)),
        ],
        out_specs=pl.BlockSpec((RT, Cout), lambda i: (i, 0)),
        out_shape=jax.ShapeDtypeStruct((BN, Cout), jnp.float32),
        interpret=interpret,
    )


def _make_final_mm(BN, Cin, Cout, RT, interpret=False):
    def body(x_ref, w_ref, y_ref, o1_ref, o2_ref):
        i = pl.program_id(0)
        y = jnp.dot(x_ref[...], w_ref[...], preferred_element_type=jnp.float32)
        y_ref[...] = y
        part1 = jnp.sum(y, axis=0, keepdims=True)
        part2 = jnp.sum(y * y, axis=0, keepdims=True)

        @pl.when(i == 0)
        def _():
            o1_ref[...] = part1
            o2_ref[...] = part2

        @pl.when(i > 0)
        def _():
            o1_ref[...] += part1
            o2_ref[...] += part2

    return pl.pallas_call(
        body,
        grid=(BN // RT,),
        in_specs=[
            pl.BlockSpec((RT, Cin), lambda i: (i, 0)),
            pl.BlockSpec((Cin, Cout), lambda i: (0, 0)),
        ],
        out_specs=[
            pl.BlockSpec((RT, Cout), lambda i: (i, 0)),
            pl.BlockSpec((1, Cout), lambda i: (0, 0)),
            pl.BlockSpec((1, Cout), lambda i: (0, 0)),
        ],
        out_shape=[
            jax.ShapeDtypeStruct((BN, Cout), jnp.float32),
            jax.ShapeDtypeStruct((1, Cout), jnp.float32),
            jax.ShapeDtypeStruct((1, Cout), jnp.float32),
        ],
        interpret=interpret,
    )


def _make_final_apply(B, N, Cout, RT, interpret=False):
    NT = N // RT

    def body(y_ref, mean_ref, sd_ref, x5_ref, xg_ref):
        t = pl.program_id(1)
        h = (y_ref[0] - mean_ref[...]) / sd_ref[...]
        h = jnp.where(h >= 0, h, 0.2 * h)
        x5_ref[0] = h
        part = jnp.max(h, axis=0, keepdims=True)

        @pl.when(t == 0)
        def _():
            xg_ref[0] = part

        @pl.when(t > 0)
        def _():
            xg_ref[0] = jnp.maximum(xg_ref[0], part)

    return pl.pallas_call(
        body,
        grid=(B, NT),
        in_specs=[
            pl.BlockSpec((1, RT, Cout), lambda b, t: (b, t, 0)),
            pl.BlockSpec((1, Cout), lambda b, t: (0, 0)),
            pl.BlockSpec((1, Cout), lambda b, t: (0, 0)),
        ],
        out_specs=[
            pl.BlockSpec((1, RT, Cout), lambda b, t: (b, t, 0)),
            pl.BlockSpec((1, 1, Cout), lambda b, t: (b, 0, 0)),
        ],
        out_shape=[
            jax.ShapeDtypeStruct((B, N, Cout), jnp.float32),
            jax.ShapeDtypeStruct((B, 1, Cout), jnp.float32),
        ],
        interpret=interpret,
    )


_LAYER_R = 256
_SC_GATHER = _make_sc_gather


def _edge_layer(X, XT, W, B, N, C, Cout):
    BN = B * N
    Ctrue = W.shape[1] // 2
    idx = _make_scores_topk(B, N, C, _LAYER_R)(X, XT)
    Xp = jnp.pad(X, ((0, 0), (0, 0), (0, CW - C))).reshape(BN, CW)
    idxf = idx.reshape(BN * KNN)
    G = _SC_GATHER(BN)(Xp, idxf)
    G3 = G.reshape(BN, KNN, CW)
    M, sum1, sum2 = _make_edge_conv(BN, Ctrue, Cout, _LAYER_R)(G3, Xp, W.T)
    E = jnp.float32(BN * KNN)
    mean = sum1 / E
    var = sum2 / E - mean * mean
    sd = jnp.sqrt(var + EPSV)
    Xn = _make_apply(BN, Cout, _LAYER_R)(M, mean, sd)
    return Xn.reshape(B, N, Cout)


def kernel(x, W1, g1, b1, W2, g2, b2, W3, g3, b3, W4, g4, b4, W5, g5, b5):
    B, C0, N = x.shape
    BN = B * N
    XT1 = jnp.pad(x, ((0, 0), (0, 8 - C0), (0, 0)))
    X1 = jnp.transpose(XT1, (0, 2, 1))

    x1 = _edge_layer(X1, XT1, W1, B, N, 8, 64)
    x1t = jnp.transpose(x1, (0, 2, 1))
    x2 = _edge_layer(x1, x1t, W2, B, N, 64, 64)
    x2t = jnp.transpose(x2, (0, 2, 1))
    x3 = _edge_layer(x2, x2t, W3, B, N, 64, 128)
    x3t = jnp.transpose(x3, (0, 2, 1))
    x4 = _edge_layer(x3, x3t, W4, B, N, 128, 256)
    x4t = jnp.transpose(x4, (0, 2, 1))

    cat = jnp.concatenate([x1, x2, x3, x4], axis=2).reshape(BN, 512)
    y, t1, t2 = _make_final_mm(BN, 512, 1024, _LAYER_R)(cat, W5.T)
    Ef = jnp.float32(BN)
    mean5 = t1 / Ef
    var5 = t2 / Ef - mean5 * mean5
    sd5 = jnp.sqrt(var5 + EPSV)
    x5, xg = _make_final_apply(B, N, 1024, _LAYER_R)(
        y.reshape(B, N, 1024), mean5, sd5)

    xgb = jnp.broadcast_to(xg.reshape(B, 1024)[:, :, None], (B, 1024, N))
    out = jnp.concatenate([x1t, x2t, x3t, x4t, xgb], axis=1)
    x5t = jnp.transpose(x5, (0, 2, 1))
    return (out, x5t)

# --- scband reference (transcript-rebuilt; emitter-appended) ---
"""Pipeline reference for scband-dgcnn-core-28810640621726 (READ-ONLY COPY).

The authoritative reference and input builder live on the scoring server;
editing this copy changes nothing except your own understanding.
"""

import jax, jax.numpy as jnp
import numpy as np

EPS = 1e-5
K = 32


def knn(x, k):
    # x: [B, C, N]
    inner = -2.0 * jnp.einsum('bcn,bcm->bnm', x, x)
    xx = jnp.sum(x ** 2, axis=1, keepdims=True)  # [B,1,N]
    pairwise = -xx - inner - jnp.transpose(xx, (0, 2, 1))
    _, idx = jax.lax.top_k(pairwise, k)
    return idx  # [B, N, K]


def get_neighbors(x, k):
    # x: [B, C, N] -> [B, 2C, N, K]
    B, C, N = x.shape
    idx = knn(x, k)
    xt = jnp.transpose(x, (0, 2, 1))  # [B, N, C]
    neighbors = jax.vmap(lambda pts, i: pts[i])(xt, idx)  # [B, N, K, C]
    xe = jnp.broadcast_to(xt[:, :, None, :], (B, N, k, C))
    feature = jnp.concatenate([neighbors - xe, xe], axis=3)  # [B, N, K, 2C]
    return jnp.transpose(feature, (0, 3, 1, 2))


def bn2d(x, g, b):
    m = jnp.mean(x, axis=(0, 2, 3), keepdims=True)
    v = jnp.var(x, axis=(0, 2, 3), keepdims=True)
    return (x - m) / jnp.sqrt(v + EPS) * g[None, :, None, None] + b[None, :, None, None]


def bn1d(x, g, b):
    m = jnp.mean(x, axis=(0, 2), keepdims=True)
    v = jnp.var(x, axis=(0, 2), keepdims=True)
    return (x - m) / jnp.sqrt(v + EPS) * g[None, :, None] + b[None, :, None]


def lrelu(x):
    return jnp.where(x >= 0, x, 0.2 * x)


def conv2d(W, x):
    return jnp.einsum('oc,bcnk->bonk', W, x)


def conv1d(W, x):
    return jnp.einsum('oc,bcn->bon', W, x)


def setup_inputs(seed: int = 0) -> dict:
    key = jax.random.key(seed)
    ks = jax.random.split(key, 16)
    x = jax.random.normal(ks[0], (8, 3, 1024), dtype=jnp.float32)
    W1 = 0.1 * jax.random.normal(ks[1], (64, 6), dtype=jnp.float32)
    W2 = 0.1 * jax.random.normal(ks[2], (64, 128), dtype=jnp.float32)
    W3 = 0.1 * jax.random.normal(ks[3], (128, 128), dtype=jnp.float32)
    W4 = 0.1 * jax.random.normal(ks[4], (256, 256), dtype=jnp.float32)
    W5 = 0.1 * jax.random.normal(ks[5], (1024, 512), dtype=jnp.float32)
    g1 = jnp.ones((64,), jnp.float32); b1 = jnp.zeros((64,), jnp.float32)
    g2 = jnp.ones((64,), jnp.float32); b2 = jnp.zeros((64,), jnp.float32)
    g3 = jnp.ones((128,), jnp.float32); b3 = jnp.zeros((128,), jnp.float32)
    g4 = jnp.ones((256,), jnp.float32); b4 = jnp.zeros((256,), jnp.float32)
    g5 = jnp.ones((1024,), jnp.float32); b5 = jnp.zeros((1024,), jnp.float32)
    return {"x": x, "W1": W1, "g1": g1, "b1": b1, "W2": W2, "g2": g2, "b2": b2,
            "W3": W3, "g3": g3, "b3": b3, "W4": W4, "g4": g4, "b4": b4,
            "W5": W5, "g5": g5, "b5": b5}


def reference(x, W1, g1, b1, W2, g2, b2, W3, g3, b3, W4, g4, b4, W5, g5, b5):
    B, _, N = x.shape
    f = get_neighbors(x, K)
    h = lrelu(bn2d(conv2d(W1, f), g1, b1))
    x1 = jnp.max(h, axis=-1)
    f = get_neighbors(x1, K)
    h = lrelu(bn2d(conv2d(W2, f), g2, b2))
    x2 = jnp.max(h, axis=-1)
    f = get_neighbors(x2, K)
    h = lrelu(bn2d(conv2d(W3, f), g3, b3))
    x3 = jnp.max(h, axis=-1)
    f = get_neighbors(x3, K)
    h = lrelu(bn2d(conv2d(W4, f), g4, b4))
    x4 = jnp.max(h, axis=-1)
    cat = jnp.concatenate([x1, x2, x3, x4], axis=1)  # [B, 512, N]
    x5 = lrelu(bn1d(conv1d(W5, cat), g5, b5))  # [B, 1024, N]
    xg = jnp.max(x5, axis=-1, keepdims=True)  # [B, 1024, 1]
    xg = jnp.broadcast_to(xg, (B, 1024, N))
    out = jnp.concatenate([x1, x2, x3, x4, xg], axis=1)  # [B, 1536, N]
    return (out, x5)

if __name__ == "__main__":
    import jax
    _d = setup_inputs()
    print(jax.jit(kernel)(*tuple(_d.values())))

</pallas_src>

<mosaic_0001>
#map = affine_map<(d0, d1) -> (0, 0)>
#map1 = affine_map<(d0, d1) -> (0)>
module attributes {stable_mosaic.version = 14 : i64} {
  func.func @k(%arg0: i32, %arg1: i32, %arg2: memref<8192x128xf32, #tpu.memory_space<hbm>>, %arg3: memref<262144xi32, #tpu.memory_space<hbm>>, %arg4: memref<262144x128xf32, #tpu.memory_space<hbm>>, %arg5: memref<8192xi32, #tpu.memory_space<vmem>>, %arg6: memref<512x128xf32, #tpu.memory_space<vmem>>, %arg7: memref<!tpu.dma_semaphore, #tpu.memory_space<semaphore_mem>>) attributes {dimension_semantics = [#tpu.dimension_semantics<core_parallel>, #tpu.dimension_semantics<subcore_parallel>], iteration_bounds = array<i64: 2, 16>, scalar_prefetch = 0 : i64, scratch_operands = 3 : i64, tpu.core_type = #tpu.core_type<sc_vector_subcore>, window_params = [{transform_indices = #map}, {transform_indices = #map1}, {transform_indices = #map}]} {
    %mul3A = arith.constant 2 : i32
    %mul3A_0 = arith.muli %arg1, %mul3A : i32
    %add3A = arith.addi %mul3A_0, %arg0 : i32
    %mul3A_1 = arith.constant 256 : i32
    %mul3A_2 = arith.muli %add3A, %mul3A_1 : i32
    %mul3A_3 = arith.constant 32 : i32
    %mul3A_4 = arith.muli %mul3A_2, %mul3A_3 : i32
    "tpu.region"() ({
      %run_scoped3A = tpu.sem_alloc : memref<!tpu.dma_semaphore, #tpu.memory_space<semaphore_mem>>
      %dma_start3A = tpu.memref_slice %arg3[%mul3A_4] : memref<262144xi32, #tpu.memory_space<hbm>> -> memref<8192xi32, #tpu.memory_space<hbm>>
      %dma_start3A_11 = tpu.memref_slice %arg3[%mul3A_4] : memref<262144xi32, #tpu.memory_space<hbm>> -> memref<8192xi32, #tpu.memory_space<hbm>>
      tpu.enqueue_dma source(%dma_start3A_11 : memref<8192xi32, #tpu.memory_space<hbm>>) target(%arg5 : memref<8192xi32, #tpu.memory_space<vmem>>) target_semaphore(%run_scoped3A : memref<!tpu.dma_semaphore, #tpu.memory_space<semaphore_mem>>)
      %dma_wait3A = tpu.memref_slice %arg3[%mul3A_4] : memref<262144xi32, #tpu.memory_space<hbm>> -> memref<8192xi32, #tpu.memory_space<hbm>>
      %dma_wait3A_12 = tpu.memref_slice %arg3[%mul3A_4] : memref<262144xi32, #tpu.memory_space<hbm>> -> memref<8192xi32, #tpu.memory_space<hbm>>
      tpu.wait_dma2 semaphore(%run_scoped3A : memref<!tpu.dma_semaphore, #tpu.memory_space<semaphore_mem>>) src(%dma_wait3A_12 : memref<8192xi32, #tpu.memory_space<hbm>>) dst(%arg5 : memref<8192xi32, #tpu.memory_space<vmem>>)
      tpu.yield
    }) : () -> ()
    %scan3A = arith.constant 0 : i32
    %scan3A_5 = arith.constant 0 : i32
    %scan3A_6 = arith.constant 16 : i32
    %scan3A_7 = arith.addi %scan3A_5, %scan3A_6 : i32
    %scan3A_8 = arith.constant 1 : i32
    %scan3A_9 = scf.for %scan3A_11 = %scan3A_5 to %scan3A_7 step %scan3A_8 iter_args(%scan3A_12 = %scan3A) -> (i32)  : i32 {
      %mul3A_13 = arith.constant 512 : i32
      %mul3A_14 = arith.muli %scan3A_11, %mul3A_13 : i32
      %dma_start3A = tpu.memref_slice %arg5[%mul3A_14] : memref<8192xi32, #tpu.memory_space<vmem>> -> memref<512xi32, #tpu.memory_space<vmem>>
      %dma_start3A_15 = arith.constant 0 : i32
      %dma_start3A_16 = arith.constant 0 : i32
      %dma_start3A_17 = tpu.memref_slice %arg2[%dma_start3A_15, %dma_start3A_16] : memref<8192x128xf32, #tpu.memory_space<hbm>> -> memref<8192x128xf32, #tpu.memory_space<hbm>>
      tpu.enqueue_indirect_dma source(%dma_start3A_17 : memref<8192x128xf32, #tpu.memory_space<hbm>>) target(%arg6 : memref<512x128xf32, #tpu.memory_space<vmem>>) offsets(%dma_start3A : memref<512xi32, #tpu.memory_space<vmem>>) semaphore(%arg7 : memref<!tpu.dma_semaphore, #tpu.memory_space<semaphore_mem>>)
      %dma_wait3A = tpu.memref_slice %arg5[%mul3A_14] : memref<8192xi32, #tpu.memory_space<vmem>> -> memref<512xi32, #tpu.memory_space<vmem>>
      %dma_wait3A_18 = arith.constant 0 : i32
      %dma_wait3A_19 = arith.constant 0 : i32
      %dma_wait3A_20 = tpu.memref_slice %arg2[%dma_wait3A_18, %dma_wait3A_19] : memref<8192x128xf32, #tpu.memory_space<hbm>> -> memref<8192x128xf32, #tpu.memory_space<hbm>>
      tpu.wait_indirect_dma semaphore(%arg7 : memref<!tpu.dma_semaphore, #tpu.memory_space<semaphore_mem>>) src(%dma_wait3A_20 : memref<8192x128xf32, #tpu.memory_space<hbm>>) dst(%arg6 : memref<512x128xf32, #tpu.memory_space<vmem>>)
      %mul3A_21 = arith.constant 16 : i32
      %mul3A_22 = arith.muli %scan3A_11, %mul3A_21 : i32
      %add3A_23 = arith.addi %mul3A_2, %mul3A_22 : i32
      %mul3A_24 = arith.constant 32 : i32
      %mul3A_25 = arith.muli %add3A_23, %mul3A_24 : i32
      "tpu.region"() ({
        %run_scoped3A = tpu.sem_alloc : memref<!tpu.dma_semaphore, #tpu.memory_space<semaphore_mem>>
        %dma_start3A_27 = arith.constant 0 : i32
        %dma_start3A_28 = tpu.memref_slice %arg4[%mul3A_25, %dma_start3A_27] : memref<262144x128xf32, #tpu.memory_space<hbm>> -> memref<512x128xf32, #tpu.memory_space<hbm>>
        %dma_start3A_29 = arith.constant 0 : i32
        %dma_start3A_30 = tpu.memref_slice %arg4[%mul3A_25, %dma_start3A_29] : memref<262144x128xf32, #tpu.memory_space<hbm>> -> memref<512x128xf32, #tpu.memory_space<hbm>>
        tpu.enqueue_dma source(%arg6 : memref<512x128xf32, #tpu.memory_space<vmem>>) target(%dma_start3A_30 : memref<512x128xf32, #tpu.memory_space<hbm>>) target_semaphore(%run_scoped3A : memref<!tpu.dma_semaphore, #tpu.memory_space<semaphore_mem>>)
        %dma_wait3A_31 = arith.constant 0 : i32
        %dma_wait3A_32 = tpu.memref_slice %arg4[%mul3A_25, %dma_wait3A_31] : memref<262144x128xf32, #tpu.memory_space<hbm>> -> memref<512x128xf32, #tpu.memory_space<hbm>>
        %dma_wait3A_33 = arith.constant 0 : i32
        %dma_wait3A_34 = tpu.memref_slice %arg4[%mul3A_25, %dma_wait3A_33] : memref<262144x128xf32, #tpu.memory_space<hbm>> -> memref<512x128xf32, #tpu.memory_space<hbm>>
        tpu.wait_dma2 semaphore(%run_scoped3A : memref<!tpu.dma_semaphore, #tpu.memory_space<semaphore_mem>>) src(%arg6 : memref<512x128xf32, #tpu.memory_space<vmem>>) dst(%dma_wait3A_34 : memref<512x128xf32, #tpu.memory_space<hbm>>)
        tpu.yield
      }) : () -> ()
      %scan3A_26 = arith.constant 0 : i32
      scf.yield %scan3A_26 : i32
    }
    %scan3A_10 = arith.constant 16 : i32
    return
  }
}

#map = affine_map<(d0, d1) -> (0, 0)>
#map1 = affine_map<(d0, d1) -> (0)>
module attributes {stable_mosaic.version = 14 : i64} {
  func.func @k(%arg0: i32, %arg1: i32, %arg2: memref<8192x128xf32, #tpu.memory_space<hbm>>, %arg3: memref<262144xi32, #tpu.memory_space<hbm>>, %arg4: memref<262144x128xf32, #tpu.memory_space<hbm>>, %arg5: memref<8192xi32, #tpu.memory_space<vmem>>, %arg6: memref<512x128xf32, #tpu.memory_space<vmem>>, %arg7: memref<!tpu.dma_semaphore, #tpu.memory_space<semaphore_mem>>) attributes {dimension_semantics = [#tpu.dimension_semantics<core_parallel>, #tpu.dimension_semantics<subcore_parallel>], iteration_bounds = array<i64: 2, 16>, scalar_prefetch = 0 : i64, scratch_operands = 3 : i64, tpu.core_type = #tpu.core_type<sc_vector_subcore>, window_params = [{transform_indices = #map}, {transform_indices = #map1}, {transform_indices = #map}]} {
    %mul3A = arith.constant 2 : i32
    %mul3A_0 = arith.muli %arg1, %mul3A : i32
    %add3A = arith.addi %mul3A_0, %arg0 : i32
    %mul3A_1 = arith.constant 256 : i32
    %mul3A_2 = arith.muli %add3A, %mul3A_1 : i32
    %mul3A_3 = arith.constant 32 : i32
    %mul3A_4 = arith.muli %mul3A_2, %mul3A_3 : i32
    "tpu.region"() ({
      %run_scoped3A = tpu.sem_alloc : memref<!tpu.dma_semaphore, #tpu.memory_space<semaphore_mem>>
      %dma_start3A = tpu.memref_slice %arg3[%mul3A_4] : memref<262144xi32, #tpu.memory_space<hbm>> -> memref<8192xi32, #tpu.memory_space<hbm>>
      %dma_start3A_11 = tpu.memref_slice %arg3[%mul3A_4] : memref<262144xi32, #tpu.memory_space<hbm>> -> memref<8192xi32, #tpu.memory_space<hbm>>
      tpu.enqueue_dma source(%dma_start3A_11 : memref<8192xi32, #tpu.memory_space<hbm>>) target(%arg5 : memref<8192xi32, #tpu.memory_space<vmem>>) target_semaphore(%run_scoped3A : memref<!tpu.dma_semaphore, #tpu.memory_space<semaphore_mem>>)
      %dma_wait3A = tpu.memref_slice %arg3[%mul3A_4] : memref<262144xi32, #tpu.memory_space<hbm>> -> memref<8192xi32, #tpu.memory_space<hbm>>
      %dma_wait3A_12 = tpu.memref_slice %arg3[%mul3A_4] : memref<262144xi32, #tpu.memory_space<hbm>> -> memref<8192xi32, #tpu.memory_space<hbm>>
      tpu.wait_dma2 semaphore(%run_scoped3A : memref<!tpu.dma_semaphore, #tpu.memory_space<semaphore_mem>>) src(%dma_wait3A_12 : memref<8192xi32, #tpu.memory_space<hbm>>) dst(%arg5 : memref<8192xi32, #tpu.memory_space<vmem>>)
      tpu.yield
    }) : () -> ()
    %scan3A = arith.constant 0 : i32
    %scan3A_5 = arith.constant 0 : i32
    %scan3A_6 = arith.constant 16 : i32
    %scan3A_7 = arith.addi %scan3A_5, %scan3A_6 : i32
    %scan3A_8 = arith.constant 1 : i32
    %scan3A_9 = scf.for %scan3A_11 = %scan3A_5 to %scan3A_7 step %scan3A_8 iter_args(%scan3A_12 = %scan3A) -> (i32)  : i32 {
      %mul3A_13 = arith.constant 512 : i32
      %mul3A_14 = arith.muli %scan3A_11, %mul3A_13 : i32
      %dma_start3A = tpu.memref_slice %arg5[%mul3A_14] : memref<8192xi32, #tpu.memory_space<vmem>> -> memref<512xi32, #tpu.memory_space<vmem>>
      %dma_start3A_15 = arith.constant 0 : i32
      %dma_start3A_16 = arith.constant 0 : i32
      %dma_start3A_17 = tpu.memref_slice %arg2[%dma_start3A_15, %dma_start3A_16] : memref<8192x128xf32, #tpu.memory_space<hbm>> -> memref<8192x128xf32, #tpu.memory_space<hbm>>
      tpu.enqueue_indirect_dma source(%dma_start3A_17 : memref<8192x128xf32, #tpu.memory_space<hbm>>) target(%arg6 : memref<512x128xf32, #tpu.memory_space<vmem>>) offsets(%dma_start3A : memref<512xi32, #tpu.memory_space<vmem>>) semaphore(%arg7 : memref<!tpu.dma_semaphore, #tpu.memory_space<semaphore_mem>>)
      %dma_wait3A = tpu.memref_slice %arg5[%mul3A_14] : memref<8192xi32, #tpu.memory_space<vmem>> -> memref<512xi32, #tpu.memory_space<vmem>>
      %dma_wait3A_18 = arith.constant 0 : i32
      %dma_wait3A_19 = arith.constant 0 : i32
      %dma_wait3A_20 = tpu.memref_slice %arg2[%dma_wait3A_18, %dma_wait3A_19] : memref<8192x128xf32, #tpu.memory_space<hbm>> -> memref<8192x128xf32, #tpu.memory_space<hbm>>
      tpu.wait_indirect_dma semaphore(%arg7 : memref<!tpu.dma_semaphore, #tpu.memory_space<semaphore_mem>>) src(%dma_wait3A_20 : memref<8192x128xf32, #tpu.memory_space<hbm>>) dst(%arg6 : memref<512x128xf32, #tpu.memory_space<vmem>>)
      %mul3A_21 = arith.constant 16 : i32
      %mul3A_22 = arith.muli %scan3A_11, %mul3A_21 : i32
      %add3A_23 = arith.addi %mul3A_2, %mul3A_22 : i32
      %mul3A_24 = arith.constant 32 : i32
      %mul3A_25 = arith.muli %add3A_23, %mul3A_24 : i32
      "tpu.region"() ({
        %run_scoped3A = tpu.sem_alloc : memref<!tpu.dma_semaphore, #tpu.memory_space<semaphore_mem>>
        %dma_start3A_27 = arith.constant 0 : i32
        %dma_start3A_28 = tpu.memref_slice %arg4[%mul3A_25, %dma_start3A_27] : memref<262144x128xf32, #tpu.memory_space<hbm>> -> memref<512x128xf32, #tpu.memory_space<hbm>>
        %dma_start3A_29 = arith.constant 0 : i32
        %dma_start3A_30 = tpu.memref_slice %arg4[%mul3A_25, %dma_start3A_29] : memref<262144x128xf32, #tpu.memory_space<hbm>> -> memref<512x128xf32, #tpu.memory_space<hbm>>
        tpu.enqueue_dma source(%arg6 : memref<512x128xf32, #tpu.memory_space<vmem>>) target(%dma_start3A_30 : memref<512x128xf32, #tpu.memory_space<hbm>>) target_semaphore(%run_scoped3A : memref<!tpu.dma_semaphore, #tpu.memory_space<semaphore_mem>>)
        %dma_wait3A_31 = arith.constant 0 : i32
        %dma_wait3A_32 = tpu.memref_slice %arg4[%mul3A_25, %dma_wait3A_31] : memref<262144x128xf32, #tpu.memory_space<hbm>> -> memref<512x128xf32, #tpu.memory_space<hbm>>
        %dma_wait3A_33 = arith.constant 0 : i32
        %dma_wait3A_34 = tpu.memref_slice %arg4[%mul3A_25, %dma_wait3A_33] : memref<262144x128xf32, #tpu.memory_space<hbm>> -> memref<512x128xf32, #tpu.memory_space<hbm>>
        tpu.wait_dma2 semaphore(%run_scoped3A : memref<!tpu.dma_semaphore, #tpu.memory_space<semaphore_mem>>) src(%arg6 : memref<512x128xf32, #tpu.memory_space<vmem>>) dst(%dma_wait3A_34 : memref<512x128xf32, #tpu.memory_space<hbm>>)
        tpu.yield
      }) : () -> ()
      %scan3A_26 = arith.constant 0 : i32
      scf.yield %scan3A_26 : i32
    }
    %scan3A_10 = arith.constant 16 : i32
    return
  }
}

#map = affine_map<(d0, d1) -> (0, 0)>
#map1 = affine_map<(d0, d1) -> (0)>
module attributes {stable_mosaic.version = 14 : i64} {
  func.func @k(%arg0: i32, %arg1: i32, %arg2: memref<8192x128xf32, #tpu.memory_space<hbm>>, %arg3: memref<262144xi32, #tpu.memory_space<hbm>>, %arg4: memref<262144x128xf32, #tpu.memory_space<hbm>>, %arg5: memref<8192xi32, #tpu.memory_space<vmem>>, %arg6: memref<512x128xf32, #tpu.memory_space<vmem>>, %arg7: memref<!tpu.dma_semaphore, #tpu.memory_space<semaphore_mem>>) attributes {dimension_semantics = [#tpu.dimension_semantics<core_parallel>, #tpu.dimension_semantics<subcore_parallel>], iteration_bounds = array<i64: 2, 16>, scalar_prefetch = 0 : i64, scratch_operands = 3 : i64, tpu.core_type = #tpu.core_type<sc_vector_subcore>, window_params = [{transform_indices = #map}, {transform_indices = #map1}, {transform_indices = #map}]} {
    %mul3A = arith.constant 2 : i32
    %mul3A_0 = arith.muli %arg1, %mul3A : i32
    %add3A = arith.addi %mul3A_0, %arg0 : i32
    %mul3A_1 = arith.constant 256 : i32
    %mul3A_2 = arith.muli %add3A, %mul3A_1 : i32
    %mul3A_3 = arith.constant 32 : i32
    %mul3A_4 = arith.muli %mul3A_2, %mul3A_3 : i32
    "tpu.region"() ({
      %run_scoped3A = tpu.sem_alloc : memref<!tpu.dma_semaphore, #tpu.memory_space<semaphore_mem>>
      %dma_start3A = tpu.memref_slice %arg3[%mul3A_4] : memref<262144xi32, #tpu.memory_space<hbm>> -> memref<8192xi32, #tpu.memory_space<hbm>>
      %dma_start3A_11 = tpu.memref_slice %arg3[%mul3A_4] : memref<262144xi32, #tpu.memory_space<hbm>> -> memref<8192xi32, #tpu.memory_space<hbm>>
      tpu.enqueue_dma source(%dma_start3A_11 : memref<8192xi32, #tpu.memory_space<hbm>>) target(%arg5 : memref<8192xi32, #tpu.memory_space<vmem>>) target_semaphore(%run_scoped3A : memref<!tpu.dma_semaphore, #tpu.memory_space<semaphore_mem>>)
      %dma_wait3A = tpu.memref_slice %arg3[%mul3A_4] : memref<262144xi32, #tpu.memory_space<hbm>> -> memref<8192xi32, #tpu.memory_space<hbm>>
      %dma_wait3A_12 = tpu.memref_slice %arg3[%mul3A_4] : memref<262144xi32, #tpu.memory_space<hbm>> -> memref<8192xi32, #tpu.memory_space<hbm>>
      tpu.wait_dma2 semaphore(%run_scoped3A : memref<!tpu.dma_semaphore, #tpu.memory_space<semaphore_mem>>) src(%dma_wait3A_12 : memref<8192xi32, #tpu.memory_space<hbm>>) dst(%arg5 : memref<8192xi32, #tpu.memory_space<vmem>>)
      tpu.yield
    }) : () -> ()
    %scan3A = arith.constant 0 : i32
    %scan3A_5 = arith.constant 0 : i32
    %scan3A_6 = arith.constant 16 : i32
    %scan3A_7 = arith.addi %scan3A_5, %scan3A_6 : i32
    %scan3A_8 = arith.constant 1 : i32
    %scan3A_9 = scf.for %scan3A_11 = %scan3A_5 to %scan3A_7 step %scan3A_8 iter_args(%scan3A_12 = %scan3A) -> (i32)  : i32 {
      %mul3A_13 = arith.constant 512 : i32
      %mul3A_14 = arith.muli %scan3A_11, %mul3A_13 : i32
      %dma_start3A = tpu.memref_slice %arg5[%mul3A_14] : memref<8192xi32, #tpu.memory_space<vmem>> -> memref<512xi32, #tpu.memory_space<vmem>>
      %dma_start3A_15 = arith.constant 0 : i32
      %dma_start3A_16 = arith.constant 0 : i32
      %dma_start3A_17 = tpu.memref_slice %arg2[%dma_start3A_15, %dma_start3A_16] : memref<8192x128xf32, #tpu.memory_space<hbm>> -> memref<8192x128xf32, #tpu.memory_space<hbm>>
      tpu.enqueue_indirect_dma source(%dma_start3A_17 : memref<8192x128xf32, #tpu.memory_space<hbm>>) target(%arg6 : memref<512x128xf32, #tpu.memory_space<vmem>>) offsets(%dma_start3A : memref<512xi32, #tpu.memory_space<vmem>>) semaphore(%arg7 : memref<!tpu.dma_semaphore, #tpu.memory_space<semaphore_mem>>)
      %dma_wait3A = tpu.memref_slice %arg5[%mul3A_14] : memref<8192xi32, #tpu.memory_space<vmem>> -> memref<512xi32, #tpu.memory_space<vmem>>
      %dma_wait3A_18 = arith.constant 0 : i32
      %dma_wait3A_19 = arith.constant 0 : i32
      %dma_wait3A_20 = tpu.memref_slice %arg2[%dma_wait3A_18, %dma_wait3A_19] : memref<8192x128xf32, #tpu.memory_space<hbm>> -> memref<8192x128xf32, #tpu.memory_space<hbm>>
      tpu.wait_indirect_dma semaphore(%arg7 : memref<!tpu.dma_semaphore, #tpu.memory_space<semaphore_mem>>) src(%dma_wait3A_20 : memref<8192x128xf32, #tpu.memory_space<hbm>>) dst(%arg6 : memref<512x128xf32, #tpu.memory_space<vmem>>)
      %mul3A_21 = arith.constant 16 : i32
      %mul3A_22 = arith.muli %scan3A_11, %mul3A_21 : i32
      %add3A_23 = arith.addi %mul3A_2, %mul3A_22 : i32
      %mul3A_24 = arith.constant 32 : i32
      %mul3A_25 = arith.muli %add3A_23, %mul3A_24 : i32
      "tpu.region"() ({
        %run_scoped3A = tpu.sem_alloc : memref<!tpu.dma_semaphore, #tpu.memory_space<semaphore_mem>>
        %dma_start3A_27 = arith.constant 0 : i32
        %dma_start3A_28 = tpu.memref_slice %arg4[%mul3A_25, %dma_start3A_27] : memref<262144x128xf32, #tpu.memory_space<hbm>> -> memref<512x128xf32, #tpu.memory_space<hbm>>
        %dma_start3A_29 = arith.constant 0 : i32
        %dma_start3A_30 = tpu.memref_slice %arg4[%mul3A_25, %dma_start3A_29] : memref<262144x128xf32, #tpu.memory_space<hbm>> -> memref<512x128xf32, #tpu.memory_space<hbm>>
        tpu.enqueue_dma source(%arg6 : memref<512x128xf32, #tpu.memory_space<vmem>>) target(%dma_start3A_30 : memref<512x128xf32, #tpu.memory_space<hbm>>) target_semaphore(%run_scoped3A : memref<!tpu.dma_semaphore, #tpu.memory_space<semaphore_mem>>)
        %dma_wait3A_31 = arith.constant 0 : i32
        %dma_wait3A_32 = tpu.memref_slice %arg4[%mul3A_25, %dma_wait3A_31] : memref<262144x128xf32, #tpu.memory_space<hbm>> -> memref<512x128xf32, #tpu.memory_space<hbm>>
        %dma_wait3A_33 = arith.constant 0 : i32
        %dma_wait3A_34 = tpu.memref_slice %arg4[%mul3A_25, %dma_wait3A_33] : memref<262144x128xf32, #tpu.memory_space<hbm>> -> memref<512x128xf32, #tpu.memory_space<hbm>>
        tpu.wait_dma2 semaphore(%run_scoped3A : memref<!tpu.dma_semaphore, #tpu.memory_space<semaphore_mem>>) src(%arg6 : memref<512x128xf32, #tpu.memory_space<vmem>>) dst(%dma_wait3A_34 : memref<512x128xf32, #tpu.memory_space<hbm>>)
        tpu.yield
      }) : () -> ()
      %scan3A_26 = arith.constant 0 : i32
      scf.yield %scan3A_26 : i32
    }
    %scan3A_10 = arith.constant 16 : i32
    return
  }
}

#map = affine_map<(d0, d1) -> (0, 0)>
#map1 = affine_map<(d0, d1) -> (0)>
module attributes {stable_mosaic.version = 14 : i64} {
  func.func @k(%arg0: i32, %arg1: i32, %arg2: memref<8192x128xf32, #tpu.memory_space<hbm>>, %arg3: memref<262144xi32, #tpu.memory_space<hbm>>, %arg4: memref<262144x128xf32, #tpu.memory_space<hbm>>, %arg5: memref<8192xi32, #tpu.memory_space<vmem>>, %arg6: memref<512x128xf32, #tpu.memory_space<vmem>>, %arg7: memref<!tpu.dma_semaphore, #tpu.memory_space<semaphore_mem>>) attributes {dimension_semantics = [#tpu.dimension_semantics<core_parallel>, #tpu.dimension_semantics<subcore_parallel>], iteration_bounds = array<i64: 2, 16>, scalar_prefetch = 0 : i64, scratch_operands = 3 : i64, tpu.core_type = #tpu.core_type<sc_vector_subcore>, window_params = [{transform_indices = #map}, {transform_indices = #map1}, {transform_indices = #map}]} {
    %mul3A = arith.constant 2 : i32
    %mul3A_0 = arith.muli %arg1, %mul3A : i32
    %add3A = arith.addi %mul3A_0, %arg0 : i32
    %mul3A_1 = arith.constant 256 : i32
    %mul3A_2 = arith.muli %add3A, %mul3A_1 : i32
    %mul3A_3 = arith.constant 32 : i32
    %mul3A_4 = arith.muli %mul3A_2, %mul3A_3 : i32
    "tpu.region"() ({
      %run_scoped3A = tpu.sem_alloc : memref<!tpu.dma_semaphore, #tpu.memory_space<semaphore_mem>>
      %dma_start3A = tpu.memref_slice %arg3[%mul3A_4] : memref<262144xi32, #tpu.memory_space<hbm>> -> memref<8192xi32, #tpu.memory_space<hbm>>
      %dma_start3A_11 = tpu.memref_slice %arg3[%mul3A_4] : memref<262144xi32, #tpu.memory_space<hbm>> -> memref<8192xi32, #tpu.memory_space<hbm>>
      tpu.enqueue_dma source(%dma_start3A_11 : memref<8192xi32, #tpu.memory_space<hbm>>) target(%arg5 : memref<8192xi32, #tpu.memory_space<vmem>>) target_semaphore(%run_scoped3A : memref<!tpu.dma_semaphore, #tpu.memory_space<semaphore_mem>>)
      %dma_wait3A = tpu.memref_slice %arg3[%mul3A_4] : memref<262144xi32, #tpu.memory_space<hbm>> -> memref<8192xi32, #tpu.memory_space<hbm>>
      %dma_wait3A_12 = tpu.memref_slice %arg3[%mul3A_4] : memref<262144xi32, #tpu.memory_space<hbm>> -> memref<8192xi32, #tpu.memory_space<hbm>>
      tpu.wait_dma2 semaphore(%run_scoped3A : memref<!tpu.dma_semaphore, #tpu.memory_space<semaphore_mem>>) src(%dma_wait3A_12 : memref<8192xi32, #tpu.memory_space<hbm>>) dst(%arg5 : memref<8192xi32, #tpu.memory_space<vmem>>)
      tpu.yield
    }) : () -> ()
    %scan3A = arith.constant 0 : i32
    %scan3A_5 = arith.constant 0 : i32
    %scan3A_6 = arith.constant 16 : i32
    %scan3A_7 = arith.addi %scan3A_5, %scan3A_6 : i32
    %scan3A_8 = arith.constant 1 : i32
    %scan3A_9 = scf.for %scan3A_11 = %scan3A_5 to %scan3A_7 step %scan3A_8 iter_args(%scan3A_12 = %scan3A) -> (i32)  : i32 {
      %mul3A_13 = arith.constant 512 : i32
      %mul3A_14 = arith.muli %scan3A_11, %mul3A_13 : i32
      %dma_start3A = tpu.memref_slice %arg5[%mul3A_14] : memref<8192xi32, #tpu.memory_space<vmem>> -> memref<512xi32, #tpu.memory_space<vmem>>
      %dma_start3A_15 = arith.constant 0 : i32
      %dma_start3A_16 = arith.constant 0 : i32
      %dma_start3A_17 = tpu.memref_slice %arg2[%dma_start3A_15, %dma_start3A_16] : memref<8192x128xf32, #tpu.memory_space<hbm>> -> memref<8192x128xf32, #tpu.memory_space<hbm>>
      tpu.enqueue_indirect_dma source(%dma_start3A_17 : memref<8192x128xf32, #tpu.memory_space<hbm>>) target(%arg6 : memref<512x128xf32, #tpu.memory_space<vmem>>) offsets(%dma_start3A : memref<512xi32, #tpu.memory_space<vmem>>) semaphore(%arg7 : memref<!tpu.dma_semaphore, #tpu.memory_space<semaphore_mem>>)
      %dma_wait3A = tpu.memref_slice %arg5[%mul3A_14] : memref<8192xi32, #tpu.memory_space<vmem>> -> memref<512xi32, #tpu.memory_space<vmem>>
      %dma_wait3A_18 = arith.constant 0 : i32
      %dma_wait3A_19 = arith.constant 0 : i32
      %dma_wait3A_20 = tpu.memref_slice %arg2[%dma_wait3A_18, %dma_wait3A_19] : memref<8192x128xf32, #tpu.memory_space<hbm>> -> memref<8192x128xf32, #tpu.memory_space<hbm>>
      tpu.wait_indirect_dma semaphore(%arg7 : memref<!tpu.dma_semaphore, #tpu.memory_space<semaphore_mem>>) src(%dma_wait3A_20 : memref<8192x128xf32, #tpu.memory_space<hbm>>) dst(%arg6 : memref<512x128xf32, #tpu.memory_space<vmem>>)
      %mul3A_21 = arith.constant 16 : i32
      %mul3A_22 = arith.muli %scan3A_11, %mul3A_21 : i32
      %add3A_23 = arith.addi %mul3A_2, %mul3A_22 : i32
      %mul3A_24 = arith.constant 32 : i32
      %mul3A_25 = arith.muli %add3A_23, %mul3A_24 : i32
      "tpu.region"() ({
        %run_scoped3A = tpu.sem_alloc : memref<!tpu.dma_semaphore, #tpu.memory_space<semaphore_mem>>
        %dma_start3A_27 = arith.constant 0 : i32
        %dma_start3A_28 = tpu.memref_slice %arg4[%mul3A_25, %dma_start3A_27] : memref<262144x128xf32, #tpu.memory_space<hbm>> -> memref<512x128xf32, #tpu.memory_space<hbm>>
        %dma_start3A_29 = arith.constant 0 : i32
        %dma_start3A_30 = tpu.memref_slice %arg4[%mul3A_25, %dma_start3A_29] : memref<262144x128xf32, #tpu.memory_space<hbm>> -> memref<512x128xf32, #tpu.memory_space<hbm>>
        tpu.enqueue_dma source(%arg6 : memref<512x128xf32, #tpu.memory_space<vmem>>) target(%dma_start3A_30 : memref<512x128xf32, #tpu.memory_space<hbm>>) target_semaphore(%run_scoped3A : memref<!tpu.dma_semaphore, #tpu.memory_space<semaphore_mem>>)
        %dma_wait3A_31 = arith.constant 0 : i32
        %dma_wait3A_32 = tpu.memref_slice %arg4[%mul3A_25, %dma_wait3A_31] : memref<262144x128xf32, #tpu.memory_space<hbm>> -> memref<512x128xf32, #tpu.memory_space<hbm>>
        %dma_wait3A_33 = arith.constant 0 : i32
        %dma_wait3A_34 = tpu.memref_slice %arg4[%mul3A_25, %dma_wait3A_33] : memref<262144x128xf32, #tpu.memory_space<hbm>> -> memref<512x128xf32, #tpu.memory_space<hbm>>
        tpu.wait_dma2 semaphore(%run_scoped3A : memref<!tpu.dma_semaphore, #tpu.memory_space<semaphore_mem>>) src(%arg6 : memref<512x128xf32, #tpu.memory_space<vmem>>) dst(%dma_wait3A_34 : memref<512x128xf32, #tpu.memory_space<hbm>>)
        tpu.yield
      }) : () -> ()
      %scan3A_26 = arith.constant 0 : i32
      scf.yield %scan3A_26 : i32
    }
    %scan3A_10 = arith.constant 16 : i32
    return
  }
}

module attributes {stable_mosaic.version = 14 : i64} {
  func.func @body(%arg0: i32, %arg1: i32, %arg2: memref<1x256x8xf32, #tpu.memory_space<vmem>>, %arg3: memref<1x8x1024xf32, #tpu.memory_space<vmem>>, %arg4: memref<1x256x32xi32, #tpu.memory_space<vmem>>) attributes {dimension_semantics = [#tpu.dimension_semantics<arbitrary>, #tpu.dimension_semantics<arbitrary>], iteration_bounds = array<i64: 8, 4>, scalar_prefetch = 0 : i64, scratch_operands = 0 : i64, tpu.core_type = #tpu.core_type<tc>, window_params = [{transform_indices = @transform_0, window_bounds = array<i64: 1, 256, 8>}, {transform_indices = @transform_1, window_bounds = array<i64: 1, 8, 1024>}, {transform_indices = @transform_2, window_bounds = array<i64: 1, 256, 32>}]} {
    %get3A = arith.constant 0 : index
    %get3A_0 = arith.constant 0 : index
    %get3A_1 = arith.constant 0 : index
    %get3A_2 = vector.load %arg2[%get3A, %get3A_0, %get3A_1] : memref<1x256x8xf32, #tpu.memory_space<vmem>>, vector<1x256x8xf32>
    %get3A_3 = vector.shape_cast %get3A_2 : vector<1x256x8xf32> to vector<256x8xf32>
    %get3A_4 = arith.constant 0 : index
    %get3A_5 = arith.constant 0 : index
    %get3A_6 = arith.constant 0 : index
    %get3A_7 = vector.load %arg3[%get3A_4, %get3A_5, %get3A_6] : memref<1x8x1024xf32, #tpu.memory_space<vmem>>, vector<1x8x1024xf32>
    %get3A_8 = vector.shape_cast %get3A_7 : vector<1x8x1024xf32> to vector<8x1024xf32>
    %dot_general3A = arith.constant dense<0.000000e+00> : vector<256x1024xf32>
    %dot_general3A_9 = tpu.matmul %get3A_3, %get3A_8, %dot_general3A {dimension_numbers = #tpu.dot_dimension_numbers<[1], [0], [0], [1], [0, 0, 1, 1], [], []>, transpose_lhs_hint = false} : vector<256x8xf32>, vector<8x1024xf32>, vector<256x1024xf32> -> vector<256x1024xf32>
    %mul3A = arith.constant -2.000000e+00 : f32
    %mul3A_10 = vector.broadcast %mul3A : f32 to vector<256x1024xf32>
    %mul3A_11 = arith.mulf %mul3A_10, %dot_general3A_9 : vector<256x1024xf32>
    %mul3A_12 = arith.mulf %get3A_3, %get3A_3 : vector<256x8xf32>
    %reduce_sum3A = arith.constant dense<0.000000e+00> : vector<256xf32>
    %reduce_sum3A_13 = vector.multi_reduction <add>, %mul3A_12, %reduce_sum3A [1] : vector<256x8xf32> to vector<256xf32>
    %broadcast_in_dim3A = vector.shape_cast %reduce_sum3A_13 : vector<256xf32> to vector<256x1xf32>
    %mul3A_14 = arith.mulf %get3A_8, %get3A_8 : vector<8x1024xf32>
    %reduce_sum3A_15 = arith.constant dense<0.000000e+00> : vector<1024xf32>
    %reduce_sum3A_16 = vector.multi_reduction <add>, %mul3A_14, %reduce_sum3A_15 [0] : vector<8x1024xf32> to vector<1024xf32>
    %broadcast_in_dim3A_17 = vector.shape_cast %reduce_sum3A_16 : vector<1024xf32> to vector<1x1024xf32>
    %neg3A = arith.constant 0.000000e+00 : f32
    %neg3A_18 = vector.broadcast %neg3A : f32 to vector<1x1024xf32>
    %neg3A_19 = arith.subf %neg3A_18, %broadcast_in_dim3A_17 : vector<1x1024xf32>
    %sub3A = vector.broadcast %neg3A_19 : vector<1x1024xf32> to vector<256x1024xf32>
    %sub3A_20 = arith.subf %sub3A, %mul3A_11 : vector<256x1024xf32>
    %sub3A_21 = vector.broadcast %broadcast_in_dim3A : vector<256x1xf32> to vector<256x1024xf32>
    %sub3A_22 = arith.subf %sub3A_20, %sub3A_21 : vector<256x1024xf32>
    %iota3A = tpu.iota {dimensions = array<i32: 1>} : vector<256x1024xi32>
    %iota3A_23 = tpu.iota {dimensions = array<i32: 1>} : vector<256x32xi32>
    %broadcast_in_dim3A_24 = arith.constant 0 : i32
    %broadcast_in_dim3A_25 = vector.broadcast %broadcast_in_dim3A_24 : i32 to vector<256x32xi32>
    %scan3A = arith.constant 0 : i32
    %scan3A_26 = arith.constant 32 : i32
    %scan3A_27 = arith.addi %scan3A, %scan3A_26 : i32
    %scan3A_28 = arith.constant 1 : i32
    %scan3A_29:2 = scf.for %scan3A_39 = %scan3A to %scan3A_27 step %scan3A_28 iter_args(%scan3A_40 = %sub3A_22, %scan3A_41 = %broadcast_in_dim3A_25) -> (vector<256x1024xf32>, vector<256x32xi32>)  : i32 {
      %reduce_max3A = arith.constant dense<0xFF800000> : vector<256xf32>
      %reduce_max3A_42 = vector.multi_reduction <maximumf>, %scan3A_40, %reduce_max3A [1] : vector<256x1024xf32> to vector<256xf32>
      %broadcast_in_dim3A_43 = vector.shape_cast %reduce_max3A_42 : vector<256xf32> to vector<256x1xf32>
      %eq3A = vector.broadcast %broadcast_in_dim3A_43 : vector<256x1xf32> to vector<256x1024xf32>
      %eq3A_44 = arith.cmpf oeq, %scan3A_40, %eq3A : vector<256x1024xf32>
      %jit3A = arith.constant 1024 : i32
      %broadcast_in_dim3A_45 = vector.broadcast %jit3A : i32 to vector<256x1024xi32>
      %select_n3A = arith.select %eq3A_44, %iota3A, %broadcast_in_dim3A_45 : vector<256x1024xi1>, vector<256x1024xi32>
      %reduce_min3A = arith.constant dense<2147483647> : vector<256xi32>
      %reduce_min3A_46 = vector.multi_reduction <minsi>, %select_n3A, %reduce_min3A [1] : vector<256x1024xi32> to vector<256xi32>
      %broadcast_in_dim3A_47 = vector.shape_cast %reduce_min3A_46 : vector<256xi32> to vector<256x1xi32>
      %eq3A_48 = vector.broadcast %scan3A_39 : i32 to vector<256x32xi32>
      %eq3A_49 = arith.cmpi eq, %iota3A_23, %eq3A_48 : vector<256x32xi32>
      %broadcast_in_dim3A_50 = vector.shape_cast %broadcast_in_dim3A_47 : vector<256x1xi32> to vector<256x1xi32>
      %broadcast_in_dim3A_51 = vector.broadcast %broadcast_in_dim3A_50 : vector<256x1xi32> to vector<256x32xi32>
      %select_n3A_52 = arith.select %eq3A_49, %broadcast_in_dim3A_51, %scan3A_41 : vector<256x32xi1>, vector<256x32xi32>
      %eq3A_53 = vector.broadcast %broadcast_in_dim3A_47 : vector<256x1xi32> to vector<256x1024xi32>
      %eq3A_54 = arith.cmpi eq, %iota3A, %eq3A_53 : vector<256x1024xi32>
      %jit3A_55 = arith.constant 0xFF800000 : f32
      %broadcast_in_dim3A_56 = vector.broadcast %jit3A_55 : f32 to vector<256x1024xf32>
      %select_n3A_57 = arith.select %eq3A_54, %broadcast_in_dim3A_56, %scan3A_40 : vector<256x1024xi1>, vector<256x1024xf32>
      scf.yield %select_n3A_57, %select_n3A_52 : vector<256x1024xf32>, vector<256x32xi32>
    }
    %scan3A_30 = arith.constant 32 : i32
    %mul3A_31 = arith.constant 1024 : i32
    %mul3A_32 = arith.muli %arg0, %mul3A_31 : i32
    %add3A = vector.broadcast %mul3A_32 : i32 to vector<256x32xi32>
    %add3A_33 = arith.addi %scan3A_29#1, %add3A : vector<256x32xi32>
    %swap3A = arith.constant 0 : index
    %swap3A_34 = arith.constant 0 : index
    %swap3A_35 = arith.constant 0 : index
    %swap3A_36 = vector.load %arg4[%swap3A, %swap3A_34, %swap3A_35] : memref<1x256x32xi32, #tpu.memory_space<vmem>>, vector<1x256x32xi32>
    %swap3A_37 = vector.shape_cast %swap3A_36 : vector<1x256x32xi32> to vector<256x32xi32>
    %swap3A_38 = vector.shape_cast %add3A_33 : vector<256x32xi32> to vector<1x256x32xi32>
    tpu.vector_store %arg4[%swap3A, %swap3A_34, %swap3A_35], %swap3A_38 {strides = array<i32>} : memref<1x256x32xi32, #tpu.memory_space<vmem>>, vector<1x256x32xi32>,
    return
  }
  func.func @transform_0(%arg0: i32, %arg1: i32) -> (i32, i32, i32) {
    %c0_i32 = arith.constant 0 : i32
    %c0_i32_0 = arith.constant 0 : i32
    return %arg0, %arg1, %c0_i32 : i32, i32, i32
  }
  func.func @transform_1(%arg0: i32, %arg1: i32) -> (i32, i32, i32) {
    %c0_i32 = arith.constant 0 : i32
    %c0_i32_0 = arith.constant 0 : i32
    %c0_i32_1 = arith.constant 0 : i32
    return %arg0, %c0_i32, %c0_i32_0 : i32, i32, i32
  }
  func.func @transform_2(%arg0: i32, %arg1: i32) -> (i32, i32, i32) {
    %c0_i32 = arith.constant 0 : i32
    %c0_i32_0 = arith.constant 0 : i32
    return %arg0, %arg1, %c0_i32 : i32, i32, i32
  }
}

module attributes {stable_mosaic.version = 14 : i64} {
  func.func @body(%arg0: i32, %arg1: memref<256x32x128xf32, #tpu.memory_space<vmem>>, %arg2: memref<256x128xf32, #tpu.memory_space<vmem>>, %arg3: memref<6x64xf32, #tpu.memory_space<vmem>>, %arg4: memref<256x64xf32, #tpu.memory_space<vmem>>, %arg5: memref<1x64xf32, #tpu.memory_space<vmem>>, %arg6: memref<1x64xf32, #tpu.memory_space<vmem>>) attributes {dimension_semantics = [#tpu.dimension_semantics<arbitrary>], iteration_bounds = array<i64: 32>, scalar_prefetch = 0 : i64, scratch_operands = 0 : i64, tpu.core_type = #tpu.core_type<tc>, window_params = [{transform_indices = @transform_0, window_bounds = array<i64: 256, 32, 128>}, {transform_indices = @transform_1, window_bounds = array<i64: 256, 128>}, {pipeline_mode = #tpu.pipeline_mode<synchronous>, transform_indices = @transform_2, window_bounds = array<i64: 6, 64>}, {transform_indices = @transform_3, window_bounds = array<i64: 256, 64>}, {pipeline_mode = #tpu.pipeline_mode<synchronous>, transform_indices = @transform_4, window_bounds = array<i64: 1, 64>}, {pipeline_mode = #tpu.pipeline_mode<synchronous>, transform_indices = @transform_5, window_bounds = array<i64: 1, 64>}]} {
    %get3A = arith.constant 0 : index
    %get3A_0 = arith.constant 0 : index
    %get3A_1 = vector.load %arg2[%get3A, %get3A_0] : memref<256x128xf32, #tpu.memory_space<vmem>>, vector<256x128xf32>
    %slice3A = vector.extract_strided_slice %get3A_1 {offsets = [0, 0], sizes = [256, 3], strides = [1, 1]} : vector<256x128xf32> to vector<256x3xf32>
    %broadcast_in_dim3A = arith.constant 0xFF800000 : f32
    %broadcast_in_dim3A_2 = vector.broadcast %broadcast_in_dim3A : f32 to vector<256x64xf32>
    %broadcast_in_dim3A_3 = arith.constant 0.000000e+00 : f32
    %broadcast_in_dim3A_4 = vector.broadcast %broadcast_in_dim3A_3 : f32 to vector<1x64xf32>
    %broadcast_in_dim3A_5 = arith.constant 0.000000e+00 : f32
    %broadcast_in_dim3A_6 = vector.broadcast %broadcast_in_dim3A_5 : f32 to vector<1x64xf32>
    %get3A_7 = arith.constant 0 : index
    %get3A_8 = arith.constant 0 : index
    %get3A_9 = arith.constant 0 : index
    %get3A_10 = vector.load %arg1[%get3A_7, %get3A_8, %get3A_9] : memref<256x32x128xf32, #tpu.memory_space<vmem>>, vector<256x1x3xf32>
    %get3A_11 = vector.shape_cast %get3A_10 : vector<256x1x3xf32> to vector<256x3xf32>
    %sub3A = arith.subf %get3A_11, %slice3A : vector<256x3xf32>
    %concatenate3A = tpu.concatenate %sub3A, %slice3A in 1 : vector<256x3xf32>, vector<256x3xf32> -> vector<256x6xf32>
    %get3A_12 = arith.constant 0 : index
    %get3A_13 = arith.constant 0 : index
    %get3A_14 = vector.load %arg3[%get3A_12, %get3A_13] : memref<6x64xf32, #tpu.memory_space<vmem>>, vector<6x64xf32>
    %dot_general3A = arith.constant dense<0.000000e+00> : vector<256x64xf32>
    %dot_general3A_15 = tpu.matmul %concatenate3A, %get3A_14, %dot_general3A {dimension_numbers = #tpu.dot_dimension_numbers<[1], [0], [0], [1], [0, 0, 1, 1], [], []>, transpose_lhs_hint = false} : vector<256x6xf32>, vector<6x64xf32>, vector<256x64xf32> -> vector<256x64xf32>
    %max3A = arith.maximumf %broadcast_in_dim3A_2, %dot_general3A_15 : vector<256x64xf32>
    %reduce_sum3A = arith.constant dense<0.000000e+00> : vector<64xf32>
    %reduce_sum3A_16 = vector.multi_reduction <add>, %dot_general3A_15, %reduce_sum3A [0] : vector<256x64xf32> to vector<64xf32>
    %broadcast_in_dim3A_17 = vector.shape_cast %reduce_sum3A_16 : vector<64xf32> to vector<1x64xf32>
    %add3A = arith.addf %broadcast_in_dim3A_4, %broadcast_in_dim3A_17 : vector<1x64xf32>
    %mul3A = arith.mulf %dot_general3A_15, %dot_general3A_15 : vector<256x64xf32>
    %reduce_sum3A_18 = arith.constant dense<0.000000e+00> : vector<64xf32>
    %reduce_sum3A_19 = vector.multi_reduction <add>, %mul3A, %reduce_sum3A_18 [0] : vector<256x64xf32> to vector<64xf32>
    %broadcast_in_dim3A_20 = vector.shape_cast %reduce_sum3A_19 : vector<64xf32> to vector<1x64xf32>
    %add3A_21 = arith.addf %broadcast_in_dim3A_6, %broadcast_in_dim3A_20 : vector<1x64xf32>
    %get3A_22 = arith.constant 0 : index
    %get3A_23 = arith.constant 1 : index
    %get3A_24 = arith.constant 0 : index
    %get3A_25 = vector.load %arg1[%get3A_22, %get3A_23, %get3A_24] : memref<256x32x128xf32, #tpu.memory_space<vmem>>, vector<256x1x3xf32>
    %get3A_26 = vector.shape_cast %get3A_25 : vector<256x1x3xf32> to vector<256x3xf32>
    %sub3A_27 = arith.subf %get3A_26, %slice3A : vector<256x3xf32>
    %concatenate3A_28 = tpu.concatenate %sub3A_27, %slice3A in 1 : vector<256x3xf32>, vector<256x3xf32> -> vector<256x6xf32>
    %get3A_29 = arith.constant 0 : index
    %get3A_30 = arith.constant 0 : index
    %get3A_31 = vector.load %arg3[%get3A_29, %get3A_30] : memref<6x64xf32, #tpu.memory_space<vmem>>, vector<6x64xf32>
    %dot_general3A_32 = arith.constant dense<0.000000e+00> : vector<256x64xf32>
    %dot_general3A_33 = tpu.matmul %concatenate3A_28, %get3A_31, %dot_general3A_32 {dimension_numbers = #tpu.dot_dimension_numbers<[1], [0], [0], [1], [0, 0, 1, 1], [], []>, transpose_lhs_hint = false} : vector<256x6xf32>, vector<6x64xf32>, vector<256x64xf32> -> vector<256x64xf32>
    %max3A_34 = arith.maximumf %max3A, %dot_general3A_33 : vector<256x64xf32>
    %reduce_sum3A_35 = arith.constant dense<0.000000e+00> : vector<64xf32>
    %reduce_sum3A_36 = vector.multi_reduction <add>, %dot_general3A_33, %reduce_sum3A_35 [0] : vector<256x64xf32> to vector<64xf32>
    %broadcast_in_dim3A_37 = vector.shape_cast %reduce_sum3A_36 : vector<64xf32> to vector<1x64xf32>
    %add3A_38 = arith.addf %add3A, %broadcast_in_dim3A_37 : vector<1x64xf32>
    %mul3A_39 = arith.mulf %dot_general3A_33, %dot_general3A_33 : vector<256x64xf32>
    %reduce_sum3A_40 = arith.constant dense<0.000000e+00> : vector<64xf32>
    %reduce_sum3A_41 = vector.multi_reduction <add>, %mul3A_39, %reduce_sum3A_40 [0] : vector<256x64xf32> to vector<64xf32>
    %broadcast_in_dim3A_42 = vector.shape_cast %reduce_sum3A_41 : vector<64xf32> to vector<1x64xf32>
    %add3A_43 = arith.addf %add3A_21, %broadcast_in_dim3A_42 : vector<1x64xf32>
    %get3A_44 = arith.constant 0 : index
    %get3A_45 = arith.constant 2 : index
    %get3A_46 = arith.constant 0 : index
    %get3A_47 = vector.load %arg1[%get3A_44, %get3A_45, %get3A_46] : memref<256x32x128xf32, #tpu.memory_space<vmem>>, vector<256x1x3xf32>
    %get3A_48 = vector.shape_cast %get3A_47 : vector<256x1x3xf32> to vector<256x3xf32>
    %sub3A_49 = arith.subf %get3A_48, %slice3A : vector<256x3xf32>
    %concatenate3A_50 = tpu.concatenate %sub3A_49, %slice3A in 1 : vector<256x3xf32>, vector<256x3xf32> -> vector<256x6xf32>
    %get3A_51 = arith.constant 0 : index
    %get3A_52 = arith.constant 0 : index
    %get3A_53 = vector.load %arg3[%get3A_51, %get3A_52] : memref<6x64xf32, #tpu.memory_space<vmem>>, vector<6x64xf32>
    %dot_general3A_54 = arith.constant dense<0.000000e+00> : vector<256x64xf32>
    %dot_general3A_55 = tpu.matmul %concatenate3A_50, %get3A_53, %dot_general3A_54 {dimension_numbers = #tpu.dot_dimension_numbers<[1], [0], [0], [1], [0, 0, 1, 1], [], []>, transpose_lhs_hint = false} : vector<256x6xf32>, vector<6x64xf32>, vector<256x64xf32> -> vector<256x64xf32>
    %max3A_56 = arith.maximumf %max3A_34, %dot_general3A_55 : vector<256x64xf32>
    %reduce_sum3A_57 = arith.constant dense<0.000000e+00> : vector<64xf32>
    %reduce_sum3A_58 = vector.multi_reduction <add>, %dot_general3A_55, %reduce_sum3A_57 [0] : vector<256x64xf32> to vector<64xf32>
    %broadcast_in_dim3A_59 = vector.shape_cast %reduce_sum3A_58 : vector<64xf32> to vector<1x64xf32>
    %add3A_60 = arith.addf %add3A_38, %broadcast_in_dim3A_59 : vector<1x64xf32>
    %mul3A_61 = arith.mulf %dot_general3A_55, %dot_general3A_55 : vector<256x64xf32>
    %reduce_sum3A_62 = arith.constant dense<0.000000e+00> : vector<64xf32>
    %reduce_sum3A_63 = vector.multi_reduction <add>, %mul3A_61, %reduce_sum3A_62 [0] : vector<256x64xf32> to vector<64xf32>
    %broadcast_in_dim3A_64 = vector.shape_cast %reduce_sum3A_63 : vector<64xf32> to vector<1x64xf32>
    %add3A_65 = arith.addf %add3A_43, %broadcast_in_dim3A_64 : vector<1x64xf32>
    %get3A_66 = arith.constant 0 : index
    %get3A_67 = arith.constant 3 : index
    %get3A_68 = arith.constant 0 : index
    %get3A_69 = vector.load %arg1[%get3A_66, %get3A_67, %get3A_68] : memref<256x32x128xf32, #tpu.memory_space<vmem>>, vector<256x1x3xf32>
    %get3A_70 = vector.shape_cast %get3A_69 : vector<256x1x3xf32> to vector<256x3xf32>
    %sub3A_71 = arith.subf %get3A_70, %slice3A : vector<256x3xf32>
    %concatenate3A_72 = tpu.concatenate %sub3A_71, %slice3A in 1 : vector<256x3xf32>, vector<256x3xf32> -> vector<256x6xf32>
    %get3A_73 = arith.constant 0 : index
    %get3A_74 = arith.constant 0 : index
    %get3A_75 = vector.load %arg3[%get3A_73, %get3A_74] : memref<6x64xf32, #tpu.memory_space<vmem>>, vector<6x64xf32>
    %dot_general3A_76 = arith.constant dense<0.000000e+00> : vector<256x64xf32>
    %dot_general3A_77 = tpu.matmul %concatenate3A_72, %get3A_75, %dot_general3A_76 {dimension_numbers = #tpu.dot_dimension_numbers<[1], [0], [0], [1], [0, 0, 1, 1], [], []>, transpose_lhs_hint = false} : vector<256x6xf32>, vector<6x64xf32>, vector<256x64xf32> -> vector<256x64xf32>
    %max3A_78 = arith.maximumf %max3A_56, %dot_general3A_77 : vector<256x64xf32>
    %reduce_sum3A_79 = arith.constant dense<0.000000e+00> : vector<64xf32>
    %reduce_sum3A_80 = vector.multi_reduction <add>, %dot_general3A_77, %reduce_sum3A_79 [0] : vector<256x64xf32> to vector<64xf32>
    %broadcast_in_dim3A_81 = vector.shape_cast %reduce_sum3A_80 : vector<64xf32> to vector<1x64xf32>
    %add3A_82 = arith.addf %add3A_60, %broadcast_in_dim3A_81 : vector<1x64xf32>
    %mul3A_83 = arith.mulf %dot_general3A_77, %dot_general3A_77 : vector<256x64xf32>
    %reduce_sum3A_84 = arith.constant dense<0.000000e+00> : vector<64xf32>
    %reduce_sum3A_85 = vector.multi_reduction <add>, %mul3A_83, %reduce_sum3A_84 [0] : vector<256x64xf32> to vector<64xf32>
    %broadcast_in_dim3A_86 = vector.shape_cast %reduce_sum3A_85 : vector<64xf32> to vector<1x64xf32>
    %add3A_87 = arith.addf %add3A_65, %broadcast_in_dim3A_86 : vector<1x64xf32>
    %get3A_88 = arith.constant 0 : index
    %get3A_89 = arith.constant 4 : index
    %get3A_90 = arith.constant 0 : index
    %get3A_91 = vector.load %arg1[%get3A_88, %get3A_89, %get3A_90] : memref<256x32x128xf32, #tpu.memory_space<vmem>>, vector<256x1x3xf32>
    %get3A_92 = vector.shape_cast %get3A_91 : vector<256x1x3xf32> to vector<256x3xf32>
    %sub3A_93 = arith.subf %get3A_92, %slice3A : vector<256x3xf32>
    %concatenate3A_94 = tpu.concatenate %sub3A_93, %slice3A in 1 : vector<256x3xf32>, vector<256x3xf32> -> vector<256x6xf32>
    %get3A_95 = arith.constant 0 : index
    %get3A_96 = arith.constant 0 : index
    %get3A_97 = vector.load %arg3[%get3A_95, %get3A_96] : memref<6x64xf32, #tpu.memory_space<vmem>>, vector<6x64xf32>
    %dot_general3A_98 = arith.constant dense<0.000000e+00> : vector<256x64xf32>
    %dot_general3A_99 = tpu.matmul %concatenate3A_94, %get3A_97, %dot_general3A_98 {dimension_numbers = #tpu.dot_dimension_numbers<[1], [0], [0], [1], [0, 0, 1, 1], [], []>, transpose_lhs_hint = false} : vector<256x6xf32>, vector<6x64xf32>, vector<256x64xf32> -> vector<256x64xf32>
    %max3A_100 = arith.maximumf %max3A_78, %dot_general3A_99 : vector<256x64xf32>
    %reduce_sum3A_101 = arith.constant dense<0.000000e+00> : vector<64xf32>
    %reduce_sum3A_102 = vector.multi_reduction <add>, %dot_general3A_99, %reduce_sum3A_101 [0] : vector<256x64xf32> to vector<64xf32>
    %broadcast_in_dim3A_103 = vector.shape_cast %reduce_sum3A_102 : vector<64xf32> to vector<1x64xf32>
    %add3A_104 = arith.addf %add3A_82, %broadcast_in_dim3A_103 : vector<1x64xf32>
    %mul3A_105 = arith.mulf %dot_general3A_99, %dot_general3A_99 : vector<256x64xf32>
    %reduce_sum3A_106 = arith.constant dense<0.000000e+00> : vector<64xf32>
    %reduce_sum3A_107 = vector.multi_reduction <add>, %mul3A_105, %reduce_sum3A_106 [0] : vector<256x64xf32> to vector<64xf32>
    %broadcast_in_dim3A_108 = vector.shape_cast %reduce_sum3A_107 : vector<64xf32> to vector<1x64xf32>
    %add3A_109 = arith.addf %add3A_87, %broadcast_in_dim3A_108 : vector<1x64xf32>
    %get3A_110 = arith.constant 0 : index
    %get3A_111 = arith.constant 5 : index
    %get3A_112 = arith.constant 0 : index
    %get3A_113 = vector.load %arg1[%get3A_110, %get3A_111, %get3A_112] : memref<256x32x128xf32, #tpu.memory_space<vmem>>, vector<256x1x3xf32>
    %get3A_114 = vector.shape_cast %get3A_113 : vector<256x1x3xf32> to vector<256x3xf32>
    %sub3A_115 = arith.subf %get3A_114, %slice3A : vector<256x3xf32>
    %concatenate3A_116 = tpu.concatenate %sub3A_115, %slice3A in 1 : vector<256x3xf32>, vector<256x3xf32> -> vector<256x6xf32>
    %get3A_117 = arith.constant 0 : index
    %get3A_118 = arith.constant 0 : index
    %get3A_119 = vector.load %arg3[%get3A_117, %get3A_118] : memref<6x64xf32, #tpu.memory_space<vmem>>, vector<6x64xf32>
    %dot_general3A_120 = arith.constant dense<0.000000e+00> : vector<256x64xf32>
    %dot_general3A_121 = tpu.matmul %concatenate3A_116, %get3A_119, %dot_general3A_120 {dimension_numbers = #tpu.dot_dimension_numbers<[1], [0], [0], [1], [0, 0, 1, 1], [], []>, transpose_lhs_hint = false} : vector<256x6xf32>, vector<6x64xf32>, vector<256x64xf32> -> vector<256x64xf32>
    %max3A_122 = arith.maximumf %max3A_100, %dot_general3A_121 : vector<256x64xf32>
    %reduce_sum3A_123 = arith.constant dense<0.000000e+00> : vector<64xf32>
    %reduce_sum3A_124 = vector.multi_reduction <add>, %dot_general3A_121, %reduce_sum3A_123 [0] : vector<256x64xf32> to vector<64xf32>
    %broadcast_in_dim3A_125 = vector.shape_cast %reduce_sum3A_124 : vector<64xf32> to vector<1x64xf32>
    %add3A_126 = arith.addf %add3A_104, %broadcast_in_dim3A_125 : vector<1x64xf32>
    %mul3A_127 = arith.mulf %dot_general3A_121, %dot_general3A_121 : vector<256x64xf32>
    %reduce_sum3A_128 = arith.constant dense<0.000000e+00> : vector<64xf32>
    %reduce_sum3A_129 = vector.multi_reduction <add>, %mul3A_127, %reduce_sum3A_128 [0] : vector<256x64xf32> to vector<64xf32>
    %broadcast_in_dim3A_130 = vector.shape_cast %reduce_sum3A_129 : vector<64xf32> to vector<1x64xf32>
    %add3A_131 = arith.addf %add3A_109, %broadcast_in_dim3A_130 : vector<1x64xf32>
    %get3A_132 = arith.constant 0 : index
    %get3A_133 = arith.constant 6 : index
    %get3A_134 = arith.constant 0 : index
    %get3A_135 = vector.load %arg1[%get3A_132, %get3A_133, %get3A_134] : memref<256x32x128xf32, #tpu.memory_space<vmem>>, vector<256x1x3xf32>
    %get3A_136 = vector.shape_cast %get3A_135 : vector<256x1x3xf32> to vector<256x3xf32>
    %sub3A_137 = arith.subf %get3A_136, %slice3A : vector<256x3xf32>
    %concatenate3A_138 = tpu.concatenate %sub3A_137, %slice3A in 1 : vector<256x3xf32>, vector<256x3xf32> -> vector<256x6xf32>
    %get3A_139 = arith.constant 0 : index
    %get3A_140 = arith.constant 0 : index
    %get3A_141 = vector.load %arg3[%get3A_139, %get3A_140] : memref<6x64xf32, #tpu.memory_space<vmem>>, vector<6x64xf32>
    %dot_general3A_142 = arith.constant dense<0.000000e+00> : vector<256x64xf32>
    %dot_general3A_143 = tpu.matmul %concatenate3A_138, %get3A_141, %dot_general3A_142 {dimension_numbers = #tpu.dot_dimension_numbers<[1], [0], [0], [1], [0, 0, 1, 1], [], []>, transpose_lhs_hint = false} : vector<256x6xf32>, vector<6x64xf32>, vector<256x64xf32> -> vector<256x64xf32>
    %max3A_144 = arith.maximumf %max3A_122, %dot_general3A_143 : vector<256x64xf32>
    %reduce_sum3A_145 = arith.constant dense<0.000000e+00> : vector<64xf32>
    %reduce_sum3A_146 = vector.multi_reduction <add>, %dot_general3A_143, %reduce_sum3A_145 [0] : vector<256x64xf32> to vector<64xf32>
    %broadcast_in_dim3A_147 = vector.shape_cast %reduce_sum3A_146 : vector<64xf32> to vector<1x64xf32>
    %add3A_148 = arith.addf %add3A_126, %broadcast_in_dim3A_147 : vector<1x64xf32>
    %mul3A_149 = arith.mulf %dot_general3A_143, %dot_general3A_143 : vector<256x64xf32>
    %reduce_sum3A_150 = arith.constant dense<0.000000e+00> : vector<64xf32>
    %reduce_sum3A_151 = vector.multi_reduction <add>, %mul3A_149, %reduce_sum3A_150 [0] : vector<256x64xf32> to vector<64xf32>
    %broadcast_in_dim3A_152 = vector.shape_cast %reduce_sum3A_151 : vector<64xf32> to vector<1x64xf32>
    %add3A_153 = arith.addf %add3A_131, %broadcast_in_dim3A_152 : vector<1x64xf32>
    %get3A_154 = arith.constant 0 : index
    %get3A_155 = arith.constant 7 : index
    %get3A_156 = arith.constant 0 : index
    %get3A_157 = vector.load %arg1[%get3A_154, %get3A_155, %get3A_156] : memref<256x32x128xf32, #tpu.memory_space<vmem>>, vector<256x1x3xf32>
    %get3A_158 = vector.shape_cast %get3A_157 : vector<256x1x3xf32> to vector<256x3xf32>
    %sub3A_159 = arith.subf %get3A_158, %slice3A : vector<256x3xf32>
    %concatenate3A_160 = tpu.concatenate %sub3A_159, %slice3A in 1 : vector<256x3xf32>, vector<256x3xf32> -> vector<256x6xf32>
    %get3A_161 = arith.constant 0 : index
    %get3A_162 = arith.constant 0 : index
    %get3A_163 = vector.load %arg3[%get3A_161, %get3A_162] : memref<6x64xf32, #tpu.memory_space<vmem>>, vector<6x64xf32>
    %dot_general3A_164 = arith.constant dense<0.000000e+00> : vector<256x64xf32>
    %dot_general3A_165 = tpu.matmul %concatenate3A_160, %get3A_163, %dot_general3A_164 {dimension_numbers = #tpu.dot_dimension_numbers<[1], [0], [0], [1], [0, 0, 1, 1], [], []>, transpose_lhs_hint = false} : vector<256x6xf32>, vector<6x64xf32>, vector<256x64xf32> -> vector<256x64xf32>
    %max3A_166 = arith.maximumf %max3A_144, %dot_general3A_165 : vector<256x64xf32>
    %reduce_sum3A_167 = arith.constant dense<0.000000e+00> : vector<64xf32>
    %reduce_sum3A_168 = vector.multi_reduction <add>, %dot_general3A_165, %reduce_sum3A_167 [0] : vector<256x64xf32> to vector<64xf32>
    %broadcast_in_dim3A_169 = vector.shape_cast %reduce_sum3A_168 : vector<64xf32> to vector<1x64xf32>
    %add3A_170 = arith.addf %add3A_148, %broadcast_in_dim3A_169 : vector<1x64xf32>
    %mul3A_171 = arith.mulf %dot_general3A_165, %dot_general3A_165 : vector<256x64xf32>
    %reduce_sum3A_172 = arith.constant dense<0.000000e+00> : vector<64xf32>
    %reduce_sum3A_173 = vector.multi_reduction <add>, %mul3A_171, %reduce_sum3A_172 [0] : vector<256x64xf32> to vector<64xf32>
    %broadcast_in_dim3A_174 = vector.shape_cast %reduce_sum3A_173 : vector<64xf32> to vector<1x64xf32>
    %add3A_175 = arith.addf %add3A_153, %broadcast_in_dim3A_174 : vector<1x64xf32>
    %get3A_176 = arith.constant 0 : index
    %get3A_177 = arith.constant 8 : index
    %get3A_178 = arith.constant 0 : index
    %get3A_179 = vector.load %arg1[%get3A_176, %get3A_177, %get3A_178] : memref<256x32x128xf32, #tpu.memory_space<vmem>>, vector<256x1x3xf32>
    %get3A_180 = vector.shape_cast %get3A_179 : vector<256x1x3xf32> to vector<256x3xf32>
    %sub3A_181 = arith.subf %get3A_180, %slice3A : vector<256x3xf32>
    %concatenate3A_182 = tpu.concatenate %sub3A_181, %slice3A in 1 : vector<256x3xf32>, vector<256x3xf32> -> vector<256x6xf32>
    %get3A_183 = arith.constant 0 : index
    %get3A_184 = arith.constant 0 : index
    %get3A_185 = vector.load %arg3[%get3A_183, %get3A_184] : memref<6x64xf32, #tpu.memory_space<vmem>>, vector<6x64xf32>
    %dot_general3A_186 = arith.constant dense<0.000000e+00> : vector<256x64xf32>
    %dot_general3A_187 = tpu.matmul %concatenate3A_182, %get3A_185, %dot_general3A_186 {dimension_numbers = #tpu.dot_dimension_numbers<[1], [0], [0], [1], [0, 0, 1, 1], [], []>, transpose_lhs_hint = false} : vector<256x6xf32>, vector<6x64xf32>, vector<256x64xf32> -> vector<256x64xf32>
    %max3A_188 = arith.maximumf %max3A_166, %dot_general3A_187 : vector<256x64xf32>
    %reduce_sum3A_189 = arith.constant dense<0.000000e+00> : vector<64xf32>
    %reduce_sum3A_190 = vector.multi_reduction <add>, %dot_general3A_187, %reduce_sum3A_189 [0] : vector<256x64xf32> to vector<64xf32>
    %broadcast_in_dim3A_191 = vector.shape_cast %reduce_sum3A_190 : vector<64xf32> to vector<1x64xf32>
    %add3A_192 = arith.addf %add3A_170, %broadcast_in_dim3A_191 : vector<1x64xf32>
    %mul3A_193 = arith.mulf %dot_general3A_187, %dot_general3A_187 : vector<256x64xf32>
    %reduce_sum3A_194 = arith.constant dense<0.000000e+00> : vector<64xf32>
    %reduce_sum3A_195 = vector.multi_reduction <add>, %mul3A_193, %reduce_sum3A_194 [0] : vector<256x64xf32> to vector<64xf32>
    %broadcast_in_dim3A_196 = vector.shape_cast %reduce_sum3A_195 : vector<64xf32> to vector<1x64xf32>
    %add3A_197 = arith.addf %add3A_175, %broadcast_in_dim3A_196 : vector<1x64xf32>
    %get3A_198 = arith.constant 0 : index
    %get3A_199 = arith.constant 9 : index
    %get3A_200 = arith.constant 0 : index
    %get3A_201 = vector.load %arg1[%get3A_198, %get3A_199, %get3A_200] : memref<256x32x128xf32, #tpu.memory_space<vmem>>, vector<256x1x3xf32>
    %get3A_202 = vector.shape_cast %get3A_201 : vector<256x1x3xf32> to vector<256x3xf32>
    %sub3A_203 = arith.subf %get3A_202, %slice3A : vector<256x3xf32>
    %concatenate3A_204 = tpu.concatenate %sub3A_203, %slice3A in 1 : vector<256x3xf32>, vector<256x3xf32> -> vector<256x6xf32>
    %get3A_205 = arith.constant 0 : index
    %get3A_206 = arith.constant 0 : index
    %get3A_207 = vector.load %arg3[%get3A_205, %get3A_206] : memref<6x64xf32, #tpu.memory_space<vmem>>, vector<6x64xf32>
    %dot_general3A_208 = arith.constant dense<0.000000e+00> : vector<256x64xf32>
    %dot_general3A_209 = tpu.matmul %concatenate3A_204, %get3A_207, %dot_general3A_208 {dimension_numbers = #tpu.dot_dimension_numbers<[1], [0], [0], [1], [0, 0, 1, 1], [], []>, transpose_lhs_hint = false} : vector<256x6xf32>, vector<6x64xf32>, vector<256x64xf32> -> vector<256x64xf32>
    %max3A_210 = arith.maximumf %max3A_188, %dot_general3A_209 : vector<256x64xf32>
    %reduce_sum3A_211 = arith.constant dense<0.000000e+00> : vector<64xf32>
    %reduce_sum3A_212 = vector.multi_reduction <add>, %dot_general3A_209, %reduce_sum3A_211 [0] : vector<256x64xf32> to vector<64xf32>
    %broadcast_in_dim3A_213 = vector.shape_cast %reduce_sum3A_212 : vector<64xf32> to vector<1x64xf32>
    %add3A_214 = arith.addf %add3A_192, %broadcast_in_dim3A_213 : vector<1x64xf32>
    %mul3A_215 = arith.mulf %dot_general3A_209, %dot_general3A_209 : vector<256x64xf32>
    %reduce_sum3A_216 = arith.constant dense<0.000000e+00> : vector<64xf32>
    %reduce_sum3A_217 = vector.multi_reduction <add>, %mul3A_215, %reduce_sum3A_216 [0] : vector<256x64xf32> to vector<64xf32>
    %broadcast_in_dim3A_218 = vector.shape_cast %reduce_sum3A_217 : vector<64xf32> to vector<1x64xf32>
    %add3A_219 = arith.addf %add3A_197, %broadcast_in_dim3A_218 : vector<1x64xf32>
    %get3A_220 = arith.constant 0 : index
    %get3A_221 = arith.constant 10 : index
    %get3A_222 = arith.constant 0 : index
    %get3A_223 = vector.load %arg1[%get3A_220, %get3A_221, %get3A_222] : memref<256x32x128xf32, #tpu.memory_space<vmem>>, vector<256x1x3xf32>
    %get3A_224 = vector.shape_cast %get3A_223 : vector<256x1x3xf32> to vector<256x3xf32>
    %sub3A_225 = arith.subf %get3A_224, %slice3A : vector<256x3xf32>
    %concatenate3A_226 = tpu.concatenate %sub3A_225, %slice3A in 1 : vector<256x3xf32>, vector<256x3xf32> -> vector<256x6xf32>
    %get3A_227 = arith.constant 0 : index
    %get3A_228 = arith.constant 0 : index
    %get3A_229 = vector.load %arg3[%get3A_227, %get3A_228] : memref<6x64xf32, #tpu.memory_space<vmem>>, vector<6x64xf32>
    %dot_general3A_230 = arith.constant dense<0.000000e+00> : vector<256x64xf32>
    %dot_general3A_231 = tpu.matmul %concatenate3A_226, %get3A_229, %dot_general3A_230 {dimension_numbers = #tpu.dot_dimension_numbers<[1], [0], [0], [1], [0, 0, 1, 1], [], []>, transpose_lhs_hint = false} : vector<256x6xf32>, vector<6x64xf32>, vector<256x64xf32> -> vector<256x64xf32>
    %max3A_232 = arith.maximumf %max3A_210, %dot_general3A_231 : vector<256x64xf32>
    %reduce_sum3A_233 = arith.constant dense<0.000000e+00> : vector<64xf32>
    %reduce_sum3A_234 = vector.multi_reduction <add>, %dot_general3A_231, %reduce_sum3A_233 [0] : vector<256x64xf32> to vector<64xf32>
    %broadcast_in_dim3A_235 = vector.shape_cast %reduce_sum3A_234 : vector<64xf32> to vector<1x64xf32>
    %add3A_236 = arith.addf %add3A_214, %broadcast_in_dim3A_235 : vector<1x64xf32>
    %mul3A_237 = arith.mulf %dot_general3A_231, %dot_general3A_231 : vector<256x64xf32>
    %reduce_sum3A_238 = arith.constant dense<0.000000e+00> : vector<64xf32>
    %reduce_sum3A_239 = vector.multi_reduction <add>, %mul3A_237, %reduce_sum3A_238 [0] : vector<256x64xf32> to vector<64xf32>
    %broadcast_in_dim3A_240 = vector.shape_cast %reduce_sum3A_239 : vector<64xf32> to vector<1x64xf32>
    %add3A_241 = arith.addf %add3A_219, %broadcast_in_dim3A_240 : vector<1x64xf32>
    %get3A_242 = arith.constant 0 : index
    %get3A_243 = arith.constant 11 : index
    %get3A_244 = arith.constant 0 : index
    %get3A_245 = vector.load %arg1[%get3A_242, %get3A_243, %get3A_244] : memref<256x32x128xf32, #tpu.memory_space<vmem>>, vector<256x1x3xf32>
    %get3A_246 = vector.shape_cast %get3A_245 : vector<256x1x3xf32> to vector<256x3xf32>
    %sub3A_247 = arith.subf %get3A_246, %slice3A : vector<256x3xf32>
    %concatenate3A_248 = tpu.concatenate %sub3A_247, %slice3A in 1 : vector<256x3xf32>, vector<256x3xf32> -> vector<256x6xf32>
    %get3A_249 = arith.constant 0 : index
    %get3A_250 = arith.constant 0 : index
    %get3A_251 = vector.load %arg3[%get3A_249, %get3A_250] : memref<6x64xf32, #tpu.memory_space<vmem>>, vector<6x64xf32>
    %dot_general3A_252 = arith.constant dense<0.000000e+00> : vector<256x64xf32>
    %dot_general3A_253 = tpu.matmul %concatenate3A_248, %get3A_251, %dot_general3A_252 {dimension_numbers = #tpu.dot_dimension_numbers<[1], [0], [0], [1], [0, 0, 1, 1], [], []>, transpose_lhs_hint = false} : vector<256x6xf32>, vector<6x64xf32>, vector<256x64xf32> -> vector<256x64xf32>
    %max3A_254 = arith.maximumf %max3A_232, %dot_general3A_253 : vector<256x64xf32>
    %reduce_sum3A_255 = arith.constant dense<0.000000e+00> : vector<64xf32>
    %reduce_sum3A_256 = vector.multi_reduction <add>, %dot_general3A_253, %reduce_sum3A_255 [0] : vector<256x64xf32> to vector<64xf32>
    %broadcast_in_dim3A_257 = vector.shape_cast %reduce_sum3A_256 : vector<64xf32> to vector<1x64xf32>
    %add3A_258 = arith.addf %add3A_236, %broadcast_in_dim3A_257 : vector<1x64xf32>
    %mul3A_259 = arith.mulf %dot_general3A_253, %dot_general3A_253 : vector<256x64xf32>
    %reduce_sum3A_260 = arith.constant dense<0.000000e+00> : vector<64xf32>
    %reduce_sum3A_261 = vector.multi_reduction <add>, %mul3A_259, %reduce_sum3A_260 [0] : vector<256x64xf32> to vector<64xf32>
    %broadcast_in_dim3A_262 = vector.shape_cast %reduce_sum3A_261 : vector<64xf32> to vector<1x64xf32>
    %add3A_263 = arith.addf %add3A_241, %broadcast_in_dim3A_262 : vector<1x64xf32>
    %get3A_264 = arith.constant 0 : index
    %get3A_265 = arith.constant 12 : index
    %get3A_266 = arith.constant 0 : index
    %get3A_267 = vector.load %arg1[%get3A_264, %get3A_265, %get3A_266] : memref<256x32x128xf32, #tpu.memory_space<vmem>>, vector<256x1x3xf32>
    %get3A_268 = vector.shape_cast %get3A_267 : vector<256x1x3xf32> to vector<256x3xf32>
    %sub3A_269 = arith.subf %get3A_268, %slice3A : vector<256x3xf32>
    %concatenate3A_270 = tpu.concatenate %sub3A_269, %slice3A in 1 : vector<256x3xf32>, vector<256x3xf32> -> vector<256x6xf32>
    %get3A_271 = arith.constant 0 : index
    %get3A_272 = arith.constant 0 : index
    %get3A_273 = vector.load %arg3[%get3A_271, %get3A_272] : memref<6x64xf32, #tpu.memory_space<vmem>>, vector<6x64xf32>
    %dot_general3A_274 = arith.constant dense<0.000000e+00> : vector<256x64xf32>
    %dot_general3A_275 = tpu.matmul %concatenate3A_270, %get3A_273, %dot_general3A_274 {dimension_numbers = #tpu.dot_dimension_numbers<[1], [0], [0], [1], [0, 0, 1, 1], [], []>, transpose_lhs_hint = false} : vector<256x6xf32>, vector<6x64xf32>, vector<256x64xf32> -> vector<256x64xf32>
    %max3A_276 = arith.maximumf %max3A_254, %dot_general3A_275 : vector<256x64xf32>
    %reduce_sum3A_277 = arith.constant dense<0.000000e+00> : vector<64xf32>
    %reduce_sum3A_278 = vector.multi_reduction <add>, %dot_general3A_275, %reduce_sum3A_277 [0] : vector<256x64xf32> to vector<64xf32>
    %broadcast_in_dim3A_279 = vector.shape_cast %reduce_sum3A_278 : vector<64xf32> to vector<1x64xf32>
    %add3A_280 = arith.addf %add3A_258, %broadcast_in_dim3A_279 : vector<1x64xf32>
    %mul3A_281 = arith.mulf %dot_general3A_275, %dot_general3A_275 : vector<256x64xf32>
    %reduce_sum3A_282 = arith.constant dense<0.000000e+00> : vector<64xf32>
    %reduce_sum3A_283 = vector.multi_reduction <add>, %mul3A_281, %reduce_sum3A_282 [0] : vector<256x64xf32> to vector<64xf32>
    %broadcast_in_dim3A_284 = vector.shape_cast %reduce_sum3A_283 : vector<64xf32> to vector<1x64xf32>
    %add3A_285 = arith.addf %add3A_263, %broadcast_in_dim3A_284 : vector<1x64xf32>
    %get3A_286 = arith.constant 0 : index
    %get3A_287 = arith.constant 13 : index
    %get3A_288 = arith.constant 0 : index
    %get3A_289 = vector.load %arg1[%get3A_286, %get3A_287, %get3A_288] : memref<256x32x128xf32, #tpu.memory_space<vmem>>, vector<256x1x3xf32>
    %get3A_290 = vector.shape_cast %get3A_289 : vector<256x1x3xf32> to vector<256x3xf32>
    %sub3A_291 = arith.subf %get3A_290, %slice3A : vector<256x3xf32>
    %concatenate3A_292 = tpu.concatenate %sub3A_291, %slice3A in 1 : vector<256x3xf32>, vector<256x3xf32> -> vector<256x6xf32>
    %get3A_293 = arith.constant 0 : index
    %get3A_294 = arith.constant 0 : index
    %get3A_295 = vector.load %arg3[%get3A_293, %get3A_294] : memref<6x64xf32, #tpu.memory_space<vmem>>, vector<6x64xf32>
    %dot_general3A_296 = arith.constant dense<0.000000e+00> : vector<256x64xf32>
    %dot_general3A_297 = tpu.matmul %concatenate3A_292, %get3A_295, %dot_general3A_296 {dimension_numbers = #tpu.dot_dimension_numbers<[1], [0], [0], [1], [0, 0, 1, 1], [], []>, transpose_lhs_hint = false} : vector<256x6xf32>, vector<6x64xf32>, vector<256x64xf32> -> vector<256x64xf32>
    %max3A_298 = arith.maximumf %max3A_276, %dot_general3A_297 : vector<256x64xf32>
    %reduce_sum3A_299 = arith.constant dense<0.000000e+00> : vector<64xf32>
    %reduce_sum3A_300 = vector.multi_reduction <add>, %dot_general3A_297, %reduce_sum3A_299 [0] : vector<256x64xf32> to vector<64xf32>
    %broadcast_in_dim3A_301 = vector.shape_cast %reduce_sum3A_300 : vector<64xf32> to vector<1x64xf32>
    %add3A_302 = arith.addf %add3A_280, %broadcast_in_dim3A_301 : vector<1x64xf32>
    %mul3A_303 = arith.mulf %dot_general3A_297, %dot_general3A_297 : vector<256x64xf32>
    %reduce_sum3A_304 = arith.constant dense<0.000000e+00> : vector<64xf32>
    %reduce_sum3A_305 = vector.multi_reduction <add>, %mul3A_303, %reduce_sum3A_304 [0] : vector<256x64xf32> to vector<64xf32>
    %broadcast_in_dim3A_306 = vector.shape_cast %reduce_sum3A_305 : vector<64xf32> to vector<1x64xf32>
    %add3A_307 = arith.addf %add3A_285, %broadcast_in_dim3A_306 : vector<1x64xf32>
    %get3A_308 = arith.constant 0 : index
    %get3A_309 = arith.constant 14 : index
    %get3A_310 = arith.constant 0 : index
    %get3A_311 = vector.load %arg1[%get3A_308, %get3A_309, %get3A_310] : memref<256x32x128xf32, #tpu.memory_space<vmem>>, vector<256x1x3xf32>
    %get3A_312 = vector.shape_cast %get3A_311 : vector<256x1x3xf32> to vector<256x3xf32>
    %sub3A_313 = arith.subf %get3A_312, %slice3A : vector<256x3xf32>
    %concatenate3A_314 = tpu.concatenate %sub3A_313, %slice3A in 1 : vector<256x3xf32>, vector<256x3xf32> -> vector<256x6xf32>
    %get3A_315 = arith.constant 0 : index
    %get3A_316 = arith.constant 0 : index
    %get3A_317 = vector.load %arg3[%get3A_315, %get3A_316] : memref<6x64xf32, #tpu.memory_space<vmem>>, vector<6x64xf32>
    %dot_general3A_318 = arith.constant dense<0.000000e+00> : vector<256x64xf32>
    %dot_general3A_319 = tpu.matmul %concatenate3A_314, %get3A_317, %dot_general3A_318 {dimension_numbers = #tpu.dot_dimension_numbers<[1], [0], [0], [1], [0, 0, 1, 1], [], []>, transpose_lhs_hint = false} : vector<256x6xf32>, vector<6x64xf32>, vector<256x64xf32> -> vector<256x64xf32>
    %max3A_320 = arith.maximumf %max3A_298, %dot_general3A_319 : vector<256x64xf32>
    %reduce_sum3A_321 = arith.constant dense<0.000000e+00> : vector<64xf32>
    %reduce_sum3A_322 = vector.multi_reduction <add>, %dot_general3A_319, %reduce_sum3A_321 [0] : vector<256x64xf32> to vector<64xf32>
    %broadcast_in_dim3A_323 = vector.shape_cast %reduce_sum3A_322 : vector<64xf32> to vector<1x64xf32>
    %add3A_324 = arith.addf %add3A_302, %broadcast_in_dim3A_323 : vector<1x64xf32>
    %mul3A_325 = arith.mulf %dot_general3A_319, %dot_general3A_319 : vector<256x64xf32>
    %reduce_sum3A_326 = arith.constant dense<0.000000e+00> : vector<64xf32>
    %reduce_sum3A_327 = vector.multi_reduction <add>, %mul3A_325, %reduce_sum3A_326 [0] : vector<256x64xf32> to vector<64xf32>
    %broadcast_in_dim3A_328 = vector.shape_cast %reduce_sum3A_327 : vector<64xf32> to vector<1x64xf32>
    %add3A_329 = arith.addf %add3A_307, %broadcast_in_dim3A_328 : vector<1x64xf32>
    %get3A_330 = arith.constant 0 : index
    %get3A_331 = arith.constant 15 : index
    %get3A_332 = arith.constant 0 : index
    %get3A_333 = vector.load %arg1[%get3A_330, %get3A_331, %get3A_332] : memref<256x32x128xf32, #tpu.memory_space<vmem>>, vector<256x1x3xf32>
    %get3A_334 = vector.shape_cast %get3A_333 : vector<256x1x3xf32> to vector<256x3xf32>
    %sub3A_335 = arith.subf %get3A_334, %slice3A : vector<256x3xf32>
    %concatenate3A_336 = tpu.concatenate %sub3A_335, %slice3A in 1 : vector<256x3xf32>, vector<256x3xf32> -> vector<256x6xf32>
    %get3A_337 = arith.constant 0 : index
    %get3A_338 = arith.constant 0 : index
    %get3A_339 = vector.load %arg3[%get3A_337, %get3A_338] : memref<6x64xf32, #tpu.memory_space<vmem>>, vector<6x64xf32>
    %dot_general3A_340 = arith.constant dense<0.000000e+00> : vector<256x64xf32>
    %dot_general3A_341 = tpu.matmul %concatenate3A_336, %get3A_339, %dot_general3A_340 {dimension_numbers = #tpu.dot_dimension_numbers<[1], [0], [0], [1], [0, 0, 1, 1], [], []>, transpose_lhs_hint = false} : vector<256x6xf32>, vector<6x64xf32>, vector<256x64xf32> -> vector<256x64xf32>
    %max3A_342 = arith.maximumf %max3A_320, %dot_general3A_341 : vector<256x64xf32>
    %reduce_sum3A_343 = arith.constant dense<0.000000e+00> : vector<64xf32>
    %reduce_sum3A_344 = vector.multi_reduction <add>, %dot_general3A_341, %reduce_sum3A_343 [0] : vector<256x64xf32> to vector<64xf32>
    %broadcast_in_dim3A_345 = vector.shape_cast %reduce_sum3A_344 : vector<64xf32> to vector<1x64xf32>
    %add3A_346 = arith.addf %add3A_324, %broadcast_in_dim3A_345 : vector<1x64xf32>
    %mul3A_347 = arith.mulf %dot_general3A_341, %dot_general3A_341 : vector<256x64xf32>
    %reduce_sum3A_348 = arith.constant dense<0.000000e+00> : vector<64xf32>
    %reduce_sum3A_349 = vector.multi_reduction <add>, %mul3A_347, %reduce_sum3A_348 [0] : vector<256x64xf32> to vector<64xf32>
    %broadcast_in_dim3A_350 = vector.shape_cast %reduce_sum3A_349 : vector<64xf32> to vector<1x64xf32>
    %add3A_351 = arith.addf %add3A_329, %broadcast_in_dim3A_350 : vector<1x64xf32>
    %get3A_352 = arith.constant 0 : index
    %get3A_353 = arith.constant 16 : index
    %get3A_354 = arith.constant 0 : index
    %get3A_355 = vector.load %arg1[%get3A_352, %get3A_353, %get3A_354] : memref<256x32x128xf32, #tpu.memory_space<vmem>>, vector<256x1x3xf32>
    %get3A_356 = vector.shape_cast %get3A_355 : vector<256x1x3xf32> to vector<256x3xf32>
    %sub3A_357 = arith.subf %get3A_356, %slice3A : vector<256x3xf32>
    %concatenate3A_358 = tpu.concatenate %sub3A_357, %slice3A in 1 : vector<256x3xf32>, vector<256x3xf32> -> vector<256x6xf32>
    %get3A_359 = arith.constant 0 : index
    %get3A_360 = arith.constant 0 : index
    %get3A_361 = vector.load %arg3[%get3A_359, %get3A_360] : memref<6x64xf32, #tpu.memory_space<vmem>>, vector<6x64xf32>
    %dot_general3A_362 = arith.constant dense<0.000000e+00> : vector<256x64xf32>
    %dot_general3A_363 = tpu.matmul %concatenate3A_358, %get3A_361, %dot_general3A_362 {dimension_numbers = #tpu.dot_dimension_numbers<[1], [0], [0], [1], [0, 0, 1, 1], [], []>, transpose_lhs_hint = false} : vector<256x6xf32>, vector<6x64xf32>, vector<256x64xf32> -> vector<256x64xf32>
    %max3A_364 = arith.maximumf %max3A_342, %dot_general3A_363 : vector<256x64xf32>
    %reduce_sum3A_365 = arith.constant dense<0.000000e+00> : vector<64xf32>
    %reduce_sum3A_366 = vector.multi_reduction <add>, %dot_general3A_363, %reduce_sum3A_365 [0] : vector<256x64xf32> to vector<64xf32>
    %broadcast_in_dim3A_367 = vector.shape_cast %reduce_sum3A_366 : vector<64xf32> to vector<1x64xf32>
    %add3A_368 = arith.addf %add3A_346, %broadcast_in_dim3A_367 : vector<1x64xf32>
    %mul3A_369 = arith.mulf %dot_general3A_363, %dot_general3A_363 : vector<256x64xf32>
    %reduce_sum3A_370 = arith.constant dense<0.000000e+00> : vector<64xf32>
    %reduce_sum3A_371 = vector.multi_reduction <add>, %mul3A_369, %reduce_sum3A_370 [0] : vector<256x64xf32> to vector<64xf32>
    %broadcast_in_dim3A_372 = vector.shape_cast %reduce_sum3A_371 : vector<64xf32> to vector<1x64xf32>
    %add3A_373 = arith.addf %add3A_351, %broadcast_in_dim3A_372 : vector<1x64xf32>
    %get3A_374 = arith.constant 0 : index
    %get3A_375 = arith.constant 17 : index
    %get3A_376 = arith.constant 0 : index
    %get3A_377 = vector.load %arg1[%get3A_374, %get3A_375, %get3A_376] : memref<256x32x128xf32, #tpu.memory_space<vmem>>, vector<256x1x3xf32>
    %get3A_378 = vector.shape_cast %get3A_377 : vector<256x1x3xf32> to vector<256x3xf32>
    %sub3A_379 = arith.subf %get3A_378, %slice3A : vector<256x3xf32>
    %concatenate3A_380 = tpu.concatenate %sub3A_379, %slice3A in 1 : vector<256x3xf32>, vector<256x3xf32> -> vector<256x6xf32>
    %get3A_381 = arith.constant 0 : index
    %get3A_382 = arith.constant 0 : index
    %get3A_383 = vector.load %arg3[%get3A_381, %get3A_382] : memref<6x64xf32, #tpu.memory_space<vmem>>, vector<6x64xf32>
    %dot_general3A_384 = arith.constant dense<0.000000e+00> : vector<256x64xf32>
    %dot_general3A_385 = tpu.matmul %concatenate3A_380, %get3A_383, %dot_general3A_384 {dimension_numbers = #tpu.dot_dimension_numbers<[1], [0], [0], [1], [0, 0, 1, 1], [], []>, transpose_lhs_hint = false} : vector<256x6xf32>, vector<6x64xf32>, vector<256x64xf32> -> vector<256x64xf32>
    %max3A_386 = arith.maximumf %max3A_364, %dot_general3A_385 : vector<256x64xf32>
    %reduce_sum3A_387 = arith.constant dense<0.000000e+00> : vector<64xf32>
    %reduce_sum3A_388 = vector.multi_reduction <add>, %dot_general3A_385, %reduce_sum3A_387 [0] : vector<256x64xf32> to vector<64xf32>
    %broadcast_in_dim3A_389 = vector.shape_cast %reduce_sum3A_388 : vector<64xf32> to vector<1x64xf32>
    %add3A_390 = arith.addf %add3A_368, %broadcast_in_dim3A_389 : vector<1x64xf32>
    %mul3A_391 = arith.mulf %dot_general3A_385, %dot_general3A_385 : vector<256x64xf32>
    %reduce_sum3A_392 = arith.constant dense<0.000000e+00> : vector<64xf32>
    %reduce_sum3A_393 = vector.multi_reduction <add>, %mul3A_391, %reduce_sum3A_392 [0] : vector<256x64xf32> to vector<64xf32>
    %broadcast_in_dim3A_394 = vector.shape_cast %reduce_sum3A_393 : vector<64xf32> to vector<1x64xf32>
    %add3A_395 = arith.addf %add3A_373, %broadcast_in_dim3A_394 : vector<1x64xf32>
    %get3A_396 = arith.constant 0 : index
    %get3A_397 = arith.constant 18 : index
    %get3A_398 = arith.constant 0 : index
    %get3A_399 = vector.load %arg1[%get3A_396, %get3A_397, %get3A_398] : memref<256x32x128xf32, #tpu.memory_space<vmem>>, vector<256x1x3xf32>
    %get3A_400 = vector.shape_cast %get3A_399 : vector<256x1x3xf32> to vector<256x3xf32>
    %sub3A_401 = arith.subf %get3A_400, %slice3A : vector<256x3xf32>
    %concatenate3A_402 = tpu.concatenate %sub3A_401, %slice3A in 1 : vector<256x3xf32>, vector<256x3xf32> -> vector<256x6xf32>
    %get3A_403 = arith.constant 0 : index
    %get3A_404 = arith.constant 0 : index
    %get3A_405 = vector.load %arg3[%get3A_403, %get3A_404] : memref<6x64xf32, #tpu.memory_space<vmem>>, vector<6x64xf32>
    %dot_general3A_406 = arith.constant dense<0.000000e+00> : vector<256x64xf32>
    %dot_general3A_407 = tpu.matmul %concatenate3A_402, %get3A_405, %dot_general3A_406 {dimension_numbers = #tpu.dot_dimension_numbers<[1], [0], [0], [1], [0, 0, 1, 1], [], []>, transpose_lhs_hint = false} : vector<256x6xf32>, vector<6x64xf32>, vector<256x64xf32> -> vector<256x64xf32>
    %max3A_408 = arith.maximumf %max3A_386, %dot_general3A_407 : vector<256x64xf32>
    %reduce_sum3A_409 = arith.constant dense<0.000000e+00> : vector<64xf32>
    %reduce_sum3A_410 = vector.multi_reduction <add>, %dot_general3A_407, %reduce_sum3A_409 [0] : vector<256x64xf32> to vector<64xf32>
    %broadcast_in_dim3A_411 = vector.shape_cast %reduce_sum3A_410 : vector<64xf32> to vector<1x64xf32>
    %add3A_412 = arith.addf %add3A_390, %broadcast_in_dim3A_411 : vector<1x64xf32>
    %mul3A_413 = arith.mulf %dot_general3A_407, %dot_general3A_407 : vector<256x64xf32>
    %reduce_sum3A_414 = arith.constant dense<0.000000e+00> : vector<64xf32>
    %reduce_sum3A_415 = vector.multi_reduction <add>, %mul3A_413, %reduce_sum3A_414 [0] : vector<256x64xf32> to vector<64xf32>
    %broadcast_in_dim3A_416 = vector.shape_cast %reduce_sum3A_415 : vector<64xf32> to vector<1x64xf32>
    %add3A_417 = arith.addf %add3A_395, %broadcast_in_dim3A_416 : vector<1x64xf32>
    %get3A_418 = arith.constant 0 : index
    %get3A_419 = arith.constant 19 : index
    %get3A_420 = arith.constant 0 : index
    %get3A_421 = vector.load %arg1[%get3A_418, %get3A_419, %get3A_420] : memref<256x32x128xf32, #tpu.memory_space<vmem>>, vector<256x1x3xf32>
    %get3A_422 = vector.shape_cast %get3A_421 : vector<256x1x3xf32> to vector<256x3xf32>
    %sub3A_423 = arith.subf %get3A_422, %slice3A : vector<256x3xf32>
    %concatenate3A_424 = tpu.concatenate %sub3A_423, %slice3A in 1 : vector<256x3xf32>, vector<256x3xf32> -> vector<256x6xf32>
    %get3A_425 = arith.constant 0 : index
    %get3A_426 = arith.constant 0 : index
    %get3A_427 = vector.load %arg3[%get3A_425, %get3A_426] : memref<6x64xf32, #tpu.memory_space<vmem>>, vector<6x64xf32>
    %dot_general3A_428 = arith.constant dense<0.000000e+00> : vector<256x64xf32>
    %dot_general3A_429 = tpu.matmul %concatenate3A_424, %get3A_427, %dot_general3A_428 {dimension_numbers = #tpu.dot_dimension_numbers<[1], [0], [0], [1], [0, 0, 1, 1], [], []>, transpose_lhs_hint = false} : vector<256x6xf32>, vector<6x64xf32>, vector<256x64xf32> -> vector<256x64xf32>
    %max3A_430 = arith.maximumf %max3A_408, %dot_general3A_429 : vector<256x64xf32>
    %reduce_sum3A_431 = arith.constant dense<0.000000e+00> : vector<64xf32>
    %reduce_sum3A_432 = vector.multi_reduction <add>, %dot_general3A_429, %reduce_sum3A_431 [0] : vector<256x64xf32> to vector<64xf32>
    %broadcast_in_dim3A_433 = vector.shape_cast %reduce_sum3A_432 : vector<64xf32> to vector<1x64xf32>
    %add3A_434 = arith.addf %add3A_412, %broadcast_in_dim3A_433 : vector<1x64xf32>
    %mul3A_435 = arith.mulf %dot_general3A_429, %dot_general3A_429 : vector<256x64xf32>
    %reduce_sum3A_436 = arith.constant dense<0.000000e+00> : vector<64xf32>
    %reduce_sum3A_437 = vector.multi_reduction <add>, %mul3A_435, %reduce_sum3A_436 [0] : vector<256x64xf32> to vector<64xf32>
    %broadcast_in_dim3A_438 = vector.shape_cast %reduce_sum3A_437 : vector<64xf32> to vector<1x64xf32>
    %add3A_439 = arith.addf %add3A_417, %broadcast_in_dim3A_438 : vector<1x64xf32>
    %get3A_440 = arith.constant 0 : index
    %get3A_441 = arith.constant 20 : index
    %get3A_442 = arith.constant 0 : index
    %get3A_443 = vector.load %arg1[%get3A_440, %get3A_441, %get3A_442] : memref<256x32x128xf32, #tpu.memory_space<vmem>>, vector<256x1x3xf32>
    %get3A_444 = vector.shape_cast %get3A_443 : vector<256x1x3xf32> to vector<256x3xf32>
    %sub3A_445 = arith.subf %get3A_444, %slice3A : vector<256x3xf32>
    %concatenate3A_446 = tpu.concatenate %sub3A_445, %slice3A in 1 : vector<256x3xf32>, vector<256x3xf32> -> vector<256x6xf32>
    %get3A_447 = arith.constant 0 : index
    %get3A_448 = arith.constant 0 : index
    %get3A_449 = vector.load %arg3[%get3A_447, %get3A_448] : memref<6x64xf32, #tpu.memory_space<vmem>>, vector<6x64xf32>
    %dot_general3A_450 = arith.constant dense<0.000000e+00> : vector<256x64xf32>
    %dot_general3A_451 = tpu.matmul %concatenate3A_446, %get3A_449, %dot_general3A_450 {dimension_numbers = #tpu.dot_dimension_numbers<[1], [0], [0], [1], [0, 0, 1, 1], [], []>, transpose_lhs_hint = false} : vector<256x6xf32>, vector<6x64xf32>, vector<256x64xf32> -> vector<256x64xf32>
    %max3A_452 = arith.maximumf %max3A_430, %dot_general3A_451 : vector<256x64xf32>
    %reduce_sum3A_453 = arith.constant dense<0.000000e+00> : vector<64xf32>
    %reduce_sum3A_454 = vector.multi_reduction <add>, %dot_general3A_451, %reduce_sum3A_453 [0] : vector<256x64xf32> to vector<64xf32>
    %broadcast_in_dim3A_455 = vector.shape_cast %reduce_sum3A_454 : vector<64xf32> to vector<1x64xf32>
    %add3A_456 = arith.addf %add3A_434, %broadcast_in_dim3A_455 : vector<1x64xf32>
    %mul3A_457 = arith.mulf %dot_general3A_451, %dot_general3A_451 : vector<256x64xf32>
    %reduce_sum3A_458 = arith.constant dense<0.000000e+00> : vector<64xf32>
    %reduce_sum3A_459 = vector.multi_reduction <add>, %mul3A_457, %reduce_sum3A_458 [0] : vector<256x64xf32> to vector<64xf32>
    %broadcast_in_dim3A_460 = vector.shape_cast %reduce_sum3A_459 : vector<64xf32> to vector<1x64xf32>
    %add3A_461 = arith.addf %add3A_439, %broadcast_in_dim3A_460 : vector<1x64xf32>
    %get3A_462 = arith.constant 0 : index
    %get3A_463 = arith.constant 21 : index
    %get3A_464 = arith.constant 0 : index
    %get3A_465 = vector.load %arg1[%get3A_462, %get3A_463, %get3A_464] : memref<256x32x128xf32, #tpu.memory_space<vmem>>, vector<256x1x3xf32>
    %get3A_466 = vector.shape_cast %get3A_465 : vector<256x1x3xf32> to vector<256x3xf32>
    %sub3A_467 = arith.subf %get3A_466, %slice3A : vector<256x3xf32>
    %concatenate3A_468 = tpu.concatenate %sub3A_467, %slice3A in 1 : vector<256x3xf32>, vector<256x3xf32> -> vector<256x6xf32>
    %get3A_469 = arith.constant 0 : index
    %get3A_470 = arith.constant 0 : index
    %get3A_471 = vector.load %arg3[%get3A_469, %get3A_470] : memref<6x64xf32, #tpu.memory_space<vmem>>, vector<6x64xf32>
    %dot_general3A_472 = arith.constant dense<0.000000e+00> : vector<256x64xf32>
    %dot_general3A_473 = tpu.matmul %concatenate3A_468, %get3A_471, %dot_general3A_472 {dimension_numbers = #tpu.dot_dimension_numbers<[1], [0], [0], [1], [0, 0, 1, 1], [], []>, transpose_lhs_hint = false} : vector<256x6xf32>, vector<6x64xf32>, vector<256x64xf32> -> vector<256x64xf32>
    %max3A_474 = arith.maximumf %max3A_452, %dot_general3A_473 : vector<256x64xf32>
    %reduce_sum3A_475 = arith.constant dense<0.000000e+00> : vector<64xf32>
    %reduce_sum3A_476 = vector.multi_reduction <add>, %dot_general3A_473, %reduce_sum3A_475 [0] : vector<256x64xf32> to vector<64xf32>
    %broadcast_in_dim3A_477 = vector.shape_cast %reduce_sum3A_476 : vector<64xf32> to vector<1x64xf32>
    %add3A_478 = arith.addf %add3A_456, %broadcast_in_dim3A_477 : vector<1x64xf32>
    %mul3A_479 = arith.mulf %dot_general3A_473, %dot_general3A_473 : vector<256x64xf32>
    %reduce_sum3A_480 = arith.constant dense<0.000000e+00> : vector<64xf32>
    %reduce_sum3A_481 = vector.multi_reduction <add>, %mul3A_479, %reduce_sum3A_480 [0] : vector<256x64xf32> to vector<64xf32>
    %broadcast_in_dim3A_482 = vector.shape_cast %reduce_sum3A_481 : vector<64xf32> to vector<1x64xf32>
    %add3A_483 = arith.addf %add3A_461, %broadcast_in_dim3A_482 : vector<1x64xf32>
    %get3A_484 = arith.constant 0 : index
    %get3A_485 = arith.constant 22 : index
    %get3A_486 = arith.constant 0 : index
    %get3A_487 = vector.load %arg1[%get3A_484, %get3A_485, %get3A_486] : memref<256x32x128xf32, #tpu.memory_space<vmem>>, vector<256x1x3xf32>
    %get3A_488 = vector.shape_cast %get3A_487 : vector<256x1x3xf32> to vector<256x3xf32>
    %sub3A_489 = arith.subf %get3A_488, %slice3A : vector<256x3xf32>
    %concatenate3A_490 = tpu.concatenate %sub3A_489, %slice3A in 1 : vector<256x3xf32>, vector<256x3xf32> -> vector<256x6xf32>
    %get3A_491 = arith.constant 0 : index
    %get3A_492 = arith.constant 0 : index
    %get3A_493 = vector.load %arg3[%get3A_491, %get3A_492] : memref<6x64xf32, #tpu.memory_space<vmem>>, vector<6x64xf32>
    %dot_general3A_494 = arith.constant dense<0.000000e+00> : vector<256x64xf32>
    %dot_general3A_495 = tpu.matmul %concatenate3A_490, %get3A_493, %dot_general3A_494 {dimension_numbers = #tpu.dot_dimension_numbers<[1], [0], [0], [1], [0, 0, 1, 1], [], []>, transpose_lhs_hint = false} : vector<256x6xf32>, vector<6x64xf32>, vector<256x64xf32> -> vector<256x64xf32>
    %max3A_496 = arith.maximumf %max3A_474, %dot_general3A_495 : vector<256x64xf32>
    %reduce_sum3A_497 = arith.constant dense<0.000000e+00> : vector<64xf32>
    %reduce_sum3A_498 = vector.multi_reduction <add>, %dot_general3A_495, %reduce_sum3A_497 [0] : vector<256x64xf32> to vector<64xf32>
    %broadcast_in_dim3A_499 = vector.shape_cast %reduce_sum3A_498 : vector<64xf32> to vector<1x64xf32>
    %add3A_500 = arith.addf %add3A_478, %broadcast_in_dim3A_499 : vector<1x64xf32>
    %mul3A_501 = arith.mulf %dot_general3A_495, %dot_general3A_495 : vector<256x64xf32>
    %reduce_sum3A_502 = arith.constant dense<0.000000e+00> : vector<64xf32>
    %reduce_sum3A_503 = vector.multi_reduction <add>, %mul3A_501, %reduce_sum3A_502 [0] : vector<256x64xf32> to vector<64xf32>
    %broadcast_in_dim3A_504 = vector.shape_cast %reduce_sum3A_503 : vector<64xf32> to vector<1x64xf32>
    %add3A_505 = arith.addf %add3A_483, %broadcast_in_dim3A_504 : vector<1x64xf32>
    %get3A_506 = arith.constant 0 : index
    %get3A_507 = arith.constant 23 : index
    %get3A_508 = arith.constant 0 : index
    %get3A_509 = vector.load %arg1[%get3A_506, %get3A_507, %get3A_508] : memref<256x32x128xf32, #tpu.memory_space<vmem>>, vector<256x1x3xf32>
    %get3A_510 = vector.shape_cast %get3A_509 : vector<256x1x3xf32> to vector<256x3xf32>
    %sub3A_511 = arith.subf %get3A_510, %slice3A : vector<256x3xf32>
    %concatenate3A_512 = tpu.concatenate %sub3A_511, %slice3A in 1 : vector<256x3xf32>, vector<256x3xf32> -> vector<256x6xf32>
    %get3A_513 = arith.constant 0 : index
    %get3A_514 = arith.constant 0 : index
    %get3A_515 = vector.load %arg3[%get3A_513, %get3A_514] : memref<6x64xf32, #tpu.memory_space<vmem>>, vector<6x64xf32>
    %dot_general3A_516 = arith.constant dense<0.000000e+00> : vector<256x64xf32>
    %dot_general3A_517 = tpu.matmul %concatenate3A_512, %get3A_515, %dot_general3A_516 {dimension_numbers = #tpu.dot_dimension_numbers<[1], [0], [0], [1], [0, 0, 1, 1], [], []>, transpose_lhs_hint = false} : vector<256x6xf32>, vector<6x64xf32>, vector<256x64xf32> -> vector<256x64xf32>
    %max3A_518 = arith.maximumf %max3A_496, %dot_general3A_517 : vector<256x64xf32>
    %reduce_sum3A_519 = arith.constant dense<0.000000e+00> : vector<64xf32>
    %reduce_sum3A_520 = vector.multi_reduction <add>, %dot_general3A_517, %reduce_sum3A_519 [0] : vector<256x64xf32> to vector<64xf32>
    %broadcast_in_dim3A_521 = vector.shape_cast %reduce_sum3A_520 : vector<64xf32> to vector<1x64xf32>
    %add3A_522 = arith.addf %add3A_500, %broadcast_in_dim3A_521 : vector<1x64xf32>
    %mul3A_523 = arith.mulf %dot_general3A_517, %dot_general3A_517 : vector<256x64xf32>
    %reduce_sum3A_524 = arith.constant dense<0.000000e+00> : vector<64xf32>
    %reduce_sum3A_525 = vector.multi_reduction <add>, %mul3A_523, %reduce_sum3A_524 [0] : vector<256x64xf32> to vector<64xf32>
    %broadcast_in_dim3A_526 = vector.shape_cast %reduce_sum3A_525 : vector<64xf32> to vector<1x64xf32>
    %add3A_527 = arith.addf %add3A_505, %broadcast_in_dim3A_526 : vector<1x64xf32>
    %get3A_528 = arith.constant 0 : index
    %get3A_529 = arith.constant 24 : index
    %get3A_530 = arith.constant 0 : index
    %get3A_531 = vector.load %arg1[%get3A_528, %get3A_529, %get3A_530] : memref<256x32x128xf32, #tpu.memory_space<vmem>>, vector<256x1x3xf32>
    %get3A_532 = vector.shape_cast %get3A_531 : vector<256x1x3xf32> to vector<256x3xf32>
    %sub3A_533 = arith.subf %get3A_532, %slice3A : vector<256x3xf32>
    %concatenate3A_534 = tpu.concatenate %sub3A_533, %slice3A in 1 : vector<256x3xf32>, vector<256x3xf32> -> vector<256x6xf32>
    %get3A_535 = arith.constant 0 : index
    %get3A_536 = arith.constant 0 : index
    %get3A_537 = vector.load %arg3[%get3A_535, %get3A_536] : memref<6x64xf32, #tpu.memory_space<vmem>>, vector<6x64xf32>
    %dot_general3A_538 = arith.constant dense<0.000000e+00> : vector<256x64xf32>
    %dot_general3A_539 = tpu.matmul %concatenate3A_534, %get3A_537, %dot_general3A_538 {dimension_numbers = #tpu.dot_dimension_numbers<[1], [0], [0], [1], [0, 0, 1, 1], [], []>, transpose_lhs_hint = false} : vector<256x6xf32>, vector<6x64xf32>, vector<256x64xf32> -> vector<256x64xf32>
    %max3A_540 = arith.maximumf %max3A_518, %dot_general3A_539 : vector<256x64xf32>
    %reduce_sum3A_541 = arith.constant dense<0.000000e+00> : vector<64xf32>
    %reduce_sum3A_542 = vector.multi_reduction <add>, %dot_general3A_539, %reduce_sum3A_541 [0] : vector<256x64xf32> to vector<64xf32>
    %broadcast_in_dim3A_543 = vector.shape_cast %reduce_sum3A_542 : vector<64xf32> to vector<1x64xf32>
    %add3A_544 = arith.addf %add3A_522, %broadcast_in_dim3A_543 : vector<1x64xf32>
    %mul3A_545 = arith.mulf %dot_general3A_539, %dot_general3A_539 : vector<256x64xf32>
    %reduce_sum3A_546 = arith.constant dense<0.000000e+00> : vector<64xf32>
    %reduce_sum3A_547 = vector.multi_reduction <add>, %mul3A_545, %reduce_sum3A_546 [0] : vector<256x64xf32> to vector<64xf32>
    %broadcast_in_dim3A_548 = vector.shape_cast %reduce_sum3A_547 : vector<64xf32> to vector<1x64xf32>
    %add3A_549 = arith.addf %add3A_527, %broadcast_in_dim3A_548 : vector<1x64xf32>
    %get3A_550 = arith.constant 0 : index
    %get3A_551 = arith.constant 25 : index
    %get3A_552 = arith.constant 0 : index
    %get3A_553 = vector.load %arg1[%get3A_550, %get3A_551, %get3A_552] : memref<256x32x128xf32, #tpu.memory_space<vmem>>, vector<256x1x3xf32>
    %get3A_554 = vector.shape_cast %get3A_553 : vector<256x1x3xf32> to vector<256x3xf32>
    %sub3A_555 = arith.subf %get3A_554, %slice3A : vector<256x3xf32>
    %concatenate3A_556 = tpu.concatenate %sub3A_555, %slice3A in 1 : vector<256x3xf32>, vector<256x3xf32> -> vector<256x6xf32>
    %get3A_557 = arith.constant 0 : index
    %get3A_558 = arith.constant 0 : index
    %get3A_559 = vector.load %arg3[%get3A_557, %get3A_558] : memref<6x64xf32, #tpu.memory_space<vmem>>, vector<6x64xf32>
    %dot_general3A_560 = arith.constant dense<0.000000e+00> : vector<256x64xf32>
    %dot_general3A_561 = tpu.matmul %concatenate3A_556, %get3A_559, %dot_general3A_560 {dimension_numbers = #tpu.dot_dimension_numbers<[1], [0], [0], [1], [0, 0, 1, 1], [], []>, transpose_lhs_hint = false} : vector<256x6xf32>, vector<6x64xf32>, vector<256x64xf32> -> vector<256x64xf32>
    %max3A_562 = arith.maximumf %max3A_540, %dot_general3A_561 : vector<256x64xf32>
    %reduce_sum3A_563 = arith.constant dense<0.000000e+00> : vector<64xf32>
    %reduce_sum3A_564 = vector.multi_reduction <add>, %dot_general3A_561, %reduce_sum3A_563 [0] : vector<256x64xf32> to vector<64xf32>
    %broadcast_in_dim3A_565 = vector.shape_cast %reduce_sum3A_564 : vector<64xf32> to vector<1x64xf32>
    %add3A_566 = arith.addf %add3A_544, %broadcast_in_dim3A_565 : vector<1x64xf32>
    %mul3A_567 = arith.mulf %dot_general3A_561, %dot_general3A_561 : vector<256x64xf32>
    %reduce_sum3A_568 = arith.constant dense<0.000000e+00> : vector<64xf32>
    %reduce_sum3A_569 = vector.multi_reduction <add>, %mul3A_567, %reduce_sum3A_568 [0] : vector<256x64xf32> to vector<64xf32>
    %broadcast_in_dim3A_570 = vector.shape_cast %reduce_sum3A_569 : vector<64xf32> to vector<1x64xf32>
    %add3A_571 = arith.addf %add3A_549, %broadcast_in_dim3A_570 : vector<1x64xf32>
    %get3A_572 = arith.constant 0 : index
    %get3A_573 = arith.constant 26 : index
    %get3A_574 = arith.constant 0 : index
    %get3A_575 = vector.load %arg1[%get3A_572, %get3A_573, %get3A_574] : memref<256x32x128xf32, #tpu.memory_space<vmem>>, vector<256x1x3xf32>
    %get3A_576 = vector.shape_cast %get3A_575 : vector<256x1x3xf32> to vector<256x3xf32>
    %sub3A_577 = arith.subf %get3A_576, %slice3A : vector<256x3xf32>
    %concatenate3A_578 = tpu.concatenate %sub3A_577, %slice3A in 1 : vector<256x3xf32>, vector<256x3xf32> -> vector<256x6xf32>
    %get3A_579 = arith.constant 0 : index
    %get3A_580 = arith.constant 0 : index
    %get3A_581 = vector.load %arg3[%get3A_579, %get3A_580] : memref<6x64xf32, #tpu.memory_space<vmem>>, vector<6x64xf32>
    %dot_general3A_582 = arith.constant dense<0.000000e+00> : vector<256x64xf32>
    %dot_general3A_583 = tpu.matmul %concatenate3A_578, %get3A_581, %dot_general3A_582 {dimension_numbers = #tpu.dot_dimension_numbers<[1], [0], [0], [1], [0, 0, 1, 1], [], []>, transpose_lhs_hint = false} : vector<256x6xf32>, vector<6x64xf32>, vector<256x64xf32> -> vector<256x64xf32>
    %max3A_584 = arith.maximumf %max3A_562, %dot_general3A_583 : vector<256x64xf32>
    %reduce_sum3A_585 = arith.constant dense<0.000000e+00> : vector<64xf32>
    %reduce_sum3A_586 = vector.multi_reduction <add>, %dot_general3A_583, %reduce_sum3A_585 [0] : vector<256x64xf32> to vector<64xf32>
    %broadcast_in_dim3A_587 = vector.shape_cast %reduce_sum3A_586 : vector<64xf32> to vector<1x64xf32>
    %add3A_588 = arith.addf %add3A_566, %broadcast_in_dim3A_587 : vector<1x64xf32>
    %mul3A_589 = arith.mulf %dot_general3A_583, %dot_general3A_583 : vector<256x64xf32>
    %reduce_sum3A_590 = arith.constant dense<0.000000e+00> : vector<64xf32>
    %reduce_sum3A_591 = vector.multi_reduction <add>, %mul3A_589, %reduce_sum3A_590 [0] : vector<256x64xf32> to vector<64xf32>
    %broadcast_in_dim3A_592 = vector.shape_cast %reduce_sum3A_591 : vector<64xf32> to vector<1x64xf32>
    %add3A_593 = arith.addf %add3A_571, %broadcast_in_dim3A_592 : vector<1x64xf32>
    %get3A_594 = arith.constant 0 : index
    %get3A_595 = arith.constant 27 : index
    %get3A_596 = arith.constant 0 : index
    %get3A_597 = vector.load %arg1[%get3A_594, %get3A_595, %get3A_596] : memref<256x32x128xf32, #tpu.memory_space<vmem>>, vector<256x1x3xf32>
    %get3A_598 = vector.shape_cast %get3A_597 : vector<256x1x3xf32> to vector<256x3xf32>
    %sub3A_599 = arith.subf %get3A_598, %slice3A : vector<256x3xf32>
    %concatenate3A_600 = tpu.concatenate %sub3A_599, %slice3A in 1 : vector<256x3xf32>, vector<256x3xf32> -> vector<256x6xf32>
    %get3A_601 = arith.constant 0 : index
    %get3A_602 = arith.constant 0 : index
    %get3A_603 = vector.load %arg3[%get3A_601, %get3A_602] : memref<6x64xf32, #tpu.memory_space<vmem>>, vector<6x64xf32>
    %dot_general3A_604 = arith.constant dense<0.000000e+00> : vector<256x64xf32>
    %dot_general3A_605 = tpu.matmul %concatenate3A_600, %get3A_603, %dot_general3A_604 {dimension_numbers = #tpu.dot_dimension_numbers<[1], [0], [0], [1], [0, 0, 1, 1], [], []>, transpose_lhs_hint = false} : vector<256x6xf32>, vector<6x64xf32>, vector<256x64xf32> -> vector<256x64xf32>
    %max3A_606 = arith.maximumf %max3A_584, %dot_general3A_605 : vector<256x64xf32>
    %reduce_sum3A_607 = arith.constant dense<0.000000e+00> : vector<64xf32>
    %reduce_sum3A_608 = vector.multi_reduction <add>, %dot_general3A_605, %reduce_sum3A_607 [0] : vector<256x64xf32> to vector<64xf32>
    %broadcast_in_dim3A_609 = vector.shape_cast %reduce_sum3A_608 : vector<64xf32> to vector<1x64xf32>
    %add3A_610 = arith.addf %add3A_588, %broadcast_in_dim3A_609 : vector<1x64xf32>
    %mul3A_611 = arith.mulf %dot_general3A_605, %dot_general3A_605 : vector<256x64xf32>
    %reduce_sum3A_612 = arith.constant dense<0.000000e+00> : vector<64xf32>
    %reduce_sum3A_613 = vector.multi_reduction <add>, %mul3A_611, %reduce_sum3A_612 [0] : vector<256x64xf32> to vector<64xf32>
    %broadcast_in_dim3A_614 = vector.shape_cast %reduce_sum3A_613 : vector<64xf32> to vector<1x64xf32>
    %add3A_615 = arith.addf %add3A_593, %broadcast_in_dim3A_614 : vector<1x64xf32>
    %get3A_616 = arith.constant 0 : index
    %get3A_617 = arith.constant 28 : index
    %get3A_618 = arith.constant 0 : index
    %get3A_619 = vector.load %arg1[%get3A_616, %get3A_617, %get3A_618] : memref<256x32x128xf32, #tpu.memory_space<vmem>>, vector<256x1x3xf32>
    %get3A_620 = vector.shape_cast %get3A_619 : vector<256x1x3xf32> to vector<256x3xf32>
    %sub3A_621 = arith.subf %get3A_620, %slice3A : vector<256x3xf32>
    %concatenate3A_622 = tpu.concatenate %sub3A_621, %slice3A in 1 : vector<256x3xf32>, vector<256x3xf32> -> vector<256x6xf32>
    %get3A_623 = arith.constant 0 : index
    %get3A_624 = arith.constant 0 : index
    %get3A_625 = vector.load %arg3[%get3A_623, %get3A_624] : memref<6x64xf32, #tpu.memory_space<vmem>>, vector<6x64xf32>
    %dot_general3A_626 = arith.constant dense<0.000000e+00> : vector<256x64xf32>
    %dot_general3A_627 = tpu.matmul %concatenate3A_622, %get3A_625, %dot_general3A_626 {dimension_numbers = #tpu.dot_dimension_numbers<[1], [0], [0], [1], [0, 0, 1, 1], [], []>, transpose_lhs_hint = false} : vector<256x6xf32>, vector<6x64xf32>, vector<256x64xf32> -> vector<256x64xf32>
    %max3A_628 = arith.maximumf %max3A_606, %dot_general3A_627 : vector<256x64xf32>
    %reduce_sum3A_629 = arith.constant dense<0.000000e+00> : vector<64xf32>
    %reduce_sum3A_630 = vector.multi_reduction <add>, %dot_general3A_627, %reduce_sum3A_629 [0] : vector<256x64xf32> to vector<64xf32>
    %broadcast_in_dim3A_631 = vector.shape_cast %reduce_sum3A_630 : vector<64xf32> to vector<1x64xf32>
    %add3A_632 = arith.addf %add3A_610, %broadcast_in_dim3A_631 : vector<1x64xf32>
    %mul3A_633 = arith.mulf %dot_general3A_627, %dot_general3A_627 : vector<256x64xf32>
    %reduce_sum3A_634 = arith.constant dense<0.000000e+00> : vector<64xf32>
    %reduce_sum3A_635 = vector.multi_reduction <add>, %mul3A_633, %reduce_sum3A_634 [0] : vector<256x64xf32> to vector<64xf32>
    %broadcast_in_dim3A_636 = vector.shape_cast %reduce_sum3A_635 : vector<64xf32> to vector<1x64xf32>
    %add3A_637 = arith.addf %add3A_615, %broadcast_in_dim3A_636 : vector<1x64xf32>
    %get3A_638 = arith.constant 0 : index
    %get3A_639 = arith.constant 29 : index
    %get3A_640 = arith.constant 0 : index
    %get3A_641 = vector.load %arg1[%get3A_638, %get3A_639, %get3A_640] : memref<256x32x128xf32, #tpu.memory_space<vmem>>, vector<256x1x3xf32>
    %get3A_642 = vector.shape_cast %get3A_641 : vector<256x1x3xf32> to vector<256x3xf32>
    %sub3A_643 = arith.subf %get3A_642, %slice3A : vector<256x3xf32>
    %concatenate3A_644 = tpu.concatenate %sub3A_643, %slice3A in 1 : vector<256x3xf32>, vector<256x3xf32> -> vector<256x6xf32>
    %get3A_645 = arith.constant 0 : index
    %get3A_646 = arith.constant 0 : index
    %get3A_647 = vector.load %arg3[%get3A_645, %get3A_646] : memref<6x64xf32, #tpu.memory_space<vmem>>, vector<6x64xf32>
    %dot_general3A_648 = arith.constant dense<0.000000e+00> : vector<256x64xf32>
    %dot_general3A_649 = tpu.matmul %concatenate3A_644, %get3A_647, %dot_general3A_648 {dimension_numbers = #tpu.dot_dimension_numbers<[1], [0], [0], [1], [0, 0, 1, 1], [], []>, transpose_lhs_hint = false} : vector<256x6xf32>, vector<6x64xf32>, vector<256x64xf32> -> vector<256x64xf32>
    %max3A_650 = arith.maximumf %max3A_628, %dot_general3A_649 : vector<256x64xf32>
    %reduce_sum3A_651 = arith.constant dense<0.000000e+00> : vector<64xf32>
    %reduce_sum3A_652 = vector.multi_reduction <add>, %dot_general3A_649, %reduce_sum3A_651 [0] : vector<256x64xf32> to vector<64xf32>
    %broadcast_in_dim3A_653 = vector.shape_cast %reduce_sum3A_652 : vector<64xf32> to vector<1x64xf32>
    %add3A_654 = arith.addf %add3A_632, %broadcast_in_dim3A_653 : vector<1x64xf32>
    %mul3A_655 = arith.mulf %dot_general3A_649, %dot_general3A_649 : vector<256x64xf32>
    %reduce_sum3A_656 = arith.constant dense<0.000000e+00> : vector<64xf32>
    %reduce_sum3A_657 = vector.multi_reduction <add>, %mul3A_655, %reduce_sum3A_656 [0] : vector<256x64xf32> to vector<64xf32>
    %broadcast_in_dim3A_658 = vector.shape_cast %reduce_sum3A_657 : vector<64xf32> to vector<1x64xf32>
    %add3A_659 = arith.addf %add3A_637, %broadcast_in_dim3A_658 : vector<1x64xf32>
    %get3A_660 = arith.constant 0 : index
    %get3A_661 = arith.constant 30 : index
    %get3A_662 = arith.constant 0 : index
    %get3A_663 = vector.load %arg1[%get3A_660, %get3A_661, %get3A_662] : memref<256x32x128xf32, #tpu.memory_space<vmem>>, vector<256x1x3xf32>
    %get3A_664 = vector.shape_cast %get3A_663 : vector<256x1x3xf32> to vector<256x3xf32>
    %sub3A_665 = arith.subf %get3A_664, %slice3A : vector<256x3xf32>
    %concatenate3A_666 = tpu.concatenate %sub3A_665, %slice3A in 1 : vector<256x3xf32>, vector<256x3xf32> -> vector<256x6xf32>
    %get3A_667 = arith.constant 0 : index
    %get3A_668 = arith.constant 0 : index
    %get3A_669 = vector.load %arg3[%get3A_667, %get3A_668] : memref<6x64xf32, #tpu.memory_space<vmem>>, vector<6x64xf32>
    %dot_general3A_670 = arith.constant dense<0.000000e+00> : vector<256x64xf32>
    %dot_general3A_671 = tpu.matmul %concatenate3A_666, %get3A_669, %dot_general3A_670 {dimension_numbers = #tpu.dot_dimension_numbers<[1], [0], [0], [1], [0, 0, 1, 1], [], []>, transpose_lhs_hint = false} : vector<256x6xf32>, vector<6x64xf32>, vector<256x64xf32> -> vector<256x64xf32>
    %max3A_672 = arith.maximumf %max3A_650, %dot_general3A_671 : vector<256x64xf32>
    %reduce_sum3A_673 = arith.constant dense<0.000000e+00> : vector<64xf32>
    %reduce_sum3A_674 = vector.multi_reduction <add>, %dot_general3A_671, %reduce_sum3A_673 [0] : vector<256x64xf32> to vector<64xf32>
    %broadcast_in_dim3A_675 = vector.shape_cast %reduce_sum3A_674 : vector<64xf32> to vector<1x64xf32>
    %add3A_676 = arith.addf %add3A_654, %broadcast_in_dim3A_675 : vector<1x64xf32>
    %mul3A_677 = arith.mulf %dot_general3A_671, %dot_general3A_671 : vector<256x64xf32>
    %reduce_sum3A_678 = arith.constant dense<0.000000e+00> : vector<64xf32>
    %reduce_sum3A_679 = vector.multi_reduction <add>, %mul3A_677, %reduce_sum3A_678 [0] : vector<256x64xf32> to vector<64xf32>
    %broadcast_in_dim3A_680 = vector.shape_cast %reduce_sum3A_679 : vector<64xf32> to vector<1x64xf32>
    %add3A_681 = arith.addf %add3A_659, %broadcast_in_dim3A_680 : vector<1x64xf32>
    %get3A_682 = arith.constant 0 : index
    %get3A_683 = arith.constant 31 : index
    %get3A_684 = arith.constant 0 : index
    %get3A_685 = vector.load %arg1[%get3A_682, %get3A_683, %get3A_684] : memref<256x32x128xf32, #tpu.memory_space<vmem>>, vector<256x1x3xf32>
    %get3A_686 = vector.shape_cast %get3A_685 : vector<256x1x3xf32> to vector<256x3xf32>
    %sub3A_687 = arith.subf %get3A_686, %slice3A : vector<256x3xf32>
    %concatenate3A_688 = tpu.concatenate %sub3A_687, %slice3A in 1 : vector<256x3xf32>, vector<256x3xf32> -> vector<256x6xf32>
    %get3A_689 = arith.constant 0 : index
    %get3A_690 = arith.constant 0 : index
    %get3A_691 = vector.load %arg3[%get3A_689, %get3A_690] : memref<6x64xf32, #tpu.memory_space<vmem>>, vector<6x64xf32>
    %dot_general3A_692 = arith.constant dense<0.000000e+00> : vector<256x64xf32>
    %dot_general3A_693 = tpu.matmul %concatenate3A_688, %get3A_691, %dot_general3A_692 {dimension_numbers = #tpu.dot_dimension_numbers<[1], [0], [0], [1], [0, 0, 1, 1], [], []>, transpose_lhs_hint = false} : vector<256x6xf32>, vector<6x64xf32>, vector<256x64xf32> -> vector<256x64xf32>
    %max3A_694 = arith.maximumf %max3A_672, %dot_general3A_693 : vector<256x64xf32>
    %reduce_sum3A_695 = arith.constant dense<0.000000e+00> : vector<64xf32>
    %reduce_sum3A_696 = vector.multi_reduction <add>, %dot_general3A_693, %reduce_sum3A_695 [0] : vector<256x64xf32> to vector<64xf32>
    %broadcast_in_dim3A_697 = vector.shape_cast %reduce_sum3A_696 : vector<64xf32> to vector<1x64xf32>
    %add3A_698 = arith.addf %add3A_676, %broadcast_in_dim3A_697 : vector<1x64xf32>
    %mul3A_699 = arith.mulf %dot_general3A_693, %dot_general3A_693 : vector<256x64xf32>
    %reduce_sum3A_700 = arith.constant dense<0.000000e+00> : vector<64xf32>
    %reduce_sum3A_701 = vector.multi_reduction <add>, %mul3A_699, %reduce_sum3A_700 [0] : vector<256x64xf32> to vector<64xf32>
    %broadcast_in_dim3A_702 = vector.shape_cast %reduce_sum3A_701 : vector<64xf32> to vector<1x64xf32>
    %add3A_703 = arith.addf %add3A_681, %broadcast_in_dim3A_702 : vector<1x64xf32>
    %swap3A = arith.constant 0 : index
    %swap3A_704 = arith.constant 0 : index
    %swap3A_705 = vector.load %arg4[%swap3A, %swap3A_704] : memref<256x64xf32, #tpu.memory_space<vmem>>, vector<256x64xf32>
    tpu.vector_store %arg4[%swap3A, %swap3A_704], %max3A_694 {strides = array<i32>} : memref<256x64xf32, #tpu.memory_space<vmem>>, vector<256x64xf32>,
    %eq3A = arith.constant 0 : i32
    %eq3A_706 = arith.cmpi eq, %arg0, %eq3A : i32
    %convert_element_type3A = arith.extui %eq3A_706 : i1 to i32
    %cond3A = arith.constant 0 : i32
    %cond3A_707 = arith.cmpi ne, %convert_element_type3A, %cond3A : i32
    scf.if %cond3A_707 {
      %swap3A_712 = arith.constant 0 : index
      %swap3A_713 = arith.constant 0 : index
      %swap3A_714 = vector.load %arg5[%swap3A_712, %swap3A_713] : memref<1x64xf32, #tpu.memory_space<vmem>>, vector<1x64xf32>
      tpu.vector_store %arg5[%swap3A_712, %swap3A_713], %add3A_698 {strides = array<i32>} : memref<1x64xf32, #tpu.memory_space<vmem>>, vector<1x64xf32>,
      %swap3A_715 = arith.constant 0 : index
      %swap3A_716 = arith.constant 0 : index
      %swap3A_717 = vector.load %arg6[%swap3A_715, %swap3A_716] : memref<1x64xf32, #tpu.memory_space<vmem>>, vector<1x64xf32>
      tpu.vector_store %arg6[%swap3A_715, %swap3A_716], %add3A_703 {strides = array<i32>} : memref<1x64xf32, #tpu.memory_space<vmem>>, vector<1x64xf32>,
    } else {
    }
    %gt3A = arith.constant 0 : i32
    %gt3A_708 = arith.cmpi sgt, %arg0, %gt3A : i32
    %convert_element_type3A_709 = arith.extui %gt3A_708 : i1 to i32
    %cond3A_710 = arith.constant 0 : i32
    %cond3A_711 = arith.cmpi ne, %convert_element_type3A_709, %cond3A_710 : i32
    scf.if %cond3A_711 {
      %get3A_712 = arith.constant 0 : index
      %get3A_713 = arith.constant 0 : index
      %get3A_714 = vector.load %arg5[%get3A_712, %get3A_713] : memref<1x64xf32, #tpu.memory_space<vmem>>, vector<1x64xf32>
      %add3A_715 = arith.addf %get3A_714, %add3A_698 : vector<1x64xf32>
      %swap3A_716 = arith.constant 0 : index
      %swap3A_717 = arith.constant 0 : index
      %swap3A_718 = vector.load %arg5[%swap3A_716, %swap3A_717] : memref<1x64xf32, #tpu.memory_space<vmem>>, vector<1x64xf32>
      tpu.vector_store %arg5[%swap3A_716, %swap3A_717], %add3A_715 {strides = array<i32>} : memref<1x64xf32, #tpu.memory_space<vmem>>, vector<1x64xf32>,
      %get3A_719 = arith.constant 0 : index
      %get3A_720 = arith.constant 0 : index
      %get3A_721 = vector.load %arg6[%get3A_719, %get3A_720] : memref<1x64xf32, #tpu.memory_space<vmem>>, vector<1x64xf32>
      %add3A_722 = arith.addf %get3A_721, %add3A_703 : vector<1x64xf32>
      %swap3A_723 = arith.constant 0 : index
      %swap3A_724 = arith.constant 0 : index
      %swap3A_725 = vector.load %arg6[%swap3A_723, %swap3A_724] : memref<1x64xf32, #tpu.memory_space<vmem>>, vector<1x64xf32>
      tpu.vector_store %arg6[%swap3A_723, %swap3A_724], %add3A_722 {strides = array<i32>} : memref<1x64xf32, #tpu.memory_space<vmem>>, vector<1x64xf32>,
    } else {
    }
    return
  }
  func.func @transform_0(%arg0: i32) -> (i32, i32, i32) {
    %c0_i32 = arith.constant 0 : i32
    %c0_i32_0 = arith.constant 0 : i32
    %c0_i32_1 = arith.constant 0 : i32
    return %arg0, %c0_i32, %c0_i32_0 : i32, i32, i32
  }
  func.func @transform_1(%arg0: i32) -> (i32, i32) {
    %c0_i32 = arith.constant 0 : i32
    %c0_i32_0 = arith.constant 0 : i32
    return %arg0, %c0_i32 : i32, i32
  }
  func.func @transform_2(%arg0: i32) -> (i32, i32) {
    %c0_i32 = arith.constant 0 : i32
    %c0_i32_0 = arith.constant 0 : i32
    %c0_i32_1 = arith.constant 0 : i32
    return %c0_i32, %c0_i32_0 : i32, i32
  }
  func.func @transform_3(%arg0: i32) -> (i32, i32) {
    %c0_i32 = arith.constant 0 : i32
    %c0_i32_0 = arith.constant 0 : i32
    return %arg0, %c0_i32 : i32, i32
  }
  func.func @transform_4(%arg0: i32) -> (i32, i32) {
    %c0_i32 = arith.constant 0 : i32
    %c0_i32_0 = arith.constant 0 : i32
    %c0_i32_1 = arith.constant 0 : i32
    return %c0_i32, %c0_i32_0 : i32, i32
  }
  func.func @transform_5(%arg0: i32) -> (i32, i32) {
    %c0_i32 = arith.constant 0 : i32
    %c0_i32_0 = arith.constant 0 : i32
    %c0_i32_1 = arith.constant 0 : i32
    return %c0_i32, %c0_i32_0 : i32, i32
  }
}

module attributes {stable_mosaic.version = 14 : i64} {
  func.func @body(%arg0: i32, %arg1: memref<256x64xf32, #tpu.memory_space<vmem>>, %arg2: memref<1x64xf32, #tpu.memory_space<vmem>>, %arg3: memref<1x64xf32, #tpu.memory_space<vmem>>, %arg4: memref<256x64xf32, #tpu.memory_space<vmem>>) attributes {dimension_semantics = [#tpu.dimension_semantics<arbitrary>], iteration_bounds = array<i64: 32>, scalar_prefetch = 0 : i64, scratch_operands = 0 : i64, tpu.core_type = #tpu.core_type<tc>, window_params = [{transform_indices = @transform_0, window_bounds = array<i64: 256, 64>}, {pipeline_mode = #tpu.pipeline_mode<synchronous>, transform_indices = @transform_1, window_bounds = array<i64: 1, 64>}, {pipeline_mode = #tpu.pipeline_mode<synchronous>, transform_indices = @transform_2, window_bounds = array<i64: 1, 64>}, {transform_indices = @transform_3, window_bounds = array<i64: 256, 64>}]} {
    %get3A = arith.constant 0 : index
    %get3A_0 = arith.constant 0 : index
    %get3A_1 = vector.load %arg1[%get3A, %get3A_0] : memref<256x64xf32, #tpu.memory_space<vmem>>, vector<256x64xf32>
    %get3A_2 = arith.constant 0 : index
    %get3A_3 = arith.constant 0 : index
    %get3A_4 = vector.load %arg2[%get3A_2, %get3A_3] : memref<1x64xf32, #tpu.memory_space<vmem>>, vector<1x64xf32>
    %sub3A = vector.broadcast %get3A_4 : vector<1x64xf32> to vector<256x64xf32>
    %sub3A_5 = arith.subf %get3A_1, %sub3A : vector<256x64xf32>
    %get3A_6 = arith.constant 0 : index
    %get3A_7 = arith.constant 0 : index
    %get3A_8 = vector.load %arg3[%get3A_6, %get3A_7] : memref<1x64xf32, #tpu.memory_space<vmem>>, vector<1x64xf32>
    %div3A = vector.broadcast %get3A_8 : vector<1x64xf32> to vector<256x64xf32>
    %div3A_9 = arith.divf %sub3A_5, %div3A : vector<256x64xf32>
    %ge3A = arith.constant 0.000000e+00 : f32
    %ge3A_10 = vector.broadcast %ge3A : f32 to vector<256x64xf32>
    %ge3A_11 = arith.cmpf oge, %div3A_9, %ge3A_10 : vector<256x64xf32>
    %mul3A = arith.constant 2.000000e-01 : f32
    %mul3A_12 = vector.broadcast %mul3A : f32 to vector<256x64xf32>
    %mul3A_13 = arith.mulf %mul3A_12, %div3A_9 : vector<256x64xf32>
    %select_n3A = arith.select %ge3A_11, %div3A_9, %mul3A_13 : vector<256x64xi1>, vector<256x64xf32>
    %swap3A = arith.constant 0 : index
    %swap3A_14 = arith.constant 0 : index
    %swap3A_15 = vector.load %arg4[%swap3A, %swap3A_14] : memref<256x64xf32, #tpu.memory_space<vmem>>, vector<256x64xf32>
    tpu.vector_store %arg4[%swap3A, %swap3A_14], %select_n3A {strides = array<i32>} : memref<256x64xf32, #tpu.memory_space<vmem>>, vector<256x64xf32>,
    return
  }
  func.func @transform_0(%arg0: i32) -> (i32, i32) {
    %c0_i32 = arith.constant 0 : i32
    %c0_i32_0 = arith.constant 0 : i32
    return %arg0, %c0_i32 : i32, i32
  }
  func.func @transform_1(%arg0: i32) -> (i32, i32) {
    %c0_i32 = arith.constant 0 : i32
    %c0_i32_0 = arith.constant 0 : i32
    %c0_i32_1 = arith.constant 0 : i32
    return %c0_i32, %c0_i32_0 : i32, i32
  }
  func.func @transform_2(%arg0: i32) -> (i32, i32) {
    %c0_i32 = arith.constant 0 : i32
    %c0_i32_0 = arith.constant 0 : i32
    %c0_i32_1 = arith.constant 0 : i32
    return %c0_i32, %c0_i32_0 : i32, i32
  }
  func.func @transform_3(%arg0: i32) -> (i32, i32) {
    %c0_i32 = arith.constant 0 : i32
    %c0_i32_0 = arith.constant 0 : i32
    return %arg0, %c0_i32 : i32, i32
  }
}

module attributes {stable_mosaic.version = 14 : i64} {
  func.func @body(%arg0: i32, %arg1: i32, %arg2: memref<1x256x64xf32, #tpu.memory_space<vmem>>, %arg3: memref<1x64x1024xf32, #tpu.memory_space<vmem>>, %arg4: memref<1x256x32xi32, #tpu.memory_space<vmem>>) attributes {dimension_semantics = [#tpu.dimension_semantics<arbitrary>, #tpu.dimension_semantics<arbitrary>], iteration_bounds = array<i64: 8, 4>, scalar_prefetch = 0 : i64, scratch_operands = 0 : i64, tpu.core_type = #tpu.core_type<tc>, window_params = [{transform_indices = @transform_0, window_bounds = array<i64: 1, 256, 64>}, {transform_indices = @transform_1, window_bounds = array<i64: 1, 64, 1024>}, {transform_indices = @transform_2, window_bounds = array<i64: 1, 256, 32>}]} {
    %get3A = arith.constant 0 : index
    %get3A_0 = arith.constant 0 : index
    %get3A_1 = arith.constant 0 : index
    %get3A_2 = vector.load %arg2[%get3A, %get3A_0, %get3A_1] : memref<1x256x64xf32, #tpu.memory_space<vmem>>, vector<1x256x64xf32>
    %get3A_3 = vector.shape_cast %get3A_2 : vector<1x256x64xf32> to vector<256x64xf32>
    %get3A_4 = arith.constant 0 : index
    %get3A_5 = arith.constant 0 : index
    %get3A_6 = arith.constant 0 : index
    %get3A_7 = vector.load %arg3[%get3A_4, %get3A_5, %get3A_6] : memref<1x64x1024xf32, #tpu.memory_space<vmem>>, vector<1x64x1024xf32>
    %get3A_8 = vector.shape_cast %get3A_7 : vector<1x64x1024xf32> to vector<64x1024xf32>
    %dot_general3A = arith.constant dense<0.000000e+00> : vector<256x1024xf32>
    %dot_general3A_9 = tpu.matmul %get3A_3, %get3A_8, %dot_general3A {dimension_numbers = #tpu.dot_dimension_numbers<[1], [0], [0], [1], [0, 0, 1, 1], [], []>, transpose_lhs_hint = false} : vector<256x64xf32>, vector<64x1024xf32>, vector<256x1024xf32> -> vector<256x1024xf32>
    %mul3A = arith.constant -2.000000e+00 : f32
    %mul3A_10 = vector.broadcast %mul3A : f32 to vector<256x1024xf32>
    %mul3A_11 = arith.mulf %mul3A_10, %dot_general3A_9 : vector<256x1024xf32>
    %mul3A_12 = arith.mulf %get3A_3, %get3A_3 : vector<256x64xf32>
    %reduce_sum3A = arith.constant dense<0.000000e+00> : vector<256xf32>
    %reduce_sum3A_13 = vector.multi_reduction <add>, %mul3A_12, %reduce_sum3A [1] : vector<256x64xf32> to vector<256xf32>
    %broadcast_in_dim3A = vector.shape_cast %reduce_sum3A_13 : vector<256xf32> to vector<256x1xf32>
    %mul3A_14 = arith.mulf %get3A_8, %get3A_8 : vector<64x1024xf32>
    %reduce_sum3A_15 = arith.constant dense<0.000000e+00> : vector<1024xf32>
    %reduce_sum3A_16 = vector.multi_reduction <add>, %mul3A_14, %reduce_sum3A_15 [0] : vector<64x1024xf32> to vector<1024xf32>
    %broadcast_in_dim3A_17 = vector.shape_cast %reduce_sum3A_16 : vector<1024xf32> to vector<1x1024xf32>
    %neg3A = arith.constant 0.000000e+00 : f32
    %neg3A_18 = vector.broadcast %neg3A : f32 to vector<1x1024xf32>
    %neg3A_19 = arith.subf %neg3A_18, %broadcast_in_dim3A_17 : vector<1x1024xf32>
    %sub3A = vector.broadcast %neg3A_19 : vector<1x1024xf32> to vector<256x1024xf32>
    %sub3A_20 = arith.subf %sub3A, %mul3A_11 : vector<256x1024xf32>
    %sub3A_21 = vector.broadcast %broadcast_in_dim3A : vector<256x1xf32> to vector<256x1024xf32>
    %sub3A_22 = arith.subf %sub3A_20, %sub3A_21 : vector<256x1024xf32>
    %iota3A = tpu.iota {dimensions = array<i32: 1>} : vector<256x1024xi32>
    %iota3A_23 = tpu.iota {dimensions = array<i32: 1>} : vector<256x32xi32>
    %broadcast_in_dim3A_24 = arith.constant 0 : i32
    %broadcast_in_dim3A_25 = vector.broadcast %broadcast_in_dim3A_24 : i32 to vector<256x32xi32>
    %scan3A = arith.constant 0 : i32
    %scan3A_26 = arith.constant 32 : i32
    %scan3A_27 = arith.addi %scan3A, %scan3A_26 : i32
    %scan3A_28 = arith.constant 1 : i32
    %scan3A_29:2 = scf.for %scan3A_39 = %scan3A to %scan3A_27 step %scan3A_28 iter_args(%scan3A_40 = %sub3A_22, %scan3A_41 = %broadcast_in_dim3A_25) -> (vector<256x1024xf32>, vector<256x32xi32>)  : i32 {
      %reduce_max3A = arith.constant dense<0xFF800000> : vector<256xf32>
      %reduce_max3A_42 = vector.multi_reduction <maximumf>, %scan3A_40, %reduce_max3A [1] : vector<256x1024xf32> to vector<256xf32>
      %broadcast_in_dim3A_43 = vector.shape_cast %reduce_max3A_42 : vector<256xf32> to vector<256x1xf32>
      %eq3A = vector.broadcast %broadcast_in_dim3A_43 : vector<256x1xf32> to vector<256x1024xf32>
      %eq3A_44 = arith.cmpf oeq, %scan3A_40, %eq3A : vector<256x1024xf32>
      %jit3A = arith.constant 1024 : i32
      %broadcast_in_dim3A_45 = vector.broadcast %jit3A : i32 to vector<256x1024xi32>
      %select_n3A = arith.select %eq3A_44, %iota3A, %broadcast_in_dim3A_45 : vector<256x1024xi1>, vector<256x1024xi32>
      %reduce_min3A = arith.constant dense<2147483647> : vector<256xi32>
      %reduce_min3A_46 = vector.multi_reduction <minsi>, %select_n3A, %reduce_min3A [1] : vector<256x1024xi32> to vector<256xi32>
      %broadcast_in_dim3A_47 = vector.shape_cast %reduce_min3A_46 : vector<256xi32> to vector<256x1xi32>
      %eq3A_48 = vector.broadcast %scan3A_39 : i32 to vector<256x32xi32>
      %eq3A_49 = arith.cmpi eq, %iota3A_23, %eq3A_48 : vector<256x32xi32>
      %broadcast_in_dim3A_50 = vector.shape_cast %broadcast_in_dim3A_47 : vector<256x1xi32> to vector<256x1xi32>
      %broadcast_in_dim3A_51 = vector.broadcast %broadcast_in_dim3A_50 : vector<256x1xi32> to vector<256x32xi32>
      %select_n3A_52 = arith.select %eq3A_49, %broadcast_in_dim3A_51, %scan3A_41 : vector<256x32xi1>, vector<256x32xi32>
      %eq3A_53 = vector.broadcast %broadcast_in_dim3A_47 : vector<256x1xi32> to vector<256x1024xi32>
      %eq3A_54 = arith.cmpi eq, %iota3A, %eq3A_53 : vector<256x1024xi32>
      %jit3A_55 = arith.constant 0xFF800000 : f32
      %broadcast_in_dim3A_56 = vector.broadcast %jit3A_55 : f32 to vector<256x1024xf32>
      %select_n3A_57 = arith.select %eq3A_54, %broadcast_in_dim3A_56, %scan3A_40 : vector<256x1024xi1>, vector<256x1024xf32>
      scf.yield %select_n3A_57, %select_n3A_52 : vector<256x1024xf32>, vector<256x32xi32>
    }
    %scan3A_30 = arith.constant 32 : i32
    %mul3A_31 = arith.constant 1024 : i32
    %mul3A_32 = arith.muli %arg0, %mul3A_31 : i32
    %add3A = vector.broadcast %mul3A_32 : i32 to vector<256x32xi32>
    %add3A_33 = arith.addi %scan3A_29#1, %add3A : vector<256x32xi32>
    %swap3A = arith.constant 0 : index
    %swap3A_34 = arith.constant 0 : index
    %swap3A_35 = arith.constant 0 : index
    %swap3A_36 = vector.load %arg4[%swap3A, %swap3A_34, %swap3A_35] : memref<1x256x32xi32, #tpu.memory_space<vmem>>, vector<1x256x32xi32>
    %swap3A_37 = vector.shape_cast %swap3A_36 : vector<1x256x32xi32> to vector<256x32xi32>
    %swap3A_38 = vector.shape_cast %add3A_33 : vector<256x32xi32> to vector<1x256x32xi32>
    tpu.vector_store %arg4[%swap3A, %swap3A_34, %swap3A_35], %swap3A_38 {strides = array<i32>} : memref<1x256x32xi32, #tpu.memory_space<vmem>>, vector<1x256x32xi32>,
    return
  }
  func.func @transform_0(%arg0: i32, %arg1: i32) -> (i32, i32, i32) {
    %c0_i32 = arith.constant 0 : i32
    %c0_i32_0 = arith.constant 0 : i32
    return %arg0, %arg1, %c0_i32 : i32, i32, i32
  }
  func.func @transform_1(%arg0: i32, %arg1: i32) -> (i32, i32, i32) {
    %c0_i32 = arith.constant 0 : i32
    %c0_i32_0 = arith.constant 0 : i32
    %c0_i32_1 = arith.constant 0 : i32
    return %arg0, %c0_i32, %c0_i32_0 : i32, i32, i32
  }
  func.func @transform_2(%arg0: i32, %arg1: i32) -> (i32, i32, i32) {
    %c0_i32 = arith.constant 0 : i32
    %c0_i32_0 = arith.constant 0 : i32
    return %arg0, %arg1, %c0_i32 : i32, i32, i32
  }
}

module attributes {stable_mosaic.version = 14 : i64} {
  func.func @body(%arg0: i32, %arg1: memref<256x32x128xf32, #tpu.memory_space<vmem>>, %arg2: memref<256x128xf32, #tpu.memory_space<vmem>>, %arg3: memref<128x64xf32, #tpu.memory_space<vmem>>, %arg4: memref<256x64xf32, #tpu.memory_space<vmem>>, %arg5: memref<1x64xf32, #tpu.memory_space<vmem>>, %arg6: memref<1x64xf32, #tpu.memory_space<vmem>>) attributes {dimension_semantics = [#tpu.dimension_semantics<arbitrary>], iteration_bounds = array<i64: 32>, scalar_prefetch = 0 : i64, scratch_operands = 0 : i64, tpu.core_type = #tpu.core_type<tc>, window_params = [{transform_indices = @transform_0, window_bounds = array<i64: 256, 32, 128>}, {transform_indices = @transform_1, window_bounds = array<i64: 256, 128>}, {pipeline_mode = #tpu.pipeline_mode<synchronous>, transform_indices = @transform_2, window_bounds = array<i64: 128, 64>}, {transform_indices = @transform_3, window_bounds = array<i64: 256, 64>}, {pipeline_mode = #tpu.pipeline_mode<synchronous>, transform_indices = @transform_4, window_bounds = array<i64: 1, 64>}, {pipeline_mode = #tpu.pipeline_mode<synchronous>, transform_indices = @transform_5, window_bounds = array<i64: 1, 64>}]} {
    %get3A = arith.constant 0 : index
    %get3A_0 = arith.constant 0 : index
    %get3A_1 = vector.load %arg2[%get3A, %get3A_0] : memref<256x128xf32, #tpu.memory_space<vmem>>, vector<256x128xf32>
    %slice3A = vector.extract_strided_slice %get3A_1 {offsets = [0, 0], sizes = [256, 64], strides = [1, 1]} : vector<256x128xf32> to vector<256x64xf32>
    %broadcast_in_dim3A = arith.constant 0xFF800000 : f32
    %broadcast_in_dim3A_2 = vector.broadcast %broadcast_in_dim3A : f32 to vector<256x64xf32>
    %broadcast_in_dim3A_3 = arith.constant 0.000000e+00 : f32
    %broadcast_in_dim3A_4 = vector.broadcast %broadcast_in_dim3A_3 : f32 to vector<1x64xf32>
    %broadcast_in_dim3A_5 = arith.constant 0.000000e+00 : f32
    %broadcast_in_dim3A_6 = vector.broadcast %broadcast_in_dim3A_5 : f32 to vector<1x64xf32>
    %get3A_7 = arith.constant 0 : index
    %get3A_8 = arith.constant 0 : index
    %get3A_9 = arith.constant 0 : index
    %get3A_10 = vector.load %arg1[%get3A_7, %get3A_8, %get3A_9] : memref<256x32x128xf32, #tpu.memory_space<vmem>>, vector<256x1x64xf32>
    %get3A_11 = vector.shape_cast %get3A_10 : vector<256x1x64xf32> to vector<256x64xf32>
    %sub3A = arith.subf %get3A_11, %slice3A : vector<256x64xf32>
    %concatenate3A = tpu.concatenate %sub3A, %slice3A in 1 : vector<256x64xf32>, vector<256x64xf32> -> vector<256x128xf32>
    %get3A_12 = arith.constant 0 : index
    %get3A_13 = arith.constant 0 : index
    %get3A_14 = vector.load %arg3[%get3A_12, %get3A_13] : memref<128x64xf32, #tpu.memory_space<vmem>>, vector<128x64xf32>
    %dot_general3A = arith.constant dense<0.000000e+00> : vector<256x64xf32>
    %dot_general3A_15 = tpu.matmul %concatenate3A, %get3A_14, %dot_general3A {dimension_numbers = #tpu.dot_dimension_numbers<[1], [0], [0], [1], [0, 0, 1, 1], [], []>, transpose_lhs_hint = false} : vector<256x128xf32>, vector<128x64xf32>, vector<256x64xf32> -> vector<256x64xf32>
    %max3A = arith.maximumf %broadcast_in_dim3A_2, %dot_general3A_15 : vector<256x64xf32>
    %reduce_sum3A = arith.constant dense<0.000000e+00> : vector<64xf32>
    %reduce_sum3A_16 = vector.multi_reduction <add>, %dot_general3A_15, %reduce_sum3A [0] : vector<256x64xf32> to vector<64xf32>
    %broadcast_in_dim3A_17 = vector.shape_cast %reduce_sum3A_16 : vector<64xf32> to vector<1x64xf32>
    %add3A = arith.addf %broadcast_in_dim3A_4, %broadcast_in_dim3A_17 : vector<1x64xf32>
    %mul3A = arith.mulf %dot_general3A_15, %dot_general3A_15 : vector<256x64xf32>
    %reduce_sum3A_18 = arith.constant dense<0.000000e+00> : vector<64xf32>
    %reduce_sum3A_19 = vector.multi_reduction <add>, %mul3A, %reduce_sum3A_18 [0] : vector<256x64xf32> to vector<64xf32>
    %broadcast_in_dim3A_20 = vector.shape_cast %reduce_sum3A_19 : vector<64xf32> to vector<1x64xf32>
    %add3A_21 = arith.addf %broadcast_in_dim3A_6, %broadcast_in_dim3A_20 : vector<1x64xf32>
    %get3A_22 = arith.constant 0 : index
    %get3A_23 = arith.constant 1 : index
    %get3A_24 = arith.constant 0 : index
    %get3A_25 = vector.load %arg1[%get3A_22, %get3A_23, %get3A_24] : memref<256x32x128xf32, #tpu.memory_space<vmem>>, vector<256x1x64xf32>
    %get3A_26 = vector.shape_cast %get3A_25 : vector<256x1x64xf32> to vector<256x64xf32>
    %sub3A_27 = arith.subf %get3A_26, %slice3A : vector<256x64xf32>
    %concatenate3A_28 = tpu.concatenate %sub3A_27, %slice3A in 1 : vector<256x64xf32>, vector<256x64xf32> -> vector<256x128xf32>
    %get3A_29 = arith.constant 0 : index
    %get3A_30 = arith.constant 0 : index
    %get3A_31 = vector.load %arg3[%get3A_29, %get3A_30] : memref<128x64xf32, #tpu.memory_space<vmem>>, vector<128x64xf32>
    %dot_general3A_32 = arith.constant dense<0.000000e+00> : vector<256x64xf32>
    %dot_general3A_33 = tpu.matmul %concatenate3A_28, %get3A_31, %dot_general3A_32 {dimension_numbers = #tpu.dot_dimension_numbers<[1], [0], [0], [1], [0, 0, 1, 1], [], []>, transpose_lhs_hint = false} : vector<256x128xf32>, vector<128x64xf32>, vector<256x64xf32> -> vector<256x64xf32>
    %max3A_34 = arith.maximumf %max3A, %dot_general3A_33 : vector<256x64xf32>
    %reduce_sum3A_35 = arith.constant dense<0.000000e+00> : vector<64xf32>
    %reduce_sum3A_36 = vector.multi_reduction <add>, %dot_general3A_33, %reduce_sum3A_35 [0] : vector<256x64xf32> to vector<64xf32>
    %broadcast_in_dim3A_37 = vector.shape_cast %reduce_sum3A_36 : vector<64xf32> to vector<1x64xf32>
    %add3A_38 = arith.addf %add3A, %broadcast_in_dim3A_37 : vector<1x64xf32>
    %mul3A_39 = arith.mulf %dot_general3A_33, %dot_general3A_33 : vector<256x64xf32>
    %reduce_sum3A_40 = arith.constant dense<0.000000e+00> : vector<64xf32>
    %reduce_sum3A_41 = vector.multi_reduction <add>, %mul3A_39, %reduce_sum3A_40 [0] : vector<256x64xf32> to vector<64xf32>
    %broadcast_in_dim3A_42 = vector.shape_cast %reduce_sum3A_41 : vector<64xf32> to vector<1x64xf32>
    %add3A_43 = arith.addf %add3A_21, %broadcast_in_dim3A_42 : vector<1x64xf32>
    %get3A_44 = arith.constant 0 : index
    %get3A_45 = arith.constant 2 : index
    %get3A_46 = arith.constant 0 : index
    %get3A_47 = vector.load %arg1[%get3A_44, %get3A_45, %get3A_46] : memref<256x32x128xf32, #tpu.memory_space<vmem>>, vector<256x1x64xf32>
    %get3A_48 = vector.shape_cast %get3A_47 : vector<256x1x64xf32> to vector<256x64xf32>
    %sub3A_49 = arith.subf %get3A_48, %slice3A : vector<256x64xf32>
    %concatenate3A_50 = tpu.concatenate %sub3A_49, %slice3A in 1 : vector<256x64xf32>, vector<256x64xf32> -> vector<256x128xf32>
    %get3A_51 = arith.constant 0 : index
    %get3A_52 = arith.constant 0 : index
    %get3A_53 = vector.load %arg3[%get3A_51, %get3A_52] : memref<128x64xf32, #tpu.memory_space<vmem>>, vector<128x64xf32>
    %dot_general3A_54 = arith.constant dense<0.000000e+00> : vector<256x64xf32>
    %dot_general3A_55 = tpu.matmul %concatenate3A_50, %get3A_53, %dot_general3A_54 {dimension_numbers = #tpu.dot_dimension_numbers<[1], [0], [0], [1], [0, 0, 1, 1], [], []>, transpose_lhs_hint = false} : vector<256x128xf32>, vector<128x64xf32>, vector<256x64xf32> -> vector<256x64xf32>
    %max3A_56 = arith.maximumf %max3A_34, %dot_general3A_55 : vector<256x64xf32>
    %reduce_sum3A_57 = arith.constant dense<0.000000e+00> : vector<64xf32>
    %reduce_sum3A_58 = vector.multi_reduction <add>, %dot_general3A_55, %reduce_sum3A_57 [0] : vector<256x64xf32> to vector<64xf32>
    %broadcast_in_dim3A_59 = vector.shape_cast %reduce_sum3A_58 : vector<64xf32> to vector<1x64xf32>
    %add3A_60 = arith.addf %add3A_38, %broadcast_in_dim3A_59 : vector<1x64xf32>
    %mul3A_61 = arith.mulf %dot_general3A_55, %dot_general3A_55 : vector<256x64xf32>
    %reduce_sum3A_62 = arith.constant dense<0.000000e+00> : vector<64xf32>
    %reduce_sum3A_63 = vector.multi_reduction <add>, %mul3A_61, %reduce_sum3A_62 [0] : vector<256x64xf32> to vector<64xf32>
    %broadcast_in_dim3A_64 = vector.shape_cast %reduce_sum3A_63 : vector<64xf32> to vector<1x64xf32>
    %add3A_65 = arith.addf %add3A_43, %broadcast_in_dim3A_64 : vector<1x64xf32>
    %get3A_66 = arith.constant 0 : index
    %get3A_67 = arith.constant 3 : index
    %get3A_68 = arith.constant 0 : index
    %get3A_69 = vector.load %arg1[%get3A_66, %get3A_67, %get3A_68] : memref<256x32x128xf32, #tpu.memory_space<vmem>>, vector<256x1x64xf32>
    %get3A_70 = vector.shape_cast %get3A_69 : vector<256x1x64xf32> to vector<256x64xf32>
    %sub3A_71 = arith.subf %get3A_70, %slice3A : vector<256x64xf32>
    %concatenate3A_72 = tpu.concatenate %sub3A_71, %slice3A in 1 : vector<256x64xf32>, vector<256x64xf32> -> vector<256x128xf32>
    %get3A_73 = arith.constant 0 : index
    %get3A_74 = arith.constant 0 : index
    %get3A_75 = vector.load %arg3[%get3A_73, %get3A_74] : memref<128x64xf32, #tpu.memory_space<vmem>>, vector<128x64xf32>
    %dot_general3A_76 = arith.constant dense<0.000000e+00> : vector<256x64xf32>
    %dot_general3A_77 = tpu.matmul %concatenate3A_72, %get3A_75, %dot_general3A_76 {dimension_numbers = #tpu.dot_dimension_numbers<[1], [0], [0], [1], [0, 0, 1, 1], [], []>, transpose_lhs_hint = false} : vector<256x128xf32>, vector<128x64xf32>, vector<256x64xf32> -> vector<256x64xf32>
    %max3A_78 = arith.maximumf %max3A_56, %dot_general3A_77 : vector<256x64xf32>
    %reduce_sum3A_79 = arith.constant dense<0.000000e+00> : vector<64xf32>
    %reduce_sum3A_80 = vector.multi_reduction <add>, %dot_general3A_77, %reduce_sum3A_79 [0] : vector<256x64xf32> to vector<64xf32>
    %broadcast_in_dim3A_81 = vector.shape_cast %reduce_sum3A_80 : vector<64xf32> to vector<1x64xf32>
    %add3A_82 = arith.addf %add3A_60, %broadcast_in_dim3A_81 : vector<1x64xf32>
    %mul3A_83 = arith.mulf %dot_general3A_77, %dot_general3A_77 : vector<256x64xf32>
    %reduce_sum3A_84 = arith.constant dense<0.000000e+00> : vector<64xf32>
    %reduce_sum3A_85 = vector.multi_reduction <add>, %mul3A_83, %reduce_sum3A_84 [0] : vector<256x64xf32> to vector<64xf32>
    %broadcast_in_dim3A_86 = vector.shape_cast %reduce_sum3A_85 : vector<64xf32> to vector<1x64xf32>
    %add3A_87 = arith.addf %add3A_65, %broadcast_in_dim3A_86 : vector<1x64xf32>
    %get3A_88 = arith.constant 0 : index
    %get3A_89 = arith.constant 4 : index
    %get3A_90 = arith.constant 0 : index
    %get3A_91 = vector.load %arg1[%get3A_88, %get3A_89, %get3A_90] : memref<256x32x128xf32, #tpu.memory_space<vmem>>, vector<256x1x64xf32>
    %get3A_92 = vector.shape_cast %get3A_91 : vector<256x1x64xf32> to vector<256x64xf32>
    %sub3A_93 = arith.subf %get3A_92, %slice3A : vector<256x64xf32>
    %concatenate3A_94 = tpu.concatenate %sub3A_93, %slice3A in 1 : vector<256x64xf32>, vector<256x64xf32> -> vector<256x128xf32>
    %get3A_95 = arith.constant 0 : index
    %get3A_96 = arith.constant 0 : index
    %get3A_97 = vector.load %arg3[%get3A_95, %get3A_96] : memref<128x64xf32, #tpu.memory_space<vmem>>, vector<128x64xf32>
    %dot_general3A_98 = arith.constant dense<0.000000e+00> : vector<256x64xf32>
    %dot_general3A_99 = tpu.matmul %concatenate3A_94, %get3A_97, %dot_general3A_98 {dimension_numbers = #tpu.dot_dimension_numbers<[1], [0], [0], [1], [0, 0, 1, 1], [], []>, transpose_lhs_hint = false} : vector<256x128xf32>, vector<128x64xf32>, vector<256x64xf32> -> vector<256x64xf32>
    %max3A_100 = arith.maximumf %max3A_78, %dot_general3A_99 : vector<256x64xf32>
    %reduce_sum3A_101 = arith.constant dense<0.000000e+00> : vector<64xf32>
    %reduce_sum3A_102 = vector.multi_reduction <add>, %dot_general3A_99, %reduce_sum3A_101 [0] : vector<256x64xf32> to vector<64xf32>
    %broadcast_in_dim3A_103 = vector.shape_cast %reduce_sum3A_102 : vector<64xf32> to vector<1x64xf32>
    %add3A_104 = arith.addf %add3A_82, %broadcast_in_dim3A_103 : vector<1x64xf32>
    %mul3A_105 = arith.mulf %dot_general3A_99, %dot_general3A_99 : vector<256x64xf32>
    %reduce_sum3A_106 = arith.constant dense<0.000000e+00> : vector<64xf32>
    %reduce_sum3A_107 = vector.multi_reduction <add>, %mul3A_105, %reduce_sum3A_106 [0] : vector<256x64xf32> to vector<64xf32>
    %broadcast_in_dim3A_108 = vector.shape_cast %reduce_sum3A_107 : vector<64xf32> to vector<1x64xf32>
    %add3A_109 = arith.addf %add3A_87, %broadcast_in_dim3A_108 : vector<1x64xf32>
    %get3A_110 = arith.constant 0 : index
    %get3A_111 = arith.constant 5 : index
    %get3A_112 = arith.constant 0 : index
    %get3A_113 = vector.load %arg1[%get3A_110, %get3A_111, %get3A_112] : memref<256x32x128xf32, #tpu.memory_space<vmem>>, vector<256x1x64xf32>
    %get3A_114 = vector.shape_cast %get3A_113 : vector<256x1x64xf32> to vector<256x64xf32>
    %sub3A_115 = arith.subf %get3A_114, %slice3A : vector<256x64xf32>
    %concatenate3A_116 = tpu.concatenate %sub3A_115, %slice3A in 1 : vector<256x64xf32>, vector<256x64xf32> -> vector<256x128xf32>
    %get3A_117 = arith.constant 0 : index
    %get3A_118 = arith.constant 0 : index
    %get3A_119 = vector.load %arg3[%get3A_117, %get3A_118] : memref<128x64xf32, #tpu.memory_space<vmem>>, vector<128x64xf32>
    %dot_general3A_120 = arith.constant dense<0.000000e+00> : vector<256x64xf32>
    %dot_general3A_121 = tpu.matmul %concatenate3A_116, %get3A_119, %dot_general3A_120 {dimension_numbers = #tpu.dot_dimension_numbers<[1], [0], [0], [1], [0, 0, 1, 1], [], []>, transpose_lhs_hint = false} : vector<256x128xf32>, vector<128x64xf32>, vector<256x64xf32> -> vector<256x64xf32>
    %max3A_122 = arith.maximumf %max3A_100, %dot_general3A_121 : vector<256x64xf32>
    %reduce_sum3A_123 = arith.constant dense<0.000000e+00> : vector<64xf32>
    %reduce_sum3A_124 = vector.multi_reduction <add>, %dot_general3A_121, %reduce_sum3A_123 [0] : vector<256x64xf32> to vector<64xf32>
    %broadcast_in_dim3A_125 = vector.shape_cast %reduce_sum3A_124 : vector<64xf32> to vector<1x64xf32>
    %add3A_126 = arith.addf %add3A_104, %broadcast_in_dim3A_125 : vector<1x64xf32>
    %mul3A_127 = arith.mulf %dot_general3A_121, %dot_general3A_121 : vector<256x64xf32>
    %reduce_sum3A_128 = arith.constant dense<0.000000e+00> : vector<64xf32>
    %reduce_sum3A_129 = vector.multi_reduction <add>, %mul3A_127, %reduce_sum3A_128 [0] : vector<256x64xf32> to vector<64xf32>
    %broadcast_in_dim3A_130 = vector.shape_cast %reduce_sum3A_129 : vector<64xf32> to vector<1x64xf32>
    %add3A_131 = arith.addf %add3A_109, %broadcast_in_dim3A_130 : vector<1x64xf32>
    %get3A_132 = arith.constant 0 : index
    %get3A_133 = arith.constant 6 : index
    %get3A_134 = arith.constant 0 : index
    %get3A_135 = vector.load %arg1[%get3A_132, %get3A_133, %get3A_134] : memref<256x32x128xf32, #tpu.memory_space<vmem>>, vector<256x1x64xf32>
    %get3A_136 = vector.shape_cast %get3A_135 : vector<256x1x64xf32> to vector<256x64xf32>
    %sub3A_137 = arith.subf %get3A_136, %slice3A : vector<256x64xf32>
    %concatenate3A_138 = tpu.concatenate %sub3A_137, %slice3A in 1 : vector<256x64xf32>, vector<256x64xf32> -> vector<256x128xf32>
    %get3A_139 = arith.constant 0 : index
    %get3A_140 = arith.constant 0 : index
    %get3A_141 = vector.load %arg3[%get3A_139, %get3A_140] : memref<128x64xf32, #tpu.memory_space<vmem>>, vector<128x64xf32>
    %dot_general3A_142 = arith.constant dense<0.000000e+00> : vector<256x64xf32>
    %dot_general3A_143 = tpu.matmul %concatenate3A_138, %get3A_141, %dot_general3A_142 {dimension_numbers = #tpu.dot_dimension_numbers<[1], [0], [0], [1], [0, 0, 1, 1], [], []>, transpose_lhs_hint = false} : vector<256x128xf32>, vector<128x64xf32>, vector<256x64xf32> -> vector<256x64xf32>
    %max3A_144 = arith.maximumf %max3A_122, %dot_general3A_143 : vector<256x64xf32>
    %reduce_sum3A_145 = arith.constant dense<0.000000e+00> : vector<64xf32>
    %reduce_sum3A_146 = vector.multi_reduction <add>, %dot_general3A_143, %reduce_sum3A_145 [0] : vector<256x64xf32> to vector<64xf32>
    %broadcast_in_dim3A_147 = vector.shape_cast %reduce_sum3A_146 : vector<64xf32> to vector<1x64xf32>
    %add3A_148 = arith.addf %add3A_126, %broadcast_in_dim3A_147 : vector<1x64xf32>
    %mul3A_149 = arith.mulf %dot_general3A_143, %dot_general3A_143 : vector<256x64xf32>
    %reduce_sum3A_150 = arith.constant dense<0.000000e+00> : vector<64xf32>
    %reduce_sum3A_151 = vector.multi_reduction <add>, %mul3A_149, %reduce_sum3A_150 [0] : vector<256x64xf32> to vector<64xf32>
    %broadcast_in_dim3A_152 = vector.shape_cast %reduce_sum3A_151 : vector<64xf32> to vector<1x64xf32>
    %add3A_153 = arith.addf %add3A_131, %broadcast_in_dim3A_152 : vector<1x64xf32>
    %get3A_154 = arith.constant 0 : index
    %get3A_155 = arith.constant 7 : index
    %get3A_156 = arith.constant 0 : index
    %get3A_157 = vector.load %arg1[%get3A_154, %get3A_155, %get3A_156] : memref<256x32x128xf32, #tpu.memory_space<vmem>>, vector<256x1x64xf32>
    %get3A_158 = vector.shape_cast %get3A_157 : vector<256x1x64xf32> to vector<256x64xf32>
    %sub3A_159 = arith.subf %get3A_158, %slice3A : vector<256x64xf32>
    %concatenate3A_160 = tpu.concatenate %sub3A_159, %slice3A in 1 : vector<256x64xf32>, vector<256x64xf32> -> vector<256x128xf32>
    %get3A_161 = arith.constant 0 : index
    %get3A_162 = arith.constant 0 : index
    %get3A_163 = vector.load %arg3[%get3A_161, %get3A_162] : memref<128x64xf32, #tpu.memory_space<vmem>>, vector<128x64xf32>
    %dot_general3A_164 = arith.constant dense<0.000000e+00> : vector<256x64xf32>
    %dot_general3A_165 = tpu.matmul %concatenate3A_160, %get3A_163, %dot_general3A_164 {dimension_numbers = #tpu.dot_dimension_numbers<[1], [0], [0], [1], [0, 0, 1, 1], [], []>, transpose_lhs_hint = false} : vector<256x128xf32>, vector<128x64xf32>, vector<256x64xf32> -> vector<256x64xf32>
    %max3A_166 = arith.maximumf %max3A_144, %dot_general3A_165 : vector<256x64xf32>
    %reduce_sum3A_167 = arith.constant dense<0.000000e+00> : vector<64xf32>
    %reduce_sum3A_168 = vector.multi_reduction <add>, %dot_general3A_165, %reduce_sum3A_167 [0] : vector<256x64xf32> to vector<64xf32>
    %broadcast_in_dim3A_169 = vector.shape_cast %reduce_sum3A_168 : vector<64xf32> to vector<1x64xf32>
    %add3A_170 = arith.addf %add3A_148, %broadcast_in_dim3A_169 : vector<1x64xf32>
    %mul3A_171 = arith.mulf %dot_general3A_165, %dot_general3A_165 : vector<256x64xf32>
    %reduce_sum3A_172 = arith.constant dense<0.000000e+00> : vector<64xf32>
    %reduce_sum3A_173 = vector.multi_reduction <add>, %mul3A_171, %reduce_sum3A_172 [0] : vector<256x64xf32> to vector<64xf32>
    %broadcast_in_dim3A_174 = vector.shape_cast %reduce_sum3A_173 : vector<64xf32> to vector<1x64xf32>
    %add3A_175 = arith.addf %add3A_153, %broadcast_in_dim3A_174 : vector<1x64xf32>
    %get3A_176 = arith.constant 0 : index
    %get3A_177 = arith.constant 8 : index
    %get3A_178 = arith.constant 0 : index
    %get3A_179 = vector.load %arg1[%get3A_176, %get3A_177, %get3A_178] : memref<256x32x128xf32, #tpu.memory_space<vmem>>, vector<256x1x64xf32>
    %get3A_180 = vector.shape_cast %get3A_179 : vector<256x1x64xf32> to vector<256x64xf32>
    %sub3A_181 = arith.subf %get3A_180, %slice3A : vector<256x64xf32>
    %concatenate3A_182 = tpu.concatenate %sub3A_181, %slice3A in 1 : vector<256x64xf32>, vector<256x64xf32> -> vector<256x128xf32>
    %get3A_183 = arith.constant 0 : index
    %get3A_184 = arith.constant 0 : index
    %get3A_185 = vector.load %arg3[%get3A_183, %get3A_184] : memref<128x64xf32, #tpu.memory_space<vmem>>, vector<128x64xf32>
    %dot_general3A_186 = arith.constant dense<0.000000e+00> : vector<256x64xf32>
    %dot_general3A_187 = tpu.matmul %concatenate3A_182, %get3A_185, %dot_general3A_186 {dimension_numbers = #tpu.dot_dimension_numbers<[1], [0], [0], [1], [0, 0, 1, 1], [], []>, transpose_lhs_hint = false} : vector<256x128xf32>, vector<128x64xf32>, vector<256x64xf32> -> vector<256x64xf32>
    %max3A_188 = arith.maximumf %max3A_166, %dot_general3A_187 : vector<256x64xf32>
    %reduce_sum3A_189 = arith.constant dense<0.000000e+00> : vector<64xf32>
    %reduce_sum3A_190 = vector.multi_reduction <add>, %dot_general3A_187, %reduce_sum3A_189 [0] : vector<256x64xf32> to vector<64xf32>
    %broadcast_in_dim3A_191 = vector.shape_cast %reduce_sum3A_190 : vector<64xf32> to vector<1x64xf32>
    %add3A_192 = arith.addf %add3A_170, %broadcast_in_dim3A_191 : vector<1x64xf32>
    %mul3A_193 = arith.mulf %dot_general3A_187, %dot_general3A_187 : vector<256x64xf32>
    %reduce_sum3A_194 = arith.constant dense<0.000000e+00> : vector<64xf32>
    %reduce_sum3A_195 = vector.multi_reduction <add>, %mul3A_193, %reduce_sum3A_194 [0] : vector<256x64xf32> to vector<64xf32>
    %broadcast_in_dim3A_196 = vector.shape_cast %reduce_sum3A_195 : vector<64xf32> to vector<1x64xf32>
    %add3A_197 = arith.addf %add3A_175, %broadcast_in_dim3A_196 : vector<1x64xf32>
    %get3A_198 = arith.constant 0 : index
    %get3A_199 = arith.constant 9 : index
    %get3A_200 = arith.constant 0 : index
    %get3A_201 = vector.load %arg1[%get3A_198, %get3A_199, %get3A_200] : memref<256x32x128xf32, #tpu.memory_space<vmem>>, vector<256x1x64xf32>
    %get3A_202 = vector.shape_cast %get3A_201 : vector<256x1x64xf32> to vector<256x64xf32>
    %sub3A_203 = arith.subf %get3A_202, %slice3A : vector<256x64xf32>
    %concatenate3A_204 = tpu.concatenate %sub3A_203, %slice3A in 1 : vector<256x64xf32>, vector<256x64xf32> -> vector<256x128xf32>
    %get3A_205 = arith.constant 0 : index
    %get3A_206 = arith.constant 0 : index
    %get3A_207 = vector.load %arg3[%get3A_205, %get3A_206] : memref<128x64xf32, #tpu.memory_space<vmem>>, vector<128x64xf32>
    %dot_general3A_208 = arith.constant dense<0.000000e+00> : vector<256x64xf32>
    %dot_general3A_209 = tpu.matmul %concatenate3A_204, %get3A_207, %dot_general3A_208 {dimension_numbers = #tpu.dot_dimension_numbers<[1], [0], [0], [1], [0, 0, 1, 1], [], []>, transpose_lhs_hint = false} : vector<256x128xf32>, vector<128x64xf32>, vector<256x64xf32> -> vector<256x64xf32>
    %max3A_210 = arith.maximumf %max3A_188, %dot_general3A_209 : vector<256x64xf32>
    %reduce_sum3A_211 = arith.constant dense<0.000000e+00> : vector<64xf32>
    %reduce_sum3A_212 = vector.multi_reduction <add>, %dot_general3A_209, %reduce_sum3A_211 [0] : vector<256x64xf32> to vector<64xf32>
    %broadcast_in_dim3A_213 = vector.shape_cast %reduce_sum3A_212 : vector<64xf32> to vector<1x64xf32>
    %add3A_214 = arith.addf %add3A_192, %broadcast_in_dim3A_213 : vector<1x64xf32>
    %mul3A_215 = arith.mulf %dot_general3A_209, %dot_general3A_209 : vector<256x64xf32>
    %reduce_sum3A_216 = arith.constant dense<0.000000e+00> : vector<64xf32>
    %reduce_sum3A_217 = vector.multi_reduction <add>, %mul3A_215, %reduce_sum3A_216 [0] : vector<256x64xf32> to vector<64xf32>
    %broadcast_in_dim3A_218 = vector.shape_cast %reduce_sum3A_217 : vector<64xf32> to vector<1x64xf32>
    %add3A_219 = arith.addf %add3A_197, %broadcast_in_dim3A_218 : vector<1x64xf32>
    %get3A_220 = arith.constant 0 : index
    %get3A_221 = arith.constant 10 : index
    %get3A_222 = arith.constant 0 : index
    %get3A_223 = vector.load %arg1[%get3A_220, %get3A_221, %get3A_222] : memref<256x32x128xf32, #tpu.memory_space<vmem>>, vector<256x1x64xf32>
    %get3A_224 = vector.shape_cast %get3A_223 : vector<256x1x64xf32> to vector<256x64xf32>
    %sub3A_225 = arith.subf %get3A_224, %slice3A : vector<256x64xf32>
    %concatenate3A_226 = tpu.concatenate %sub3A_225, %slice3A in 1 : vector<256x64xf32>, vector<256x64xf32> -> vector<256x128xf32>
    %get3A_227 = arith.constant 0 : index
    %get3A_228 = arith.constant 0 : index
    %get3A_229 = vector.load %arg3[%get3A_227, %get3A_228] : memref<128x64xf32, #tpu.memory_space<vmem>>, vector<128x64xf32>
    %dot_general3A_230 = arith.constant dense<0.000000e+00> : vector<256x64xf32>
    %dot_general3A_231 = tpu.matmul %concatenate3A_226, %get3A_229, %dot_general3A_230 {dimension_numbers = #tpu.dot_dimension_numbers<[1], [0], [0], [1], [0, 0, 1, 1], [], []>, transpose_lhs_hint = false} : vector<256x128xf32>, vector<128x64xf32>, vector<256x64xf32> -> vector<256x64xf32>
    %max3A_232 = arith.maximumf %max3A_210, %dot_general3A_231 : vector<256x64xf32>
    %reduce_sum3A_233 = arith.constant dense<0.000000e+00> : vector<64xf32>
    %reduce_sum3A_234 = vector.multi_reduction <add>, %dot_general3A_231, %reduce_sum3A_233 [0] : vector<256x64xf32> to vector<64xf32>
    %broadcast_in_dim3A_235 = vector.shape_cast %reduce_sum3A_234 : vector<64xf32> to vector<1x64xf32>
    %add3A_236 = arith.addf %add3A_214, %broadcast_in_dim3A_235 : vector<1x64xf32>
    %mul3A_237 = arith.mulf %dot_general3A_231, %dot_general3A_231 : vector<256x64xf32>
    %reduce_sum3A_238 = arith.constant dense<0.000000e+00> : vector<64xf32>
    %reduce_sum3A_239 = vector.multi_reduction <add>, %mul3A_237, %reduce_sum3A_238 [0] : vector<256x64xf32> to vector<64xf32>
    %broadcast_in_dim3A_240 = vector.shape_cast %reduce_sum3A_239 : vector<64xf32> to vector<1x64xf32>
    %add3A_241 = arith.addf %add3A_219, %broadcast_in_dim3A_240 : vector<1x64xf32>
    %get3A_242 = arith.constant 0 : index
    %get3A_243 = arith.constant 11 : index
    %get3A_244 = arith.constant 0 : index
    %get3A_245 = vector.load %arg1[%get3A_242, %get3A_243, %get3A_244] : memref<256x32x128xf32, #tpu.memory_space<vmem>>, vector<256x1x64xf32>
    %get3A_246 = vector.shape_cast %get3A_245 : vector<256x1x64xf32> to vector<256x64xf32>
    %sub3A_247 = arith.subf %get3A_246, %slice3A : vector<256x64xf32>
    %concatenate3A_248 = tpu.concatenate %sub3A_247, %slice3A in 1 : vector<256x64xf32>, vector<256x64xf32> -> vector<256x128xf32>
    %get3A_249 = arith.constant 0 : index
    %get3A_250 = arith.constant 0 : index
    %get3A_251 = vector.load %arg3[%get3A_249, %get3A_250] : memref<128x64xf32, #tpu.memory_space<vmem>>, vector<128x64xf32>
    %dot_general3A_252 = arith.constant dense<0.000000e+00> : vector<256x64xf32>
    %dot_general3A_253 = tpu.matmul %concatenate3A_248, %get3A_251, %dot_general3A_252 {dimension_numbers = #tpu.dot_dimension_numbers<[1], [0], [0], [1], [0, 0, 1, 1], [], []>, transpose_lhs_hint = false} : vector<256x128xf32>, vector<128x64xf32>, vector<256x64xf32> -> vector<256x64xf32>
    %max3A_254 = arith.maximumf %max3A_232, %dot_general3A_253 : vector<256x64xf32>
    %reduce_sum3A_255 = arith.constant dense<0.000000e+00> : vector<64xf32>
    %reduce_sum3A_256 = vector.multi_reduction <add>, %dot_general3A_253, %reduce_sum3A_255 [0] : vector<256x64xf32> to vector<64xf32>
    %broadcast_in_dim3A_257 = vector.shape_cast %reduce_sum3A_256 : vector<64xf32> to vector<1x64xf32>
    %add3A_258 = arith.addf %add3A_236, %broadcast_in_dim3A_257 : vector<1x64xf32>
    %mul3A_259 = arith.mulf %dot_general3A_253, %dot_general3A_253 : vector<256x64xf32>
    %reduce_sum3A_260 = arith.constant dense<0.000000e+00> : vector<64xf32>
    %reduce_sum3A_261 = vector.multi_reduction <add>, %mul3A_259, %reduce_sum3A_260 [0] : vector<256x64xf32> to vector<64xf32>
    %broadcast_in_dim3A_262 = vector.shape_cast %reduce_sum3A_261 : vector<64xf32> to vector<1x64xf32>
    %add3A_263 = arith.addf %add3A_241, %broadcast_in_dim3A_262 : vector<1x64xf32>
    %get3A_264 = arith.constant 0 : index
    %get3A_265 = arith.constant 12 : index
    %get3A_266 = arith.constant 0 : index
    %get3A_267 = vector.load %arg1[%get3A_264, %get3A_265, %get3A_266] : memref<256x32x128xf32, #tpu.memory_space<vmem>>, vector<256x1x64xf32>
    %get3A_268 = vector.shape_cast %get3A_267 : vector<256x1x64xf32> to vector<256x64xf32>
    %sub3A_269 = arith.subf %get3A_268, %slice3A : vector<256x64xf32>
    %concatenate3A_270 = tpu.concatenate %sub3A_269, %slice3A in 1 : vector<256x64xf32>, vector<256x64xf32> -> vector<256x128xf32>
    %get3A_271 = arith.constant 0 : index
    %get3A_272 = arith.constant 0 : index
    %get3A_273 = vector.load %arg3[%get3A_271, %get3A_272] : memref<128x64xf32, #tpu.memory_space<vmem>>, vector<128x64xf32>
    %dot_general3A_274 = arith.constant dense<0.000000e+00> : vector<256x64xf32>
    %dot_general3A_275 = tpu.matmul %concatenate3A_270, %get3A_273, %dot_general3A_274 {dimension_numbers = #tpu.dot_dimension_numbers<[1], [0], [0], [1], [0, 0, 1, 1], [], []>, transpose_lhs_hint = false} : vector<256x128xf32>, vector<128x64xf32>, vector<256x64xf32> -> vector<256x64xf32>
    %max3A_276 = arith.maximumf %max3A_254, %dot_general3A_275 : vector<256x64xf32>
    %reduce_sum3A_277 = arith.constant dense<0.000000e+00> : vector<64xf32>
    %reduce_sum3A_278 = vector.multi_reduction <add>, %dot_general3A_275, %reduce_sum3A_277 [0] : vector<256x64xf32> to vector<64xf32>
    %broadcast_in_dim3A_279 = vector.shape_cast %reduce_sum3A_278 : vector<64xf32> to vector<1x64xf32>
    %add3A_280 = arith.addf %add3A_258, %broadcast_in_dim3A_279 : vector<1x64xf32>
    %mul3A_281 = arith.mulf %dot_general3A_275, %dot_general3A_275 : vector<256x64xf32>
    %reduce_sum3A_282 = arith.constant dense<0.000000e+00> : vector<64xf32>
    %reduce_sum3A_283 = vector.multi_reduction <add>, %mul3A_281, %reduce_sum3A_282 [0] : vector<256x64xf32> to vector<64xf32>
    %broadcast_in_dim3A_284 = vector.shape_cast %reduce_sum3A_283 : vector<64xf32> to vector<1x64xf32>
    %add3A_285 = arith.addf %add3A_263, %broadcast_in_dim3A_284 : vector<1x64xf32>
    %get3A_286 = arith.constant 0 : index
    %get3A_287 = arith.constant 13 : index
    %get3A_288 = arith.constant 0 : index
    %get3A_289 = vector.load %arg1[%get3A_286, %get3A_287, %get3A_288] : memref<256x32x128xf32, #tpu.memory_space<vmem>>, vector<256x1x64xf32>
    %get3A_290 = vector.shape_cast %get3A_289 : vector<256x1x64xf32> to vector<256x64xf32>
    %sub3A_291 = arith.subf %get3A_290, %slice3A : vector<256x64xf32>
    %concatenate3A_292 = tpu.concatenate %sub3A_291, %slice3A in 1 : vector<256x64xf32>, vector<256x64xf32> -> vector<256x128xf32>
    %get3A_293 = arith.constant 0 : index
    %get3A_294 = arith.constant 0 : index
    %get3A_295 = vector.load %arg3[%get3A_293, %get3A_294] : memref<128x64xf32, #tpu.memory_space<vmem>>, vector<128x64xf32>
    %dot_general3A_296 = arith.constant dense<0.000000e+00> : vector<256x64xf32>
    %dot_general3A_297 = tpu.matmul %concatenate3A_292, %get3A_295, %dot_general3A_296 {dimension_numbers = #tpu.dot_dimension_numbers<[1], [0], [0], [1], [0, 0, 1, 1], [], []>, transpose_lhs_hint = false} : vector<256x128xf32>, vector<128x64xf32>, vector<256x64xf32> -> vector<256x64xf32>
    %max3A_298 = arith.maximumf %max3A_276, %dot_general3A_297 : vector<256x64xf32>
    %reduce_sum3A_299 = arith.constant dense<0.000000e+00> : vector<64xf32>
    %reduce_sum3A_300 = vector.multi_reduction <add>, %dot_general3A_297, %reduce_sum3A_299 [0] : vector<256x64xf32> to vector<64xf32>
    %broadcast_in_dim3A_301 = vector.shape_cast %reduce_sum3A_300 : vector<64xf32> to vector<1x64xf32>
    %add3A_302 = arith.addf %add3A_280, %broadcast_in_dim3A_301 : vector<1x64xf32>
    %mul3A_303 = arith.mulf %dot_general3A_297, %dot_general3A_297 : vector<256x64xf32>
    %reduce_sum3A_304 = arith.constant dense<0.000000e+00> : vector<64xf32>
    %reduce_sum3A_305 = vector.multi_reduction <add>, %mul3A_303, %reduce_sum3A_304 [0] : vector<256x64xf32> to vector<64xf32>
    %broadcast_in_dim3A_306 = vector.shape_cast %reduce_sum3A_305 : vector<64xf32> to vector<1x64xf32>
    %add3A_307 = arith.addf %add3A_285, %broadcast_in_dim3A_306 : vector<1x64xf32>
    %get3A_308 = arith.constant 0 : index
    %get3A_309 = arith.constant 14 : index
    %get3A_310 = arith.constant 0 : index
    %get3A_311 = vector.load %arg1[%get3A_308, %get3A_309, %get3A_310] : memref<256x32x128xf32, #tpu.memory_space<vmem>>, vector<256x1x64xf32>
    %get3A_312 = vector.shape_cast %get3A_311 : vector<256x1x64xf32> to vector<256x64xf32>
    %sub3A_313 = arith.subf %get3A_312, %slice3A : vector<256x64xf32>
    %concatenate3A_314 = tpu.concatenate %sub3A_313, %slice3A in 1 : vector<256x64xf32>, vector<256x64xf32> -> vector<256x128xf32>
    %get3A_315 = arith.constant 0 : index
    %get3A_316 = arith.constant 0 : index
    %get3A_317 = vector.load %arg3[%get3A_315, %get3A_316] : memref<128x64xf32, #tpu.memory_space<vmem>>, vector<128x64xf32>
    %dot_general3A_318 = arith.constant dense<0.000000e+00> : vector<256x64xf32>
    %dot_general3A_319 = tpu.matmul %concatenate3A_314, %get3A_317, %dot_general3A_318 {dimension_numbers = #tpu.dot_dimension_numbers<[1], [0], [0], [1], [0, 0, 1, 1], [], []>, transpose_lhs_hint = false} : vector<256x128xf32>, vector<128x64xf32>, vector<256x64xf32> -> vector<256x64xf32>
    %max3A_320 = arith.maximumf %max3A_298, %dot_general3A_319 : vector<256x64xf32>
    %reduce_sum3A_321 = arith.constant dense<0.000000e+00> : vector<64xf32>
    %reduce_sum3A_322 = vector.multi_reduction <add>, %dot_general3A_319, %reduce_sum3A_321 [0] : vector<256x64xf32> to vector<64xf32>
    %broadcast_in_dim3A_323 = vector.shape_cast %reduce_sum3A_322 : vector<64xf32> to vector<1x64xf32>
    %add3A_324 = arith.addf %add3A_302, %broadcast_in_dim3A_323 : vector<1x64xf32>
    %mul3A_325 = arith.mulf %dot_general3A_319, %dot_general3A_319 : vector<256x64xf32>
    %reduce_sum3A_326 = arith.constant dense<0.000000e+00> : vector<64xf32>
    %reduce_sum3A_327 = vector.multi_reduction <add>, %mul3A_325, %reduce_sum3A_326 [0] : vector<256x64xf32> to vector<64xf32>
    %broadcast_in_dim3A_328 = vector.shape_cast %reduce_sum3A_327 : vector<64xf32> to vector<1x64xf32>
    %add3A_329 = arith.addf %add3A_307, %broadcast_in_dim3A_328 : vector<1x64xf32>
    %get3A_330 = arith.constant 0 : index
    %get3A_331 = arith.constant 15 : index
    %get3A_332 = arith.constant 0 : index
    %get3A_333 = vector.load %arg1[%get3A_330, %get3A_331, %get3A_332] : memref<256x32x128xf32, #tpu.memory_space<vmem>>, vector<256x1x64xf32>
    %get3A_334 = vector.shape_cast %get3A_333 : vector<256x1x64xf32> to vector<256x64xf32>
    %sub3A_335 = arith.subf %get3A_334, %slice3A : vector<256x64xf32>
    %concatenate3A_336 = tpu.concatenate %sub3A_335, %slice3A in 1 : vector<256x64xf32>, vector<256x64xf32> -> vector<256x128xf32>
    %get3A_337 = arith.constant 0 : index
    %get3A_338 = arith.constant 0 : index
    %get3A_339 = vector.load %arg3[%get3A_337, %get3A_338] : memref<128x64xf32, #tpu.memory_space<vmem>>, vector<128x64xf32>
    %dot_general3A_340 = arith.constant dense<0.000000e+00> : vector<256x64xf32>
    %dot_general3A_341 = tpu.matmul %concatenate3A_336, %get3A_339, %dot_general3A_340 {dimension_numbers = #tpu.dot_dimension_numbers<[1], [0], [0], [1], [0, 0, 1, 1], [], []>, transpose_lhs_hint = false} : vector<256x128xf32>, vector<128x64xf32>, vector<256x64xf32> -> vector<256x64xf32>
    %max3A_342 = arith.maximumf %max3A_320, %dot_general3A_341 : vector<256x64xf32>
    %reduce_sum3A_343 = arith.constant dense<0.000000e+00> : vector<64xf32>
    %reduce_sum3A_344 = vector.multi_reduction <add>, %dot_general3A_341, %reduce_sum3A_343 [0] : vector<256x64xf32> to vector<64xf32>
    %broadcast_in_dim3A_345 = vector.shape_cast %reduce_sum3A_344 : vector<64xf32> to vector<1x64xf32>
    %add3A_346 = arith.addf %add3A_324, %broadcast_in_dim3A_345 : vector<1x64xf32>
    %mul3A_347 = arith.mulf %dot_general3A_341, %dot_general3A_341 : vector<256x64xf32>
    %reduce_sum3A_348 = arith.constant dense<0.000000e+00> : vector<64xf32>
    %reduce_sum3A_349 = vector.multi_reduction <add>, %mul3A_347, %reduce_sum3A_348 [0] : vector<256x64xf32> to vector<64xf32>
    %broadcast_in_dim3A_350 = vector.shape_cast %reduce_sum3A_349 : vector<64xf32> to vector<1x64xf32>
    %add3A_351 = arith.addf %add3A_329, %broadcast_in_dim3A_350 : vector<1x64xf32>
    %get3A_352 = arith.constant 0 : index
    %get3A_353 = arith.constant 16 : index
    %get3A_354 = arith.constant 0 : index
    %get3A_355 = vector.load %arg1[%get3A_352, %get3A_353, %get3A_354] : memref<256x32x128xf32, #tpu.memory_space<vmem>>, vector<256x1x64xf32>
    %get3A_356 = vector.shape_cast %get3A_355 : vector<256x1x64xf32> to vector<256x64xf32>
    %sub3A_357 = arith.subf %get3A_356, %slice3A : vector<256x64xf32>
    %concatenate3A_358 = tpu.concatenate %sub3A_357, %slice3A in 1 : vector<256x64xf32>, vector<256x64xf32> -> vector<256x128xf32>
    %get3A_359 = arith.constant 0 : index
    %get3A_360 = arith.constant 0 : index
    %get3A_361 = vector.load %arg3[%get3A_359, %get3A_360] : memref<128x64xf32, #tpu.memory_space<vmem>>, vector<128x64xf32>
    %dot_general3A_362 = arith.constant dense<0.000000e+00> : vector<256x64xf32>
    %dot_general3A_363 = tpu.matmul %concatenate3A_358, %get3A_361, %dot_general3A_362 {dimension_numbers = #tpu.dot_dimension_numbers<[1], [0], [0], [1], [0, 0, 1, 1], [], []>, transpose_lhs_hint = false} : vector<256x128xf32>, vector<128x64xf32>, vector<256x64xf32> -> vector<256x64xf32>
    %max3A_364 = arith.maximumf %max3A_342, %dot_general3A_363 : vector<256x64xf32>
    %reduce_sum3A_365 = arith.constant dense<0.000000e+00> : vector<64xf32>
    %reduce_sum3A_366 = vector.multi_reduction <add>, %dot_general3A_363, %reduce_sum3A_365 [0] : vector<256x64xf32> to vector<64xf32>
    %broadcast_in_dim3A_367 = vector.shape_cast %reduce_sum3A_366 : vector<64xf32> to vector<1x64xf32>
    %add3A_368 = arith.addf %add3A_346, %broadcast_in_dim3A_367 : vector<1x64xf32>
    %mul3A_369 = arith.mulf %dot_general3A_363, %dot_general3A_363 : vector<256x64xf32>
    %reduce_sum3A_370 = arith.constant dense<0.000000e+00> : vector<64xf32>
    %reduce_sum3A_371 = vector.multi_reduction <add>, %mul3A_369, %reduce_sum3A_370 [0] : vector<256x64xf32> to vector<64xf32>
    %broadcast_in_dim3A_372 = vector.shape_cast %reduce_sum3A_371 : vector<64xf32> to vector<1x64xf32>
    %add3A_373 = arith.addf %add3A_351, %broadcast_in_dim3A_372 : vector<1x64xf32>
    %get3A_374 = arith.constant 0 : index
    %get3A_375 = arith.constant 17 : index
    %get3A_376 = arith.constant 0 : index
    %get3A_377 = vector.load %arg1[%get3A_374, %get3A_375, %get3A_376] : memref<256x32x128xf32, #tpu.memory_space<vmem>>, vector<256x1x64xf32>
    %get3A_378 = vector.shape_cast %get3A_377 : vector<256x1x64xf32> to vector<256x64xf32>
    %sub3A_379 = arith.subf %get3A_378, %slice3A : vector<256x64xf32>
    %concatenate3A_380 = tpu.concatenate %sub3A_379, %slice3A in 1 : vector<256x64xf32>, vector<256x64xf32> -> vector<256x128xf32>
    %get3A_381 = arith.constant 0 : index
    %get3A_382 = arith.constant 0 : index
    %get3A_383 = vector.load %arg3[%get3A_381, %get3A_382] : memref<128x64xf32, #tpu.memory_space<vmem>>, vector<128x64xf32>
    %dot_general3A_384 = arith.constant dense<0.000000e+00> : vector<256x64xf32>
    %dot_general3A_385 = tpu.matmul %concatenate3A_380, %get3A_383, %dot_general3A_384 {dimension_numbers = #tpu.dot_dimension_numbers<[1], [0], [0], [1], [0, 0, 1, 1], [], []>, transpose_lhs_hint = false} : vector<256x128xf32>, vector<128x64xf32>, vector<256x64xf32> -> vector<256x64xf32>
    %max3A_386 = arith.maximumf %max3A_364, %dot_general3A_385 : vector<256x64xf32>
    %reduce_sum3A_387 = arith.constant dense<0.000000e+00> : vector<64xf32>
    %reduce_sum3A_388 = vector.multi_reduction <add>, %dot_general3A_385, %reduce_sum3A_387 [0] : vector<256x64xf32> to vector<64xf32>
    %broadcast_in_dim3A_389 = vector.shape_cast %reduce_sum3A_388 : vector<64xf32> to vector<1x64xf32>
    %add3A_390 = arith.addf %add3A_368, %broadcast_in_dim3A_389 : vector<1x64xf32>
    %mul3A_391 = arith.mulf %dot_general3A_385, %dot_general3A_385 : vector<256x64xf32>
    %reduce_sum3A_392 = arith.constant dense<0.000000e+00> : vector<64xf32>
    %reduce_sum3A_393 = vector.multi_reduction <add>, %mul3A_391, %reduce_sum3A_392 [0] : vector<256x64xf32> to vector<64xf32>
    %broadcast_in_dim3A_394 = vector.shape_cast %reduce_sum3A_393 : vector<64xf32> to vector<1x64xf32>
    %add3A_395 = arith.addf %add3A_373, %broadcast_in_dim3A_394 : vector<1x64xf32>
    %get3A_396 = arith.constant 0 : index
    %get3A_397 = arith.constant 18 : index
    %get3A_398 = arith.constant 0 : index
    %get3A_399 = vector.load %arg1[%get3A_396, %get3A_397, %get3A_398] : memref<256x32x128xf32, #tpu.memory_space<vmem>>, vector<256x1x64xf32>
    %get3A_400 = vector.shape_cast %get3A_399 : vector<256x1x64xf32> to vector<256x64xf32>
    %sub3A_401 = arith.subf %get3A_400, %slice3A : vector<256x64xf32>
    %concatenate3A_402 = tpu.concatenate %sub3A_401, %slice3A in 1 : vector<256x64xf32>, vector<256x64xf32> -> vector<256x128xf32>
    %get3A_403 = arith.constant 0 : index
    %get3A_404 = arith.constant 0 : index
    %get3A_405 = vector.load %arg3[%get3A_403, %get3A_404] : memref<128x64xf32, #tpu.memory_space<vmem>>, vector<128x64xf32>
    %dot_general3A_406 = arith.constant dense<0.000000e+00> : vector<256x64xf32>
    %dot_general3A_407 = tpu.matmul %concatenate3A_402, %get3A_405, %dot_general3A_406 {dimension_numbers = #tpu.dot_dimension_numbers<[1], [0], [0], [1], [0, 0, 1, 1], [], []>, transpose_lhs_hint = false} : vector<256x128xf32>, vector<128x64xf32>, vector<256x64xf32> -> vector<256x64xf32>
    %max3A_408 = arith.maximumf %max3A_386, %dot_general3A_407 : vector<256x64xf32>
    %reduce_sum3A_409 = arith.constant dense<0.000000e+00> : vector<64xf32>
    %reduce_sum3A_410 = vector.multi_reduction <add>, %dot_general3A_407, %reduce_sum3A_409 [0] : vector<256x64xf32> to vector<64xf32>
    %broadcast_in_dim3A_411 = vector.shape_cast %reduce_sum3A_410 : vector<64xf32> to vector<1x64xf32>
    %add3A_412 = arith.addf %add3A_390, %broadcast_in_dim3A_411 : vector<1x64xf32>
    %mul3A_413 = arith.mulf %dot_general3A_407, %dot_general3A_407 : vector<256x64xf32>
    %reduce_sum3A_414 = arith.constant dense<0.000000e+00> : vector<64xf32>
    %reduce_sum3A_415 = vector.multi_reduction <add>, %mul3A_413, %reduce_sum3A_414 [0] : vector<256x64xf32> to vector<64xf32>
    %broadcast_in_dim3A_416 = vector.shape_cast %reduce_sum3A_415 : vector<64xf32> to vector<1x64xf32>
    %add3A_417 = arith.addf %add3A_395, %broadcast_in_dim3A_416 : vector<1x64xf32>
    %get3A_418 = arith.constant 0 : index
    %get3A_419 = arith.constant 19 : index
    %get3A_420 = arith.constant 0 : index
    %get3A_421 = vector.load %arg1[%get3A_418, %get3A_419, %get3A_420] : memref<256x32x128xf32, #tpu.memory_space<vmem>>, vector<256x1x64xf32>
    %get3A_422 = vector.shape_cast %get3A_421 : vector<256x1x64xf32> to vector<256x64xf32>
    %sub3A_423 = arith.subf %get3A_422, %slice3A : vector<256x64xf32>
    %concatenate3A_424 = tpu.concatenate %sub3A_423, %slice3A in 1 : vector<256x64xf32>, vector<256x64xf32> -> vector<256x128xf32>
    %get3A_425 = arith.constant 0 : index
    %get3A_426 = arith.constant 0 : index
    %get3A_427 = vector.load %arg3[%get3A_425, %get3A_426] : memref<128x64xf32, #tpu.memory_space<vmem>>, vector<128x64xf32>
    %dot_general3A_428 = arith.constant dense<0.000000e+00> : vector<256x64xf32>
    %dot_general3A_429 = tpu.matmul %concatenate3A_424, %get3A_427, %dot_general3A_428 {dimension_numbers = #tpu.dot_dimension_numbers<[1], [0], [0], [1], [0, 0, 1, 1], [], []>, transpose_lhs_hint = false} : vector<256x128xf32>, vector<128x64xf32>, vector<256x64xf32> -> vector<256x64xf32>
    %max3A_430 = arith.maximumf %max3A_408, %dot_general3A_429 : vector<256x64xf32>
    %reduce_sum3A_431 = arith.constant dense<0.000000e+00> : vector<64xf32>
    %reduce_sum3A_432 = vector.multi_reduction <add>, %dot_general3A_429, %reduce_sum3A_431 [0] : vector<256x64xf32> to vector<64xf32>
    %broadcast_in_dim3A_433 = vector.shape_cast %reduce_sum3A_432 : vector<64xf32> to vector<1x64xf32>
    %add3A_434 = arith.addf %add3A_412, %broadcast_in_dim3A_433 : vector<1x64xf32>
    %mul3A_435 = arith.mulf %dot_general3A_429, %dot_general3A_429 : vector<256x64xf32>
    %reduce_sum3A_436 = arith.constant dense<0.000000e+00> : vector<64xf32>
    %reduce_sum3A_437 = vector.multi_reduction <add>, %mul3A_435, %reduce_sum3A_436 [0] : vector<256x64xf32> to vector<64xf32>
    %broadcast_in_dim3A_438 = vector.shape_cast %reduce_sum3A_437 : vector<64xf32> to vector<1x64xf32>
    %add3A_439 = arith.addf %add3A_417, %broadcast_in_dim3A_438 : vector<1x64xf32>
    %get3A_440 = arith.constant 0 : index
    %get3A_441 = arith.constant 20 : index
    %get3A_442 = arith.constant 0 : index
    %get3A_443 = vector.load %arg1[%get3A_440, %get3A_441, %get3A_442] : memref<256x32x128xf32, #tpu.memory_space<vmem>>, vector<256x1x64xf32>
    %get3A_444 = vector.shape_cast %get3A_443 : vector<256x1x64xf32> to vector<256x64xf32>
    %sub3A_445 = arith.subf %get3A_444, %slice3A : vector<256x64xf32>
    %concatenate3A_446 = tpu.concatenate %sub3A_445, %slice3A in 1 : vector<256x64xf32>, vector<256x64xf32> -> vector<256x128xf32>
    %get3A_447 = arith.constant 0 : index
    %get3A_448 = arith.constant 0 : index
    %get3A_449 = vector.load %arg3[%get3A_447, %get3A_448] : memref<128x64xf32, #tpu.memory_space<vmem>>, vector<128x64xf32>
    %dot_general3A_450 = arith.constant dense<0.000000e+00> : vector<256x64xf32>
    %dot_general3A_451 = tpu.matmul %concatenate3A_446, %get3A_449, %dot_general3A_450 {dimension_numbers = #tpu.dot_dimension_numbers<[1], [0], [0], [1], [0, 0, 1, 1], [], []>, transpose_lhs_hint = false} : vector<256x128xf32>, vector<128x64xf32>, vector<256x64xf32> -> vector<256x64xf32>
    %max3A_452 = arith.maximumf %max3A_430, %dot_general3A_451 : vector<256x64xf32>
    %reduce_sum3A_453 = arith.constant dense<0.000000e+00> : vector<64xf32>
    %reduce_sum3A_454 = vector.multi_reduction <add>, %dot_general3A_451, %reduce_sum3A_453 [0] : vector<256x64xf32> to vector<64xf32>
    %broadcast_in_dim3A_455 = vector.shape_cast %reduce_sum3A_454 : vector<64xf32> to vector<1x64xf32>
    %add3A_456 = arith.addf %add3A_434, %broadcast_in_dim3A_455 : vector<1x64xf32>
    %mul3A_457 = arith.mulf %dot_general3A_451, %dot_general3A_451 : vector<256x64xf32>
    %reduce_sum3A_458 = arith.constant dense<0.000000e+00> : vector<64xf32>
    %reduce_sum3A_459 = vector.multi_reduction <add>, %mul3A_457, %reduce_sum3A_458 [0] : vector<256x64xf32> to vector<64xf32>
    %broadcast_in_dim3A_460 = vector.shape_cast %reduce_sum3A_459 : vector<64xf32> to vector<1x64xf32>
    %add3A_461 = arith.addf %add3A_439, %broadcast_in_dim3A_460 : vector<1x64xf32>
    %get3A_462 = arith.constant 0 : index
    %get3A_463 = arith.constant 21 : index
    %get3A_464 = arith.constant 0 : index
    %get3A_465 = vector.load %arg1[%get3A_462, %get3A_463, %get3A_464] : memref<256x32x128xf32, #tpu.memory_space<vmem>>, vector<256x1x64xf32>
    %get3A_466 = vector.shape_cast %get3A_465 : vector<256x1x64xf32> to vector<256x64xf32>
    %sub3A_467 = arith.subf %get3A_466, %slice3A : vector<256x64xf32>
    %concatenate3A_468 = tpu.concatenate %sub3A_467, %slice3A in 1 : vector<256x64xf32>, vector<256x64xf32> -> vector<256x128xf32>
    %get3A_469 = arith.constant 0 : index
    %get3A_470 = arith.constant 0 : index
    %get3A_471 = vector.load %arg3[%get3A_469, %get3A_470] : memref<128x64xf32, #tpu.memory_space<vmem>>, vector<128x64xf32>
    %dot_general3A_472 = arith.constant dense<0.000000e+00> : vector<256x64xf32>
    %dot_general3A_473 = tpu.matmul %concatenate3A_468, %get3A_471, %dot_general3A_472 {dimension_numbers = #tpu.dot_dimension_numbers<[1], [0], [0], [1], [0, 0, 1, 1], [], []>, transpose_lhs_hint = false} : vector<256x128xf32>, vector<128x64xf32>, vector<256x64xf32> -> vector<256x64xf32>
    %max3A_474 = arith.maximumf %max3A_452, %dot_general3A_473 : vector<256x64xf32>
    %reduce_sum3A_475 = arith.constant dense<0.000000e+00> : vector<64xf32>
    %reduce_sum3A_476 = vector.multi_reduction <add>, %dot_general3A_473, %reduce_sum3A_475 [0] : vector<256x64xf32> to vector<64xf32>
    %broadcast_in_dim3A_477 = vector.shape_cast %reduce_sum3A_476 : vector<64xf32> to vector<1x64xf32>
    %add3A_478 = arith.addf %add3A_456, %broadcast_in_dim3A_477 : vector<1x64xf32>
    %mul3A_479 = arith.mulf %dot_general3A_473, %dot_general3A_473 : vector<256x64xf32>
    %reduce_sum3A_480 = arith.constant dense<0.000000e+00> : vector<64xf32>
    %reduce_sum3A_481 = vector.multi_reduction <add>, %mul3A_479, %reduce_sum3A_480 [0] : vector<256x64xf32> to vector<64xf32>
    %broadcast_in_dim3A_482 = vector.shape_cast %reduce_sum3A_481 : vector<64xf32> to vector<1x64xf32>
    %add3A_483 = arith.addf %add3A_461, %broadcast_in_dim3A_482 : vector<1x64xf32>
    %get3A_484 = arith.constant 0 : index
    %get3A_485 = arith.constant 22 : index
    %get3A_486 = arith.constant 0 : index
    %get3A_487 = vector.load %arg1[%get3A_484, %get3A_485, %get3A_486] : memref<256x32x128xf32, #tpu.memory_space<vmem>>, vector<256x1x64xf32>
    %get3A_488 = vector.shape_cast %get3A_487 : vector<256x1x64xf32> to vector<256x64xf32>
    %sub3A_489 = arith.subf %get3A_488, %slice3A : vector<256x64xf32>
    %concatenate3A_490 = tpu.concatenate %sub3A_489, %slice3A in 1 : vector<256x64xf32>, vector<256x64xf32> -> vector<256x128xf32>
    %get3A_491 = arith.constant 0 : index
    %get3A_492 = arith.constant 0 : index
    %get3A_493 = vector.load %arg3[%get3A_491, %get3A_492] : memref<128x64xf32, #tpu.memory_space<vmem>>, vector<128x64xf32>
    %dot_general3A_494 = arith.constant dense<0.000000e+00> : vector<256x64xf32>
    %dot_general3A_495 = tpu.matmul %concatenate3A_490, %get3A_493, %dot_general3A_494 {dimension_numbers = #tpu.dot_dimension_numbers<[1], [0], [0], [1], [0, 0, 1, 1], [], []>, transpose_lhs_hint = false} : vector<256x128xf32>, vector<128x64xf32>, vector<256x64xf32> -> vector<256x64xf32>
    %max3A_496 = arith.maximumf %max3A_474, %dot_general3A_495 : vector<256x64xf32>
    %reduce_sum3A_497 = arith.constant dense<0.000000e+00> : vector<64xf32>
    %reduce_sum3A_498 = vector.multi_reduction <add>, %dot_general3A_495, %reduce_sum3A_497 [0] : vector<256x64xf32> to vector<64xf32>
    %broadcast_in_dim3A_499 = vector.shape_cast %reduce_sum3A_498 : vector<64xf32> to vector<1x64xf32>
    %add3A_500 = arith.addf %add3A_478, %broadcast_in_dim3A_499 : vector<1x64xf32>
    %mul3A_501 = arith.mulf %dot_general3A_495, %dot_general3A_495 : vector<256x64xf32>
    %reduce_sum3A_502 = arith.constant dense<0.000000e+00> : vector<64xf32>
    %reduce_sum3A_503 = vector.multi_reduction <add>, %mul3A_501, %reduce_sum3A_502 [0] : vector<256x64xf32> to vector<64xf32>
    %broadcast_in_dim3A_504 = vector.shape_cast %reduce_sum3A_503 : vector<64xf32> to vector<1x64xf32>
    %add3A_505 = arith.addf %add3A_483, %broadcast_in_dim3A_504 : vector<1x64xf32>
    %get3A_506 = arith.constant 0 : index
    %get3A_507 = arith.constant 23 : index
    %get3A_508 = arith.constant 0 : index
    %get3A_509 = vector.load %arg1[%get3A_506, %get3A_507, %get3A_508] : memref<256x32x128xf32, #tpu.memory_space<vmem>>, vector<256x1x64xf32>
    %get3A_510 = vector.shape_cast %get3A_509 : vector<256x1x64xf32> to vector<256x64xf32>
    %sub3A_511 = arith.subf %get3A_510, %slice3A : vector<256x64xf32>
    %concatenate3A_512 = tpu.concatenate %sub3A_511, %slice3A in 1 : vector<256x64xf32>, vector<256x64xf32> -> vector<256x128xf32>
    %get3A_513 = arith.constant 0 : index
    %get3A_514 = arith.constant 0 : index
    %get3A_515 = vector.load %arg3[%get3A_513, %get3A_514] : memref<128x64xf32, #tpu.memory_space<vmem>>, vector<128x64xf32>
    %dot_general3A_516 = arith.constant dense<0.000000e+00> : vector<256x64xf32>
    %dot_general3A_517 = tpu.matmul %concatenate3A_512, %get3A_515, %dot_general3A_516 {dimension_numbers = #tpu.dot_dimension_numbers<[1], [0], [0], [1], [0, 0, 1, 1], [], []>, transpose_lhs_hint = false} : vector<256x128xf32>, vector<128x64xf32>, vector<256x64xf32> -> vector<256x64xf32>
    %max3A_518 = arith.maximumf %max3A_496, %dot_general3A_517 : vector<256x64xf32>
    %reduce_sum3A_519 = arith.constant dense<0.000000e+00> : vector<64xf32>
    %reduce_sum3A_520 = vector.multi_reduction <add>, %dot_general3A_517, %reduce_sum3A_519 [0] : vector<256x64xf32> to vector<64xf32>
    %broadcast_in_dim3A_521 = vector.shape_cast %reduce_sum3A_520 : vector<64xf32> to vector<1x64xf32>
    %add3A_522 = arith.addf %add3A_500, %broadcast_in_dim3A_521 : vector<1x64xf32>
    %mul3A_523 = arith.mulf %dot_general3A_517, %dot_general3A_517 : vector<256x64xf32>
    %reduce_sum3A_524 = arith.constant dense<0.000000e+00> : vector<64xf32>
    %reduce_sum3A_525 = vector.multi_reduction <add>, %mul3A_523, %reduce_sum3A_524 [0] : vector<256x64xf32> to vector<64xf32>
    %broadcast_in_dim3A_526 = vector.shape_cast %reduce_sum3A_525 : vector<64xf32> to vector<1x64xf32>
    %add3A_527 = arith.addf %add3A_505, %broadcast_in_dim3A_526 : vector<1x64xf32>
    %get3A_528 = arith.constant 0 : index
    %get3A_529 = arith.constant 24 : index
    %get3A_530 = arith.constant 0 : index
    %get3A_531 = vector.load %arg1[%get3A_528, %get3A_529, %get3A_530] : memref<256x32x128xf32, #tpu.memory_space<vmem>>, vector<256x1x64xf32>
    %get3A_532 = vector.shape_cast %get3A_531 : vector<256x1x64xf32> to vector<256x64xf32>
    %sub3A_533 = arith.subf %get3A_532, %slice3A : vector<256x64xf32>
    %concatenate3A_534 = tpu.concatenate %sub3A_533, %slice3A in 1 : vector<256x64xf32>, vector<256x64xf32> -> vector<256x128xf32>
    %get3A_535 = arith.constant 0 : index
    %get3A_536 = arith.constant 0 : index
    %get3A_537 = vector.load %arg3[%get3A_535, %get3A_536] : memref<128x64xf32, #tpu.memory_space<vmem>>, vector<128x64xf32>
    %dot_general3A_538 = arith.constant dense<0.000000e+00> : vector<256x64xf32>
    %dot_general3A_539 = tpu.matmul %concatenate3A_534, %get3A_537, %dot_general3A_538 {dimension_numbers = #tpu.dot_dimension_numbers<[1], [0], [0], [1], [0, 0, 1, 1], [], []>, transpose_lhs_hint = false} : vector<256x128xf32>, vector<128x64xf32>, vector<256x64xf32> -> vector<256x64xf32>
    %max3A_540 = arith.maximumf %max3A_518, %dot_general3A_539 : vector<256x64xf32>
    %reduce_sum3A_541 = arith.constant dense<0.000000e+00> : vector<64xf32>
    %reduce_sum3A_542 = vector.multi_reduction <add>, %dot_general3A_539, %reduce_sum3A_541 [0] : vector<256x64xf32> to vector<64xf32>
    %broadcast_in_dim3A_543 = vector.shape_cast %reduce_sum3A_542 : vector<64xf32> to vector<1x64xf32>
    %add3A_544 = arith.addf %add3A_522, %broadcast_in_dim3A_543 : vector<1x64xf32>
    %mul3A_545 = arith.mulf %dot_general3A_539, %dot_general3A_539 : vector<256x64xf32>
    %reduce_sum3A_546 = arith.constant dense<0.000000e+00> : vector<64xf32>
    %reduce_sum3A_547 = vector.multi_reduction <add>, %mul3A_545, %reduce_sum3A_546 [0] : vector<256x64xf32> to vector<64xf32>
    %broadcast_in_dim3A_548 = vector.shape_cast %reduce_sum3A_547 : vector<64xf32> to vector<1x64xf32>
    %add3A_549 = arith.addf %add3A_527, %broadcast_in_dim3A_548 : vector<1x64xf32>
    %get3A_550 = arith.constant 0 : index
    %get3A_551 = arith.constant 25 : index
    %get3A_552 = arith.constant 0 : index
    %get3A_553 = vector.load %arg1[%get3A_550, %get3A_551, %get3A_552] : memref<256x32x128xf32, #tpu.memory_space<vmem>>, vector<256x1x64xf32>
    %get3A_554 = vector.shape_cast %get3A_553 : vector<256x1x64xf32> to vector<256x64xf32>
    %sub3A_555 = arith.subf %get3A_554, %slice3A : vector<256x64xf32>
    %concatenate3A_556 = tpu.concatenate %sub3A_555, %slice3A in 1 : vector<256x64xf32>, vector<256x64xf32> -> vector<256x128xf32>
    %get3A_557 = arith.constant 0 : index
    %get3A_558 = arith.constant 0 : index
    %get3A_559 = vector.load %arg3[%get3A_557, %get3A_558] : memref<128x64xf32, #tpu.memory_space<vmem>>, vector<128x64xf32>
    %dot_general3A_560 = arith.constant dense<0.000000e+00> : vector<256x64xf32>
    %dot_general3A_561 = tpu.matmul %concatenate3A_556, %get3A_559, %dot_general3A_560 {dimension_numbers = #tpu.dot_dimension_numbers<[1], [0], [0], [1], [0, 0, 1, 1], [], []>, transpose_lhs_hint = false} : vector<256x128xf32>, vector<128x64xf32>, vector<256x64xf32> -> vector<256x64xf32>
    %max3A_562 = arith.maximumf %max3A_540, %dot_general3A_561 : vector<256x64xf32>
    %reduce_sum3A_563 = arith.constant dense<0.000000e+00> : vector<64xf32>
    %reduce_sum3A_564 = vector.multi_reduction <add>, %dot_general3A_561, %reduce_sum3A_563 [0] : vector<256x64xf32> to vector<64xf32>
    %broadcast_in_dim3A_565 = vector.shape_cast %reduce_sum3A_564 : vector<64xf32> to vector<1x64xf32>
    %add3A_566 = arith.addf %add3A_544, %broadcast_in_dim3A_565 : vector<1x64xf32>
    %mul3A_567 = arith.mulf %dot_general3A_561, %dot_general3A_561 : vector<256x64xf32>
    %reduce_sum3A_568 = arith.constant dense<0.000000e+00> : vector<64xf32>
    %reduce_sum3A_569 = vector.multi_reduction <add>, %mul3A_567, %reduce_sum3A_568 [0] : vector<256x64xf32> to vector<64xf32>
    %broadcast_in_dim3A_570 = vector.shape_cast %reduce_sum3A_569 : vector<64xf32> to vector<1x64xf32>
    %add3A_571 = arith.addf %add3A_549, %broadcast_in_dim3A_570 : vector<1x64xf32>
    %get3A_572 = arith.constant 0 : index
    %get3A_573 = arith.constant 26 : index
    %get3A_574 = arith.constant 0 : index
    %get3A_575 = vector.load %arg1[%get3A_572, %get3A_573, %get3A_574] : memref<256x32x128xf32, #tpu.memory_space<vmem>>, vector<256x1x64xf32>
    %get3A_576 = vector.shape_cast %get3A_575 : vector<256x1x64xf32> to vector<256x64xf32>
    %sub3A_577 = arith.subf %get3A_576, %slice3A : vector<256x64xf32>
    %concatenate3A_578 = tpu.concatenate %sub3A_577, %slice3A in 1 : vector<256x64xf32>, vector<256x64xf32> -> vector<256x128xf32>
    %get3A_579 = arith.constant 0 : index
    %get3A_580 = arith.constant 0 : index
    %get3A_581 = vector.load %arg3[%get3A_579, %get3A_580] : memref<128x64xf32, #tpu.memory_space<vmem>>, vector<128x64xf32>
    %dot_general3A_582 = arith.constant dense<0.000000e+00> : vector<256x64xf32>
    %dot_general3A_583 = tpu.matmul %concatenate3A_578, %get3A_581, %dot_general3A_582 {dimension_numbers = #tpu.dot_dimension_numbers<[1], [0], [0], [1], [0, 0, 1, 1], [], []>, transpose_lhs_hint = false} : vector<256x128xf32>, vector<128x64xf32>, vector<256x64xf32> -> vector<256x64xf32>
    %max3A_584 = arith.maximumf %max3A_562, %dot_general3A_583 : vector<256x64xf32>
    %reduce_sum3A_585 = arith.constant dense<0.000000e+00> : vector<64xf32>
    %reduce_sum3A_586 = vector.multi_reduction <add>, %dot_general3A_583, %reduce_sum3A_585 [0] : vector<256x64xf32> to vector<64xf32>
    %broadcast_in_dim3A_587 = vector.shape_cast %reduce_sum3A_586 : vector<64xf32> to vector<1x64xf32>
    %add3A_588 = arith.addf %add3A_566, %broadcast_in_dim3A_587 : vector<1x64xf32>
    %mul3A_589 = arith.mulf %dot_general3A_583, %dot_general3A_583 : vector<256x64xf32>
    %reduce_sum3A_590 = arith.constant dense<0.000000e+00> : vector<64xf32>
    %reduce_sum3A_591 = vector.multi_reduction <add>, %mul3A_589, %reduce_sum3A_590 [0] : vector<256x64xf32> to vector<64xf32>
    %broadcast_in_dim3A_592 = vector.shape_cast %reduce_sum3A_591 : vector<64xf32> to vector<1x64xf32>
    %add3A_593 = arith.addf %add3A_571, %broadcast_in_dim3A_592 : vector<1x64xf32>
    %get3A_594 = arith.constant 0 : index
    %get3A_595 = arith.constant 27 : index
    %get3A_596 = arith.constant 0 : index
    %get3A_597 = vector.load %arg1[%get3A_594, %get3A_595, %get3A_596] : memref<256x32x128xf32, #tpu.memory_space<vmem>>, vector<256x1x64xf32>
    %get3A_598 = vector.shape_cast %get3A_597 : vector<256x1x64xf32> to vector<256x64xf32>
    %sub3A_599 = arith.subf %get3A_598, %slice3A : vector<256x64xf32>
    %concatenate3A_600 = tpu.concatenate %sub3A_599, %slice3A in 1 : vector<256x64xf32>, vector<256x64xf32> -> vector<256x128xf32>
    %get3A_601 = arith.constant 0 : index
    %get3A_602 = arith.constant 0 : index
    %get3A_603 = vector.load %arg3[%get3A_601, %get3A_602] : memref<128x64xf32, #tpu.memory_space<vmem>>, vector<128x64xf32>
    %dot_general3A_604 = arith.constant dense<0.000000e+00> : vector<256x64xf32>
    %dot_general3A_605 = tpu.matmul %concatenate3A_600, %get3A_603, %dot_general3A_604 {dimension_numbers = #tpu.dot_dimension_numbers<[1], [0], [0], [1], [0, 0, 1, 1], [], []>, transpose_lhs_hint = false} : vector<256x128xf32>, vector<128x64xf32>, vector<256x64xf32> -> vector<256x64xf32>
    %max3A_606 = arith.maximumf %max3A_584, %dot_general3A_605 : vector<256x64xf32>
    %reduce_sum3A_607 = arith.constant dense<0.000000e+00> : vector<64xf32>
    %reduce_sum3A_608 = vector.multi_reduction <add>, %dot_general3A_605, %reduce_sum3A_607 [0] : vector<256x64xf32> to vector<64xf32>
    %broadcast_in_dim3A_609 = vector.shape_cast %reduce_sum3A_608 : vector<64xf32> to vector<1x64xf32>
    %add3A_610 = arith.addf %add3A_588, %broadcast_in_dim3A_609 : vector<1x64xf32>
    %mul3A_611 = arith.mulf %dot_general3A_605, %dot_general3A_605 : vector<256x64xf32>
    %reduce_sum3A_612 = arith.constant dense<0.000000e+00> : vector<64xf32>
    %reduce_sum3A_613 = vector.multi_reduction <add>, %mul3A_611, %reduce_sum3A_612 [0] : vector<256x64xf32> to vector<64xf32>
    %broadcast_in_dim3A_614 = vector.shape_cast %reduce_sum3A_613 : vector<64xf32> to vector<1x64xf32>
    %add3A_615 = arith.addf %add3A_593, %broadcast_in_dim3A_614 : vector<1x64xf32>
    %get3A_616 = arith.constant 0 : index
    %get3A_617 = arith.constant 28 : index
    %get3A_618 = arith.constant 0 : index
    %get3A_619 = vector.load %arg1[%get3A_616, %get3A_617, %get3A_618] : memref<256x32x128xf32, #tpu.memory_space<vmem>>, vector<256x1x64xf32>
    %get3A_620 = vector.shape_cast %get3A_619 : vector<256x1x64xf32> to vector<256x64xf32>
    %sub3A_621 = arith.subf %get3A_620, %slice3A : vector<256x64xf32>
    %concatenate3A_622 = tpu.concatenate %sub3A_621, %slice3A in 1 : vector<256x64xf32>, vector<256x64xf32> -> vector<256x128xf32>
    %get3A_623 = arith.constant 0 : index
    %get3A_624 = arith.constant 0 : index
    %get3A_625 = vector.load %arg3[%get3A_623, %get3A_624] : memref<128x64xf32, #tpu.memory_space<vmem>>, vector<128x64xf32>
    %dot_general3A_626 = arith.constant dense<0.000000e+00> : vector<256x64xf32>
    %dot_general3A_627 = tpu.matmul %concatenate3A_622, %get3A_625, %dot_general3A_626 {dimension_numbers = #tpu.dot_dimension_numbers<[1], [0], [0], [1], [0, 0, 1, 1], [], []>, transpose_lhs_hint = false} : vector<256x128xf32>, vector<128x64xf32>, vector<256x64xf32> -> vector<256x64xf32>
    %max3A_628 = arith.maximumf %max3A_606, %dot_general3A_627 : vector<256x64xf32>
    %reduce_sum3A_629 = arith.constant dense<0.000000e+00> : vector<64xf32>
    %reduce_sum3A_630 = vector.multi_reduction <add>, %dot_general3A_627, %reduce_sum3A_629 [0] : vector<256x64xf32> to vector<64xf32>
    %broadcast_in_dim3A_631 = vector.shape_cast %reduce_sum3A_630 : vector<64xf32> to vector<1x64xf32>
    %add3A_632 = arith.addf %add3A_610, %broadcast_in_dim3A_631 : vector<1x64xf32>
    %mul3A_633 = arith.mulf %dot_general3A_627, %dot_general3A_627 : vector<256x64xf32>
    %reduce_sum3A_634 = arith.constant dense<0.000000e+00> : vector<64xf32>
    %reduce_sum3A_635 = vector.multi_reduction <add>, %mul3A_633, %reduce_sum3A_634 [0] : vector<256x64xf32> to vector<64xf32>
    %broadcast_in_dim3A_636 = vector.shape_cast %reduce_sum3A_635 : vector<64xf32> to vector<1x64xf32>
    %add3A_637 = arith.addf %add3A_615, %broadcast_in_dim3A_636 : vector<1x64xf32>
    %get3A_638 = arith.constant 0 : index
    %get3A_639 = arith.constant 29 : index
    %get3A_640 = arith.constant 0 : index
    %get3A_641 = vector.load %arg1[%get3A_638, %get3A_639, %get3A_640] : memref<256x32x128xf32, #tpu.memory_space<vmem>>, vector<256x1x64xf32>
    %get3A_642 = vector.shape_cast %get3A_641 : vector<256x1x64xf32> to vector<256x64xf32>
    %sub3A_643 = arith.subf %get3A_642, %slice3A : vector<256x64xf32>
    %concatenate3A_644 = tpu.concatenate %sub3A_643, %slice3A in 1 : vector<256x64xf32>, vector<256x64xf32> -> vector<256x128xf32>
    %get3A_645 = arith.constant 0 : index
    %get3A_646 = arith.constant 0 : index
    %get3A_647 = vector.load %arg3[%get3A_645, %get3A_646] : memref<128x64xf32, #tpu.memory_space<vmem>>, vector<128x64xf32>
    %dot_general3A_648 = arith.constant dense<0.000000e+00> : vector<256x64xf32>
    %dot_general3A_649 = tpu.matmul %concatenate3A_644, %get3A_647, %dot_general3A_648 {dimension_numbers = #tpu.dot_dimension_numbers<[1], [0], [0], [1], [0, 0, 1, 1], [], []>, transpose_lhs_hint = false} : vector<256x128xf32>, vector<128x64xf32>, vector<256x64xf32> -> vector<256x64xf32>
    %max3A_650 = arith.maximumf %max3A_628, %dot_general3A_649 : vector<256x64xf32>
    %reduce_sum3A_651 = arith.constant dense<0.000000e+00> : vector<64xf32>
    %reduce_sum3A_652 = vector.multi_reduction <add>, %dot_general3A_649, %reduce_sum3A_651 [0] : vector<256x64xf32> to vector<64xf32>
    %broadcast_in_dim3A_653 = vector.shape_cast %reduce_sum3A_652 : vector<64xf32> to vector<1x64xf32>
    %add3A_654 = arith.addf %add3A_632, %broadcast_in_dim3A_653 : vector<1x64xf32>
    %mul3A_655 = arith.mulf %dot_general3A_649, %dot_general3A_649 : vector<256x64xf32>
    %reduce_sum3A_656 = arith.constant dense<0.000000e+00> : vector<64xf32>
    %reduce_sum3A_657 = vector.multi_reduction <add>, %mul3A_655, %reduce_sum3A_656 [0] : vector<256x64xf32> to vector<64xf32>
    %broadcast_in_dim3A_658 = vector.shape_cast %reduce_sum3A_657 : vector<64xf32> to vector<1x64xf32>
    %add3A_659 = arith.addf %add3A_637, %broadcast_in_dim3A_658 : vector<1x64xf32>
    %get3A_660 = arith.constant 0 : index
    %get3A_661 = arith.constant 30 : index
    %get3A_662 = arith.constant 0 : index
    %get3A_663 = vector.load %arg1[%get3A_660, %get3A_661, %get3A_662] : memref<256x32x128xf32, #tpu.memory_space<vmem>>, vector<256x1x64xf32>
    %get3A_664 = vector.shape_cast %get3A_663 : vector<256x1x64xf32> to vector<256x64xf32>
    %sub3A_665 = arith.subf %get3A_664, %slice3A : vector<256x64xf32>
    %concatenate3A_666 = tpu.concatenate %sub3A_665, %slice3A in 1 : vector<256x64xf32>, vector<256x64xf32> -> vector<256x128xf32>
    %get3A_667 = arith.constant 0 : index
    %get3A_668 = arith.constant 0 : index
    %get3A_669 = vector.load %arg3[%get3A_667, %get3A_668] : memref<128x64xf32, #tpu.memory_space<vmem>>, vector<128x64xf32>
    %dot_general3A_670 = arith.constant dense<0.000000e+00> : vector<256x64xf32>
    %dot_general3A_671 = tpu.matmul %concatenate3A_666, %get3A_669, %dot_general3A_670 {dimension_numbers = #tpu.dot_dimension_numbers<[1], [0], [0], [1], [0, 0, 1, 1], [], []>, transpose_lhs_hint = false} : vector<256x128xf32>, vector<128x64xf32>, vector<256x64xf32> -> vector<256x64xf32>
    %max3A_672 = arith.maximumf %max3A_650, %dot_general3A_671 : vector<256x64xf32>
    %reduce_sum3A_673 = arith.constant dense<0.000000e+00> : vector<64xf32>
    %reduce_sum3A_674 = vector.multi_reduction <add>, %dot_general3A_671, %reduce_sum3A_673 [0] : vector<256x64xf32> to vector<64xf32>
    %broadcast_in_dim3A_675 = vector.shape_cast %reduce_sum3A_674 : vector<64xf32> to vector<1x64xf32>
    %add3A_676 = arith.addf %add3A_654, %broadcast_in_dim3A_675 : vector<1x64xf32>
    %mul3A_677 = arith.mulf %dot_general3A_671, %dot_general3A_671 : vector<256x64xf32>
    %reduce_sum3A_678 = arith.constant dense<0.000000e+00> : vector<64xf32>
    %reduce_sum3A_679 = vector.multi_reduction <add>, %mul3A_677, %reduce_sum3A_678 [0] : vector<256x64xf32> to vector<64xf32>
    %broadcast_in_dim3A_680 = vector.shape_cast %reduce_sum3A_679 : vector<64xf32> to vector<1x64xf32>
    %add3A_681 = arith.addf %add3A_659, %broadcast_in_dim3A_680 : vector<1x64xf32>
    %get3A_682 = arith.constant 0 : index
    %get3A_683 = arith.constant 31 : index
    %get3A_684 = arith.constant 0 : index
    %get3A_685 = vector.load %arg1[%get3A_682, %get3A_683, %get3A_684] : memref<256x32x128xf32, #tpu.memory_space<vmem>>, vector<256x1x64xf32>
    %get3A_686 = vector.shape_cast %get3A_685 : vector<256x1x64xf32> to vector<256x64xf32>
    %sub3A_687 = arith.subf %get3A_686, %slice3A : vector<256x64xf32>
    %concatenate3A_688 = tpu.concatenate %sub3A_687, %slice3A in 1 : vector<256x64xf32>, vector<256x64xf32> -> vector<256x128xf32>
    %get3A_689 = arith.constant 0 : index
    %get3A_690 = arith.constant 0 : index
    %get3A_691 = vector.load %arg3[%get3A_689, %get3A_690] : memref<128x64xf32, #tpu.memory_space<vmem>>, vector<128x64xf32>
    %dot_general3A_692 = arith.constant dense<0.000000e+00> : vector<256x64xf32>
    %dot_general3A_693 = tpu.matmul %concatenate3A_688, %get3A_691, %dot_general3A_692 {dimension_numbers = #tpu.dot_dimension_numbers<[1], [0], [0], [1], [0, 0, 1, 1], [], []>, transpose_lhs_hint = false} : vector<256x128xf32>, vector<128x64xf32>, vector<256x64xf32> -> vector<256x64xf32>
    %max3A_694 = arith.maximumf %max3A_672, %dot_general3A_693 : vector<256x64xf32>
    %reduce_sum3A_695 = arith.constant dense<0.000000e+00> : vector<64xf32>
    %reduce_sum3A_696 = vector.multi_reduction <add>, %dot_general3A_693, %reduce_sum3A_695 [0] : vector<256x64xf32> to vector<64xf32>
    %broadcast_in_dim3A_697 = vector.shape_cast %reduce_sum3A_696 : vector<64xf32> to vector<1x64xf32>
    %add3A_698 = arith.addf %add3A_676, %broadcast_in_dim3A_697 : vector<1x64xf32>
    %mul3A_699 = arith.mulf %dot_general3A_693, %dot_general3A_693 : vector<256x64xf32>
    %reduce_sum3A_700 = arith.constant dense<0.000000e+00> : vector<64xf32>
    %reduce_sum3A_701 = vector.multi_reduction <add>, %mul3A_699, %reduce_sum3A_700 [0] : vector<256x64xf32> to vector<64xf32>
    %broadcast_in_dim3A_702 = vector.shape_cast %reduce_sum3A_701 : vector<64xf32> to vector<1x64xf32>
    %add3A_703 = arith.addf %add3A_681, %broadcast_in_dim3A_702 : vector<1x64xf32>
    %swap3A = arith.constant 0 : index
    %swap3A_704 = arith.constant 0 : index
    %swap3A_705 = vector.load %arg4[%swap3A, %swap3A_704] : memref<256x64xf32, #tpu.memory_space<vmem>>, vector<256x64xf32>
    tpu.vector_store %arg4[%swap3A, %swap3A_704], %max3A_694 {strides = array<i32>} : memref<256x64xf32, #tpu.memory_space<vmem>>, vector<256x64xf32>,
    %eq3A = arith.constant 0 : i32
    %eq3A_706 = arith.cmpi eq, %arg0, %eq3A : i32
    %convert_element_type3A = arith.extui %eq3A_706 : i1 to i32
    %cond3A = arith.constant 0 : i32
    %cond3A_707 = arith.cmpi ne, %convert_element_type3A, %cond3A : i32
    scf.if %cond3A_707 {
      %swap3A_712 = arith.constant 0 : index
      %swap3A_713 = arith.constant 0 : index
      %swap3A_714 = vector.load %arg5[%swap3A_712, %swap3A_713] : memref<1x64xf32, #tpu.memory_space<vmem>>, vector<1x64xf32>
      tpu.vector_store %arg5[%swap3A_712, %swap3A_713], %add3A_698 {strides = array<i32>} : memref<1x64xf32, #tpu.memory_space<vmem>>, vector<1x64xf32>,
      %swap3A_715 = arith.constant 0 : index
      %swap3A_716 = arith.constant 0 : index
      %swap3A_717 = vector.load %arg6[%swap3A_715, %swap3A_716] : memref<1x64xf32, #tpu.memory_space<vmem>>, vector<1x64xf32>
      tpu.vector_store %arg6[%swap3A_715, %swap3A_716], %add3A_703 {strides = array<i32>} : memref<1x64xf32, #tpu.memory_space<vmem>>, vector<1x64xf32>,
    } else {
    }
    %gt3A = arith.constant 0 : i32
    %gt3A_708 = arith.cmpi sgt, %arg0, %gt3A : i32
    %convert_element_type3A_709 = arith.extui %gt3A_708 : i1 to i32
    %cond3A_710 = arith.constant 0 : i32
    %cond3A_711 = arith.cmpi ne, %convert_element_type3A_709, %cond3A_710 : i32
    scf.if %cond3A_711 {
      %get3A_712 = arith.constant 0 : index
      %get3A_713 = arith.constant 0 : index
      %get3A_714 = vector.load %arg5[%get3A_712, %get3A_713] : memref<1x64xf32, #tpu.memory_space<vmem>>, vector<1x64xf32>
      %add3A_715 = arith.addf %get3A_714, %add3A_698 : vector<1x64xf32>
      %swap3A_716 = arith.constant 0 : index
      %swap3A_717 = arith.constant 0 : index
      %swap3A_718 = vector.load %arg5[%swap3A_716, %swap3A_717] : memref<1x64xf32, #tpu.memory_space<vmem>>, vector<1x64xf32>
      tpu.vector_store %arg5[%swap3A_716, %swap3A_717], %add3A_715 {strides = array<i32>} : memref<1x64xf32, #tpu.memory_space<vmem>>, vector<1x64xf32>,
      %get3A_719 = arith.constant 0 : index
      %get3A_720 = arith.constant 0 : index
      %get3A_721 = vector.load %arg6[%get3A_719, %get3A_720] : memref<1x64xf32, #tpu.memory_space<vmem>>, vector<1x64xf32>
      %add3A_722 = arith.addf %get3A_721, %add3A_703 : vector<1x64xf32>
      %swap3A_723 = arith.constant 0 : index
      %swap3A_724 = arith.constant 0 : index
      %swap3A_725 = vector.load %arg6[%swap3A_723, %swap3A_724] : memref<1x64xf32, #tpu.memory_space<vmem>>, vector<1x64xf32>
      tpu.vector_store %arg6[%swap3A_723, %swap3A_724], %add3A_722 {strides = array<i32>} : memref<1x64xf32, #tpu.memory_space<vmem>>, vector<1x64xf32>,
    } else {
    }
    return
  }
  func.func @transform_0(%arg0: i32) -> (i32, i32, i32) {
    %c0_i32 = arith.constant 0 : i32
    %c0_i32_0 = arith.constant 0 : i32
    %c0_i32_1 = arith.constant 0 : i32
    return %arg0, %c0_i32, %c0_i32_0 : i32, i32, i32
  }
  func.func @transform_1(%arg0: i32) -> (i32, i32) {
    %c0_i32 = arith.constant 0 : i32
    %c0_i32_0 = arith.constant 0 : i32
    return %arg0, %c0_i32 : i32, i32
  }
  func.func @transform_2(%arg0: i32) -> (i32, i32) {
    %c0_i32 = arith.constant 0 : i32
    %c0_i32_0 = arith.constant 0 : i32
    %c0_i32_1 = arith.constant 0 : i32
    return %c0_i32, %c0_i32_0 : i32, i32
  }
  func.func @transform_3(%arg0: i32) -> (i32, i32) {
    %c0_i32 = arith.constant 0 : i32
    %c0_i32_0 = arith.constant 0 : i32
    return %arg0, %c0_i32 : i32, i32
  }
  func.func @transform_4(%arg0: i32) -> (i32, i32) {
    %c0_i32 = arith.constant 0 : i32
    %c0_i32_0 = arith.constant 0 : i32
    %c0_i32_1 = arith.constant 0 : i32
    return %c0_i32, %c0_i32_0 : i32, i32
  }
  func.func @transform_5(%arg0: i32) -> (i32, i32) {
    %c0_i32 = arith.constant 0 : i32
    %c0_i32_0 = arith.constant 0 : i32
    %c0_i32_1 = arith.constant 0 : i32
    return %c0_i32, %c0_i32_0 : i32, i32
  }
}

module attributes {stable_mosaic.version = 14 : i64} {
  func.func @body(%arg0: i32, %arg1: memref<256x32x128xf32, #tpu.memory_space<vmem>>, %arg2: memref<256x128xf32, #tpu.memory_space<vmem>>, %arg3: memref<128x128xf32, #tpu.memory_space<vmem>>, %arg4: memref<256x128xf32, #tpu.memory_space<vmem>>, %arg5: memref<1x128xf32, #tpu.memory_space<vmem>>, %arg6: memref<1x128xf32, #tpu.memory_space<vmem>>) attributes {dimension_semantics = [#tpu.dimension_semantics<arbitrary>], iteration_bounds = array<i64: 32>, scalar_prefetch = 0 : i64, scratch_operands = 0 : i64, tpu.core_type = #tpu.core_type<tc>, window_params = [{transform_indices = @transform_0, window_bounds = array<i64: 256, 32, 128>}, {transform_indices = @transform_1, window_bounds = array<i64: 256, 128>}, {pipeline_mode = #tpu.pipeline_mode<synchronous>, transform_indices = @transform_2, window_bounds = array<i64: 128, 128>}, {transform_indices = @transform_3, window_bounds = array<i64: 256, 128>}, {pipeline_mode = #tpu.pipeline_mode<synchronous>, transform_indices = @transform_4, window_bounds = array<i64: 1, 128>}, {pipeline_mode = #tpu.pipeline_mode<synchronous>, transform_indices = @transform_5, window_bounds = array<i64: 1, 128>}]} {
    %get3A = arith.constant 0 : index
    %get3A_0 = arith.constant 0 : index
    %get3A_1 = vector.load %arg2[%get3A, %get3A_0] : memref<256x128xf32, #tpu.memory_space<vmem>>, vector<256x128xf32>
    %slice3A = vector.extract_strided_slice %get3A_1 {offsets = [0, 0], sizes = [256, 64], strides = [1, 1]} : vector<256x128xf32> to vector<256x64xf32>
    %broadcast_in_dim3A = arith.constant 0xFF800000 : f32
    %broadcast_in_dim3A_2 = vector.broadcast %broadcast_in_dim3A : f32 to vector<256x128xf32>
    %broadcast_in_dim3A_3 = arith.constant 0.000000e+00 : f32
    %broadcast_in_dim3A_4 = vector.broadcast %broadcast_in_dim3A_3 : f32 to vector<1x128xf32>
    %broadcast_in_dim3A_5 = arith.constant 0.000000e+00 : f32
    %broadcast_in_dim3A_6 = vector.broadcast %broadcast_in_dim3A_5 : f32 to vector<1x128xf32>
    %get3A_7 = arith.constant 0 : index
    %get3A_8 = arith.constant 0 : index
    %get3A_9 = arith.constant 0 : index
    %get3A_10 = vector.load %arg1[%get3A_7, %get3A_8, %get3A_9] : memref<256x32x128xf32, #tpu.memory_space<vmem>>, vector<256x1x64xf32>
    %get3A_11 = vector.shape_cast %get3A_10 : vector<256x1x64xf32> to vector<256x64xf32>
    %sub3A = arith.subf %get3A_11, %slice3A : vector<256x64xf32>
    %concatenate3A = tpu.concatenate %sub3A, %slice3A in 1 : vector<256x64xf32>, vector<256x64xf32> -> vector<256x128xf32>
    %get3A_12 = arith.constant 0 : index
    %get3A_13 = arith.constant 0 : index
    %get3A_14 = vector.load %arg3[%get3A_12, %get3A_13] : memref<128x128xf32, #tpu.memory_space<vmem>>, vector<128x128xf32>
    %dot_general3A = arith.constant dense<0.000000e+00> : vector<256x128xf32>
    %dot_general3A_15 = tpu.matmul %concatenate3A, %get3A_14, %dot_general3A {dimension_numbers = #tpu.dot_dimension_numbers<[1], [0], [0], [1], [0, 0, 1, 1], [], []>, transpose_lhs_hint = false} : vector<256x128xf32>, vector<128x128xf32>, vector<256x128xf32> -> vector<256x128xf32>
    %max3A = arith.maximumf %broadcast_in_dim3A_2, %dot_general3A_15 : vector<256x128xf32>
    %reduce_sum3A = arith.constant dense<0.000000e+00> : vector<128xf32>
    %reduce_sum3A_16 = vector.multi_reduction <add>, %dot_general3A_15, %reduce_sum3A [0] : vector<256x128xf32> to vector<128xf32>
    %broadcast_in_dim3A_17 = vector.shape_cast %reduce_sum3A_16 : vector<128xf32> to vector<1x128xf32>
    %add3A = arith.addf %broadcast_in_dim3A_4, %broadcast_in_dim3A_17 : vector<1x128xf32>
    %mul3A = arith.mulf %dot_general3A_15, %dot_general3A_15 : vector<256x128xf32>
    %reduce_sum3A_18 = arith.constant dense<0.000000e+00> : vector<128xf32>
    %reduce_sum3A_19 = vector.multi_reduction <add>, %mul3A, %reduce_sum3A_18 [0] : vector<256x128xf32> to vector<128xf32>
    %broadcast_in_dim3A_20 = vector.shape_cast %reduce_sum3A_19 : vector<128xf32> to vector<1x128xf32>
    %add3A_21 = arith.addf %broadcast_in_dim3A_6, %broadcast_in_dim3A_20 : vector<1x128xf32>
    %get3A_22 = arith.constant 0 : index
    %get3A_23 = arith.constant 1 : index
    %get3A_24 = arith.constant 0 : index
    %get3A_25 = vector.load %arg1[%get3A_22, %get3A_23, %get3A_24] : memref<256x32x128xf32, #tpu.memory_space<vmem>>, vector<256x1x64xf32>
    %get3A_26 = vector.shape_cast %get3A_25 : vector<256x1x64xf32> to vector<256x64xf32>
    %sub3A_27 = arith.subf %get3A_26, %slice3A : vector<256x64xf32>
    %concatenate3A_28 = tpu.concatenate %sub3A_27, %slice3A in 1 : vector<256x64xf32>, vector<256x64xf32> -> vector<256x128xf32>
    %get3A_29 = arith.constant 0 : index
    %get3A_30 = arith.constant 0 : index
    %get3A_31 = vector.load %arg3[%get3A_29, %get3A_30] : memref<128x128xf32, #tpu.memory_space<vmem>>, vector<128x128xf32>
    %dot_general3A_32 = arith.constant dense<0.000000e+00> : vector<256x128xf32>
    %dot_general3A_33 = tpu.matmul %concatenate3A_28, %get3A_31, %dot_general3A_32 {dimension_numbers = #tpu.dot_dimension_numbers<[1], [0], [0], [1], [0, 0, 1, 1], [], []>, transpose_lhs_hint = false} : vector<256x128xf32>, vector<128x128xf32>, vector<256x128xf32> -> vector<256x128xf32>
    %max3A_34 = arith.maximumf %max3A, %dot_general3A_33 : vector<256x128xf32>
    %reduce_sum3A_35 = arith.constant dense<0.000000e+00> : vector<128xf32>
    %reduce_sum3A_36 = vector.multi_reduction <add>, %dot_general3A_33, %reduce_sum3A_35 [0] : vector<256x128xf32> to vector<128xf32>
    %broadcast_in_dim3A_37 = vector.shape_cast %reduce_sum3A_36 : vector<128xf32> to vector<1x128xf32>
    %add3A_38 = arith.addf %add3A, %broadcast_in_dim3A_37 : vector<1x128xf32>
    %mul3A_39 = arith.mulf %dot_general3A_33, %dot_general3A_33 : vector<256x128xf32>
    %reduce_sum3A_40 = arith.constant dense<0.000000e+00> : vector<128xf32>
    %reduce_sum3A_41 = vector.multi_reduction <add>, %mul3A_39, %reduce_sum3A_40 [0] : vector<256x128xf32> to vector<128xf32>
    %broadcast_in_dim3A_42 = vector.shape_cast %reduce_sum3A_41 : vector<128xf32> to vector<1x128xf32>
    %add3A_43 = arith.addf %add3A_21, %broadcast_in_dim3A_42 : vector<1x128xf32>
    %get3A_44 = arith.constant 0 : index
    %get3A_45 = arith.constant 2 : index
    %get3A_46 = arith.constant 0 : index
    %get3A_47 = vector.load %arg1[%get3A_44, %get3A_45, %get3A_46] : memref<256x32x128xf32, #tpu.memory_space<vmem>>, vector<256x1x64xf32>
    %get3A_48 = vector.shape_cast %get3A_47 : vector<256x1x64xf32> to vector<256x64xf32>
    %sub3A_49 = arith.subf %get3A_48, %slice3A : vector<256x64xf32>
    %concatenate3A_50 = tpu.concatenate %sub3A_49, %slice3A in 1 : vector<256x64xf32>, vector<256x64xf32> -> vector<256x128xf32>
    %get3A_51 = arith.constant 0 : index
    %get3A_52 = arith.constant 0 : index
    %get3A_53 = vector.load %arg3[%get3A_51, %get3A_52] : memref<128x128xf32, #tpu.memory_space<vmem>>, vector<128x128xf32>
    %dot_general3A_54 = arith.constant dense<0.000000e+00> : vector<256x128xf32>
    %dot_general3A_55 = tpu.matmul %concatenate3A_50, %get3A_53, %dot_general3A_54 {dimension_numbers = #tpu.dot_dimension_numbers<[1], [0], [0], [1], [0, 0, 1, 1], [], []>, transpose_lhs_hint = false} : vector<256x128xf32>, vector<128x128xf32>, vector<256x128xf32> -> vector<256x128xf32>
    %max3A_56 = arith.maximumf %max3A_34, %dot_general3A_55 : vector<256x128xf32>
    %reduce_sum3A_57 = arith.constant dense<0.000000e+00> : vector<128xf32>
    %reduce_sum3A_58 = vector.multi_reduction <add>, %dot_general3A_55, %reduce_sum3A_57 [0] : vector<256x128xf32> to vector<128xf32>
    %broadcast_in_dim3A_59 = vector.shape_cast %reduce_sum3A_58 : vector<128xf32> to vector<1x128xf32>
    %add3A_60 = arith.addf %add3A_38, %broadcast_in_dim3A_59 : vector<1x128xf32>
    %mul3A_61 = arith.mulf %dot_general3A_55, %dot_general3A_55 : vector<256x128xf32>
    %reduce_sum3A_62 = arith.constant dense<0.000000e+00> : vector<128xf32>
    %reduce_sum3A_63 = vector.multi_reduction <add>, %mul3A_61, %reduce_sum3A_62 [0] : vector<256x128xf32> to vector<128xf32>
    %broadcast_in_dim3A_64 = vector.shape_cast %reduce_sum3A_63 : vector<128xf32> to vector<1x128xf32>
    %add3A_65 = arith.addf %add3A_43, %broadcast_in_dim3A_64 : vector<1x128xf32>
    %get3A_66 = arith.constant 0 : index
    %get3A_67 = arith.constant 3 : index
    %get3A_68 = arith.constant 0 : index
    %get3A_69 = vector.load %arg1[%get3A_66, %get3A_67, %get3A_68] : memref<256x32x128xf32, #tpu.memory_space<vmem>>, vector<256x1x64xf32>
    %get3A_70 = vector.shape_cast %get3A_69 : vector<256x1x64xf32> to vector<256x64xf32>
    %sub3A_71 = arith.subf %get3A_70, %slice3A : vector<256x64xf32>
    %concatenate3A_72 = tpu.concatenate %sub3A_71, %slice3A in 1 : vector<256x64xf32>, vector<256x64xf32> -> vector<256x128xf32>
    %get3A_73 = arith.constant 0 : index
    %get3A_74 = arith.constant 0 : index
    %get3A_75 = vector.load %arg3[%get3A_73, %get3A_74] : memref<128x128xf32, #tpu.memory_space<vmem>>, vector<128x128xf32>
    %dot_general3A_76 = arith.constant dense<0.000000e+00> : vector<256x128xf32>
    %dot_general3A_77 = tpu.matmul %concatenate3A_72, %get3A_75, %dot_general3A_76 {dimension_numbers = #tpu.dot_dimension_numbers<[1], [0], [0], [1], [0, 0, 1, 1], [], []>, transpose_lhs_hint = false} : vector<256x128xf32>, vector<128x128xf32>, vector<256x128xf32> -> vector<256x128xf32>
    %max3A_78 = arith.maximumf %max3A_56, %dot_general3A_77 : vector<256x128xf32>
    %reduce_sum3A_79 = arith.constant dense<0.000000e+00> : vector<128xf32>
    %reduce_sum3A_80 = vector.multi_reduction <add>, %dot_general3A_77, %reduce_sum3A_79 [0] : vector<256x128xf32> to vector<128xf32>
    %broadcast_in_dim3A_81 = vector.shape_cast %reduce_sum3A_80 : vector<128xf32> to vector<1x128xf32>
    %add3A_82 = arith.addf %add3A_60, %broadcast_in_dim3A_81 : vector<1x128xf32>
    %mul3A_83 = arith.mulf %dot_general3A_77, %dot_general3A_77 : vector<256x128xf32>
    %reduce_sum3A_84 = arith.constant dense<0.000000e+00> : vector<128xf32>
    %reduce_sum3A_85 = vector.multi_reduction <add>, %mul3A_83, %reduce_sum3A_84 [0] : vector<256x128xf32> to vector<128xf32>
    %broadcast_in_dim3A_86 = vector.shape_cast %reduce_sum3A_85 : vector<128xf32> to vector<1x128xf32>
    %add3A_87 = arith.addf %add3A_65, %broadcast_in_dim3A_86 : vector<1x128xf32>
    %get3A_88 = arith.constant 0 : index
    %get3A_89 = arith.constant 4 : index
    %get3A_90 = arith.constant 0 : index
    %get3A_91 = vector.load %arg1[%get3A_88, %get3A_89, %get3A_90] : memref<256x32x128xf32, #tpu.memory_space<vmem>>, vector<256x1x64xf32>
    %get3A_92 = vector.shape_cast %get3A_91 : vector<256x1x64xf32> to vector<256x64xf32>
    %sub3A_93 = arith.subf %get3A_92, %slice3A : vector<256x64xf32>
    %concatenate3A_94 = tpu.concatenate %sub3A_93, %slice3A in 1 : vector<256x64xf32>, vector<256x64xf32> -> vector<256x128xf32>
    %get3A_95 = arith.constant 0 : index
    %get3A_96 = arith.constant 0 : index
    %get3A_97 = vector.load %arg3[%get3A_95, %get3A_96] : memref<128x128xf32, #tpu.memory_space<vmem>>, vector<128x128xf32>
    %dot_general3A_98 = arith.constant dense<0.000000e+00> : vector<256x128xf32>
    %dot_general3A_99 = tpu.matmul %concatenate3A_94, %get3A_97, %dot_general3A_98 {dimension_numbers = #tpu.dot_dimension_numbers<[1], [0], [0], [1], [0, 0, 1, 1], [], []>, transpose_lhs_hint = false} : vector<256x128xf32>, vector<128x128xf32>, vector<256x128xf32> -> vector<256x128xf32>
    %max3A_100 = arith.maximumf %max3A_78, %dot_general3A_99 : vector<256x128xf32>
    %reduce_sum3A_101 = arith.constant dense<0.000000e+00> : vector<128xf32>
    %reduce_sum3A_102 = vector.multi_reduction <add>, %dot_general3A_99, %reduce_sum3A_101 [0] : vector<256x128xf32> to vector<128xf32>
    %broadcast_in_dim3A_103 = vector.shape_cast %reduce_sum3A_102 : vector<128xf32> to vector<1x128xf32>
    %add3A_104 = arith.addf %add3A_82, %broadcast_in_dim3A_103 : vector<1x128xf32>
    %mul3A_105 = arith.mulf %dot_general3A_99, %dot_general3A_99 : vector<256x128xf32>
    %reduce_sum3A_106 = arith.constant dense<0.000000e+00> : vector<128xf32>
    %reduce_sum3A_107 = vector.multi_reduction <add>, %mul3A_105, %reduce_sum3A_106 [0] : vector<256x128xf32> to vector<128xf32>
    %broadcast_in_dim3A_108 = vector.shape_cast %reduce_sum3A_107 : vector<128xf32> to vector<1x128xf32>
    %add3A_109 = arith.addf %add3A_87, %broadcast_in_dim3A_108 : vector<1x128xf32>
    %get3A_110 = arith.constant 0 : index
    %get3A_111 = arith.constant 5 : index
    %get3A_112 = arith.constant 0 : index
    %get3A_113 = vector.load %arg1[%get3A_110, %get3A_111, %get3A_112] : memref<256x32x128xf32, #tpu.memory_space<vmem>>, vector<256x1x64xf32>
    %get3A_114 = vector.shape_cast %get3A_113 : vector<256x1x64xf32> to vector<256x64xf32>
    %sub3A_115 = arith.subf %get3A_114, %slice3A : vector<256x64xf32>
    %concatenate3A_116 = tpu.concatenate %sub3A_115, %slice3A in 1 : vector<256x64xf32>, vector<256x64xf32> -> vector<256x128xf32>
    %get3A_117 = arith.constant 0 : index
    %get3A_118 = arith.constant 0 : index
    %get3A_119 = vector.load %arg3[%get3A_117, %get3A_118] : memref<128x128xf32, #tpu.memory_space<vmem>>, vector<128x128xf32>
    %dot_general3A_120 = arith.constant dense<0.000000e+00> : vector<256x128xf32>
    %dot_general3A_121 = tpu.matmul %concatenate3A_116, %get3A_119, %dot_general3A_120 {dimension_numbers = #tpu.dot_dimension_numbers<[1], [0], [0], [1], [0, 0, 1, 1], [], []>, transpose_lhs_hint = false} : vector<256x128xf32>, vector<128x128xf32>, vector<256x128xf32> -> vector<256x128xf32>
    %max3A_122 = arith.maximumf %max3A_100, %dot_general3A_121 : vector<256x128xf32>
    %reduce_sum3A_123 = arith.constant dense<0.000000e+00> : vector<128xf32>
    %reduce_sum3A_124 = vector.multi_reduction <add>, %dot_general3A_121, %reduce_sum3A_123 [0] : vector<256x128xf32> to vector<128xf32>
    %broadcast_in_dim3A_125 = vector.shape_cast %reduce_sum3A_124 : vector<128xf32> to vector<1x128xf32>
    %add3A_126 = arith.addf %add3A_104, %broadcast_in_dim3A_125 : vector<1x128xf32>
    %mul3A_127 = arith.mulf %dot_general3A_121, %dot_general3A_121 : vector<256x128xf32>
    %reduce_sum3A_128 = arith.constant dense<0.000000e+00> : vector<128xf32>
    %reduce_sum3A_129 = vector.multi_reduction <add>, %mul3A_127, %reduce_sum3A_128 [0] : vector<256x128xf32> to vector<128xf32>
    %broadcast_in_dim3A_130 = vector.shape_cast %reduce_sum3A_129 : vector<128xf32> to vector<1x128xf32>
    %add3A_131 = arith.addf %add3A_109, %broadcast_in_dim3A_130 : vector<1x128xf32>
    %get3A_132 = arith.constant 0 : index
    %get3A_133 = arith.constant 6 : index
    %get3A_134 = arith.constant 0 : index
    %get3A_135 = vector.load %arg1[%get3A_132, %get3A_133, %get3A_134] : memref<256x32x128xf32, #tpu.memory_space<vmem>>, vector<256x1x64xf32>
    %get3A_136 = vector.shape_cast %get3A_135 : vector<256x1x64xf32> to vector<256x64xf32>
    %sub3A_137 = arith.subf %get3A_136, %slice3A : vector<256x64xf32>
    %concatenate3A_138 = tpu.concatenate %sub3A_137, %slice3A in 1 : vector<256x64xf32>, vector<256x64xf32> -> vector<256x128xf32>
    %get3A_139 = arith.constant 0 : index
    %get3A_140 = arith.constant 0 : index
    %get3A_141 = vector.load %arg3[%get3A_139, %get3A_140] : memref<128x128xf32, #tpu.memory_space<vmem>>, vector<128x128xf32>
    %dot_general3A_142 = arith.constant dense<0.000000e+00> : vector<256x128xf32>
    %dot_general3A_143 = tpu.matmul %concatenate3A_138, %get3A_141, %dot_general3A_142 {dimension_numbers = #tpu.dot_dimension_numbers<[1], [0], [0], [1], [0, 0, 1, 1], [], []>, transpose_lhs_hint = false} : vector<256x128xf32>, vector<128x128xf32>, vector<256x128xf32> -> vector<256x128xf32>
    %max3A_144 = arith.maximumf %max3A_122, %dot_general3A_143 : vector<256x128xf32>
    %reduce_sum3A_145 = arith.constant dense<0.000000e+00> : vector<128xf32>
    %reduce_sum3A_146 = vector.multi_reduction <add>, %dot_general3A_143, %reduce_sum3A_145 [0] : vector<256x128xf32> to vector<128xf32>
    %broadcast_in_dim3A_147 = vector.shape_cast %reduce_sum3A_146 : vector<128xf32> to vector<1x128xf32>
    %add3A_148 = arith.addf %add3A_126, %broadcast_in_dim3A_147 : vector<1x128xf32>
    %mul3A_149 = arith.mulf %dot_general3A_143, %dot_general3A_143 : vector<256x128xf32>
    %reduce_sum3A_150 = arith.constant dense<0.000000e+00> : vector<128xf32>
    %reduce_sum3A_151 = vector.multi_reduction <add>, %mul3A_149, %reduce_sum3A_150 [0] : vector<256x128xf32> to vector<128xf32>
    %broadcast_in_dim3A_152 = vector.shape_cast %reduce_sum3A_151 : vector<128xf32> to vector<1x128xf32>
    %add3A_153 = arith.addf %add3A_131, %broadcast_in_dim3A_152 : vector<1x128xf32>
    %get3A_154 = arith.constant 0 : index
    %get3A_155 = arith.constant 7 : index
    %get3A_156 = arith.constant 0 : index
    %get3A_157 = vector.load %arg1[%get3A_154, %get3A_155, %get3A_156] : memref<256x32x128xf32, #tpu.memory_space<vmem>>, vector<256x1x64xf32>
    %get3A_158 = vector.shape_cast %get3A_157 : vector<256x1x64xf32> to vector<256x64xf32>
    %sub3A_159 = arith.subf %get3A_158, %slice3A : vector<256x64xf32>
    %concatenate3A_160 = tpu.concatenate %sub3A_159, %slice3A in 1 : vector<256x64xf32>, vector<256x64xf32> -> vector<256x128xf32>
    %get3A_161 = arith.constant 0 : index
    %get3A_162 = arith.constant 0 : index
    %get3A_163 = vector.load %arg3[%get3A_161, %get3A_162] : memref<128x128xf32, #tpu.memory_space<vmem>>, vector<128x128xf32>
    %dot_general3A_164 = arith.constant dense<0.000000e+00> : vector<256x128xf32>
    %dot_general3A_165 = tpu.matmul %concatenate3A_160, %get3A_163, %dot_general3A_164 {dimension_numbers = #tpu.dot_dimension_numbers<[1], [0], [0], [1], [0, 0, 1, 1], [], []>, transpose_lhs_hint = false} : vector<256x128xf32>, vector<128x128xf32>, vector<256x128xf32> -> vector<256x128xf32>
    %max3A_166 = arith.maximumf %max3A_144, %dot_general3A_165 : vector<256x128xf32>
    %reduce_sum3A_167 = arith.constant dense<0.000000e+00> : vector<128xf32>
    %reduce_sum3A_168 = vector.multi_reduction <add>, %dot_general3A_165, %reduce_sum3A_167 [0] : vector<256x128xf32> to vector<128xf32>
    %broadcast_in_dim3A_169 = vector.shape_cast %reduce_sum3A_168 : vector<128xf32> to vector<1x128xf32>
    %add3A_170 = arith.addf %add3A_148, %broadcast_in_dim3A_169 : vector<1x128xf32>
    %mul3A_171 = arith.mulf %dot_general3A_165, %dot_general3A_165 : vector<256x128xf32>
    %reduce_sum3A_172 = arith.constant dense<0.000000e+00> : vector<128xf32>
    %reduce_sum3A_173 = vector.multi_reduction <add>, %mul3A_171, %reduce_sum3A_172 [0] : vector<256x128xf32> to vector<128xf32>
    %broadcast_in_dim3A_174 = vector.shape_cast %reduce_sum3A_173 : vector<128xf32> to vector<1x128xf32>
    %add3A_175 = arith.addf %add3A_153, %broadcast_in_dim3A_174 : vector<1x128xf32>
    %get3A_176 = arith.constant 0 : index
    %get3A_177 = arith.constant 8 : index
    %get3A_178 = arith.constant 0 : index
    %get3A_179 = vector.load %arg1[%get3A_176, %get3A_177, %get3A_178] : memref<256x32x128xf32, #tpu.memory_space<vmem>>, vector<256x1x64xf32>
    %get3A_180 = vector.shape_cast %get3A_179 : vector<256x1x64xf32> to vector<256x64xf32>
    %sub3A_181 = arith.subf %get3A_180, %slice3A : vector<256x64xf32>
    %concatenate3A_182 = tpu.concatenate %sub3A_181, %slice3A in 1 : vector<256x64xf32>, vector<256x64xf32> -> vector<256x128xf32>
    %get3A_183 = arith.constant 0 : index
    %get3A_184 = arith.constant 0 : index
    %get3A_185 = vector.load %arg3[%get3A_183, %get3A_184] : memref<128x128xf32, #tpu.memory_space<vmem>>, vector<128x128xf32>
    %dot_general3A_186 = arith.constant dense<0.000000e+00> : vector<256x128xf32>
    %dot_general3A_187 = tpu.matmul %concatenate3A_182, %get3A_185, %dot_general3A_186 {dimension_numbers = #tpu.dot_dimension_numbers<[1], [0], [0], [1], [0, 0, 1, 1], [], []>, transpose_lhs_hint = false} : vector<256x128xf32>, vector<128x128xf32>, vector<256x128xf32> -> vector<256x128xf32>
    %max3A_188 = arith.maximumf %max3A_166, %dot_general3A_187 : vector<256x128xf32>
    %reduce_sum3A_189 = arith.constant dense<0.000000e+00> : vector<128xf32>
    %reduce_sum3A_190 = vector.multi_reduction <add>, %dot_general3A_187, %reduce_sum3A_189 [0] : vector<256x128xf32> to vector<128xf32>
    %broadcast_in_dim3A_191 = vector.shape_cast %reduce_sum3A_190 : vector<128xf32> to vector<1x128xf32>
    %add3A_192 = arith.addf %add3A_170, %broadcast_in_dim3A_191 : vector<1x128xf32>
    %mul3A_193 = arith.mulf %dot_general3A_187, %dot_general3A_187 : vector<256x128xf32>
    %reduce_sum3A_194 = arith.constant dense<0.000000e+00> : vector<128xf32>
    %reduce_sum3A_195 = vector.multi_reduction <add>, %mul3A_193, %reduce_sum3A_194 [0] : vector<256x128xf32> to vector<128xf32>
    %broadcast_in_dim3A_196 = vector.shape_cast %reduce_sum3A_195 : vector<128xf32> to vector<1x128xf32>
    %add3A_197 = arith.addf %add3A_175, %broadcast_in_dim3A_196 : vector<1x128xf32>
    %get3A_198 = arith.constant 0 : index
    %get3A_199 = arith.constant 9 : index
    %get3A_200 = arith.constant 0 : index
    %get3A_201 = vector.load %arg1[%get3A_198, %get3A_199, %get3A_200] : memref<256x32x128xf32, #tpu.memory_space<vmem>>, vector<256x1x64xf32>
    %get3A_202 = vector.shape_cast %get3A_201 : vector<256x1x64xf32> to vector<256x64xf32>
    %sub3A_203 = arith.subf %get3A_202, %slice3A : vector<256x64xf32>
    %concatenate3A_204 = tpu.concatenate %sub3A_203, %slice3A in 1 : vector<256x64xf32>, vector<256x64xf32> -> vector<256x128xf32>
    %get3A_205 = arith.constant 0 : index
    %get3A_206 = arith.constant 0 : index
    %get3A_207 = vector.load %arg3[%get3A_205, %get3A_206] : memref<128x128xf32, #tpu.memory_space<vmem>>, vector<128x128xf32>
    %dot_general3A_208 = arith.constant dense<0.000000e+00> : vector<256x128xf32>
    %dot_general3A_209 = tpu.matmul %concatenate3A_204, %get3A_207, %dot_general3A_208 {dimension_numbers = #tpu.dot_dimension_numbers<[1], [0], [0], [1], [0, 0, 1, 1], [], []>, transpose_lhs_hint = false} : vector<256x128xf32>, vector<128x128xf32>, vector<256x128xf32> -> vector<256x128xf32>
    %max3A_210 = arith.maximumf %max3A_188, %dot_general3A_209 : vector<256x128xf32>
    %reduce_sum3A_211 = arith.constant dense<0.000000e+00> : vector<128xf32>
    %reduce_sum3A_212 = vector.multi_reduction <add>, %dot_general3A_209, %reduce_sum3A_211 [0] : vector<256x128xf32> to vector<128xf32>
    %broadcast_in_dim3A_213 = vector.shape_cast %reduce_sum3A_212 : vector<128xf32> to vector<1x128xf32>
    %add3A_214 = arith.addf %add3A_192, %broadcast_in_dim3A_213 : vector<1x128xf32>
    %mul3A_215 = arith.mulf %dot_general3A_209, %dot_general3A_209 : vector<256x128xf32>
    %reduce_sum3A_216 = arith.constant dense<0.000000e+00> : vector<128xf32>
    %reduce_sum3A_217 = vector.multi_reduction <add>, %mul3A_215, %reduce_sum3A_216 [0] : vector<256x128xf32> to vector<128xf32>
    %broadcast_in_dim3A_218 = vector.shape_cast %reduce_sum3A_217 : vector<128xf32> to vector<1x128xf32>
    %add3A_219 = arith.addf %add3A_197, %broadcast_in_dim3A_218 : vector<1x128xf32>
    %get3A_220 = arith.constant 0 : index
    %get3A_221 = arith.constant 10 : index
    %get3A_222 = arith.constant 0 : index
    %get3A_223 = vector.load %arg1[%get3A_220, %get3A_221, %get3A_222] : memref<256x32x128xf32, #tpu.memory_space<vmem>>, vector<256x1x64xf32>
    %get3A_224 = vector.shape_cast %get3A_223 : vector<256x1x64xf32> to vector<256x64xf32>
    %sub3A_225 = arith.subf %get3A_224, %slice3A : vector<256x64xf32>
    %concatenate3A_226 = tpu.concatenate %sub3A_225, %slice3A in 1 : vector<256x64xf32>, vector<256x64xf32> -> vector<256x128xf32>
    %get3A_227 = arith.constant 0 : index
    %get3A_228 = arith.constant 0 : index
    %get3A_229 = vector.load %arg3[%get3A_227, %get3A_228] : memref<128x128xf32, #tpu.memory_space<vmem>>, vector<128x128xf32>
    %dot_general3A_230 = arith.constant dense<0.000000e+00> : vector<256x128xf32>
    %dot_general3A_231 = tpu.matmul %concatenate3A_226, %get3A_229, %dot_general3A_230 {dimension_numbers = #tpu.dot_dimension_numbers<[1], [0], [0], [1], [0, 0, 1, 1], [], []>, transpose_lhs_hint = false} : vector<256x128xf32>, vector<128x128xf32>, vector<256x128xf32> -> vector<256x128xf32>
    %max3A_232 = arith.maximumf %max3A_210, %dot_general3A_231 : vector<256x128xf32>
    %reduce_sum3A_233 = arith.constant dense<0.000000e+00> : vector<128xf32>
    %reduce_sum3A_234 = vector.multi_reduction <add>, %dot_general3A_231, %reduce_sum3A_233 [0] : vector<256x128xf32> to vector<128xf32>
    %broadcast_in_dim3A_235 = vector.shape_cast %reduce_sum3A_234 : vector<128xf32> to vector<1x128xf32>
    %add3A_236 = arith.addf %add3A_214, %broadcast_in_dim3A_235 : vector<1x128xf32>
    %mul3A_237 = arith.mulf %dot_general3A_231, %dot_general3A_231 : vector<256x128xf32>
    %reduce_sum3A_238 = arith.constant dense<0.000000e+00> : vector<128xf32>
    %reduce_sum3A_239 = vector.multi_reduction <add>, %mul3A_237, %reduce_sum3A_238 [0] : vector<256x128xf32> to vector<128xf32>
    %broadcast_in_dim3A_240 = vector.shape_cast %reduce_sum3A_239 : vector<128xf32> to vector<1x128xf32>
    %add3A_241 = arith.addf %add3A_219, %broadcast_in_dim3A_240 : vector<1x128xf32>
    %get3A_242 = arith.constant 0 : index
    %get3A_243 = arith.constant 11 : index
    %get3A_244 = arith.constant 0 : index
    %get3A_245 = vector.load %arg1[%get3A_242, %get3A_243, %get3A_244] : memref<256x32x128xf32, #tpu.memory_space<vmem>>, vector<256x1x64xf32>
    %get3A_246 = vector.shape_cast %get3A_245 : vector<256x1x64xf32> to vector<256x64xf32>
    %sub3A_247 = arith.subf %get3A_246, %slice3A : vector<256x64xf32>
    %concatenate3A_248 = tpu.concatenate %sub3A_247, %slice3A in 1 : vector<256x64xf32>, vector<256x64xf32> -> vector<256x128xf32>
    %get3A_249 = arith.constant 0 : index
    %get3A_250 = arith.constant 0 : index
    %get3A_251 = vector.load %arg3[%get3A_249, %get3A_250] : memref<128x128xf32, #tpu.memory_space<vmem>>, vector<128x128xf32>
    %dot_general3A_252 = arith.constant dense<0.000000e+00> : vector<256x128xf32>
    %dot_general3A_253 = tpu.matmul %concatenate3A_248, %get3A_251, %dot_general3A_252 {dimension_numbers = #tpu.dot_dimension_numbers<[1], [0], [0], [1], [0, 0, 1, 1], [], []>, transpose_lhs_hint = false} : vector<256x128xf32>, vector<128x128xf32>, vector<256x128xf32> -> vector<256x128xf32>
    %max3A_254 = arith.maximumf %max3A_232, %dot_general3A_253 : vector<256x128xf32>
    %reduce_sum3A_255 = arith.constant dense<0.000000e+00> : vector<128xf32>
    %reduce_sum3A_256 = vector.multi_reduction <add>, %dot_general3A_253, %reduce_sum3A_255 [0] : vector<256x128xf32> to vector<128xf32>
    %broadcast_in_dim3A_257 = vector.shape_cast %reduce_sum3A_256 : vector<128xf32> to vector<1x128xf32>
    %add3A_258 = arith.addf %add3A_236, %broadcast_in_dim3A_257 : vector<1x128xf32>
    %mul3A_259 = arith.mulf %dot_general3A_253, %dot_general3A_253 : vector<256x128xf32>
    %reduce_sum3A_260 = arith.constant dense<0.000000e+00> : vector<128xf32>
    %reduce_sum3A_261 = vector.multi_reduction <add>, %mul3A_259, %reduce_sum3A_260 [0] : vector<256x128xf32> to vector<128xf32>
    %broadcast_in_dim3A_262 = vector.shape_cast %reduce_sum3A_261 : vector<128xf32> to vector<1x128xf32>
    %add3A_263 = arith.addf %add3A_241, %broadcast_in_dim3A_262 : vector<1x128xf32>
    %get3A_264 = arith.constant 0 : index
    %get3A_265 = arith.constant 12 : index
    %get3A_266 = arith.constant 0 : index
    %get3A_267 = vector.load %arg1[%get3A_264, %get3A_265, %get3A_266] : memref<256x32x128xf32, #tpu.memory_space<vmem>>, vector<256x1x64xf32>
    %get3A_268 = vector.shape_cast %get3A_267 : vector<256x1x64xf32> to vector<256x64xf32>
    %sub3A_269 = arith.subf %get3A_268, %slice3A : vector<256x64xf32>
    %concatenate3A_270 = tpu.concatenate %sub3A_269, %slice3A in 1 : vector<256x64xf32>, vector<256x64xf32> -> vector<256x128xf32>
    %get3A_271 = arith.constant 0 : index
    %get3A_272 = arith.constant 0 : index
    %get3A_273 = vector.load %arg3[%get3A_271, %get3A_272] : memref<128x128xf32, #tpu.memory_space<vmem>>, vector<128x128xf32>
    %dot_general3A_274 = arith.constant dense<0.000000e+00> : vector<256x128xf32>
    %dot_general3A_275 = tpu.matmul %concatenate3A_270, %get3A_273, %dot_general3A_274 {dimension_numbers = #tpu.dot_dimension_numbers<[1], [0], [0], [1], [0, 0, 1, 1], [], []>, transpose_lhs_hint = false} : vector<256x128xf32>, vector<128x128xf32>, vector<256x128xf32> -> vector<256x128xf32>
    %max3A_276 = arith.maximumf %max3A_254, %dot_general3A_275 : vector<256x128xf32>
    %reduce_sum3A_277 = arith.constant dense<0.000000e+00> : vector<128xf32>
    %reduce_sum3A_278 = vector.multi_reduction <add>, %dot_general3A_275, %reduce_sum3A_277 [0] : vector<256x128xf32> to vector<128xf32>
    %broadcast_in_dim3A_279 = vector.shape_cast %reduce_sum3A_278 : vector<128xf32> to vector<1x128xf32>
    %add3A_280 = arith.addf %add3A_258, %broadcast_in_dim3A_279 : vector<1x128xf32>
    %mul3A_281 = arith.mulf %dot_general3A_275, %dot_general3A_275 : vector<256x128xf32>
    %reduce_sum3A_282 = arith.constant dense<0.000000e+00> : vector<128xf32>
    %reduce_sum3A_283 = vector.multi_reduction <add>, %mul3A_281, %reduce_sum3A_282 [0] : vector<256x128xf32> to vector<128xf32>
    %broadcast_in_dim3A_284 = vector.shape_cast %reduce_sum3A_283 : vector<128xf32> to vector<1x128xf32>
    %add3A_285 = arith.addf %add3A_263, %broadcast_in_dim3A_284 : vector<1x128xf32>
    %get3A_286 = arith.constant 0 : index
    %get3A_287 = arith.constant 13 : index
    %get3A_288 = arith.constant 0 : index
    %get3A_289 = vector.load %arg1[%get3A_286, %get3A_287, %get3A_288] : memref<256x32x128xf32, #tpu.memory_space<vmem>>, vector<256x1x64xf32>
    %get3A_290 = vector.shape_cast %get3A_289 : vector<256x1x64xf32> to vector<256x64xf32>
    %sub3A_291 = arith.subf %get3A_290, %slice3A : vector<256x64xf32>
    %concatenate3A_292 = tpu.concatenate %sub3A_291, %slice3A in 1 : vector<256x64xf32>, vector<256x64xf32> -> vector<256x128xf32>
    %get3A_293 = arith.constant 0 : index
    %get3A_294 = arith.constant 0 : index
    %get3A_295 = vector.load %arg3[%get3A_293, %get3A_294] : memref<128x128xf32, #tpu.memory_space<vmem>>, vector<128x128xf32>
    %dot_general3A_296 = arith.constant dense<0.000000e+00> : vector<256x128xf32>
    %dot_general3A_297 = tpu.matmul %concatenate3A_292, %get3A_295, %dot_general3A_296 {dimension_numbers = #tpu.dot_dimension_numbers<[1], [0], [0], [1], [0, 0, 1, 1], [], []>, transpose_lhs_hint = false} : vector<256x128xf32>, vector<128x128xf32>, vector<256x128xf32> -> vector<256x128xf32>
    %max3A_298 = arith.maximumf %max3A_276, %dot_general3A_297 : vector<256x128xf32>
    %reduce_sum3A_299 = arith.constant dense<0.000000e+00> : vector<128xf32>
    %reduce_sum3A_300 = vector.multi_reduction <add>, %dot_general3A_297, %reduce_sum3A_299 [0] : vector<256x128xf32> to vector<128xf32>
    %broadcast_in_dim3A_301 = vector.shape_cast %reduce_sum3A_300 : vector<128xf32> to vector<1x128xf32>
    %add3A_302 = arith.addf %add3A_280, %broadcast_in_dim3A_301 : vector<1x128xf32>
    %mul3A_303 = arith.mulf %dot_general3A_297, %dot_general3A_297 : vector<256x128xf32>
    %reduce_sum3A_304 = arith.constant dense<0.000000e+00> : vector<128xf32>
    %reduce_sum3A_305 = vector.multi_reduction <add>, %mul3A_303, %reduce_sum3A_304 [0] : vector<256x128xf32> to vector<128xf32>
    %broadcast_in_dim3A_306 = vector.shape_cast %reduce_sum3A_305 : vector<128xf32> to vector<1x128xf32>
    %add3A_307 = arith.addf %add3A_285, %broadcast_in_dim3A_306 : vector<1x128xf32>
    %get3A_308 = arith.constant 0 : index
    %get3A_309 = arith.constant 14 : index
    %get3A_310 = arith.constant 0 : index
    %get3A_311 = vector.load %arg1[%get3A_308, %get3A_309, %get3A_310] : memref<256x32x128xf32, #tpu.memory_space<vmem>>, vector<256x1x64xf32>
    %get3A_312 = vector.shape_cast %get3A_311 : vector<256x1x64xf32> to vector<256x64xf32>
    %sub3A_313 = arith.subf %get3A_312, %slice3A : vector<256x64xf32>
    %concatenate3A_314 = tpu.concatenate %sub3A_313, %slice3A in 1 : vector<256x64xf32>, vector<256x64xf32> -> vector<256x128xf32>
    %get3A_315 = arith.constant 0 : index
    %get3A_316 = arith.constant 0 : index
    %get3A_317 = vector.load %arg3[%get3A_315, %get3A_316] : memref<128x128xf32, #tpu.memory_space<vmem>>, vector<128x128xf32>
    %dot_general3A_318 = arith.constant dense<0.000000e+00> : vector<256x128xf32>
    %dot_general3A_319 = tpu.matmul %concatenate3A_314, %get3A_317, %dot_general3A_318 {dimension_numbers = #tpu.dot_dimension_numbers<[1], [0], [0], [1], [0, 0, 1, 1], [], []>, transpose_lhs_hint = false} : vector<256x128xf32>, vector<128x128xf32>, vector<256x128xf32> -> vector<256x128xf32>
    %max3A_320 = arith.maximumf %max3A_298, %dot_general3A_319 : vector<256x128xf32>
    %reduce_sum3A_321 = arith.constant dense<0.000000e+00> : vector<128xf32>
    %reduce_sum3A_322 = vector.multi_reduction <add>, %dot_general3A_319, %reduce_sum3A_321 [0] : vector<256x128xf32> to vector<128xf32>
    %broadcast_in_dim3A_323 = vector.shape_cast %reduce_sum3A_322 : vector<128xf32> to vector<1x128xf32>
    %add3A_324 = arith.addf %add3A_302, %broadcast_in_dim3A_323 : vector<1x128xf32>
    %mul3A_325 = arith.mulf %dot_general3A_319, %dot_general3A_319 : vector<256x128xf32>
    %reduce_sum3A_326 = arith.constant dense<0.000000e+00> : vector<128xf32>
    %reduce_sum3A_327 = vector.multi_reduction <add>, %mul3A_325, %reduce_sum3A_326 [0] : vector<256x128xf32> to vector<128xf32>
    %broadcast_in_dim3A_328 = vector.shape_cast %reduce_sum3A_327 : vector<128xf32> to vector<1x128xf32>
    %add3A_329 = arith.addf %add3A_307, %broadcast_in_dim3A_328 : vector<1x128xf32>
    %get3A_330 = arith.constant 0 : index
    %get3A_331 = arith.constant 15 : index
    %get3A_332 = arith.constant 0 : index
    %get3A_333 = vector.load %arg1[%get3A_330, %get3A_331, %get3A_332] : memref<256x32x128xf32, #tpu.memory_space<vmem>>, vector<256x1x64xf32>
    %get3A_334 = vector.shape_cast %get3A_333 : vector<256x1x64xf32> to vector<256x64xf32>
    %sub3A_335 = arith.subf %get3A_334, %slice3A : vector<256x64xf32>
    %concatenate3A_336 = tpu.concatenate %sub3A_335, %slice3A in 1 : vector<256x64xf32>, vector<256x64xf32> -> vector<256x128xf32>
    %get3A_337 = arith.constant 0 : index
    %get3A_338 = arith.constant 0 : index
    %get3A_339 = vector.load %arg3[%get3A_337, %get3A_338] : memref<128x128xf32, #tpu.memory_space<vmem>>, vector<128x128xf32>
    %dot_general3A_340 = arith.constant dense<0.000000e+00> : vector<256x128xf32>
    %dot_general3A_341 = tpu.matmul %concatenate3A_336, %get3A_339, %dot_general3A_340 {dimension_numbers = #tpu.dot_dimension_numbers<[1], [0], [0], [1], [0, 0, 1, 1], [], []>, transpose_lhs_hint = false} : vector<256x128xf32>, vector<128x128xf32>, vector<256x128xf32> -> vector<256x128xf32>
    %max3A_342 = arith.maximumf %max3A_320, %dot_general3A_341 : vector<256x128xf32>
    %reduce_sum3A_343 = arith.constant dense<0.000000e+00> : vector<128xf32>
    %reduce_sum3A_344 = vector.multi_reduction <add>, %dot_general3A_341, %reduce_sum3A_343 [0] : vector<256x128xf32> to vector<128xf32>
    %broadcast_in_dim3A_345 = vector.shape_cast %reduce_sum3A_344 : vector<128xf32> to vector<1x128xf32>
    %add3A_346 = arith.addf %add3A_324, %broadcast_in_dim3A_345 : vector<1x128xf32>
    %mul3A_347 = arith.mulf %dot_general3A_341, %dot_general3A_341 : vector<256x128xf32>
    %reduce_sum3A_348 = arith.constant dense<0.000000e+00> : vector<128xf32>
    %reduce_sum3A_349 = vector.multi_reduction <add>, %mul3A_347, %reduce_sum3A_348 [0] : vector<256x128xf32> to vector<128xf32>
    %broadcast_in_dim3A_350 = vector.shape_cast %reduce_sum3A_349 : vector<128xf32> to vector<1x128xf32>
    %add3A_351 = arith.addf %add3A_329, %broadcast_in_dim3A_350 : vector<1x128xf32>
    %get3A_352 = arith.constant 0 : index
    %get3A_353 = arith.constant 16 : index
    %get3A_354 = arith.constant 0 : index
    %get3A_355 = vector.load %arg1[%get3A_352, %get3A_353, %get3A_354] : memref<256x32x128xf32, #tpu.memory_space<vmem>>, vector<256x1x64xf32>
    %get3A_356 = vector.shape_cast %get3A_355 : vector<256x1x64xf32> to vector<256x64xf32>
    %sub3A_357 = arith.subf %get3A_356, %slice3A : vector<256x64xf32>
    %concatenate3A_358 = tpu.concatenate %sub3A_357, %slice3A in 1 : vector<256x64xf32>, vector<256x64xf32> -> vector<256x128xf32>
    %get3A_359 = arith.constant 0 : index
    %get3A_360 = arith.constant 0 : index
    %get3A_361 = vector.load %arg3[%get3A_359, %get3A_360] : memref<128x128xf32, #tpu.memory_space<vmem>>, vector<128x128xf32>
    %dot_general3A_362 = arith.constant dense<0.000000e+00> : vector<256x128xf32>
    %dot_general3A_363 = tpu.matmul %concatenate3A_358, %get3A_361, %dot_general3A_362 {dimension_numbers = #tpu.dot_dimension_numbers<[1], [0], [0], [1], [0, 0, 1, 1], [], []>, transpose_lhs_hint = false} : vector<256x128xf32>, vector<128x128xf32>, vector<256x128xf32> -> vector<256x128xf32>
    %max3A_364 = arith.maximumf %max3A_342, %dot_general3A_363 : vector<256x128xf32>
    %reduce_sum3A_365 = arith.constant dense<0.000000e+00> : vector<128xf32>
    %reduce_sum3A_366 = vector.multi_reduction <add>, %dot_general3A_363, %reduce_sum3A_365 [0] : vector<256x128xf32> to vector<128xf32>
    %broadcast_in_dim3A_367 = vector.shape_cast %reduce_sum3A_366 : vector<128xf32> to vector<1x128xf32>
    %add3A_368 = arith.addf %add3A_346, %broadcast_in_dim3A_367 : vector<1x128xf32>
    %mul3A_369 = arith.mulf %dot_general3A_363, %dot_general3A_363 : vector<256x128xf32>
    %reduce_sum3A_370 = arith.constant dense<0.000000e+00> : vector<128xf32>
    %reduce_sum3A_371 = vector.multi_reduction <add>, %mul3A_369, %reduce_sum3A_370 [0] : vector<256x128xf32> to vector<128xf32>
    %broadcast_in_dim3A_372 = vector.shape_cast %reduce_sum3A_371 : vector<128xf32> to vector<1x128xf32>
    %add3A_373 = arith.addf %add3A_351, %broadcast_in_dim3A_372 : vector<1x128xf32>
    %get3A_374 = arith.constant 0 : index
    %get3A_375 = arith.constant 17 : index
    %get3A_376 = arith.constant 0 : index
    %get3A_377 = vector.load %arg1[%get3A_374, %get3A_375, %get3A_376] : memref<256x32x128xf32, #tpu.memory_space<vmem>>, vector<256x1x64xf32>
    %get3A_378 = vector.shape_cast %get3A_377 : vector<256x1x64xf32> to vector<256x64xf32>
    %sub3A_379 = arith.subf %get3A_378, %slice3A : vector<256x64xf32>
    %concatenate3A_380 = tpu.concatenate %sub3A_379, %slice3A in 1 : vector<256x64xf32>, vector<256x64xf32> -> vector<256x128xf32>
    %get3A_381 = arith.constant 0 : index
    %get3A_382 = arith.constant 0 : index
    %get3A_383 = vector.load %arg3[%get3A_381, %get3A_382] : memref<128x128xf32, #tpu.memory_space<vmem>>, vector<128x128xf32>
    %dot_general3A_384 = arith.constant dense<0.000000e+00> : vector<256x128xf32>
    %dot_general3A_385 = tpu.matmul %concatenate3A_380, %get3A_383, %dot_general3A_384 {dimension_numbers = #tpu.dot_dimension_numbers<[1], [0], [0], [1], [0, 0, 1, 1], [], []>, transpose_lhs_hint = false} : vector<256x128xf32>, vector<128x128xf32>, vector<256x128xf32> -> vector<256x128xf32>
    %max3A_386 = arith.maximumf %max3A_364, %dot_general3A_385 : vector<256x128xf32>
    %reduce_sum3A_387 = arith.constant dense<0.000000e+00> : vector<128xf32>
    %reduce_sum3A_388 = vector.multi_reduction <add>, %dot_general3A_385, %reduce_sum3A_387 [0] : vector<256x128xf32> to vector<128xf32>
    %broadcast_in_dim3A_389 = vector.shape_cast %reduce_sum3A_388 : vector<128xf32> to vector<1x128xf32>
    %add3A_390 = arith.addf %add3A_368, %broadcast_in_dim3A_389 : vector<1x128xf32>
    %mul3A_391 = arith.mulf %dot_general3A_385, %dot_general3A_385 : vector<256x128xf32>
    %reduce_sum3A_392 = arith.constant dense<0.000000e+00> : vector<128xf32>
    %reduce_sum3A_393 = vector.multi_reduction <add>, %mul3A_391, %reduce_sum3A_392 [0] : vector<256x128xf32> to vector<128xf32>
    %broadcast_in_dim3A_394 = vector.shape_cast %reduce_sum3A_393 : vector<128xf32> to vector<1x128xf32>
    %add3A_395 = arith.addf %add3A_373, %broadcast_in_dim3A_394 : vector<1x128xf32>
    %get3A_396 = arith.constant 0 : index
    %get3A_397 = arith.constant 18 : index
    %get3A_398 = arith.constant 0 : index
    %get3A_399 = vector.load %arg1[%get3A_396, %get3A_397, %get3A_398] : memref<256x32x128xf32, #tpu.memory_space<vmem>>, vector<256x1x64xf32>
    %get3A_400 = vector.shape_cast %get3A_399 : vector<256x1x64xf32> to vector<256x64xf32>
    %sub3A_401 = arith.subf %get3A_400, %slice3A : vector<256x64xf32>
    %concatenate3A_402 = tpu.concatenate %sub3A_401, %slice3A in 1 : vector<256x64xf32>, vector<256x64xf32> -> vector<256x128xf32>
    %get3A_403 = arith.constant 0 : index
    %get3A_404 = arith.constant 0 : index
    %get3A_405 = vector.load %arg3[%get3A_403, %get3A_404] : memref<128x128xf32, #tpu.memory_space<vmem>>, vector<128x128xf32>
    %dot_general3A_406 = arith.constant dense<0.000000e+00> : vector<256x128xf32>
    %dot_general3A_407 = tpu.matmul %concatenate3A_402, %get3A_405, %dot_general3A_406 {dimension_numbers = #tpu.dot_dimension_numbers<[1], [0], [0], [1], [0, 0, 1, 1], [], []>, transpose_lhs_hint = false} : vector<256x128xf32>, vector<128x128xf32>, vector<256x128xf32> -> vector<256x128xf32>
    %max3A_408 = arith.maximumf %max3A_386, %dot_general3A_407 : vector<256x128xf32>
    %reduce_sum3A_409 = arith.constant dense<0.000000e+00> : vector<128xf32>
    %reduce_sum3A_410 = vector.multi_reduction <add>, %dot_general3A_407, %reduce_sum3A_409 [0] : vector<256x128xf32> to vector<128xf32>
    %broadcast_in_dim3A_411 = vector.shape_cast %reduce_sum3A_410 : vector<128xf32> to vector<1x128xf32>
    %add3A_412 = arith.addf %add3A_390, %broadcast_in_dim3A_411 : vector<1x128xf32>
    %mul3A_413 = arith.mulf %dot_general3A_407, %dot_general3A_407 : vector<256x128xf32>
    %reduce_sum3A_414 = arith.constant dense<0.000000e+00> : vector<128xf32>
    %reduce_sum3A_415 = vector.multi_reduction <add>, %mul3A_413, %reduce_sum3A_414 [0] : vector<256x128xf32> to vector<128xf32>
    %broadcast_in_dim3A_416 = vector.shape_cast %reduce_sum3A_415 : vector<128xf32> to vector<1x128xf32>
    %add3A_417 = arith.addf %add3A_395, %broadcast_in_dim3A_416 : vector<1x128xf32>
    %get3A_418 = arith.constant 0 : index
    %get3A_419 = arith.constant 19 : index
    %get3A_420 = arith.constant 0 : index
    %get3A_421 = vector.load %arg1[%get3A_418, %get3A_419, %get3A_420] : memref<256x32x128xf32, #tpu.memory_space<vmem>>, vector<256x1x64xf32>
    %get3A_422 = vector.shape_cast %get3A_421 : vector<256x1x64xf32> to vector<256x64xf32>
    %sub3A_423 = arith.subf %get3A_422, %slice3A : vector<256x64xf32>
    %concatenate3A_424 = tpu.concatenate %sub3A_423, %slice3A in 1 : vector<256x64xf32>, vector<256x64xf32> -> vector<256x128xf32>
    %get3A_425 = arith.constant 0 : index
    %get3A_426 = arith.constant 0 : index
    %get3A_427 = vector.load %arg3[%get3A_425, %get3A_426] : memref<128x128xf32, #tpu.memory_space<vmem>>, vector<128x128xf32>
    %dot_general3A_428 = arith.constant dense<0.000000e+00> : vector<256x128xf32>
    %dot_general3A_429 = tpu.matmul %concatenate3A_424, %get3A_427, %dot_general3A_428 {dimension_numbers = #tpu.dot_dimension_numbers<[1], [0], [0], [1], [0, 0, 1, 1], [], []>, transpose_lhs_hint = false} : vector<256x128xf32>, vector<128x128xf32>, vector<256x128xf32> -> vector<256x128xf32>
    %max3A_430 = arith.maximumf %max3A_408, %dot_general3A_429 : vector<256x128xf32>
    %reduce_sum3A_431 = arith.constant dense<0.000000e+00> : vector<128xf32>
    %reduce_sum3A_432 = vector.multi_reduction <add>, %dot_general3A_429, %reduce_sum3A_431 [0] : vector<256x128xf32> to vector<128xf32>
    %broadcast_in_dim3A_433 = vector.shape_cast %reduce_sum3A_432 : vector<128xf32> to vector<1x128xf32>
    %add3A_434 = arith.addf %add3A_412, %broadcast_in_dim3A_433 : vector<1x128xf32>
    %mul3A_435 = arith.mulf %dot_general3A_429, %dot_general3A_429 : vector<256x128xf32>
    %reduce_sum3A_436 = arith.constant dense<0.000000e+00> : vector<128xf32>
    %reduce_sum3A_437 = vector.multi_reduction <add>, %mul3A_435, %reduce_sum3A_436 [0] : vector<256x128xf32> to vector<128xf32>
    %broadcast_in_dim3A_438 = vector.shape_cast %reduce_sum3A_437 : vector<128xf32> to vector<1x128xf32>
    %add3A_439 = arith.addf %add3A_417, %broadcast_in_dim3A_438 : vector<1x128xf32>
    %get3A_440 = arith.constant 0 : index
    %get3A_441 = arith.constant 20 : index
    %get3A_442 = arith.constant 0 : index
    %get3A_443 = vector.load %arg1[%get3A_440, %get3A_441, %get3A_442] : memref<256x32x128xf32, #tpu.memory_space<vmem>>, vector<256x1x64xf32>
    %get3A_444 = vector.shape_cast %get3A_443 : vector<256x1x64xf32> to vector<256x64xf32>
    %sub3A_445 = arith.subf %get3A_444, %slice3A : vector<256x64xf32>
    %concatenate3A_446 = tpu.concatenate %sub3A_445, %slice3A in 1 : vector<256x64xf32>, vector<256x64xf32> -> vector<256x128xf32>
    %get3A_447 = arith.constant 0 : index
    %get3A_448 = arith.constant 0 : index
    %get3A_449 = vector.load %arg3[%get3A_447, %get3A_448] : memref<128x128xf32, #tpu.memory_space<vmem>>, vector<128x128xf32>
    %dot_general3A_450 = arith.constant dense<0.000000e+00> : vector<256x128xf32>
    %dot_general3A_451 = tpu.matmul %concatenate3A_446, %get3A_449, %dot_general3A_450 {dimension_numbers = #tpu.dot_dimension_numbers<[1], [0], [0], [1], [0, 0, 1, 1], [], []>, transpose_lhs_hint = false} : vector<256x128xf32>, vector<128x128xf32>, vector<256x128xf32> -> vector<256x128xf32>
    %max3A_452 = arith.maximumf %max3A_430, %dot_general3A_451 : vector<256x128xf32>
    %reduce_sum3A_453 = arith.constant dense<0.000000e+00> : vector<128xf32>
    %reduce_sum3A_454 = vector.multi_reduction <add>, %dot_general3A_451, %reduce_sum3A_453 [0] : vector<256x128xf32> to vector<128xf32>
    %broadcast_in_dim3A_455 = vector.shape_cast %reduce_sum3A_454 : vector<128xf32> to vector<1x128xf32>
    %add3A_456 = arith.addf %add3A_434, %broadcast_in_dim3A_455 : vector<1x128xf32>
    %mul3A_457 = arith.mulf %dot_general3A_451, %dot_general3A_451 : vector<256x128xf32>
    %reduce_sum3A_458 = arith.constant dense<0.000000e+00> : vector<128xf32>
    %reduce_sum3A_459 = vector.multi_reduction <add>, %mul3A_457, %reduce_sum3A_458 [0] : vector<256x128xf32> to vector<128xf32>
    %broadcast_in_dim3A_460 = vector.shape_cast %reduce_sum3A_459 : vector<128xf32> to vector<1x128xf32>
    %add3A_461 = arith.addf %add3A_439, %broadcast_in_dim3A_460 : vector<1x128xf32>
    %get3A_462 = arith.constant 0 : index
    %get3A_463 = arith.constant 21 : index
    %get3A_464 = arith.constant 0 : index
    %get3A_465 = vector.load %arg1[%get3A_462, %get3A_463, %get3A_464] : memref<256x32x128xf32, #tpu.memory_space<vmem>>, vector<256x1x64xf32>
    %get3A_466 = vector.shape_cast %get3A_465 : vector<256x1x64xf32> to vector<256x64xf32>
    %sub3A_467 = arith.subf %get3A_466, %slice3A : vector<256x64xf32>
    %concatenate3A_468 = tpu.concatenate %sub3A_467, %slice3A in 1 : vector<256x64xf32>, vector<256x64xf32> -> vector<256x128xf32>
    %get3A_469 = arith.constant 0 : index
    %get3A_470 = arith.constant 0 : index
    %get3A_471 = vector.load %arg3[%get3A_469, %get3A_470] : memref<128x128xf32, #tpu.memory_space<vmem>>, vector<128x128xf32>
    %dot_general3A_472 = arith.constant dense<0.000000e+00> : vector<256x128xf32>
    %dot_general3A_473 = tpu.matmul %concatenate3A_468, %get3A_471, %dot_general3A_472 {dimension_numbers = #tpu.dot_dimension_numbers<[1], [0], [0], [1], [0, 0, 1, 1], [], []>, transpose_lhs_hint = false} : vector<256x128xf32>, vector<128x128xf32>, vector<256x128xf32> -> vector<256x128xf32>
    %max3A_474 = arith.maximumf %max3A_452, %dot_general3A_473 : vector<256x128xf32>
    %reduce_sum3A_475 = arith.constant dense<0.000000e+00> : vector<128xf32>
    %reduce_sum3A_476 = vector.multi_reduction <add>, %dot_general3A_473, %reduce_sum3A_475 [0] : vector<256x128xf32> to vector<128xf32>
    %broadcast_in_dim3A_477 = vector.shape_cast %reduce_sum3A_476 : vector<128xf32> to vector<1x128xf32>
    %add3A_478 = arith.addf %add3A_456, %broadcast_in_dim3A_477 : vector<1x128xf32>
    %mul3A_479 = arith.mulf %dot_general3A_473, %dot_general3A_473 : vector<256x128xf32>
    %reduce_sum3A_480 = arith.constant dense<0.000000e+00> : vector<128xf32>
    %reduce_sum3A_481 = vector.multi_reduction <add>, %mul3A_479, %reduce_sum3A_480 [0] : vector<256x128xf32> to vector<128xf32>
    %broadcast_in_dim3A_482 = vector.shape_cast %reduce_sum3A_481 : vector<128xf32> to vector<1x128xf32>
    %add3A_483 = arith.addf %add3A_461, %broadcast_in_dim3A_482 : vector<1x128xf32>
    %get3A_484 = arith.constant 0 : index
    %get3A_485 = arith.constant 22 : index
    %get3A_486 = arith.constant 0 : index
    %get3A_487 = vector.load %arg1[%get3A_484, %get3A_485, %get3A_486] : memref<256x32x128xf32, #tpu.memory_space<vmem>>, vector<256x1x64xf32>
    %get3A_488 = vector.shape_cast %get3A_487 : vector<256x1x64xf32> to vector<256x64xf32>
    %sub3A_489 = arith.subf %get3A_488, %slice3A : vector<256x64xf32>
    %concatenate3A_490 = tpu.concatenate %sub3A_489, %slice3A in 1 : vector<256x64xf32>, vector<256x64xf32> -> vector<256x128xf32>
    %get3A_491 = arith.constant 0 : index
    %get3A_492 = arith.constant 0 : index
    %get3A_493 = vector.load %arg3[%get3A_491, %get3A_492] : memref<128x128xf32, #tpu.memory_space<vmem>>, vector<128x128xf32>
    %dot_general3A_494 = arith.constant dense<0.000000e+00> : vector<256x128xf32>
    %dot_general3A_495 = tpu.matmul %concatenate3A_490, %get3A_493, %dot_general3A_494 {dimension_numbers = #tpu.dot_dimension_numbers<[1], [0], [0], [1], [0, 0, 1, 1], [], []>, transpose_lhs_hint = false} : vector<256x128xf32>, vector<128x128xf32>, vector<256x128xf32> -> vector<256x128xf32>
    %max3A_496 = arith.maximumf %max3A_474, %dot_general3A_495 : vector<256x128xf32>
    %reduce_sum3A_497 = arith.constant dense<0.000000e+00> : vector<128xf32>
    %reduce_sum3A_498 = vector.multi_reduction <add>, %dot_general3A_495, %reduce_sum3A_497 [0] : vector<256x128xf32> to vector<128xf32>
    %broadcast_in_dim3A_499 = vector.shape_cast %reduce_sum3A_498 : vector<128xf32> to vector<1x128xf32>
    %add3A_500 = arith.addf %add3A_478, %broadcast_in_dim3A_499 : vector<1x128xf32>
    %mul3A_501 = arith.mulf %dot_general3A_495, %dot_general3A_495 : vector<256x128xf32>
    %reduce_sum3A_502 = arith.constant dense<0.000000e+00> : vector<128xf32>
    %reduce_sum3A_503 = vector.multi_reduction <add>, %mul3A_501, %reduce_sum3A_502 [0] : vector<256x128xf32> to vector<128xf32>
    %broadcast_in_dim3A_504 = vector.shape_cast %reduce_sum3A_503 : vector<128xf32> to vector<1x128xf32>
    %add3A_505 = arith.addf %add3A_483, %broadcast_in_dim3A_504 : vector<1x128xf32>
    %get3A_506 = arith.constant 0 : index
    %get3A_507 = arith.constant 23 : index
    %get3A_508 = arith.constant 0 : index
    %get3A_509 = vector.load %arg1[%get3A_506, %get3A_507, %get3A_508] : memref<256x32x128xf32, #tpu.memory_space<vmem>>, vector<256x1x64xf32>
    %get3A_510 = vector.shape_cast %get3A_509 : vector<256x1x64xf32> to vector<256x64xf32>
    %sub3A_511 = arith.subf %get3A_510, %slice3A : vector<256x64xf32>
    %concatenate3A_512 = tpu.concatenate %sub3A_511, %slice3A in 1 : vector<256x64xf32>, vector<256x64xf32> -> vector<256x128xf32>
    %get3A_513 = arith.constant 0 : index
    %get3A_514 = arith.constant 0 : index
    %get3A_515 = vector.load %arg3[%get3A_513, %get3A_514] : memref<128x128xf32, #tpu.memory_space<vmem>>, vector<128x128xf32>
    %dot_general3A_516 = arith.constant dense<0.000000e+00> : vector<256x128xf32>
    %dot_general3A_517 = tpu.matmul %concatenate3A_512, %get3A_515, %dot_general3A_516 {dimension_numbers = #tpu.dot_dimension_numbers<[1], [0], [0], [1], [0, 0, 1, 1], [], []>, transpose_lhs_hint = false} : vector<256x128xf32>, vector<128x128xf32>, vector<256x128xf32> -> vector<256x128xf32>
    %max3A_518 = arith.maximumf %max3A_496, %dot_general3A_517 : vector<256x128xf32>
    %reduce_sum3A_519 = arith.constant dense<0.000000e+00> : vector<128xf32>
    %reduce_sum3A_520 = vector.multi_reduction <add>, %dot_general3A_517, %reduce_sum3A_519 [0] : vector<256x128xf32> to vector<128xf32>
    %broadcast_in_dim3A_521 = vector.shape_cast %reduce_sum3A_520 : vector<128xf32> to vector<1x128xf32>
    %add3A_522 = arith.addf %add3A_500, %broadcast_in_dim3A_521 : vector<1x128xf32>
    %mul3A_523 = arith.mulf %dot_general3A_517, %dot_general3A_517 : vector<256x128xf32>
    %reduce_sum3A_524 = arith.constant dense<0.000000e+00> : vector<128xf32>
    %reduce_sum3A_525 = vector.multi_reduction <add>, %mul3A_523, %reduce_sum3A_524 [0] : vector<256x128xf32> to vector<128xf32>
    %broadcast_in_dim3A_526 = vector.shape_cast %reduce_sum3A_525 : vector<128xf32> to vector<1x128xf32>
    %add3A_527 = arith.addf %add3A_505, %broadcast_in_dim3A_526 : vector<1x128xf32>
    %get3A_528 = arith.constant 0 : index
    %get3A_529 = arith.constant 24 : index
    %get3A_530 = arith.constant 0 : index
    %get3A_531 = vector.load %arg1[%get3A_528, %get3A_529, %get3A_530] : memref<256x32x128xf32, #tpu.memory_space<vmem>>, vector<256x1x64xf32>
    %get3A_532 = vector.shape_cast %get3A_531 : vector<256x1x64xf32> to vector<256x64xf32>
    %sub3A_533 = arith.subf %get3A_532, %slice3A : vector<256x64xf32>
    %concatenate3A_534 = tpu.concatenate %sub3A_533, %slice3A in 1 : vector<256x64xf32>, vector<256x64xf32> -> vector<256x128xf32>
    %get3A_535 = arith.constant 0 : index
    %get3A_536 = arith.constant 0 : index
    %get3A_537 = vector.load %arg3[%get3A_535, %get3A_536] : memref<128x128xf32, #tpu.memory_space<vmem>>, vector<128x128xf32>
    %dot_general3A_538 = arith.constant dense<0.000000e+00> : vector<256x128xf32>
    %dot_general3A_539 = tpu.matmul %concatenate3A_534, %get3A_537, %dot_general3A_538 {dimension_numbers = #tpu.dot_dimension_numbers<[1], [0], [0], [1], [0, 0, 1, 1], [], []>, transpose_lhs_hint = false} : vector<256x128xf32>, vector<128x128xf32>, vector<256x128xf32> -> vector<256x128xf32>
    %max3A_540 = arith.maximumf %max3A_518, %dot_general3A_539 : vector<256x128xf32>
    %reduce_sum3A_541 = arith.constant dense<0.000000e+00> : vector<128xf32>
    %reduce_sum3A_542 = vector.multi_reduction <add>, %dot_general3A_539, %reduce_sum3A_541 [0] : vector<256x128xf32> to vector<128xf32>
    %broadcast_in_dim3A_543 = vector.shape_cast %reduce_sum3A_542 : vector<128xf32> to vector<1x128xf32>
    %add3A_544 = arith.addf %add3A_522, %broadcast_in_dim3A_543 : vector<1x128xf32>
    %mul3A_545 = arith.mulf %dot_general3A_539, %dot_general3A_539 : vector<256x128xf32>
    %reduce_sum3A_546 = arith.constant dense<0.000000e+00> : vector<128xf32>
    %reduce_sum3A_547 = vector.multi_reduction <add>, %mul3A_545, %reduce_sum3A_546 [0] : vector<256x128xf32> to vector<128xf32>
    %broadcast_in_dim3A_548 = vector.shape_cast %reduce_sum3A_547 : vector<128xf32> to vector<1x128xf32>
    %add3A_549 = arith.addf %add3A_527, %broadcast_in_dim3A_548 : vector<1x128xf32>
    %get3A_550 = arith.constant 0 : index
    %get3A_551 = arith.constant 25 : index
    %get3A_552 = arith.constant 0 : index
    %get3A_553 = vector.load %arg1[%get3A_550, %get3A_551, %get3A_552] : memref<256x32x128xf32, #tpu.memory_space<vmem>>, vector<256x1x64xf32>
    %get3A_554 = vector.shape_cast %get3A_553 : vector<256x1x64xf32> to vector<256x64xf32>
    %sub3A_555 = arith.subf %get3A_554, %slice3A : vector<256x64xf32>
    %concatenate3A_556 = tpu.concatenate %sub3A_555, %slice3A in 1 : vector<256x64xf32>, vector<256x64xf32> -> vector<256x128xf32>
    %get3A_557 = arith.constant 0 : index
    %get3A_558 = arith.constant 0 : index
    %get3A_559 = vector.load %arg3[%get3A_557, %get3A_558] : memref<128x128xf32, #tpu.memory_space<vmem>>, vector<128x128xf32>
    %dot_general3A_560 = arith.constant dense<0.000000e+00> : vector<256x128xf32>
    %dot_general3A_561 = tpu.matmul %concatenate3A_556, %get3A_559, %dot_general3A_560 {dimension_numbers = #tpu.dot_dimension_numbers<[1], [0], [0], [1], [0, 0, 1, 1], [], []>, transpose_lhs_hint = false} : vector<256x128xf32>, vector<128x128xf32>, vector<256x128xf32> -> vector<256x128xf32>
    %max3A_562 = arith.maximumf %max3A_540, %dot_general3A_561 : vector<256x128xf32>
    %reduce_sum3A_563 = arith.constant dense<0.000000e+00> : vector<128xf32>
    %reduce_sum3A_564 = vector.multi_reduction <add>, %dot_general3A_561, %reduce_sum3A_563 [0] : vector<256x128xf32> to vector<128xf32>
    %broadcast_in_dim3A_565 = vector.shape_cast %reduce_sum3A_564 : vector<128xf32> to vector<1x128xf32>
    %add3A_566 = arith.addf %add3A_544, %broadcast_in_dim3A_565 : vector<1x128xf32>
    %mul3A_567 = arith.mulf %dot_general3A_561, %dot_general3A_561 : vector<256x128xf32>
    %reduce_sum3A_568 = arith.constant dense<0.000000e+00> : vector<128xf32>
    %reduce_sum3A_569 = vector.multi_reduction <add>, %mul3A_567, %reduce_sum3A_568 [0] : vector<256x128xf32> to vector<128xf32>
    %broadcast_in_dim3A_570 = vector.shape_cast %reduce_sum3A_569 : vector<128xf32> to vector<1x128xf32>
    %add3A_571 = arith.addf %add3A_549, %broadcast_in_dim3A_570 : vector<1x128xf32>
    %get3A_572 = arith.constant 0 : index
    %get3A_573 = arith.constant 26 : index
    %get3A_574 = arith.constant 0 : index
    %get3A_575 = vector.load %arg1[%get3A_572, %get3A_573, %get3A_574] : memref<256x32x128xf32, #tpu.memory_space<vmem>>, vector<256x1x64xf32>
    %get3A_576 = vector.shape_cast %get3A_575 : vector<256x1x64xf32> to vector<256x64xf32>
    %sub3A_577 = arith.subf %get3A_576, %slice3A : vector<256x64xf32>
    %concatenate3A_578 = tpu.concatenate %sub3A_577, %slice3A in 1 : vector<256x64xf32>, vector<256x64xf32> -> vector<256x128xf32>
    %get3A_579 = arith.constant 0 : index
    %get3A_580 = arith.constant 0 : index
    %get3A_581 = vector.load %arg3[%get3A_579, %get3A_580] : memref<128x128xf32, #tpu.memory_space<vmem>>, vector<128x128xf32>
    %dot_general3A_582 = arith.constant dense<0.000000e+00> : vector<256x128xf32>
    %dot_general3A_583 = tpu.matmul %concatenate3A_578, %get3A_581, %dot_general3A_582 {dimension_numbers = #tpu.dot_dimension_numbers<[1], [0], [0], [1], [0, 0, 1, 1], [], []>, transpose_lhs_hint = false} : vector<256x128xf32>, vector<128x128xf32>, vector<256x128xf32> -> vector<256x128xf32>
    %max3A_584 = arith.maximumf %max3A_562, %dot_general3A_583 : vector<256x128xf32>
    %reduce_sum3A_585 = arith.constant dense<0.000000e+00> : vector<128xf32>
    %reduce_sum3A_586 = vector.multi_reduction <add>, %dot_general3A_583, %reduce_sum3A_585 [0] : vector<256x128xf32> to vector<128xf32>
    %broadcast_in_dim3A_587 = vector.shape_cast %reduce_sum3A_586 : vector<128xf32> to vector<1x128xf32>
    %add3A_588 = arith.addf %add3A_566, %broadcast_in_dim3A_587 : vector<1x128xf32>
    %mul3A_589 = arith.mulf %dot_general3A_583, %dot_general3A_583 : vector<256x128xf32>
    %reduce_sum3A_590 = arith.constant dense<0.000000e+00> : vector<128xf32>
    %reduce_sum3A_591 = vector.multi_reduction <add>, %mul3A_589, %reduce_sum3A_590 [0] : vector<256x128xf32> to vector<128xf32>
    %broadcast_in_dim3A_592 = vector.shape_cast %reduce_sum3A_591 : vector<128xf32> to vector<1x128xf32>
    %add3A_593 = arith.addf %add3A_571, %broadcast_in_dim3A_592 : vector<1x128xf32>
    %get3A_594 = arith.constant 0 : index
    %get3A_595 = arith.constant 27 : index
    %get3A_596 = arith.constant 0 : index
    %get3A_597 = vector.load %arg1[%get3A_594, %get3A_595, %get3A_596] : memref<256x32x128xf32, #tpu.memory_space<vmem>>, vector<256x1x64xf32>
    %get3A_598 = vector.shape_cast %get3A_597 : vector<256x1x64xf32> to vector<256x64xf32>
    %sub3A_599 = arith.subf %get3A_598, %slice3A : vector<256x64xf32>
    %concatenate3A_600 = tpu.concatenate %sub3A_599, %slice3A in 1 : vector<256x64xf32>, vector<256x64xf32> -> vector<256x128xf32>
    %get3A_601 = arith.constant 0 : index
    %get3A_602 = arith.constant 0 : index
    %get3A_603 = vector.load %arg3[%get3A_601, %get3A_602] : memref<128x128xf32, #tpu.memory_space<vmem>>, vector<128x128xf32>
    %dot_general3A_604 = arith.constant dense<0.000000e+00> : vector<256x128xf32>
    %dot_general3A_605 = tpu.matmul %concatenate3A_600, %get3A_603, %dot_general3A_604 {dimension_numbers = #tpu.dot_dimension_numbers<[1], [0], [0], [1], [0, 0, 1, 1], [], []>, transpose_lhs_hint = false} : vector<256x128xf32>, vector<128x128xf32>, vector<256x128xf32> -> vector<256x128xf32>
    %max3A_606 = arith.maximumf %max3A_584, %dot_general3A_605 : vector<256x128xf32>
    %reduce_sum3A_607 = arith.constant dense<0.000000e+00> : vector<128xf32>
    %reduce_sum3A_608 = vector.multi_reduction <add>, %dot_general3A_605, %reduce_sum3A_607 [0] : vector<256x128xf32> to vector<128xf32>
    %broadcast_in_dim3A_609 = vector.shape_cast %reduce_sum3A_608 : vector<128xf32> to vector<1x128xf32>
    %add3A_610 = arith.addf %add3A_588, %broadcast_in_dim3A_609 : vector<1x128xf32>
    %mul3A_611 = arith.mulf %dot_general3A_605, %dot_general3A_605 : vector<256x128xf32>
    %reduce_sum3A_612 = arith.constant dense<0.000000e+00> : vector<128xf32>
    %reduce_sum3A_613 = vector.multi_reduction <add>, %mul3A_611, %reduce_sum3A_612 [0] : vector<256x128xf32> to vector<128xf32>
    %broadcast_in_dim3A_614 = vector.shape_cast %reduce_sum3A_613 : vector<128xf32> to vector<1x128xf32>
    %add3A_615 = arith.addf %add3A_593, %broadcast_in_dim3A_614 : vector<1x128xf32>
    %get3A_616 = arith.constant 0 : index
    %get3A_617 = arith.constant 28 : index
    %get3A_618 = arith.constant 0 : index
    %get3A_619 = vector.load %arg1[%get3A_616, %get3A_617, %get3A_618] : memref<256x32x128xf32, #tpu.memory_space<vmem>>, vector<256x1x64xf32>
    %get3A_620 = vector.shape_cast %get3A_619 : vector<256x1x64xf32> to vector<256x64xf32>
    %sub3A_621 = arith.subf %get3A_620, %slice3A : vector<256x64xf32>
    %concatenate3A_622 = tpu.concatenate %sub3A_621, %slice3A in 1 : vector<256x64xf32>, vector<256x64xf32> -> vector<256x128xf32>
    %get3A_623 = arith.constant 0 : index
    %get3A_624 = arith.constant 0 : index
    %get3A_625 = vector.load %arg3[%get3A_623, %get3A_624] : memref<128x128xf32, #tpu.memory_space<vmem>>, vector<128x128xf32>
    %dot_general3A_626 = arith.constant dense<0.000000e+00> : vector<256x128xf32>
    %dot_general3A_627 = tpu.matmul %concatenate3A_622, %get3A_625, %dot_general3A_626 {dimension_numbers = #tpu.dot_dimension_numbers<[1], [0], [0], [1], [0, 0, 1, 1], [], []>, transpose_lhs_hint = false} : vector<256x128xf32>, vector<128x128xf32>, vector<256x128xf32> -> vector<256x128xf32>
    %max3A_628 = arith.maximumf %max3A_606, %dot_general3A_627 : vector<256x128xf32>
    %reduce_sum3A_629 = arith.constant dense<0.000000e+00> : vector<128xf32>
    %reduce_sum3A_630 = vector.multi_reduction <add>, %dot_general3A_627, %reduce_sum3A_629 [0] : vector<256x128xf32> to vector<128xf32>
    %broadcast_in_dim3A_631 = vector.shape_cast %reduce_sum3A_630 : vector<128xf32> to vector<1x128xf32>
    %add3A_632 = arith.addf %add3A_610, %broadcast_in_dim3A_631 : vector<1x128xf32>
    %mul3A_633 = arith.mulf %dot_general3A_627, %dot_general3A_627 : vector<256x128xf32>
    %reduce_sum3A_634 = arith.constant dense<0.000000e+00> : vector<128xf32>
    %reduce_sum3A_635 = vector.multi_reduction <add>, %mul3A_633, %reduce_sum3A_634 [0] : vector<256x128xf32> to vector<128xf32>
    %broadcast_in_dim3A_636 = vector.shape_cast %reduce_sum3A_635 : vector<128xf32> to vector<1x128xf32>
    %add3A_637 = arith.addf %add3A_615, %broadcast_in_dim3A_636 : vector<1x128xf32>
    %get3A_638 = arith.constant 0 : index
    %get3A_639 = arith.constant 29 : index
    %get3A_640 = arith.constant 0 : index
    %get3A_641 = vector.load %arg1[%get3A_638, %get3A_639, %get3A_640] : memref<256x32x128xf32, #tpu.memory_space<vmem>>, vector<256x1x64xf32>
    %get3A_642 = vector.shape_cast %get3A_641 : vector<256x1x64xf32> to vector<256x64xf32>
    %sub3A_643 = arith.subf %get3A_642, %slice3A : vector<256x64xf32>
    %concatenate3A_644 = tpu.concatenate %sub3A_643, %slice3A in 1 : vector<256x64xf32>, vector<256x64xf32> -> vector<256x128xf32>
    %get3A_645 = arith.constant 0 : index
    %get3A_646 = arith.constant 0 : index
    %get3A_647 = vector.load %arg3[%get3A_645, %get3A_646] : memref<128x128xf32, #tpu.memory_space<vmem>>, vector<128x128xf32>
    %dot_general3A_648 = arith.constant dense<0.000000e+00> : vector<256x128xf32>
    %dot_general3A_649 = tpu.matmul %concatenate3A_644, %get3A_647, %dot_general3A_648 {dimension_numbers = #tpu.dot_dimension_numbers<[1], [0], [0], [1], [0, 0, 1, 1], [], []>, transpose_lhs_hint = false} : vector<256x128xf32>, vector<128x128xf32>, vector<256x128xf32> -> vector<256x128xf32>
    %max3A_650 = arith.maximumf %max3A_628, %dot_general3A_649 : vector<256x128xf32>
    %reduce_sum3A_651 = arith.constant dense<0.000000e+00> : vector<128xf32>
    %reduce_sum3A_652 = vector.multi_reduction <add>, %dot_general3A_649, %reduce_sum3A_651 [0] : vector<256x128xf32> to vector<128xf32>
    %broadcast_in_dim3A_653 = vector.shape_cast %reduce_sum3A_652 : vector<128xf32> to vector<1x128xf32>
    %add3A_654 = arith.addf %add3A_632, %broadcast_in_dim3A_653 : vector<1x128xf32>
    %mul3A_655 = arith.mulf %dot_general3A_649, %dot_general3A_649 : vector<256x128xf32>
    %reduce_sum3A_656 = arith.constant dense<0.000000e+00> : vector<128xf32>
    %reduce_sum3A_657 = vector.multi_reduction <add>, %mul3A_655, %reduce_sum3A_656 [0] : vector<256x128xf32> to vector<128xf32>
    %broadcast_in_dim3A_658 = vector.shape_cast %reduce_sum3A_657 : vector<128xf32> to vector<1x128xf32>
    %add3A_659 = arith.addf %add3A_637, %broadcast_in_dim3A_658 : vector<1x128xf32>
    %get3A_660 = arith.constant 0 : index
    %get3A_661 = arith.constant 30 : index
    %get3A_662 = arith.constant 0 : index
    %get3A_663 = vector.load %arg1[%get3A_660, %get3A_661, %get3A_662] : memref<256x32x128xf32, #tpu.memory_space<vmem>>, vector<256x1x64xf32>
    %get3A_664 = vector.shape_cast %get3A_663 : vector<256x1x64xf32> to vector<256x64xf32>
    %sub3A_665 = arith.subf %get3A_664, %slice3A : vector<256x64xf32>
    %concatenate3A_666 = tpu.concatenate %sub3A_665, %slice3A in 1 : vector<256x64xf32>, vector<256x64xf32> -> vector<256x128xf32>
    %get3A_667 = arith.constant 0 : index
    %get3A_668 = arith.constant 0 : index
    %get3A_669 = vector.load %arg3[%get3A_667, %get3A_668] : memref<128x128xf32, #tpu.memory_space<vmem>>, vector<128x128xf32>
    %dot_general3A_670 = arith.constant dense<0.000000e+00> : vector<256x128xf32>
    %dot_general3A_671 = tpu.matmul %concatenate3A_666, %get3A_669, %dot_general3A_670 {dimension_numbers = #tpu.dot_dimension_numbers<[1], [0], [0], [1], [0, 0, 1, 1], [], []>, transpose_lhs_hint = false} : vector<256x128xf32>, vector<128x128xf32>, vector<256x128xf32> -> vector<256x128xf32>
    %max3A_672 = arith.maximumf %max3A_650, %dot_general3A_671 : vector<256x128xf32>
    %reduce_sum3A_673 = arith.constant dense<0.000000e+00> : vector<128xf32>
    %reduce_sum3A_674 = vector.multi_reduction <add>, %dot_general3A_671, %reduce_sum3A_673 [0] : vector<256x128xf32> to vector<128xf32>
    %broadcast_in_dim3A_675 = vector.shape_cast %reduce_sum3A_674 : vector<128xf32> to vector<1x128xf32>
    %add3A_676 = arith.addf %add3A_654, %broadcast_in_dim3A_675 : vector<1x128xf32>
    %mul3A_677 = arith.mulf %dot_general3A_671, %dot_general3A_671 : vector<256x128xf32>
    %reduce_sum3A_678 = arith.constant dense<0.000000e+00> : vector<128xf32>
    %reduce_sum3A_679 = vector.multi_reduction <add>, %mul3A_677, %reduce_sum3A_678 [0] : vector<256x128xf32> to vector<128xf32>
    %broadcast_in_dim3A_680 = vector.shape_cast %reduce_sum3A_679 : vector<128xf32> to vector<1x128xf32>
    %add3A_681 = arith.addf %add3A_659, %broadcast_in_dim3A_680 : vector<1x128xf32>
    %get3A_682 = arith.constant 0 : index
    %get3A_683 = arith.constant 31 : index
    %get3A_684 = arith.constant 0 : index
    %get3A_685 = vector.load %arg1[%get3A_682, %get3A_683, %get3A_684] : memref<256x32x128xf32, #tpu.memory_space<vmem>>, vector<256x1x64xf32>
    %get3A_686 = vector.shape_cast %get3A_685 : vector<256x1x64xf32> to vector<256x64xf32>
    %sub3A_687 = arith.subf %get3A_686, %slice3A : vector<256x64xf32>
    %concatenate3A_688 = tpu.concatenate %sub3A_687, %slice3A in 1 : vector<256x64xf32>, vector<256x64xf32> -> vector<256x128xf32>
    %get3A_689 = arith.constant 0 : index
    %get3A_690 = arith.constant 0 : index
    %get3A_691 = vector.load %arg3[%get3A_689, %get3A_690] : memref<128x128xf32, #tpu.memory_space<vmem>>, vector<128x128xf32>
    %dot_general3A_692 = arith.constant dense<0.000000e+00> : vector<256x128xf32>
    %dot_general3A_693 = tpu.matmul %concatenate3A_688, %get3A_691, %dot_general3A_692 {dimension_numbers = #tpu.dot_dimension_numbers<[1], [0], [0], [1], [0, 0, 1, 1], [], []>, transpose_lhs_hint = false} : vector<256x128xf32>, vector<128x128xf32>, vector<256x128xf32> -> vector<256x128xf32>
    %max3A_694 = arith.maximumf %max3A_672, %dot_general3A_693 : vector<256x128xf32>
    %reduce_sum3A_695 = arith.constant dense<0.000000e+00> : vector<128xf32>
    %reduce_sum3A_696 = vector.multi_reduction <add>, %dot_general3A_693, %reduce_sum3A_695 [0] : vector<256x128xf32> to vector<128xf32>
    %broadcast_in_dim3A_697 = vector.shape_cast %reduce_sum3A_696 : vector<128xf32> to vector<1x128xf32>
    %add3A_698 = arith.addf %add3A_676, %broadcast_in_dim3A_697 : vector<1x128xf32>
    %mul3A_699 = arith.mulf %dot_general3A_693, %dot_general3A_693 : vector<256x128xf32>
    %reduce_sum3A_700 = arith.constant dense<0.000000e+00> : vector<128xf32>
    %reduce_sum3A_701 = vector.multi_reduction <add>, %mul3A_699, %reduce_sum3A_700 [0] : vector<256x128xf32> to vector<128xf32>
    %broadcast_in_dim3A_702 = vector.shape_cast %reduce_sum3A_701 : vector<128xf32> to vector<1x128xf32>
    %add3A_703 = arith.addf %add3A_681, %broadcast_in_dim3A_702 : vector<1x128xf32>
    %swap3A = arith.constant 0 : index
    %swap3A_704 = arith.constant 0 : index
    %swap3A_705 = vector.load %arg4[%swap3A, %swap3A_704] : memref<256x128xf32, #tpu.memory_space<vmem>>, vector<256x128xf32>
    tpu.vector_store %arg4[%swap3A, %swap3A_704], %max3A_694 {strides = array<i32>} : memref<256x128xf32, #tpu.memory_space<vmem>>, vector<256x128xf32>,
    %eq3A = arith.constant 0 : i32
    %eq3A_706 = arith.cmpi eq, %arg0, %eq3A : i32
    %convert_element_type3A = arith.extui %eq3A_706 : i1 to i32
    %cond3A = arith.constant 0 : i32
    %cond3A_707 = arith.cmpi ne, %convert_element_type3A, %cond3A : i32
    scf.if %cond3A_707 {
      %swap3A_712 = arith.constant 0 : index
      %swap3A_713 = arith.constant 0 : index
      %swap3A_714 = vector.load %arg5[%swap3A_712, %swap3A_713] : memref<1x128xf32, #tpu.memory_space<vmem>>, vector<1x128xf32>
      tpu.vector_store %arg5[%swap3A_712, %swap3A_713], %add3A_698 {strides = array<i32>} : memref<1x128xf32, #tpu.memory_space<vmem>>, vector<1x128xf32>,
      %swap3A_715 = arith.constant 0 : index
      %swap3A_716 = arith.constant 0 : index
      %swap3A_717 = vector.load %arg6[%swap3A_715, %swap3A_716] : memref<1x128xf32, #tpu.memory_space<vmem>>, vector<1x128xf32>
      tpu.vector_store %arg6[%swap3A_715, %swap3A_716], %add3A_703 {strides = array<i32>} : memref<1x128xf32, #tpu.memory_space<vmem>>, vector<1x128xf32>,
    } else {
    }
    %gt3A = arith.constant 0 : i32
    %gt3A_708 = arith.cmpi sgt, %arg0, %gt3A : i32
    %convert_element_type3A_709 = arith.extui %gt3A_708 : i1 to i32
    %cond3A_710 = arith.constant 0 : i32
    %cond3A_711 = arith.cmpi ne, %convert_element_type3A_709, %cond3A_710 : i32
    scf.if %cond3A_711 {
      %get3A_712 = arith.constant 0 : index
      %get3A_713 = arith.constant 0 : index
      %get3A_714 = vector.load %arg5[%get3A_712, %get3A_713] : memref<1x128xf32, #tpu.memory_space<vmem>>, vector<1x128xf32>
      %add3A_715 = arith.addf %get3A_714, %add3A_698 : vector<1x128xf32>
      %swap3A_716 = arith.constant 0 : index
      %swap3A_717 = arith.constant 0 : index
      %swap3A_718 = vector.load %arg5[%swap3A_716, %swap3A_717] : memref<1x128xf32, #tpu.memory_space<vmem>>, vector<1x128xf32>
      tpu.vector_store %arg5[%swap3A_716, %swap3A_717], %add3A_715 {strides = array<i32>} : memref<1x128xf32, #tpu.memory_space<vmem>>, vector<1x128xf32>,
      %get3A_719 = arith.constant 0 : index
      %get3A_720 = arith.constant 0 : index
      %get3A_721 = vector.load %arg6[%get3A_719, %get3A_720] : memref<1x128xf32, #tpu.memory_space<vmem>>, vector<1x128xf32>
      %add3A_722 = arith.addf %get3A_721, %add3A_703 : vector<1x128xf32>
      %swap3A_723 = arith.constant 0 : index
      %swap3A_724 = arith.constant 0 : index
      %swap3A_725 = vector.load %arg6[%swap3A_723, %swap3A_724] : memref<1x128xf32, #tpu.memory_space<vmem>>, vector<1x128xf32>
      tpu.vector_store %arg6[%swap3A_723, %swap3A_724], %add3A_722 {strides = array<i32>} : memref<1x128xf32, #tpu.memory_space<vmem>>, vector<1x128xf32>,
    } else {
    }
    return
  }
  func.func @transform_0(%arg0: i32) -> (i32, i32, i32) {
    %c0_i32 = arith.constant 0 : i32
    %c0_i32_0 = arith.constant 0 : i32
    %c0_i32_1 = arith.constant 0 : i32
    return %arg0, %c0_i32, %c0_i32_0 : i32, i32, i32
  }
  func.func @transform_1(%arg0: i32) -> (i32, i32) {
    %c0_i32 = arith.constant 0 : i32
    %c0_i32_0 = arith.constant 0 : i32
    return %arg0, %c0_i32 : i32, i32
  }
  func.func @transform_2(%arg0: i32) -> (i32, i32) {
    %c0_i32 = arith.constant 0 : i32
    %c0_i32_0 = arith.constant 0 : i32
    %c0_i32_1 = arith.constant 0 : i32
    return %c0_i32, %c0_i32_0 : i32, i32
  }
  func.func @transform_3(%arg0: i32) -> (i32, i32) {
    %c0_i32 = arith.constant 0 : i32
    %c0_i32_0 = arith.constant 0 : i32
    return %arg0, %c0_i32 : i32, i32
  }
  func.func @transform_4(%arg0: i32) -> (i32, i32) {
    %c0_i32 = arith.constant 0 : i32
    %c0_i32_0 = arith.constant 0 : i32
    %c0_i32_1 = arith.constant 0 : i32
    return %c0_i32, %c0_i32_0 : i32, i32
  }
  func.func @transform_5(%arg0: i32) -> (i32, i32) {
    %c0_i32 = arith.constant 0 : i32
    %c0_i32_0 = arith.constant 0 : i32
    %c0_i32_1 = arith.constant 0 : i32
    return %c0_i32, %c0_i32_0 : i32, i32
  }
}

module attributes {stable_mosaic.version = 14 : i64} {
  func.func @body(%arg0: i32, %arg1: memref<256x128xf32, #tpu.memory_space<vmem>>, %arg2: memref<1x128xf32, #tpu.memory_space<vmem>>, %arg3: memref<1x128xf32, #tpu.memory_space<vmem>>, %arg4: memref<256x128xf32, #tpu.memory_space<vmem>>) attributes {dimension_semantics = [#tpu.dimension_semantics<arbitrary>], iteration_bounds = array<i64: 32>, scalar_prefetch = 0 : i64, scratch_operands = 0 : i64, tpu.core_type = #tpu.core_type<tc>, window_params = [{transform_indices = @transform_0, window_bounds = array<i64: 256, 128>}, {pipeline_mode = #tpu.pipeline_mode<synchronous>, transform_indices = @transform_1, window_bounds = array<i64: 1, 128>}, {pipeline_mode = #tpu.pipeline_mode<synchronous>, transform_indices = @transform_2, window_bounds = array<i64: 1, 128>}, {transform_indices = @transform_3, window_bounds = array<i64: 256, 128>}]} {
    %get3A = arith.constant 0 : index
    %get3A_0 = arith.constant 0 : index
    %get3A_1 = vector.load %arg1[%get3A, %get3A_0] : memref<256x128xf32, #tpu.memory_space<vmem>>, vector<256x128xf32>
    %get3A_2 = arith.constant 0 : index
    %get3A_3 = arith.constant 0 : index
    %get3A_4 = vector.load %arg2[%get3A_2, %get3A_3] : memref<1x128xf32, #tpu.memory_space<vmem>>, vector<1x128xf32>
    %sub3A = vector.broadcast %get3A_4 : vector<1x128xf32> to vector<256x128xf32>
    %sub3A_5 = arith.subf %get3A_1, %sub3A : vector<256x128xf32>
    %get3A_6 = arith.constant 0 : index
    %get3A_7 = arith.constant 0 : index
    %get3A_8 = vector.load %arg3[%get3A_6, %get3A_7] : memref<1x128xf32, #tpu.memory_space<vmem>>, vector<1x128xf32>
    %div3A = vector.broadcast %get3A_8 : vector<1x128xf32> to vector<256x128xf32>
    %div3A_9 = arith.divf %sub3A_5, %div3A : vector<256x128xf32>
    %ge3A = arith.constant 0.000000e+00 : f32
    %ge3A_10 = vector.broadcast %ge3A : f32 to vector<256x128xf32>
    %ge3A_11 = arith.cmpf oge, %div3A_9, %ge3A_10 : vector<256x128xf32>
    %mul3A = arith.constant 2.000000e-01 : f32
    %mul3A_12 = vector.broadcast %mul3A : f32 to vector<256x128xf32>
    %mul3A_13 = arith.mulf %mul3A_12, %div3A_9 : vector<256x128xf32>
    %select_n3A = arith.select %ge3A_11, %div3A_9, %mul3A_13 : vector<256x128xi1>, vector<256x128xf32>
    %swap3A = arith.constant 0 : index
    %swap3A_14 = arith.constant 0 : index
    %swap3A_15 = vector.load %arg4[%swap3A, %swap3A_14] : memref<256x128xf32, #tpu.memory_space<vmem>>, vector<256x128xf32>
    tpu.vector_store %arg4[%swap3A, %swap3A_14], %select_n3A {strides = array<i32>} : memref<256x128xf32, #tpu.memory_space<vmem>>, vector<256x128xf32>,
    return
  }
  func.func @transform_0(%arg0: i32) -> (i32, i32) {
    %c0_i32 = arith.constant 0 : i32
    %c0_i32_0 = arith.constant 0 : i32
    return %arg0, %c0_i32 : i32, i32
  }
  func.func @transform_1(%arg0: i32) -> (i32, i32) {
    %c0_i32 = arith.constant 0 : i32
    %c0_i32_0 = arith.constant 0 : i32
    %c0_i32_1 = arith.constant 0 : i32
    return %c0_i32, %c0_i32_0 : i32, i32
  }
  func.func @transform_2(%arg0: i32) -> (i32, i32) {
    %c0_i32 = arith.constant 0 : i32
    %c0_i32_0 = arith.constant 0 : i32
    %c0_i32_1 = arith.constant 0 : i32
    return %c0_i32, %c0_i32_0 : i32, i32
  }
  func.func @transform_3(%arg0: i32) -> (i32, i32) {
    %c0_i32 = arith.constant 0 : i32
    %c0_i32_0 = arith.constant 0 : i32
    return %arg0, %c0_i32 : i32, i32
  }
}

module attributes {stable_mosaic.version = 14 : i64} {
  func.func @body(%arg0: i32, %arg1: i32, %arg2: memref<1x256x128xf32, #tpu.memory_space<vmem>>, %arg3: memref<1x128x1024xf32, #tpu.memory_space<vmem>>, %arg4: memref<1x256x32xi32, #tpu.memory_space<vmem>>) attributes {dimension_semantics = [#tpu.dimension_semantics<arbitrary>, #tpu.dimension_semantics<arbitrary>], iteration_bounds = array<i64: 8, 4>, scalar_prefetch = 0 : i64, scratch_operands = 0 : i64, tpu.core_type = #tpu.core_type<tc>, window_params = [{transform_indices = @transform_0, window_bounds = array<i64: 1, 256, 128>}, {transform_indices = @transform_1, window_bounds = array<i64: 1, 128, 1024>}, {transform_indices = @transform_2, window_bounds = array<i64: 1, 256, 32>}]} {
    %get3A = arith.constant 0 : index
    %get3A_0 = arith.constant 0 : index
    %get3A_1 = arith.constant 0 : index
    %get3A_2 = vector.load %arg2[%get3A, %get3A_0, %get3A_1] : memref<1x256x128xf32, #tpu.memory_space<vmem>>, vector<1x256x128xf32>
    %get3A_3 = vector.shape_cast %get3A_2 : vector<1x256x128xf32> to vector<256x128xf32>
    %get3A_4 = arith.constant 0 : index
    %get3A_5 = arith.constant 0 : index
    %get3A_6 = arith.constant 0 : index
    %get3A_7 = vector.load %arg3[%get3A_4, %get3A_5, %get3A_6] : memref<1x128x1024xf32, #tpu.memory_space<vmem>>, vector<1x128x1024xf32>
    %get3A_8 = vector.shape_cast %get3A_7 : vector<1x128x1024xf32> to vector<128x1024xf32>
    %dot_general3A = arith.constant dense<0.000000e+00> : vector<256x1024xf32>
    %dot_general3A_9 = tpu.matmul %get3A_3, %get3A_8, %dot_general3A {dimension_numbers = #tpu.dot_dimension_numbers<[1], [0], [0], [1], [0, 0, 1, 1], [], []>, transpose_lhs_hint = false} : vector<256x128xf32>, vector<128x1024xf32>, vector<256x1024xf32> -> vector<256x1024xf32>
    %mul3A = arith.constant -2.000000e+00 : f32
    %mul3A_10 = vector.broadcast %mul3A : f32 to vector<256x1024xf32>
    %mul3A_11 = arith.mulf %mul3A_10, %dot_general3A_9 : vector<256x1024xf32>
    %mul3A_12 = arith.mulf %get3A_3, %get3A_3 : vector<256x128xf32>
    %reduce_sum3A = arith.constant dense<0.000000e+00> : vector<256xf32>
    %reduce_sum3A_13 = vector.multi_reduction <add>, %mul3A_12, %reduce_sum3A [1] : vector<256x128xf32> to vector<256xf32>
    %broadcast_in_dim3A = vector.shape_cast %reduce_sum3A_13 : vector<256xf32> to vector<256x1xf32>
    %mul3A_14 = arith.mulf %get3A_8, %get3A_8 : vector<128x1024xf32>
    %reduce_sum3A_15 = arith.constant dense<0.000000e+00> : vector<1024xf32>
    %reduce_sum3A_16 = vector.multi_reduction <add>, %mul3A_14, %reduce_sum3A_15 [0] : vector<128x1024xf32> to vector<1024xf32>
    %broadcast_in_dim3A_17 = vector.shape_cast %reduce_sum3A_16 : vector<1024xf32> to vector<1x1024xf32>
    %neg3A = arith.constant 0.000000e+00 : f32
    %neg3A_18 = vector.broadcast %neg3A : f32 to vector<1x1024xf32>
    %neg3A_19 = arith.subf %neg3A_18, %broadcast_in_dim3A_17 : vector<1x1024xf32>
    %sub3A = vector.broadcast %neg3A_19 : vector<1x1024xf32> to vector<256x1024xf32>
    %sub3A_20 = arith.subf %sub3A, %mul3A_11 : vector<256x1024xf32>
    %sub3A_21 = vector.broadcast %broadcast_in_dim3A : vector<256x1xf32> to vector<256x1024xf32>
    %sub3A_22 = arith.subf %sub3A_20, %sub3A_21 : vector<256x1024xf32>
    %iota3A = tpu.iota {dimensions = array<i32: 1>} : vector<256x1024xi32>
    %iota3A_23 = tpu.iota {dimensions = array<i32: 1>} : vector<256x32xi32>
    %broadcast_in_dim3A_24 = arith.constant 0 : i32
    %broadcast_in_dim3A_25 = vector.broadcast %broadcast_in_dim3A_24 : i32 to vector<256x32xi32>
    %scan3A = arith.constant 0 : i32
    %scan3A_26 = arith.constant 32 : i32
    %scan3A_27 = arith.addi %scan3A, %scan3A_26 : i32
    %scan3A_28 = arith.constant 1 : i32
    %scan3A_29:2 = scf.for %scan3A_39 = %scan3A to %scan3A_27 step %scan3A_28 iter_args(%scan3A_40 = %sub3A_22, %scan3A_41 = %broadcast_in_dim3A_25) -> (vector<256x1024xf32>, vector<256x32xi32>)  : i32 {
      %reduce_max3A = arith.constant dense<0xFF800000> : vector<256xf32>
      %reduce_max3A_42 = vector.multi_reduction <maximumf>, %scan3A_40, %reduce_max3A [1] : vector<256x1024xf32> to vector<256xf32>
      %broadcast_in_dim3A_43 = vector.shape_cast %reduce_max3A_42 : vector<256xf32> to vector<256x1xf32>
      %eq3A = vector.broadcast %broadcast_in_dim3A_43 : vector<256x1xf32> to vector<256x1024xf32>
      %eq3A_44 = arith.cmpf oeq, %scan3A_40, %eq3A : vector<256x1024xf32>
      %jit3A = arith.constant 1024 : i32
      %broadcast_in_dim3A_45 = vector.broadcast %jit3A : i32 to vector<256x1024xi32>
      %select_n3A = arith.select %eq3A_44, %iota3A, %broadcast_in_dim3A_45 : vector<256x1024xi1>, vector<256x1024xi32>
      %reduce_min3A = arith.constant dense<2147483647> : vector<256xi32>
      %reduce_min3A_46 = vector.multi_reduction <minsi>, %select_n3A, %reduce_min3A [1] : vector<256x1024xi32> to vector<256xi32>
      %broadcast_in_dim3A_47 = vector.shape_cast %reduce_min3A_46 : vector<256xi32> to vector<256x1xi32>
      %eq3A_48 = vector.broadcast %scan3A_39 : i32 to vector<256x32xi32>
      %eq3A_49 = arith.cmpi eq, %iota3A_23, %eq3A_48 : vector<256x32xi32>
      %broadcast_in_dim3A_50 = vector.shape_cast %broadcast_in_dim3A_47 : vector<256x1xi32> to vector<256x1xi32>
      %broadcast_in_dim3A_51 = vector.broadcast %broadcast_in_dim3A_50 : vector<256x1xi32> to vector<256x32xi32>
      %select_n3A_52 = arith.select %eq3A_49, %broadcast_in_dim3A_51, %scan3A_41 : vector<256x32xi1>, vector<256x32xi32>
      %eq3A_53 = vector.broadcast %broadcast_in_dim3A_47 : vector<256x1xi32> to vector<256x1024xi32>
      %eq3A_54 = arith.cmpi eq, %iota3A, %eq3A_53 : vector<256x1024xi32>
      %jit3A_55 = arith.constant 0xFF800000 : f32
      %broadcast_in_dim3A_56 = vector.broadcast %jit3A_55 : f32 to vector<256x1024xf32>
      %select_n3A_57 = arith.select %eq3A_54, %broadcast_in_dim3A_56, %scan3A_40 : vector<256x1024xi1>, vector<256x1024xf32>
      scf.yield %select_n3A_57, %select_n3A_52 : vector<256x1024xf32>, vector<256x32xi32>
    }
    %scan3A_30 = arith.constant 32 : i32
    %mul3A_31 = arith.constant 1024 : i32
    %mul3A_32 = arith.muli %arg0, %mul3A_31 : i32
    %add3A = vector.broadcast %mul3A_32 : i32 to vector<256x32xi32>
    %add3A_33 = arith.addi %scan3A_29#1, %add3A : vector<256x32xi32>
    %swap3A = arith.constant 0 : index
    %swap3A_34 = arith.constant 0 : index
    %swap3A_35 = arith.constant 0 : index
    %swap3A_36 = vector.load %arg4[%swap3A, %swap3A_34, %swap3A_35] : memref<1x256x32xi32, #tpu.memory_space<vmem>>, vector<1x256x32xi32>
    %swap3A_37 = vector.shape_cast %swap3A_36 : vector<1x256x32xi32> to vector<256x32xi32>
    %swap3A_38 = vector.shape_cast %add3A_33 : vector<256x32xi32> to vector<1x256x32xi32>
    tpu.vector_store %arg4[%swap3A, %swap3A_34, %swap3A_35], %swap3A_38 {strides = array<i32>} : memref<1x256x32xi32, #tpu.memory_space<vmem>>, vector<1x256x32xi32>,
    return
  }
  func.func @transform_0(%arg0: i32, %arg1: i32) -> (i32, i32, i32) {
    %c0_i32 = arith.constant 0 : i32
    %c0_i32_0 = arith.constant 0 : i32
    return %arg0, %arg1, %c0_i32 : i32, i32, i32
  }
  func.func @transform_1(%arg0: i32, %arg1: i32) -> (i32, i32, i32) {
    %c0_i32 = arith.constant 0 : i32
    %c0_i32_0 = arith.constant 0 : i32
    %c0_i32_1 = arith.constant 0 : i32
    return %arg0, %c0_i32, %c0_i32_0 : i32, i32, i32
  }
  func.func @transform_2(%arg0: i32, %arg1: i32) -> (i32, i32, i32) {
    %c0_i32 = arith.constant 0 : i32
    %c0_i32_0 = arith.constant 0 : i32
    return %arg0, %arg1, %c0_i32 : i32, i32, i32
  }
}

module attributes {stable_mosaic.version = 14 : i64} {
  func.func @body(%arg0: i32, %arg1: memref<256x32x128xf32, #tpu.memory_space<vmem>>, %arg2: memref<256x128xf32, #tpu.memory_space<vmem>>, %arg3: memref<256x256xf32, #tpu.memory_space<vmem>>, %arg4: memref<256x256xf32, #tpu.memory_space<vmem>>, %arg5: memref<1x256xf32, #tpu.memory_space<vmem>>, %arg6: memref<1x256xf32, #tpu.memory_space<vmem>>) attributes {dimension_semantics = [#tpu.dimension_semantics<arbitrary>], iteration_bounds = array<i64: 32>, scalar_prefetch = 0 : i64, scratch_operands = 0 : i64, tpu.core_type = #tpu.core_type<tc>, window_params = [{transform_indices = @transform_0, window_bounds = array<i64: 256, 32, 128>}, {transform_indices = @transform_1, window_bounds = array<i64: 256, 128>}, {pipeline_mode = #tpu.pipeline_mode<synchronous>, transform_indices = @transform_2, window_bounds = array<i64: 256, 256>}, {transform_indices = @transform_3, window_bounds = array<i64: 256, 256>}, {pipeline_mode = #tpu.pipeline_mode<synchronous>, transform_indices = @transform_4, window_bounds = array<i64: 1, 256>}, {pipeline_mode = #tpu.pipeline_mode<synchronous>, transform_indices = @transform_5, window_bounds = array<i64: 1, 256>}]} {
    %get3A = arith.constant 0 : index
    %get3A_0 = arith.constant 0 : index
    %get3A_1 = vector.load %arg2[%get3A, %get3A_0] : memref<256x128xf32, #tpu.memory_space<vmem>>, vector<256x128xf32>
    %broadcast_in_dim3A = arith.constant 0xFF800000 : f32
    %broadcast_in_dim3A_2 = vector.broadcast %broadcast_in_dim3A : f32 to vector<256x256xf32>
    %broadcast_in_dim3A_3 = arith.constant 0.000000e+00 : f32
    %broadcast_in_dim3A_4 = vector.broadcast %broadcast_in_dim3A_3 : f32 to vector<1x256xf32>
    %broadcast_in_dim3A_5 = arith.constant 0.000000e+00 : f32
    %broadcast_in_dim3A_6 = vector.broadcast %broadcast_in_dim3A_5 : f32 to vector<1x256xf32>
    %get3A_7 = arith.constant 0 : index
    %get3A_8 = arith.constant 0 : index
    %get3A_9 = arith.constant 0 : index
    %get3A_10 = vector.load %arg1[%get3A_7, %get3A_8, %get3A_9] : memref<256x32x128xf32, #tpu.memory_space<vmem>>, vector<256x1x128xf32>
    %get3A_11 = vector.shape_cast %get3A_10 : vector<256x1x128xf32> to vector<256x128xf32>
    %sub3A = arith.subf %get3A_11, %get3A_1 : vector<256x128xf32>
    %concatenate3A = tpu.concatenate %sub3A, %get3A_1 in 1 : vector<256x128xf32>, vector<256x128xf32> -> vector<256x256xf32>
    %get3A_12 = arith.constant 0 : index
    %get3A_13 = arith.constant 0 : index
    %get3A_14 = vector.load %arg3[%get3A_12, %get3A_13] : memref<256x256xf32, #tpu.memory_space<vmem>>, vector<256x256xf32>
    %dot_general3A = arith.constant dense<0.000000e+00> : vector<256x256xf32>
    %dot_general3A_15 = tpu.matmul %concatenate3A, %get3A_14, %dot_general3A {dimension_numbers = #tpu.dot_dimension_numbers<[1], [0], [0], [1], [0, 0, 1, 1], [], []>, transpose_lhs_hint = false} : vector<256x256xf32>, vector<256x256xf32>, vector<256x256xf32> -> vector<256x256xf32>
    %max3A = arith.maximumf %broadcast_in_dim3A_2, %dot_general3A_15 : vector<256x256xf32>
    %reduce_sum3A = arith.constant dense<0.000000e+00> : vector<256xf32>
    %reduce_sum3A_16 = vector.multi_reduction <add>, %dot_general3A_15, %reduce_sum3A [0] : vector<256x256xf32> to vector<256xf32>
    %broadcast_in_dim3A_17 = vector.shape_cast %reduce_sum3A_16 : vector<256xf32> to vector<1x256xf32>
    %add3A = arith.addf %broadcast_in_dim3A_4, %broadcast_in_dim3A_17 : vector<1x256xf32>
    %mul3A = arith.mulf %dot_general3A_15, %dot_general3A_15 : vector<256x256xf32>
    %reduce_sum3A_18 = arith.constant dense<0.000000e+00> : vector<256xf32>
    %reduce_sum3A_19 = vector.multi_reduction <add>, %mul3A, %reduce_sum3A_18 [0] : vector<256x256xf32> to vector<256xf32>
    %broadcast_in_dim3A_20 = vector.shape_cast %reduce_sum3A_19 : vector<256xf32> to vector<1x256xf32>
    %add3A_21 = arith.addf %broadcast_in_dim3A_6, %broadcast_in_dim3A_20 : vector<1x256xf32>
    %get3A_22 = arith.constant 0 : index
    %get3A_23 = arith.constant 1 : index
    %get3A_24 = arith.constant 0 : index
    %get3A_25 = vector.load %arg1[%get3A_22, %get3A_23, %get3A_24] : memref<256x32x128xf32, #tpu.memory_space<vmem>>, vector<256x1x128xf32>
    %get3A_26 = vector.shape_cast %get3A_25 : vector<256x1x128xf32> to vector<256x128xf32>
    %sub3A_27 = arith.subf %get3A_26, %get3A_1 : vector<256x128xf32>
    %concatenate3A_28 = tpu.concatenate %sub3A_27, %get3A_1 in 1 : vector<256x128xf32>, vector<256x128xf32> -> vector<256x256xf32>
    %get3A_29 = arith.constant 0 : index
    %get3A_30 = arith.constant 0 : index
    %get3A_31 = vector.load %arg3[%get3A_29, %get3A_30] : memref<256x256xf32, #tpu.memory_space<vmem>>, vector<256x256xf32>
    %dot_general3A_32 = arith.constant dense<0.000000e+00> : vector<256x256xf32>
    %dot_general3A_33 = tpu.matmul %concatenate3A_28, %get3A_31, %dot_general3A_32 {dimension_numbers = #tpu.dot_dimension_numbers<[1], [0], [0], [1], [0, 0, 1, 1], [], []>, transpose_lhs_hint = false} : vector<256x256xf32>, vector<256x256xf32>, vector<256x256xf32> -> vector<256x256xf32>
    %max3A_34 = arith.maximumf %max3A, %dot_general3A_33 : vector<256x256xf32>
    %reduce_sum3A_35 = arith.constant dense<0.000000e+00> : vector<256xf32>
    %reduce_sum3A_36 = vector.multi_reduction <add>, %dot_general3A_33, %reduce_sum3A_35 [0] : vector<256x256xf32> to vector<256xf32>
    %broadcast_in_dim3A_37 = vector.shape_cast %reduce_sum3A_36 : vector<256xf32> to vector<1x256xf32>
    %add3A_38 = arith.addf %add3A, %broadcast_in_dim3A_37 : vector<1x256xf32>
    %mul3A_39 = arith.mulf %dot_general3A_33, %dot_general3A_33 : vector<256x256xf32>
    %reduce_sum3A_40 = arith.constant dense<0.000000e+00> : vector<256xf32>
    %reduce_sum3A_41 = vector.multi_reduction <add>, %mul3A_39, %reduce_sum3A_40 [0] : vector<256x256xf32> to vector<256xf32>
    %broadcast_in_dim3A_42 = vector.shape_cast %reduce_sum3A_41 : vector<256xf32> to vector<1x256xf32>
    %add3A_43 = arith.addf %add3A_21, %broadcast_in_dim3A_42 : vector<1x256xf32>
    %get3A_44 = arith.constant 0 : index
    %get3A_45 = arith.constant 2 : index
    %get3A_46 = arith.constant 0 : index
    %get3A_47 = vector.load %arg1[%get3A_44, %get3A_45, %get3A_46] : memref<256x32x128xf32, #tpu.memory_space<vmem>>, vector<256x1x128xf32>
    %get3A_48 = vector.shape_cast %get3A_47 : vector<256x1x128xf32> to vector<256x128xf32>
    %sub3A_49 = arith.subf %get3A_48, %get3A_1 : vector<256x128xf32>
    %concatenate3A_50 = tpu.concatenate %sub3A_49, %get3A_1 in 1 : vector<256x128xf32>, vector<256x128xf32> -> vector<256x256xf32>
    %get3A_51 = arith.constant 0 : index
    %get3A_52 = arith.constant 0 : index
    %get3A_53 = vector.load %arg3[%get3A_51, %get3A_52] : memref<256x256xf32, #tpu.memory_space<vmem>>, vector<256x256xf32>
    %dot_general3A_54 = arith.constant dense<0.000000e+00> : vector<256x256xf32>
    %dot_general3A_55 = tpu.matmul %concatenate3A_50, %get3A_53, %dot_general3A_54 {dimension_numbers = #tpu.dot_dimension_numbers<[1], [0], [0], [1], [0, 0, 1, 1], [], []>, transpose_lhs_hint = false} : vector<256x256xf32>, vector<256x256xf32>, vector<256x256xf32> -> vector<256x256xf32>
    %max3A_56 = arith.maximumf %max3A_34, %dot_general3A_55 : vector<256x256xf32>
    %reduce_sum3A_57 = arith.constant dense<0.000000e+00> : vector<256xf32>
    %reduce_sum3A_58 = vector.multi_reduction <add>, %dot_general3A_55, %reduce_sum3A_57 [0] : vector<256x256xf32> to vector<256xf32>
    %broadcast_in_dim3A_59 = vector.shape_cast %reduce_sum3A_58 : vector<256xf32> to vector<1x256xf32>
    %add3A_60 = arith.addf %add3A_38, %broadcast_in_dim3A_59 : vector<1x256xf32>
    %mul3A_61 = arith.mulf %dot_general3A_55, %dot_general3A_55 : vector<256x256xf32>
    %reduce_sum3A_62 = arith.constant dense<0.000000e+00> : vector<256xf32>
    %reduce_sum3A_63 = vector.multi_reduction <add>, %mul3A_61, %reduce_sum3A_62 [0] : vector<256x256xf32> to vector<256xf32>
    %broadcast_in_dim3A_64 = vector.shape_cast %reduce_sum3A_63 : vector<256xf32> to vector<1x256xf32>
    %add3A_65 = arith.addf %add3A_43, %broadcast_in_dim3A_64 : vector<1x256xf32>
    %get3A_66 = arith.constant 0 : index
    %get3A_67 = arith.constant 3 : index
    %get3A_68 = arith.constant 0 : index
    %get3A_69 = vector.load %arg1[%get3A_66, %get3A_67, %get3A_68] : memref<256x32x128xf32, #tpu.memory_space<vmem>>, vector<256x1x128xf32>
    %get3A_70 = vector.shape_cast %get3A_69 : vector<256x1x128xf32> to vector<256x128xf32>
    %sub3A_71 = arith.subf %get3A_70, %get3A_1 : vector<256x128xf32>
    %concatenate3A_72 = tpu.concatenate %sub3A_71, %get3A_1 in 1 : vector<256x128xf32>, vector<256x128xf32> -> vector<256x256xf32>
    %get3A_73 = arith.constant 0 : index
    %get3A_74 = arith.constant 0 : index
    %get3A_75 = vector.load %arg3[%get3A_73, %get3A_74] : memref<256x256xf32, #tpu.memory_space<vmem>>, vector<256x256xf32>
    %dot_general3A_76 = arith.constant dense<0.000000e+00> : vector<256x256xf32>
    %dot_general3A_77 = tpu.matmul %concatenate3A_72, %get3A_75, %dot_general3A_76 {dimension_numbers = #tpu.dot_dimension_numbers<[1], [0], [0], [1], [0, 0, 1, 1], [], []>, transpose_lhs_hint = false} : vector<256x256xf32>, vector<256x256xf32>, vector<256x256xf32> -> vector<256x256xf32>
    %max3A_78 = arith.maximumf %max3A_56, %dot_general3A_77 : vector<256x256xf32>
    %reduce_sum3A_79 = arith.constant dense<0.000000e+00> : vector<256xf32>
    %reduce_sum3A_80 = vector.multi_reduction <add>, %dot_general3A_77, %reduce_sum3A_79 [0] : vector<256x256xf32> to vector<256xf32>
    %broadcast_in_dim3A_81 = vector.shape_cast %reduce_sum3A_80 : vector<256xf32> to vector<1x256xf32>
    %add3A_82 = arith.addf %add3A_60, %broadcast_in_dim3A_81 : vector<1x256xf32>
    %mul3A_83 = arith.mulf %dot_general3A_77, %dot_general3A_77 : vector<256x256xf32>
    %reduce_sum3A_84 = arith.constant dense<0.000000e+00> : vector<256xf32>
    %reduce_sum3A_85 = vector.multi_reduction <add>, %mul3A_83, %reduce_sum3A_84 [0] : vector<256x256xf32> to vector<256xf32>
    %broadcast_in_dim3A_86 = vector.shape_cast %reduce_sum3A_85 : vector<256xf32> to vector<1x256xf32>
    %add3A_87 = arith.addf %add3A_65, %broadcast_in_dim3A_86 : vector<1x256xf32>
    %get3A_88 = arith.constant 0 : index
    %get3A_89 = arith.constant 4 : index
    %get3A_90 = arith.constant 0 : index
    %get3A_91 = vector.load %arg1[%get3A_88, %get3A_89, %get3A_90] : memref<256x32x128xf32, #tpu.memory_space<vmem>>, vector<256x1x128xf32>
    %get3A_92 = vector.shape_cast %get3A_91 : vector<256x1x128xf32> to vector<256x128xf32>
    %sub3A_93 = arith.subf %get3A_92, %get3A_1 : vector<256x128xf32>
    %concatenate3A_94 = tpu.concatenate %sub3A_93, %get3A_1 in 1 : vector<256x128xf32>, vector<256x128xf32> -> vector<256x256xf32>
    %get3A_95 = arith.constant 0 : index
    %get3A_96 = arith.constant 0 : index
    %get3A_97 = vector.load %arg3[%get3A_95, %get3A_96] : memref<256x256xf32, #tpu.memory_space<vmem>>, vector<256x256xf32>
    %dot_general3A_98 = arith.constant dense<0.000000e+00> : vector<256x256xf32>
    %dot_general3A_99 = tpu.matmul %concatenate3A_94, %get3A_97, %dot_general3A_98 {dimension_numbers = #tpu.dot_dimension_numbers<[1], [0], [0], [1], [0, 0, 1, 1], [], []>, transpose_lhs_hint = false} : vector<256x256xf32>, vector<256x256xf32>, vector<256x256xf32> -> vector<256x256xf32>
    %max3A_100 = arith.maximumf %max3A_78, %dot_general3A_99 : vector<256x256xf32>
    %reduce_sum3A_101 = arith.constant dense<0.000000e+00> : vector<256xf32>
    %reduce_sum3A_102 = vector.multi_reduction <add>, %dot_general3A_99, %reduce_sum3A_101 [0] : vector<256x256xf32> to vector<256xf32>
    %broadcast_in_dim3A_103 = vector.shape_cast %reduce_sum3A_102 : vector<256xf32> to vector<1x256xf32>
    %add3A_104 = arith.addf %add3A_82, %broadcast_in_dim3A_103 : vector<1x256xf32>
    %mul3A_105 = arith.mulf %dot_general3A_99, %dot_general3A_99 : vector<256x256xf32>
    %reduce_sum3A_106 = arith.constant dense<0.000000e+00> : vector<256xf32>
    %reduce_sum3A_107 = vector.multi_reduction <add>, %mul3A_105, %reduce_sum3A_106 [0] : vector<256x256xf32> to vector<256xf32>
    %broadcast_in_dim3A_108 = vector.shape_cast %reduce_sum3A_107 : vector<256xf32> to vector<1x256xf32>
    %add3A_109 = arith.addf %add3A_87, %broadcast_in_dim3A_108 : vector<1x256xf32>
    %get3A_110 = arith.constant 0 : index
    %get3A_111 = arith.constant 5 : index
    %get3A_112 = arith.constant 0 : index
    %get3A_113 = vector.load %arg1[%get3A_110, %get3A_111, %get3A_112] : memref<256x32x128xf32, #tpu.memory_space<vmem>>, vector<256x1x128xf32>
    %get3A_114 = vector.shape_cast %get3A_113 : vector<256x1x128xf32> to vector<256x128xf32>
    %sub3A_115 = arith.subf %get3A_114, %get3A_1 : vector<256x128xf32>
    %concatenate3A_116 = tpu.concatenate %sub3A_115, %get3A_1 in 1 : vector<256x128xf32>, vector<256x128xf32> -> vector<256x256xf32>
    %get3A_117 = arith.constant 0 : index
    %get3A_118 = arith.constant 0 : index
    %get3A_119 = vector.load %arg3[%get3A_117, %get3A_118] : memref<256x256xf32, #tpu.memory_space<vmem>>, vector<256x256xf32>
    %dot_general3A_120 = arith.constant dense<0.000000e+00> : vector<256x256xf32>
    %dot_general3A_121 = tpu.matmul %concatenate3A_116, %get3A_119, %dot_general3A_120 {dimension_numbers = #tpu.dot_dimension_numbers<[1], [0], [0], [1], [0, 0, 1, 1], [], []>, transpose_lhs_hint = false} : vector<256x256xf32>, vector<256x256xf32>, vector<256x256xf32> -> vector<256x256xf32>
    %max3A_122 = arith.maximumf %max3A_100, %dot_general3A_121 : vector<256x256xf32>
    %reduce_sum3A_123 = arith.constant dense<0.000000e+00> : vector<256xf32>
    %reduce_sum3A_124 = vector.multi_reduction <add>, %dot_general3A_121, %reduce_sum3A_123 [0] : vector<256x256xf32> to vector<256xf32>
    %broadcast_in_dim3A_125 = vector.shape_cast %reduce_sum3A_124 : vector<256xf32> to vector<1x256xf32>
    %add3A_126 = arith.addf %add3A_104, %broadcast_in_dim3A_125 : vector<1x256xf32>
    %mul3A_127 = arith.mulf %dot_general3A_121, %dot_general3A_121 : vector<256x256xf32>
    %reduce_sum3A_128 = arith.constant dense<0.000000e+00> : vector<256xf32>
    %reduce_sum3A_129 = vector.multi_reduction <add>, %mul3A_127, %reduce_sum3A_128 [0] : vector<256x256xf32> to vector<256xf32>
    %broadcast_in_dim3A_130 = vector.shape_cast %reduce_sum3A_129 : vector<256xf32> to vector<1x256xf32>
    %add3A_131 = arith.addf %add3A_109, %broadcast_in_dim3A_130 : vector<1x256xf32>
    %get3A_132 = arith.constant 0 : index
    %get3A_133 = arith.constant 6 : index
    %get3A_134 = arith.constant 0 : index
    %get3A_135 = vector.load %arg1[%get3A_132, %get3A_133, %get3A_134] : memref<256x32x128xf32, #tpu.memory_space<vmem>>, vector<256x1x128xf32>
    %get3A_136 = vector.shape_cast %get3A_135 : vector<256x1x128xf32> to vector<256x128xf32>
    %sub3A_137 = arith.subf %get3A_136, %get3A_1 : vector<256x128xf32>
    %concatenate3A_138 = tpu.concatenate %sub3A_137, %get3A_1 in 1 : vector<256x128xf32>, vector<256x128xf32> -> vector<256x256xf32>
    %get3A_139 = arith.constant 0 : index
    %get3A_140 = arith.constant 0 : index
    %get3A_141 = vector.load %arg3[%get3A_139, %get3A_140] : memref<256x256xf32, #tpu.memory_space<vmem>>, vector<256x256xf32>
    %dot_general3A_142 = arith.constant dense<0.000000e+00> : vector<256x256xf32>
    %dot_general3A_143 = tpu.matmul %concatenate3A_138, %get3A_141, %dot_general3A_142 {dimension_numbers = #tpu.dot_dimension_numbers<[1], [0], [0], [1], [0, 0, 1, 1], [], []>, transpose_lhs_hint = false} : vector<256x256xf32>, vector<256x256xf32>, vector<256x256xf32> -> vector<256x256xf32>
    %max3A_144 = arith.maximumf %max3A_122, %dot_general3A_143 : vector<256x256xf32>
    %reduce_sum3A_145 = arith.constant dense<0.000000e+00> : vector<256xf32>
    %reduce_sum3A_146 = vector.multi_reduction <add>, %dot_general3A_143, %reduce_sum3A_145 [0] : vector<256x256xf32> to vector<256xf32>
    %broadcast_in_dim3A_147 = vector.shape_cast %reduce_sum3A_146 : vector<256xf32> to vector<1x256xf32>
    %add3A_148 = arith.addf %add3A_126, %broadcast_in_dim3A_147 : vector<1x256xf32>
    %mul3A_149 = arith.mulf %dot_general3A_143, %dot_general3A_143 : vector<256x256xf32>
    %reduce_sum3A_150 = arith.constant dense<0.000000e+00> : vector<256xf32>
    %reduce_sum3A_151 = vector.multi_reduction <add>, %mul3A_149, %reduce_sum3A_150 [0] : vector<256x256xf32> to vector<256xf32>
    %broadcast_in_dim3A_152 = vector.shape_cast %reduce_sum3A_151 : vector<256xf32> to vector<1x256xf32>
    %add3A_153 = arith.addf %add3A_131, %broadcast_in_dim3A_152 : vector<1x256xf32>
    %get3A_154 = arith.constant 0 : index
    %get3A_155 = arith.constant 7 : index
    %get3A_156 = arith.constant 0 : index
    %get3A_157 = vector.load %arg1[%get3A_154, %get3A_155, %get3A_156] : memref<256x32x128xf32, #tpu.memory_space<vmem>>, vector<256x1x128xf32>
    %get3A_158 = vector.shape_cast %get3A_157 : vector<256x1x128xf32> to vector<256x128xf32>
    %sub3A_159 = arith.subf %get3A_158, %get3A_1 : vector<256x128xf32>
    %concatenate3A_160 = tpu.concatenate %sub3A_159, %get3A_1 in 1 : vector<256x128xf32>, vector<256x128xf32> -> vector<256x256xf32>
    %get3A_161 = arith.constant 0 : index
    %get3A_162 = arith.constant 0 : index
    %get3A_163 = vector.load %arg3[%get3A_161, %get3A_162] : memref<256x256xf32, #tpu.memory_space<vmem>>, vector<256x256xf32>
    %dot_general3A_164 = arith.constant dense<0.000000e+00> : vector<256x256xf32>
    %dot_general3A_165 = tpu.matmul %concatenate3A_160, %get3A_163, %dot_general3A_164 {dimension_numbers = #tpu.dot_dimension_numbers<[1], [0], [0], [1], [0, 0, 1, 1], [], []>, transpose_lhs_hint = false} : vector<256x256xf32>, vector<256x256xf32>, vector<256x256xf32> -> vector<256x256xf32>
    %max3A_166 = arith.maximumf %max3A_144, %dot_general3A_165 : vector<256x256xf32>
    %reduce_sum3A_167 = arith.constant dense<0.000000e+00> : vector<256xf32>
    %reduce_sum3A_168 = vector.multi_reduction <add>, %dot_general3A_165, %reduce_sum3A_167 [0] : vector<256x256xf32> to vector<256xf32>
    %broadcast_in_dim3A_169 = vector.shape_cast %reduce_sum3A_168 : vector<256xf32> to vector<1x256xf32>
    %add3A_170 = arith.addf %add3A_148, %broadcast_in_dim3A_169 : vector<1x256xf32>
    %mul3A_171 = arith.mulf %dot_general3A_165, %dot_general3A_165 : vector<256x256xf32>
    %reduce_sum3A_172 = arith.constant dense<0.000000e+00> : vector<256xf32>
    %reduce_sum3A_173 = vector.multi_reduction <add>, %mul3A_171, %reduce_sum3A_172 [0] : vector<256x256xf32> to vector<256xf32>
    %broadcast_in_dim3A_174 = vector.shape_cast %reduce_sum3A_173 : vector<256xf32> to vector<1x256xf32>
    %add3A_175 = arith.addf %add3A_153, %broadcast_in_dim3A_174 : vector<1x256xf32>
    %get3A_176 = arith.constant 0 : index
    %get3A_177 = arith.constant 8 : index
    %get3A_178 = arith.constant 0 : index
    %get3A_179 = vector.load %arg1[%get3A_176, %get3A_177, %get3A_178] : memref<256x32x128xf32, #tpu.memory_space<vmem>>, vector<256x1x128xf32>
    %get3A_180 = vector.shape_cast %get3A_179 : vector<256x1x128xf32> to vector<256x128xf32>
    %sub3A_181 = arith.subf %get3A_180, %get3A_1 : vector<256x128xf32>
    %concatenate3A_182 = tpu.concatenate %sub3A_181, %get3A_1 in 1 : vector<256x128xf32>, vector<256x128xf32> -> vector<256x256xf32>
    %get3A_183 = arith.constant 0 : index
    %get3A_184 = arith.constant 0 : index
    %get3A_185 = vector.load %arg3[%get3A_183, %get3A_184] : memref<256x256xf32, #tpu.memory_space<vmem>>, vector<256x256xf32>
    %dot_general3A_186 = arith.constant dense<0.000000e+00> : vector<256x256xf32>
    %dot_general3A_187 = tpu.matmul %concatenate3A_182, %get3A_185, %dot_general3A_186 {dimension_numbers = #tpu.dot_dimension_numbers<[1], [0], [0], [1], [0, 0, 1, 1], [], []>, transpose_lhs_hint = false} : vector<256x256xf32>, vector<256x256xf32>, vector<256x256xf32> -> vector<256x256xf32>
    %max3A_188 = arith.maximumf %max3A_166, %dot_general3A_187 : vector<256x256xf32>
    %reduce_sum3A_189 = arith.constant dense<0.000000e+00> : vector<256xf32>
    %reduce_sum3A_190 = vector.multi_reduction <add>, %dot_general3A_187, %reduce_sum3A_189 [0] : vector<256x256xf32> to vector<256xf32>
    %broadcast_in_dim3A_191 = vector.shape_cast %reduce_sum3A_190 : vector<256xf32> to vector<1x256xf32>
    %add3A_192 = arith.addf %add3A_170, %broadcast_in_dim3A_191 : vector<1x256xf32>
    %mul3A_193 = arith.mulf %dot_general3A_187, %dot_general3A_187 : vector<256x256xf32>
    %reduce_sum3A_194 = arith.constant dense<0.000000e+00> : vector<256xf32>
    %reduce_sum3A_195 = vector.multi_reduction <add>, %mul3A_193, %reduce_sum3A_194 [0] : vector<256x256xf32> to vector<256xf32>
    %broadcast_in_dim3A_196 = vector.shape_cast %reduce_sum3A_195 : vector<256xf32> to vector<1x256xf32>
    %add3A_197 = arith.addf %add3A_175, %broadcast_in_dim3A_196 : vector<1x256xf32>
    %get3A_198 = arith.constant 0 : index
    %get3A_199 = arith.constant 9 : index
    %get3A_200 = arith.constant 0 : index
    %get3A_201 = vector.load %arg1[%get3A_198, %get3A_199, %get3A_200] : memref<256x32x128xf32, #tpu.memory_space<vmem>>, vector<256x1x128xf32>
    %get3A_202 = vector.shape_cast %get3A_201 : vector<256x1x128xf32> to vector<256x128xf32>
    %sub3A_203 = arith.subf %get3A_202, %get3A_1 : vector<256x128xf32>
    %concatenate3A_204 = tpu.concatenate %sub3A_203, %get3A_1 in 1 : vector<256x128xf32>, vector<256x128xf32> -> vector<256x256xf32>
    %get3A_205 = arith.constant 0 : index
    %get3A_206 = arith.constant 0 : index
    %get3A_207 = vector.load %arg3[%get3A_205, %get3A_206] : memref<256x256xf32, #tpu.memory_space<vmem>>, vector<256x256xf32>
    %dot_general3A_208 = arith.constant dense<0.000000e+00> : vector<256x256xf32>
    %dot_general3A_209 = tpu.matmul %concatenate3A_204, %get3A_207, %dot_general3A_208 {dimension_numbers = #tpu.dot_dimension_numbers<[1], [0], [0], [1], [0, 0, 1, 1], [], []>, transpose_lhs_hint = false} : vector<256x256xf32>, vector<256x256xf32>, vector<256x256xf32> -> vector<256x256xf32>
    %max3A_210 = arith.maximumf %max3A_188, %dot_general3A_209 : vector<256x256xf32>
    %reduce_sum3A_211 = arith.constant dense<0.000000e+00> : vector<256xf32>
    %reduce_sum3A_212 = vector.multi_reduction <add>, %dot_general3A_209, %reduce_sum3A_211 [0] : vector<256x256xf32> to vector<256xf32>
    %broadcast_in_dim3A_213 = vector.shape_cast %reduce_sum3A_212 : vector<256xf32> to vector<1x256xf32>
    %add3A_214 = arith.addf %add3A_192, %broadcast_in_dim3A_213 : vector<1x256xf32>
    %mul3A_215 = arith.mulf %dot_general3A_209, %dot_general3A_209 : vector<256x256xf32>
    %reduce_sum3A_216 = arith.constant dense<0.000000e+00> : vector<256xf32>
    %reduce_sum3A_217 = vector.multi_reduction <add>, %mul3A_215, %reduce_sum3A_216 [0] : vector<256x256xf32> to vector<256xf32>
    %broadcast_in_dim3A_218 = vector.shape_cast %reduce_sum3A_217 : vector<256xf32> to vector<1x256xf32>
    %add3A_219 = arith.addf %add3A_197, %broadcast_in_dim3A_218 : vector<1x256xf32>
    %get3A_220 = arith.constant 0 : index
    %get3A_221 = arith.constant 10 : index
    %get3A_222 = arith.constant 0 : index
    %get3A_223 = vector.load %arg1[%get3A_220, %get3A_221, %get3A_222] : memref<256x32x128xf32, #tpu.memory_space<vmem>>, vector<256x1x128xf32>
    %get3A_224 = vector.shape_cast %get3A_223 : vector<256x1x128xf32> to vector<256x128xf32>
    %sub3A_225 = arith.subf %get3A_224, %get3A_1 : vector<256x128xf32>
    %concatenate3A_226 = tpu.concatenate %sub3A_225, %get3A_1 in 1 : vector<256x128xf32>, vector<256x128xf32> -> vector<256x256xf32>
    %get3A_227 = arith.constant 0 : index
    %get3A_228 = arith.constant 0 : index
    %get3A_229 = vector.load %arg3[%get3A_227, %get3A_228] : memref<256x256xf32, #tpu.memory_space<vmem>>, vector<256x256xf32>
    %dot_general3A_230 = arith.constant dense<0.000000e+00> : vector<256x256xf32>
    %dot_general3A_231 = tpu.matmul %concatenate3A_226, %get3A_229, %dot_general3A_230 {dimension_numbers = #tpu.dot_dimension_numbers<[1], [0], [0], [1], [0, 0, 1, 1], [], []>, transpose_lhs_hint = false} : vector<256x256xf32>, vector<256x256xf32>, vector<256x256xf32> -> vector<256x256xf32>
    %max3A_232 = arith.maximumf %max3A_210, %dot_general3A_231 : vector<256x256xf32>
    %reduce_sum3A_233 = arith.constant dense<0.000000e+00> : vector<256xf32>
    %reduce_sum3A_234 = vector.multi_reduction <add>, %dot_general3A_231, %reduce_sum3A_233 [0] : vector<256x256xf32> to vector<256xf32>
    %broadcast_in_dim3A_235 = vector.shape_cast %reduce_sum3A_234 : vector<256xf32> to vector<1x256xf32>
    %add3A_236 = arith.addf %add3A_214, %broadcast_in_dim3A_235 : vector<1x256xf32>
    %mul3A_237 = arith.mulf %dot_general3A_231, %dot_general3A_231 : vector<256x256xf32>
    %reduce_sum3A_238 = arith.constant dense<0.000000e+00> : vector<256xf32>
    %reduce_sum3A_239 = vector.multi_reduction <add>, %mul3A_237, %reduce_sum3A_238 [0] : vector<256x256xf32> to vector<256xf32>
    %broadcast_in_dim3A_240 = vector.shape_cast %reduce_sum3A_239 : vector<256xf32> to vector<1x256xf32>
    %add3A_241 = arith.addf %add3A_219, %broadcast_in_dim3A_240 : vector<1x256xf32>
    %get3A_242 = arith.constant 0 : index
    %get3A_243 = arith.constant 11 : index
    %get3A_244 = arith.constant 0 : index
    %get3A_245 = vector.load %arg1[%get3A_242, %get3A_243, %get3A_244] : memref<256x32x128xf32, #tpu.memory_space<vmem>>, vector<256x1x128xf32>
    %get3A_246 = vector.shape_cast %get3A_245 : vector<256x1x128xf32> to vector<256x128xf32>
    %sub3A_247 = arith.subf %get3A_246, %get3A_1 : vector<256x128xf32>
    %concatenate3A_248 = tpu.concatenate %sub3A_247, %get3A_1 in 1 : vector<256x128xf32>, vector<256x128xf32> -> vector<256x256xf32>
    %get3A_249 = arith.constant 0 : index
    %get3A_250 = arith.constant 0 : index
    %get3A_251 = vector.load %arg3[%get3A_249, %get3A_250] : memref<256x256xf32, #tpu.memory_space<vmem>>, vector<256x256xf32>
    %dot_general3A_252 = arith.constant dense<0.000000e+00> : vector<256x256xf32>
    %dot_general3A_253 = tpu.matmul %concatenate3A_248, %get3A_251, %dot_general3A_252 {dimension_numbers = #tpu.dot_dimension_numbers<[1], [0], [0], [1], [0, 0, 1, 1], [], []>, transpose_lhs_hint = false} : vector<256x256xf32>, vector<256x256xf32>, vector<256x256xf32> -> vector<256x256xf32>
    %max3A_254 = arith.maximumf %max3A_232, %dot_general3A_253 : vector<256x256xf32>
    %reduce_sum3A_255 = arith.constant dense<0.000000e+00> : vector<256xf32>
    %reduce_sum3A_256 = vector.multi_reduction <add>, %dot_general3A_253, %reduce_sum3A_255 [0] : vector<256x256xf32> to vector<256xf32>
    %broadcast_in_dim3A_257 = vector.shape_cast %reduce_sum3A_256 : vector<256xf32> to vector<1x256xf32>
    %add3A_258 = arith.addf %add3A_236, %broadcast_in_dim3A_257 : vector<1x256xf32>
    %mul3A_259 = arith.mulf %dot_general3A_253, %dot_general3A_253 : vector<256x256xf32>
    %reduce_sum3A_260 = arith.constant dense<0.000000e+00> : vector<256xf32>
    %reduce_sum3A_261 = vector.multi_reduction <add>, %mul3A_259, %reduce_sum3A_260 [0] : vector<256x256xf32> to vector<256xf32>
    %broadcast_in_dim3A_262 = vector.shape_cast %reduce_sum3A_261 : vector<256xf32> to vector<1x256xf32>
    %add3A_263 = arith.addf %add3A_241, %broadcast_in_dim3A_262 : vector<1x256xf32>
    %get3A_264 = arith.constant 0 : index
    %get3A_265 = arith.constant 12 : index
    %get3A_266 = arith.constant 0 : index
    %get3A_267 = vector.load %arg1[%get3A_264, %get3A_265, %get3A_266] : memref<256x32x128xf32, #tpu.memory_space<vmem>>, vector<256x1x128xf32>
    %get3A_268 = vector.shape_cast %get3A_267 : vector<256x1x128xf32> to vector<256x128xf32>
    %sub3A_269 = arith.subf %get3A_268, %get3A_1 : vector<256x128xf32>
    %concatenate3A_270 = tpu.concatenate %sub3A_269, %get3A_1 in 1 : vector<256x128xf32>, vector<256x128xf32> -> vector<256x256xf32>
    %get3A_271 = arith.constant 0 : index
    %get3A_272 = arith.constant 0 : index
    %get3A_273 = vector.load %arg3[%get3A_271, %get3A_272] : memref<256x256xf32, #tpu.memory_space<vmem>>, vector<256x256xf32>
    %dot_general3A_274 = arith.constant dense<0.000000e+00> : vector<256x256xf32>
    %dot_general3A_275 = tpu.matmul %concatenate3A_270, %get3A_273, %dot_general3A_274 {dimension_numbers = #tpu.dot_dimension_numbers<[1], [0], [0], [1], [0, 0, 1, 1], [], []>, transpose_lhs_hint = false} : vector<256x256xf32>, vector<256x256xf32>, vector<256x256xf32> -> vector<256x256xf32>
    %max3A_276 = arith.maximumf %max3A_254, %dot_general3A_275 : vector<256x256xf32>
    %reduce_sum3A_277 = arith.constant dense<0.000000e+00> : vector<256xf32>
    %reduce_sum3A_278 = vector.multi_reduction <add>, %dot_general3A_275, %reduce_sum3A_277 [0] : vector<256x256xf32> to vector<256xf32>
    %broadcast_in_dim3A_279 = vector.shape_cast %reduce_sum3A_278 : vector<256xf32> to vector<1x256xf32>
    %add3A_280 = arith.addf %add3A_258, %broadcast_in_dim3A_279 : vector<1x256xf32>
    %mul3A_281 = arith.mulf %dot_general3A_275, %dot_general3A_275 : vector<256x256xf32>
    %reduce_sum3A_282 = arith.constant dense<0.000000e+00> : vector<256xf32>
    %reduce_sum3A_283 = vector.multi_reduction <add>, %mul3A_281, %reduce_sum3A_282 [0] : vector<256x256xf32> to vector<256xf32>
    %broadcast_in_dim3A_284 = vector.shape_cast %reduce_sum3A_283 : vector<256xf32> to vector<1x256xf32>
    %add3A_285 = arith.addf %add3A_263, %broadcast_in_dim3A_284 : vector<1x256xf32>
    %get3A_286 = arith.constant 0 : index
    %get3A_287 = arith.constant 13 : index
    %get3A_288 = arith.constant 0 : index
    %get3A_289 = vector.load %arg1[%get3A_286, %get3A_287, %get3A_288] : memref<256x32x128xf32, #tpu.memory_space<vmem>>, vector<256x1x128xf32>
    %get3A_290 = vector.shape_cast %get3A_289 : vector<256x1x128xf32> to vector<256x128xf32>
    %sub3A_291 = arith.subf %get3A_290, %get3A_1 : vector<256x128xf32>
    %concatenate3A_292 = tpu.concatenate %sub3A_291, %get3A_1 in 1 : vector<256x128xf32>, vector<256x128xf32> -> vector<256x256xf32>
    %get3A_293 = arith.constant 0 : index
    %get3A_294 = arith.constant 0 : index
    %get3A_295 = vector.load %arg3[%get3A_293, %get3A_294] : memref<256x256xf32, #tpu.memory_space<vmem>>, vector<256x256xf32>
    %dot_general3A_296 = arith.constant dense<0.000000e+00> : vector<256x256xf32>
    %dot_general3A_297 = tpu.matmul %concatenate3A_292, %get3A_295, %dot_general3A_296 {dimension_numbers = #tpu.dot_dimension_numbers<[1], [0], [0], [1], [0, 0, 1, 1], [], []>, transpose_lhs_hint = false} : vector<256x256xf32>, vector<256x256xf32>, vector<256x256xf32> -> vector<256x256xf32>
    %max3A_298 = arith.maximumf %max3A_276, %dot_general3A_297 : vector<256x256xf32>
    %reduce_sum3A_299 = arith.constant dense<0.000000e+00> : vector<256xf32>
    %reduce_sum3A_300 = vector.multi_reduction <add>, %dot_general3A_297, %reduce_sum3A_299 [0] : vector<256x256xf32> to vector<256xf32>
    %broadcast_in_dim3A_301 = vector.shape_cast %reduce_sum3A_300 : vector<256xf32> to vector<1x256xf32>
    %add3A_302 = arith.addf %add3A_280, %broadcast_in_dim3A_301 : vector<1x256xf32>
    %mul3A_303 = arith.mulf %dot_general3A_297, %dot_general3A_297 : vector<256x256xf32>
    %reduce_sum3A_304 = arith.constant dense<0.000000e+00> : vector<256xf32>
    %reduce_sum3A_305 = vector.multi_reduction <add>, %mul3A_303, %reduce_sum3A_304 [0] : vector<256x256xf32> to vector<256xf32>
    %broadcast_in_dim3A_306 = vector.shape_cast %reduce_sum3A_305 : vector<256xf32> to vector<1x256xf32>
    %add3A_307 = arith.addf %add3A_285, %broadcast_in_dim3A_306 : vector<1x256xf32>
    %get3A_308 = arith.constant 0 : index
    %get3A_309 = arith.constant 14 : index
    %get3A_310 = arith.constant 0 : index
    %get3A_311 = vector.load %arg1[%get3A_308, %get3A_309, %get3A_310] : memref<256x32x128xf32, #tpu.memory_space<vmem>>, vector<256x1x128xf32>
    %get3A_312 = vector.shape_cast %get3A_311 : vector<256x1x128xf32> to vector<256x128xf32>
    %sub3A_313 = arith.subf %get3A_312, %get3A_1 : vector<256x128xf32>
    %concatenate3A_314 = tpu.concatenate %sub3A_313, %get3A_1 in 1 : vector<256x128xf32>, vector<256x128xf32> -> vector<256x256xf32>
    %get3A_315 = arith.constant 0 : index
    %get3A_316 = arith.constant 0 : index
    %get3A_317 = vector.load %arg3[%get3A_315, %get3A_316] : memref<256x256xf32, #tpu.memory_space<vmem>>, vector<256x256xf32>
    %dot_general3A_318 = arith.constant dense<0.000000e+00> : vector<256x256xf32>
    %dot_general3A_319 = tpu.matmul %concatenate3A_314, %get3A_317, %dot_general3A_318 {dimension_numbers = #tpu.dot_dimension_numbers<[1], [0], [0], [1], [0, 0, 1, 1], [], []>, transpose_lhs_hint = false} : vector<256x256xf32>, vector<256x256xf32>, vector<256x256xf32> -> vector<256x256xf32>
    %max3A_320 = arith.maximumf %max3A_298, %dot_general3A_319 : vector<256x256xf32>
    %reduce_sum3A_321 = arith.constant dense<0.000000e+00> : vector<256xf32>
    %reduce_sum3A_322 = vector.multi_reduction <add>, %dot_general3A_319, %reduce_sum3A_321 [0] : vector<256x256xf32> to vector<256xf32>
    %broadcast_in_dim3A_323 = vector.shape_cast %reduce_sum3A_322 : vector<256xf32> to vector<1x256xf32>
    %add3A_324 = arith.addf %add3A_302, %broadcast_in_dim3A_323 : vector<1x256xf32>
    %mul3A_325 = arith.mulf %dot_general3A_319, %dot_general3A_319 : vector<256x256xf32>
    %reduce_sum3A_326 = arith.constant dense<0.000000e+00> : vector<256xf32>
    %reduce_sum3A_327 = vector.multi_reduction <add>, %mul3A_325, %reduce_sum3A_326 [0] : vector<256x256xf32> to vector<256xf32>
    %broadcast_in_dim3A_328 = vector.shape_cast %reduce_sum3A_327 : vector<256xf32> to vector<1x256xf32>
    %add3A_329 = arith.addf %add3A_307, %broadcast_in_dim3A_328 : vector<1x256xf32>
    %get3A_330 = arith.constant 0 : index
    %get3A_331 = arith.constant 15 : index
    %get3A_332 = arith.constant 0 : index
    %get3A_333 = vector.load %arg1[%get3A_330, %get3A_331, %get3A_332] : memref<256x32x128xf32, #tpu.memory_space<vmem>>, vector<256x1x128xf32>
    %get3A_334 = vector.shape_cast %get3A_333 : vector<256x1x128xf32> to vector<256x128xf32>
    %sub3A_335 = arith.subf %get3A_334, %get3A_1 : vector<256x128xf32>
    %concatenate3A_336 = tpu.concatenate %sub3A_335, %get3A_1 in 1 : vector<256x128xf32>, vector<256x128xf32> -> vector<256x256xf32>
    %get3A_337 = arith.constant 0 : index
    %get3A_338 = arith.constant 0 : index
    %get3A_339 = vector.load %arg3[%get3A_337, %get3A_338] : memref<256x256xf32, #tpu.memory_space<vmem>>, vector<256x256xf32>
    %dot_general3A_340 = arith.constant dense<0.000000e+00> : vector<256x256xf32>
    %dot_general3A_341 = tpu.matmul %concatenate3A_336, %get3A_339, %dot_general3A_340 {dimension_numbers = #tpu.dot_dimension_numbers<[1], [0], [0], [1], [0, 0, 1, 1], [], []>, transpose_lhs_hint = false} : vector<256x256xf32>, vector<256x256xf32>, vector<256x256xf32> -> vector<256x256xf32>
    %max3A_342 = arith.maximumf %max3A_320, %dot_general3A_341 : vector<256x256xf32>
    %reduce_sum3A_343 = arith.constant dense<0.000000e+00> : vector<256xf32>
    %reduce_sum3A_344 = vector.multi_reduction <add>, %dot_general3A_341, %reduce_sum3A_343 [0] : vector<256x256xf32> to vector<256xf32>
    %broadcast_in_dim3A_345 = vector.shape_cast %reduce_sum3A_344 : vector<256xf32> to vector<1x256xf32>
    %add3A_346 = arith.addf %add3A_324, %broadcast_in_dim3A_345 : vector<1x256xf32>
    %mul3A_347 = arith.mulf %dot_general3A_341, %dot_general3A_341 : vector<256x256xf32>
    %reduce_sum3A_348 = arith.constant dense<0.000000e+00> : vector<256xf32>
    %reduce_sum3A_349 = vector.multi_reduction <add>, %mul3A_347, %reduce_sum3A_348 [0] : vector<256x256xf32> to vector<256xf32>
    %broadcast_in_dim3A_350 = vector.shape_cast %reduce_sum3A_349 : vector<256xf32> to vector<1x256xf32>
    %add3A_351 = arith.addf %add3A_329, %broadcast_in_dim3A_350 : vector<1x256xf32>
    %get3A_352 = arith.constant 0 : index
    %get3A_353 = arith.constant 16 : index
    %get3A_354 = arith.constant 0 : index
    %get3A_355 = vector.load %arg1[%get3A_352, %get3A_353, %get3A_354] : memref<256x32x128xf32, #tpu.memory_space<vmem>>, vector<256x1x128xf32>
    %get3A_356 = vector.shape_cast %get3A_355 : vector<256x1x128xf32> to vector<256x128xf32>
    %sub3A_357 = arith.subf %get3A_356, %get3A_1 : vector<256x128xf32>
    %concatenate3A_358 = tpu.concatenate %sub3A_357, %get3A_1 in 1 : vector<256x128xf32>, vector<256x128xf32> -> vector<256x256xf32>
    %get3A_359 = arith.constant 0 : index
    %get3A_360 = arith.constant 0 : index
    %get3A_361 = vector.load %arg3[%get3A_359, %get3A_360] : memref<256x256xf32, #tpu.memory_space<vmem>>, vector<256x256xf32>
    %dot_general3A_362 = arith.constant dense<0.000000e+00> : vector<256x256xf32>
    %dot_general3A_363 = tpu.matmul %concatenate3A_358, %get3A_361, %dot_general3A_362 {dimension_numbers = #tpu.dot_dimension_numbers<[1], [0], [0], [1], [0, 0, 1, 1], [], []>, transpose_lhs_hint = false} : vector<256x256xf32>, vector<256x256xf32>, vector<256x256xf32> -> vector<256x256xf32>
    %max3A_364 = arith.maximumf %max3A_342, %dot_general3A_363 : vector<256x256xf32>
    %reduce_sum3A_365 = arith.constant dense<0.000000e+00> : vector<256xf32>
    %reduce_sum3A_366 = vector.multi_reduction <add>, %dot_general3A_363, %reduce_sum3A_365 [0] : vector<256x256xf32> to vector<256xf32>
    %broadcast_in_dim3A_367 = vector.shape_cast %reduce_sum3A_366 : vector<256xf32> to vector<1x256xf32>
    %add3A_368 = arith.addf %add3A_346, %broadcast_in_dim3A_367 : vector<1x256xf32>
    %mul3A_369 = arith.mulf %dot_general3A_363, %dot_general3A_363 : vector<256x256xf32>
    %reduce_sum3A_370 = arith.constant dense<0.000000e+00> : vector<256xf32>
    %reduce_sum3A_371 = vector.multi_reduction <add>, %mul3A_369, %reduce_sum3A_370 [0] : vector<256x256xf32> to vector<256xf32>
    %broadcast_in_dim3A_372 = vector.shape_cast %reduce_sum3A_371 : vector<256xf32> to vector<1x256xf32>
    %add3A_373 = arith.addf %add3A_351, %broadcast_in_dim3A_372 : vector<1x256xf32>
    %get3A_374 = arith.constant 0 : index
    %get3A_375 = arith.constant 17 : index
    %get3A_376 = arith.constant 0 : index
    %get3A_377 = vector.load %arg1[%get3A_374, %get3A_375, %get3A_376] : memref<256x32x128xf32, #tpu.memory_space<vmem>>, vector<256x1x128xf32>
    %get3A_378 = vector.shape_cast %get3A_377 : vector<256x1x128xf32> to vector<256x128xf32>
    %sub3A_379 = arith.subf %get3A_378, %get3A_1 : vector<256x128xf32>
    %concatenate3A_380 = tpu.concatenate %sub3A_379, %get3A_1 in 1 : vector<256x128xf32>, vector<256x128xf32> -> vector<256x256xf32>
    %get3A_381 = arith.constant 0 : index
    %get3A_382 = arith.constant 0 : index
    %get3A_383 = vector.load %arg3[%get3A_381, %get3A_382] : memref<256x256xf32, #tpu.memory_space<vmem>>, vector<256x256xf32>
    %dot_general3A_384 = arith.constant dense<0.000000e+00> : vector<256x256xf32>
    %dot_general3A_385 = tpu.matmul %concatenate3A_380, %get3A_383, %dot_general3A_384 {dimension_numbers = #tpu.dot_dimension_numbers<[1], [0], [0], [1], [0, 0, 1, 1], [], []>, transpose_lhs_hint = false} : vector<256x256xf32>, vector<256x256xf32>, vector<256x256xf32> -> vector<256x256xf32>
    %max3A_386 = arith.maximumf %max3A_364, %dot_general3A_385 : vector<256x256xf32>
    %reduce_sum3A_387 = arith.constant dense<0.000000e+00> : vector<256xf32>
    %reduce_sum3A_388 = vector.multi_reduction <add>, %dot_general3A_385, %reduce_sum3A_387 [0] : vector<256x256xf32> to vector<256xf32>
    %broadcast_in_dim3A_389 = vector.shape_cast %reduce_sum3A_388 : vector<256xf32> to vector<1x256xf32>
    %add3A_390 = arith.addf %add3A_368, %broadcast_in_dim3A_389 : vector<1x256xf32>
    %mul3A_391 = arith.mulf %dot_general3A_385, %dot_general3A_385 : vector<256x256xf32>
    %reduce_sum3A_392 = arith.constant dense<0.000000e+00> : vector<256xf32>
    %reduce_sum3A_393 = vector.multi_reduction <add>, %mul3A_391, %reduce_sum3A_392 [0] : vector<256x256xf32> to vector<256xf32>
    %broadcast_in_dim3A_394 = vector.shape_cast %reduce_sum3A_393 : vector<256xf32> to vector<1x256xf32>
    %add3A_395 = arith.addf %add3A_373, %broadcast_in_dim3A_394 : vector<1x256xf32>
    %get3A_396 = arith.constant 0 : index
    %get3A_397 = arith.constant 18 : index
    %get3A_398 = arith.constant 0 : index
    %get3A_399 = vector.load %arg1[%get3A_396, %get3A_397, %get3A_398] : memref<256x32x128xf32, #tpu.memory_space<vmem>>, vector<256x1x128xf32>
    %get3A_400 = vector.shape_cast %get3A_399 : vector<256x1x128xf32> to vector<256x128xf32>
    %sub3A_401 = arith.subf %get3A_400, %get3A_1 : vector<256x128xf32>
    %concatenate3A_402 = tpu.concatenate %sub3A_401, %get3A_1 in 1 : vector<256x128xf32>, vector<256x128xf32> -> vector<256x256xf32>
    %get3A_403 = arith.constant 0 : index
    %get3A_404 = arith.constant 0 : index
    %get3A_405 = vector.load %arg3[%get3A_403, %get3A_404] : memref<256x256xf32, #tpu.memory_space<vmem>>, vector<256x256xf32>
    %dot_general3A_406 = arith.constant dense<0.000000e+00> : vector<256x256xf32>
    %dot_general3A_407 = tpu.matmul %concatenate3A_402, %get3A_405, %dot_general3A_406 {dimension_numbers = #tpu.dot_dimension_numbers<[1], [0], [0], [1], [0, 0, 1, 1], [], []>, transpose_lhs_hint = false} : vector<256x256xf32>, vector<256x256xf32>, vector<256x256xf32> -> vector<256x256xf32>
    %max3A_408 = arith.maximumf %max3A_386, %dot_general3A_407 : vector<256x256xf32>
    %reduce_sum3A_409 = arith.constant dense<0.000000e+00> : vector<256xf32>
    %reduce_sum3A_410 = vector.multi_reduction <add>, %dot_general3A_407, %reduce_sum3A_409 [0] : vector<256x256xf32> to vector<256xf32>
    %broadcast_in_dim3A_411 = vector.shape_cast %reduce_sum3A_410 : vector<256xf32> to vector<1x256xf32>
    %add3A_412 = arith.addf %add3A_390, %broadcast_in_dim3A_411 : vector<1x256xf32>
    %mul3A_413 = arith.mulf %dot_general3A_407, %dot_general3A_407 : vector<256x256xf32>
    %reduce_sum3A_414 = arith.constant dense<0.000000e+00> : vector<256xf32>
    %reduce_sum3A_415 = vector.multi_reduction <add>, %mul3A_413, %reduce_sum3A_414 [0] : vector<256x256xf32> to vector<256xf32>
    %broadcast_in_dim3A_416 = vector.shape_cast %reduce_sum3A_415 : vector<256xf32> to vector<1x256xf32>
    %add3A_417 = arith.addf %add3A_395, %broadcast_in_dim3A_416 : vector<1x256xf32>
    %get3A_418 = arith.constant 0 : index
    %get3A_419 = arith.constant 19 : index
    %get3A_420 = arith.constant 0 : index
    %get3A_421 = vector.load %arg1[%get3A_418, %get3A_419, %get3A_420] : memref<256x32x128xf32, #tpu.memory_space<vmem>>, vector<256x1x128xf32>
    %get3A_422 = vector.shape_cast %get3A_421 : vector<256x1x128xf32> to vector<256x128xf32>
    %sub3A_423 = arith.subf %get3A_422, %get3A_1 : vector<256x128xf32>
    %concatenate3A_424 = tpu.concatenate %sub3A_423, %get3A_1 in 1 : vector<256x128xf32>, vector<256x128xf32> -> vector<256x256xf32>
    %get3A_425 = arith.constant 0 : index
    %get3A_426 = arith.constant 0 : index
    %get3A_427 = vector.load %arg3[%get3A_425, %get3A_426] : memref<256x256xf32, #tpu.memory_space<vmem>>, vector<256x256xf32>
    %dot_general3A_428 = arith.constant dense<0.000000e+00> : vector<256x256xf32>
    %dot_general3A_429 = tpu.matmul %concatenate3A_424, %get3A_427, %dot_general3A_428 {dimension_numbers = #tpu.dot_dimension_numbers<[1], [0], [0], [1], [0, 0, 1, 1], [], []>, transpose_lhs_hint = false} : vector<256x256xf32>, vector<256x256xf32>, vector<256x256xf32> -> vector<256x256xf32>
    %max3A_430 = arith.maximumf %max3A_408, %dot_general3A_429 : vector<256x256xf32>
    %reduce_sum3A_431 = arith.constant dense<0.000000e+00> : vector<256xf32>
    %reduce_sum3A_432 = vector.multi_reduction <add>, %dot_general3A_429, %reduce_sum3A_431 [0] : vector<256x256xf32> to vector<256xf32>
    %broadcast_in_dim3A_433 = vector.shape_cast %reduce_sum3A_432 : vector<256xf32> to vector<1x256xf32>
    %add3A_434 = arith.addf %add3A_412, %broadcast_in_dim3A_433 : vector<1x256xf32>
    %mul3A_435 = arith.mulf %dot_general3A_429, %dot_general3A_429 : vector<256x256xf32>
    %reduce_sum3A_436 = arith.constant dense<0.000000e+00> : vector<256xf32>
    %reduce_sum3A_437 = vector.multi_reduction <add>, %mul3A_435, %reduce_sum3A_436 [0] : vector<256x256xf32> to vector<256xf32>
    %broadcast_in_dim3A_438 = vector.shape_cast %reduce_sum3A_437 : vector<256xf32> to vector<1x256xf32>
    %add3A_439 = arith.addf %add3A_417, %broadcast_in_dim3A_438 : vector<1x256xf32>
    %get3A_440 = arith.constant 0 : index
    %get3A_441 = arith.constant 20 : index
    %get3A_442 = arith.constant 0 : index
    %get3A_443 = vector.load %arg1[%get3A_440, %get3A_441, %get3A_442] : memref<256x32x128xf32, #tpu.memory_space<vmem>>, vector<256x1x128xf32>
    %get3A_444 = vector.shape_cast %get3A_443 : vector<256x1x128xf32> to vector<256x128xf32>
    %sub3A_445 = arith.subf %get3A_444, %get3A_1 : vector<256x128xf32>
    %concatenate3A_446 = tpu.concatenate %sub3A_445, %get3A_1 in 1 : vector<256x128xf32>, vector<256x128xf32> -> vector<256x256xf32>
    %get3A_447 = arith.constant 0 : index
    %get3A_448 = arith.constant 0 : index
    %get3A_449 = vector.load %arg3[%get3A_447, %get3A_448] : memref<256x256xf32, #tpu.memory_space<vmem>>, vector<256x256xf32>
    %dot_general3A_450 = arith.constant dense<0.000000e+00> : vector<256x256xf32>
    %dot_general3A_451 = tpu.matmul %concatenate3A_446, %get3A_449, %dot_general3A_450 {dimension_numbers = #tpu.dot_dimension_numbers<[1], [0], [0], [1], [0, 0, 1, 1], [], []>, transpose_lhs_hint = false} : vector<256x256xf32>, vector<256x256xf32>, vector<256x256xf32> -> vector<256x256xf32>
    %max3A_452 = arith.maximumf %max3A_430, %dot_general3A_451 : vector<256x256xf32>
    %reduce_sum3A_453 = arith.constant dense<0.000000e+00> : vector<256xf32>
    %reduce_sum3A_454 = vector.multi_reduction <add>, %dot_general3A_451, %reduce_sum3A_453 [0] : vector<256x256xf32> to vector<256xf32>
    %broadcast_in_dim3A_455 = vector.shape_cast %reduce_sum3A_454 : vector<256xf32> to vector<1x256xf32>
    %add3A_456 = arith.addf %add3A_434, %broadcast_in_dim3A_455 : vector<1x256xf32>
    %mul3A_457 = arith.mulf %dot_general3A_451, %dot_general3A_451 : vector<256x256xf32>
    %reduce_sum3A_458 = arith.constant dense<0.000000e+00> : vector<256xf32>
    %reduce_sum3A_459 = vector.multi_reduction <add>, %mul3A_457, %reduce_sum3A_458 [0] : vector<256x256xf32> to vector<256xf32>
    %broadcast_in_dim3A_460 = vector.shape_cast %reduce_sum3A_459 : vector<256xf32> to vector<1x256xf32>
    %add3A_461 = arith.addf %add3A_439, %broadcast_in_dim3A_460 : vector<1x256xf32>
    %get3A_462 = arith.constant 0 : index
    %get3A_463 = arith.constant 21 : index
    %get3A_464 = arith.constant 0 : index
    %get3A_465 = vector.load %arg1[%get3A_462, %get3A_463, %get3A_464] : memref<256x32x128xf32, #tpu.memory_space<vmem>>, vector<256x1x128xf32>
    %get3A_466 = vector.shape_cast %get3A_465 : vector<256x1x128xf32> to vector<256x128xf32>
    %sub3A_467 = arith.subf %get3A_466, %get3A_1 : vector<256x128xf32>
    %concatenate3A_468 = tpu.concatenate %sub3A_467, %get3A_1 in 1 : vector<256x128xf32>, vector<256x128xf32> -> vector<256x256xf32>
    %get3A_469 = arith.constant 0 : index
    %get3A_470 = arith.constant 0 : index
    %get3A_471 = vector.load %arg3[%get3A_469, %get3A_470] : memref<256x256xf32, #tpu.memory_space<vmem>>, vector<256x256xf32>
    %dot_general3A_472 = arith.constant dense<0.000000e+00> : vector<256x256xf32>
    %dot_general3A_473 = tpu.matmul %concatenate3A_468, %get3A_471, %dot_general3A_472 {dimension_numbers = #tpu.dot_dimension_numbers<[1], [0], [0], [1], [0, 0, 1, 1], [], []>, transpose_lhs_hint = false} : vector<256x256xf32>, vector<256x256xf32>, vector<256x256xf32> -> vector<256x256xf32>
    %max3A_474 = arith.maximumf %max3A_452, %dot_general3A_473 : vector<256x256xf32>
    %reduce_sum3A_475 = arith.constant dense<0.000000e+00> : vector<256xf32>
    %reduce_sum3A_476 = vector.multi_reduction <add>, %dot_general3A_473, %reduce_sum3A_475 [0] : vector<256x256xf32> to vector<256xf32>
    %broadcast_in_dim3A_477 = vector.shape_cast %reduce_sum3A_476 : vector<256xf32> to vector<1x256xf32>
    %add3A_478 = arith.addf %add3A_456, %broadcast_in_dim3A_477 : vector<1x256xf32>
    %mul3A_479 = arith.mulf %dot_general3A_473, %dot_general3A_473 : vector<256x256xf32>
    %reduce_sum3A_480 = arith.constant dense<0.000000e+00> : vector<256xf32>
    %reduce_sum3A_481 = vector.multi_reduction <add>, %mul3A_479, %reduce_sum3A_480 [0] : vector<256x256xf32> to vector<256xf32>
    %broadcast_in_dim3A_482 = vector.shape_cast %reduce_sum3A_481 : vector<256xf32> to vector<1x256xf32>
    %add3A_483 = arith.addf %add3A_461, %broadcast_in_dim3A_482 : vector<1x256xf32>
    %get3A_484 = arith.constant 0 : index
    %get3A_485 = arith.constant 22 : index
    %get3A_486 = arith.constant 0 : index
    %get3A_487 = vector.load %arg1[%get3A_484, %get3A_485, %get3A_486] : memref<256x32x128xf32, #tpu.memory_space<vmem>>, vector<256x1x128xf32>
    %get3A_488 = vector.shape_cast %get3A_487 : vector<256x1x128xf32> to vector<256x128xf32>
    %sub3A_489 = arith.subf %get3A_488, %get3A_1 : vector<256x128xf32>
    %concatenate3A_490 = tpu.concatenate %sub3A_489, %get3A_1 in 1 : vector<256x128xf32>, vector<256x128xf32> -> vector<256x256xf32>
    %get3A_491 = arith.constant 0 : index
    %get3A_492 = arith.constant 0 : index
    %get3A_493 = vector.load %arg3[%get3A_491, %get3A_492] : memref<256x256xf32, #tpu.memory_space<vmem>>, vector<256x256xf32>
    %dot_general3A_494 = arith.constant dense<0.000000e+00> : vector<256x256xf32>
    %dot_general3A_495 = tpu.matmul %concatenate3A_490, %get3A_493, %dot_general3A_494 {dimension_numbers = #tpu.dot_dimension_numbers<[1], [0], [0], [1], [0, 0, 1, 1], [], []>, transpose_lhs_hint = false} : vector<256x256xf32>, vector<256x256xf32>, vector<256x256xf32> -> vector<256x256xf32>
    %max3A_496 = arith.maximumf %max3A_474, %dot_general3A_495 : vector<256x256xf32>
    %reduce_sum3A_497 = arith.constant dense<0.000000e+00> : vector<256xf32>
    %reduce_sum3A_498 = vector.multi_reduction <add>, %dot_general3A_495, %reduce_sum3A_497 [0] : vector<256x256xf32> to vector<256xf32>
    %broadcast_in_dim3A_499 = vector.shape_cast %reduce_sum3A_498 : vector<256xf32> to vector<1x256xf32>
    %add3A_500 = arith.addf %add3A_478, %broadcast_in_dim3A_499 : vector<1x256xf32>
    %mul3A_501 = arith.mulf %dot_general3A_495, %dot_general3A_495 : vector<256x256xf32>
    %reduce_sum3A_502 = arith.constant dense<0.000000e+00> : vector<256xf32>
    %reduce_sum3A_503 = vector.multi_reduction <add>, %mul3A_501, %reduce_sum3A_502 [0] : vector<256x256xf32> to vector<256xf32>
    %broadcast_in_dim3A_504 = vector.shape_cast %reduce_sum3A_503 : vector<256xf32> to vector<1x256xf32>
    %add3A_505 = arith.addf %add3A_483, %broadcast_in_dim3A_504 : vector<1x256xf32>
    %get3A_506 = arith.constant 0 : index
    %get3A_507 = arith.constant 23 : index
    %get3A_508 = arith.constant 0 : index
    %get3A_509 = vector.load %arg1[%get3A_506, %get3A_507, %get3A_508] : memref<256x32x128xf32, #tpu.memory_space<vmem>>, vector<256x1x128xf32>
    %get3A_510 = vector.shape_cast %get3A_509 : vector<256x1x128xf32> to vector<256x128xf32>
    %sub3A_511 = arith.subf %get3A_510, %get3A_1 : vector<256x128xf32>
    %concatenate3A_512 = tpu.concatenate %sub3A_511, %get3A_1 in 1 : vector<256x128xf32>, vector<256x128xf32> -> vector<256x256xf32>
    %get3A_513 = arith.constant 0 : index
    %get3A_514 = arith.constant 0 : index
    %get3A_515 = vector.load %arg3[%get3A_513, %get3A_514] : memref<256x256xf32, #tpu.memory_space<vmem>>, vector<256x256xf32>
    %dot_general3A_516 = arith.constant dense<0.000000e+00> : vector<256x256xf32>
    %dot_general3A_517 = tpu.matmul %concatenate3A_512, %get3A_515, %dot_general3A_516 {dimension_numbers = #tpu.dot_dimension_numbers<[1], [0], [0], [1], [0, 0, 1, 1], [], []>, transpose_lhs_hint = false} : vector<256x256xf32>, vector<256x256xf32>, vector<256x256xf32> -> vector<256x256xf32>
    %max3A_518 = arith.maximumf %max3A_496, %dot_general3A_517 : vector<256x256xf32>
    %reduce_sum3A_519 = arith.constant dense<0.000000e+00> : vector<256xf32>
    %reduce_sum3A_520 = vector.multi_reduction <add>, %dot_general3A_517, %reduce_sum3A_519 [0] : vector<256x256xf32> to vector<256xf32>
    %broadcast_in_dim3A_521 = vector.shape_cast %reduce_sum3A_520 : vector<256xf32> to vector<1x256xf32>
    %add3A_522 = arith.addf %add3A_500, %broadcast_in_dim3A_521 : vector<1x256xf32>
    %mul3A_523 = arith.mulf %dot_general3A_517, %dot_general3A_517 : vector<256x256xf32>
    %reduce_sum3A_524 = arith.constant dense<0.000000e+00> : vector<256xf32>
    %reduce_sum3A_525 = vector.multi_reduction <add>, %mul3A_523, %reduce_sum3A_524 [0] : vector<256x256xf32> to vector<256xf32>
    %broadcast_in_dim3A_526 = vector.shape_cast %reduce_sum3A_525 : vector<256xf32> to vector<1x256xf32>
    %add3A_527 = arith.addf %add3A_505, %broadcast_in_dim3A_526 : vector<1x256xf32>
    %get3A_528 = arith.constant 0 : index
    %get3A_529 = arith.constant 24 : index
    %get3A_530 = arith.constant 0 : index
    %get3A_531 = vector.load %arg1[%get3A_528, %get3A_529, %get3A_530] : memref<256x32x128xf32, #tpu.memory_space<vmem>>, vector<256x1x128xf32>
    %get3A_532 = vector.shape_cast %get3A_531 : vector<256x1x128xf32> to vector<256x128xf32>
    %sub3A_533 = arith.subf %get3A_532, %get3A_1 : vector<256x128xf32>
    %concatenate3A_534 = tpu.concatenate %sub3A_533, %get3A_1 in 1 : vector<256x128xf32>, vector<256x128xf32> -> vector<256x256xf32>
    %get3A_535 = arith.constant 0 : index
    %get3A_536 = arith.constant 0 : index
    %get3A_537 = vector.load %arg3[%get3A_535, %get3A_536] : memref<256x256xf32, #tpu.memory_space<vmem>>, vector<256x256xf32>
    %dot_general3A_538 = arith.constant dense<0.000000e+00> : vector<256x256xf32>
    %dot_general3A_539 = tpu.matmul %concatenate3A_534, %get3A_537, %dot_general3A_538 {dimension_numbers = #tpu.dot_dimension_numbers<[1], [0], [0], [1], [0, 0, 1, 1], [], []>, transpose_lhs_hint = false} : vector<256x256xf32>, vector<256x256xf32>, vector<256x256xf32> -> vector<256x256xf32>
    %max3A_540 = arith.maximumf %max3A_518, %dot_general3A_539 : vector<256x256xf32>
    %reduce_sum3A_541 = arith.constant dense<0.000000e+00> : vector<256xf32>
    %reduce_sum3A_542 = vector.multi_reduction <add>, %dot_general3A_539, %reduce_sum3A_541 [0] : vector<256x256xf32> to vector<256xf32>
    %broadcast_in_dim3A_543 = vector.shape_cast %reduce_sum3A_542 : vector<256xf32> to vector<1x256xf32>
    %add3A_544 = arith.addf %add3A_522, %broadcast_in_dim3A_543 : vector<1x256xf32>
    %mul3A_545 = arith.mulf %dot_general3A_539, %dot_general3A_539 : vector<256x256xf32>
    %reduce_sum3A_546 = arith.constant dense<0.000000e+00> : vector<256xf32>
    %reduce_sum3A_547 = vector.multi_reduction <add>, %mul3A_545, %reduce_sum3A_546 [0] : vector<256x256xf32> to vector<256xf32>
    %broadcast_in_dim3A_548 = vector.shape_cast %reduce_sum3A_547 : vector<256xf32> to vector<1x256xf32>
    %add3A_549 = arith.addf %add3A_527, %broadcast_in_dim3A_548 : vector<1x256xf32>
    %get3A_550 = arith.constant 0 : index
    %get3A_551 = arith.constant 25 : index
    %get3A_552 = arith.constant 0 : index
    %get3A_553 = vector.load %arg1[%get3A_550, %get3A_551, %get3A_552] : memref<256x32x128xf32, #tpu.memory_space<vmem>>, vector<256x1x128xf32>
    %get3A_554 = vector.shape_cast %get3A_553 : vector<256x1x128xf32> to vector<256x128xf32>
    %sub3A_555 = arith.subf %get3A_554, %get3A_1 : vector<256x128xf32>
    %concatenate3A_556 = tpu.concatenate %sub3A_555, %get3A_1 in 1 : vector<256x128xf32>, vector<256x128xf32> -> vector<256x256xf32>
    %get3A_557 = arith.constant 0 : index
    %get3A_558 = arith.constant 0 : index
    %get3A_559 = vector.load %arg3[%get3A_557, %get3A_558] : memref<256x256xf32, #tpu.memory_space<vmem>>, vector<256x256xf32>
    %dot_general3A_560 = arith.constant dense<0.000000e+00> : vector<256x256xf32>
    %dot_general3A_561 = tpu.matmul %concatenate3A_556, %get3A_559, %dot_general3A_560 {dimension_numbers = #tpu.dot_dimension_numbers<[1], [0], [0], [1], [0, 0, 1, 1], [], []>, transpose_lhs_hint = false} : vector<256x256xf32>, vector<256x256xf32>, vector<256x256xf32> -> vector<256x256xf32>
    %max3A_562 = arith.maximumf %max3A_540, %dot_general3A_561 : vector<256x256xf32>
    %reduce_sum3A_563 = arith.constant dense<0.000000e+00> : vector<256xf32>
    %reduce_sum3A_564 = vector.multi_reduction <add>, %dot_general3A_561, %reduce_sum3A_563 [0] : vector<256x256xf32> to vector<256xf32>
    %broadcast_in_dim3A_565 = vector.shape_cast %reduce_sum3A_564 : vector<256xf32> to vector<1x256xf32>
    %add3A_566 = arith.addf %add3A_544, %broadcast_in_dim3A_565 : vector<1x256xf32>
    %mul3A_567 = arith.mulf %dot_general3A_561, %dot_general3A_561 : vector<256x256xf32>
    %reduce_sum3A_568 = arith.constant dense<0.000000e+00> : vector<256xf32>
    %reduce_sum3A_569 = vector.multi_reduction <add>, %mul3A_567, %reduce_sum3A_568 [0] : vector<256x256xf32> to vector<256xf32>
    %broadcast_in_dim3A_570 = vector.shape_cast %reduce_sum3A_569 : vector<256xf32> to vector<1x256xf32>
    %add3A_571 = arith.addf %add3A_549, %broadcast_in_dim3A_570 : vector<1x256xf32>
    %get3A_572 = arith.constant 0 : index
    %get3A_573 = arith.constant 26 : index
    %get3A_574 = arith.constant 0 : index
    %get3A_575 = vector.load %arg1[%get3A_572, %get3A_573, %get3A_574] : memref<256x32x128xf32, #tpu.memory_space<vmem>>, vector<256x1x128xf32>
    %get3A_576 = vector.shape_cast %get3A_575 : vector<256x1x128xf32> to vector<256x128xf32>
    %sub3A_577 = arith.subf %get3A_576, %get3A_1 : vector<256x128xf32>
    %concatenate3A_578 = tpu.concatenate %sub3A_577, %get3A_1 in 1 : vector<256x128xf32>, vector<256x128xf32> -> vector<256x256xf32>
    %get3A_579 = arith.constant 0 : index
    %get3A_580 = arith.constant 0 : index
    %get3A_581 = vector.load %arg3[%get3A_579, %get3A_580] : memref<256x256xf32, #tpu.memory_space<vmem>>, vector<256x256xf32>
    %dot_general3A_582 = arith.constant dense<0.000000e+00> : vector<256x256xf32>
    %dot_general3A_583 = tpu.matmul %concatenate3A_578, %get3A_581, %dot_general3A_582 {dimension_numbers = #tpu.dot_dimension_numbers<[1], [0], [0], [1], [0, 0, 1, 1], [], []>, transpose_lhs_hint = false} : vector<256x256xf32>, vector<256x256xf32>, vector<256x256xf32> -> vector<256x256xf32>
    %max3A_584 = arith.maximumf %max3A_562, %dot_general3A_583 : vector<256x256xf32>
    %reduce_sum3A_585 = arith.constant dense<0.000000e+00> : vector<256xf32>
    %reduce_sum3A_586 = vector.multi_reduction <add>, %dot_general3A_583, %reduce_sum3A_585 [0] : vector<256x256xf32> to vector<256xf32>
    %broadcast_in_dim3A_587 = vector.shape_cast %reduce_sum3A_586 : vector<256xf32> to vector<1x256xf32>
    %add3A_588 = arith.addf %add3A_566, %broadcast_in_dim3A_587 : vector<1x256xf32>
    %mul3A_589 = arith.mulf %dot_general3A_583, %dot_general3A_583 : vector<256x256xf32>
    %reduce_sum3A_590 = arith.constant dense<0.000000e+00> : vector<256xf32>
    %reduce_sum3A_591 = vector.multi_reduction <add>, %mul3A_589, %reduce_sum3A_590 [0] : vector<256x256xf32> to vector<256xf32>
    %broadcast_in_dim3A_592 = vector.shape_cast %reduce_sum3A_591 : vector<256xf32> to vector<1x256xf32>
    %add3A_593 = arith.addf %add3A_571, %broadcast_in_dim3A_592 : vector<1x256xf32>
    %get3A_594 = arith.constant 0 : index
    %get3A_595 = arith.constant 27 : index
    %get3A_596 = arith.constant 0 : index
    %get3A_597 = vector.load %arg1[%get3A_594, %get3A_595, %get3A_596] : memref<256x32x128xf32, #tpu.memory_space<vmem>>, vector<256x1x128xf32>
    %get3A_598 = vector.shape_cast %get3A_597 : vector<256x1x128xf32> to vector<256x128xf32>
    %sub3A_599 = arith.subf %get3A_598, %get3A_1 : vector<256x128xf32>
    %concatenate3A_600 = tpu.concatenate %sub3A_599, %get3A_1 in 1 : vector<256x128xf32>, vector<256x128xf32> -> vector<256x256xf32>
    %get3A_601 = arith.constant 0 : index
    %get3A_602 = arith.constant 0 : index
    %get3A_603 = vector.load %arg3[%get3A_601, %get3A_602] : memref<256x256xf32, #tpu.memory_space<vmem>>, vector<256x256xf32>
    %dot_general3A_604 = arith.constant dense<0.000000e+00> : vector<256x256xf32>
    %dot_general3A_605 = tpu.matmul %concatenate3A_600, %get3A_603, %dot_general3A_604 {dimension_numbers = #tpu.dot_dimension_numbers<[1], [0], [0], [1], [0, 0, 1, 1], [], []>, transpose_lhs_hint = false} : vector<256x256xf32>, vector<256x256xf32>, vector<256x256xf32> -> vector<256x256xf32>
    %max3A_606 = arith.maximumf %max3A_584, %dot_general3A_605 : vector<256x256xf32>
    %reduce_sum3A_607 = arith.constant dense<0.000000e+00> : vector<256xf32>
    %reduce_sum3A_608 = vector.multi_reduction <add>, %dot_general3A_605, %reduce_sum3A_607 [0] : vector<256x256xf32> to vector<256xf32>
    %broadcast_in_dim3A_609 = vector.shape_cast %reduce_sum3A_608 : vector<256xf32> to vector<1x256xf32>
    %add3A_610 = arith.addf %add3A_588, %broadcast_in_dim3A_609 : vector<1x256xf32>
    %mul3A_611 = arith.mulf %dot_general3A_605, %dot_general3A_605 : vector<256x256xf32>
    %reduce_sum3A_612 = arith.constant dense<0.000000e+00> : vector<256xf32>
    %reduce_sum3A_613 = vector.multi_reduction <add>, %mul3A_611, %reduce_sum3A_612 [0] : vector<256x256xf32> to vector<256xf32>
    %broadcast_in_dim3A_614 = vector.shape_cast %reduce_sum3A_613 : vector<256xf32> to vector<1x256xf32>
    %add3A_615 = arith.addf %add3A_593, %broadcast_in_dim3A_614 : vector<1x256xf32>
    %get3A_616 = arith.constant 0 : index
    %get3A_617 = arith.constant 28 : index
    %get3A_618 = arith.constant 0 : index
    %get3A_619 = vector.load %arg1[%get3A_616, %get3A_617, %get3A_618] : memref<256x32x128xf32, #tpu.memory_space<vmem>>, vector<256x1x128xf32>
    %get3A_620 = vector.shape_cast %get3A_619 : vector<256x1x128xf32> to vector<256x128xf32>
    %sub3A_621 = arith.subf %get3A_620, %get3A_1 : vector<256x128xf32>
    %concatenate3A_622 = tpu.concatenate %sub3A_621, %get3A_1 in 1 : vector<256x128xf32>, vector<256x128xf32> -> vector<256x256xf32>
    %get3A_623 = arith.constant 0 : index
    %get3A_624 = arith.constant 0 : index
    %get3A_625 = vector.load %arg3[%get3A_623, %get3A_624] : memref<256x256xf32, #tpu.memory_space<vmem>>, vector<256x256xf32>
    %dot_general3A_626 = arith.constant dense<0.000000e+00> : vector<256x256xf32>
    %dot_general3A_627 = tpu.matmul %concatenate3A_622, %get3A_625, %dot_general3A_626 {dimension_numbers = #tpu.dot_dimension_numbers<[1], [0], [0], [1], [0, 0, 1, 1], [], []>, transpose_lhs_hint = false} : vector<256x256xf32>, vector<256x256xf32>, vector<256x256xf32> -> vector<256x256xf32>
    %max3A_628 = arith.maximumf %max3A_606, %dot_general3A_627 : vector<256x256xf32>
    %reduce_sum3A_629 = arith.constant dense<0.000000e+00> : vector<256xf32>
    %reduce_sum3A_630 = vector.multi_reduction <add>, %dot_general3A_627, %reduce_sum3A_629 [0] : vector<256x256xf32> to vector<256xf32>
    %broadcast_in_dim3A_631 = vector.shape_cast %reduce_sum3A_630 : vector<256xf32> to vector<1x256xf32>
    %add3A_632 = arith.addf %add3A_610, %broadcast_in_dim3A_631 : vector<1x256xf32>
    %mul3A_633 = arith.mulf %dot_general3A_627, %dot_general3A_627 : vector<256x256xf32>
    %reduce_sum3A_634 = arith.constant dense<0.000000e+00> : vector<256xf32>
    %reduce_sum3A_635 = vector.multi_reduction <add>, %mul3A_633, %reduce_sum3A_634 [0] : vector<256x256xf32> to vector<256xf32>
    %broadcast_in_dim3A_636 = vector.shape_cast %reduce_sum3A_635 : vector<256xf32> to vector<1x256xf32>
    %add3A_637 = arith.addf %add3A_615, %broadcast_in_dim3A_636 : vector<1x256xf32>
    %get3A_638 = arith.constant 0 : index
    %get3A_639 = arith.constant 29 : index
    %get3A_640 = arith.constant 0 : index
    %get3A_641 = vector.load %arg1[%get3A_638, %get3A_639, %get3A_640] : memref<256x32x128xf32, #tpu.memory_space<vmem>>, vector<256x1x128xf32>
    %get3A_642 = vector.shape_cast %get3A_641 : vector<256x1x128xf32> to vector<256x128xf32>
    %sub3A_643 = arith.subf %get3A_642, %get3A_1 : vector<256x128xf32>
    %concatenate3A_644 = tpu.concatenate %sub3A_643, %get3A_1 in 1 : vector<256x128xf32>, vector<256x128xf32> -> vector<256x256xf32>
    %get3A_645 = arith.constant 0 : index
    %get3A_646 = arith.constant 0 : index
    %get3A_647 = vector.load %arg3[%get3A_645, %get3A_646] : memref<256x256xf32, #tpu.memory_space<vmem>>, vector<256x256xf32>
    %dot_general3A_648 = arith.constant dense<0.000000e+00> : vector<256x256xf32>
    %dot_general3A_649 = tpu.matmul %concatenate3A_644, %get3A_647, %dot_general3A_648 {dimension_numbers = #tpu.dot_dimension_numbers<[1], [0], [0], [1], [0, 0, 1, 1], [], []>, transpose_lhs_hint = false} : vector<256x256xf32>, vector<256x256xf32>, vector<256x256xf32> -> vector<256x256xf32>
    %max3A_650 = arith.maximumf %max3A_628, %dot_general3A_649 : vector<256x256xf32>
    %reduce_sum3A_651 = arith.constant dense<0.000000e+00> : vector<256xf32>
    %reduce_sum3A_652 = vector.multi_reduction <add>, %dot_general3A_649, %reduce_sum3A_651 [0] : vector<256x256xf32> to vector<256xf32>
    %broadcast_in_dim3A_653 = vector.shape_cast %reduce_sum3A_652 : vector<256xf32> to vector<1x256xf32>
    %add3A_654 = arith.addf %add3A_632, %broadcast_in_dim3A_653 : vector<1x256xf32>
    %mul3A_655 = arith.mulf %dot_general3A_649, %dot_general3A_649 : vector<256x256xf32>
    %reduce_sum3A_656 = arith.constant dense<0.000000e+00> : vector<256xf32>
    %reduce_sum3A_657 = vector.multi_reduction <add>, %mul3A_655, %reduce_sum3A_656 [0] : vector<256x256xf32> to vector<256xf32>
    %broadcast_in_dim3A_658 = vector.shape_cast %reduce_sum3A_657 : vector<256xf32> to vector<1x256xf32>
    %add3A_659 = arith.addf %add3A_637, %broadcast_in_dim3A_658 : vector<1x256xf32>
    %get3A_660 = arith.constant 0 : index
    %get3A_661 = arith.constant 30 : index
    %get3A_662 = arith.constant 0 : index
    %get3A_663 = vector.load %arg1[%get3A_660, %get3A_661, %get3A_662] : memref<256x32x128xf32, #tpu.memory_space<vmem>>, vector<256x1x128xf32>
    %get3A_664 = vector.shape_cast %get3A_663 : vector<256x1x128xf32> to vector<256x128xf32>
    %sub3A_665 = arith.subf %get3A_664, %get3A_1 : vector<256x128xf32>
    %concatenate3A_666 = tpu.concatenate %sub3A_665, %get3A_1 in 1 : vector<256x128xf32>, vector<256x128xf32> -> vector<256x256xf32>
    %get3A_667 = arith.constant 0 : index
    %get3A_668 = arith.constant 0 : index
    %get3A_669 = vector.load %arg3[%get3A_667, %get3A_668] : memref<256x256xf32, #tpu.memory_space<vmem>>, vector<256x256xf32>
    %dot_general3A_670 = arith.constant dense<0.000000e+00> : vector<256x256xf32>
    %dot_general3A_671 = tpu.matmul %concatenate3A_666, %get3A_669, %dot_general3A_670 {dimension_numbers = #tpu.dot_dimension_numbers<[1], [0], [0], [1], [0, 0, 1, 1], [], []>, transpose_lhs_hint = false} : vector<256x256xf32>, vector<256x256xf32>, vector<256x256xf32> -> vector<256x256xf32>
    %max3A_672 = arith.maximumf %max3A_650, %dot_general3A_671 : vector<256x256xf32>
    %reduce_sum3A_673 = arith.constant dense<0.000000e+00> : vector<256xf32>
    %reduce_sum3A_674 = vector.multi_reduction <add>, %dot_general3A_671, %reduce_sum3A_673 [0] : vector<256x256xf32> to vector<256xf32>
    %broadcast_in_dim3A_675 = vector.shape_cast %reduce_sum3A_674 : vector<256xf32> to vector<1x256xf32>
    %add3A_676 = arith.addf %add3A_654, %broadcast_in_dim3A_675 : vector<1x256xf32>
    %mul3A_677 = arith.mulf %dot_general3A_671, %dot_general3A_671 : vector<256x256xf32>
    %reduce_sum3A_678 = arith.constant dense<0.000000e+00> : vector<256xf32>
    %reduce_sum3A_679 = vector.multi_reduction <add>, %mul3A_677, %reduce_sum3A_678 [0] : vector<256x256xf32> to vector<256xf32>
    %broadcast_in_dim3A_680 = vector.shape_cast %reduce_sum3A_679 : vector<256xf32> to vector<1x256xf32>
    %add3A_681 = arith.addf %add3A_659, %broadcast_in_dim3A_680 : vector<1x256xf32>
    %get3A_682 = arith.constant 0 : index
    %get3A_683 = arith.constant 31 : index
    %get3A_684 = arith.constant 0 : index
    %get3A_685 = vector.load %arg1[%get3A_682, %get3A_683, %get3A_684] : memref<256x32x128xf32, #tpu.memory_space<vmem>>, vector<256x1x128xf32>
    %get3A_686 = vector.shape_cast %get3A_685 : vector<256x1x128xf32> to vector<256x128xf32>
    %sub3A_687 = arith.subf %get3A_686, %get3A_1 : vector<256x128xf32>
    %concatenate3A_688 = tpu.concatenate %sub3A_687, %get3A_1 in 1 : vector<256x128xf32>, vector<256x128xf32> -> vector<256x256xf32>
    %get3A_689 = arith.constant 0 : index
    %get3A_690 = arith.constant 0 : index
    %get3A_691 = vector.load %arg3[%get3A_689, %get3A_690] : memref<256x256xf32, #tpu.memory_space<vmem>>, vector<256x256xf32>
    %dot_general3A_692 = arith.constant dense<0.000000e+00> : vector<256x256xf32>
    %dot_general3A_693 = tpu.matmul %concatenate3A_688, %get3A_691, %dot_general3A_692 {dimension_numbers = #tpu.dot_dimension_numbers<[1], [0], [0], [1], [0, 0, 1, 1], [], []>, transpose_lhs_hint = false} : vector<256x256xf32>, vector<256x256xf32>, vector<256x256xf32> -> vector<256x256xf32>
    %max3A_694 = arith.maximumf %max3A_672, %dot_general3A_693 : vector<256x256xf32>
    %reduce_sum3A_695 = arith.constant dense<0.000000e+00> : vector<256xf32>
    %reduce_sum3A_696 = vector.multi_reduction <add>, %dot_general3A_693, %reduce_sum3A_695 [0] : vector<256x256xf32> to vector<256xf32>
    %broadcast_in_dim3A_697 = vector.shape_cast %reduce_sum3A_696 : vector<256xf32> to vector<1x256xf32>
    %add3A_698 = arith.addf %add3A_676, %broadcast_in_dim3A_697 : vector<1x256xf32>
    %mul3A_699 = arith.mulf %dot_general3A_693, %dot_general3A_693 : vector<256x256xf32>
    %reduce_sum3A_700 = arith.constant dense<0.000000e+00> : vector<256xf32>
    %reduce_sum3A_701 = vector.multi_reduction <add>, %mul3A_699, %reduce_sum3A_700 [0] : vector<256x256xf32> to vector<256xf32>
    %broadcast_in_dim3A_702 = vector.shape_cast %reduce_sum3A_701 : vector<256xf32> to vector<1x256xf32>
    %add3A_703 = arith.addf %add3A_681, %broadcast_in_dim3A_702 : vector<1x256xf32>
    %swap3A = arith.constant 0 : index
    %swap3A_704 = arith.constant 0 : index
    %swap3A_705 = vector.load %arg4[%swap3A, %swap3A_704] : memref<256x256xf32, #tpu.memory_space<vmem>>, vector<256x256xf32>
    tpu.vector_store %arg4[%swap3A, %swap3A_704], %max3A_694 {strides = array<i32>} : memref<256x256xf32, #tpu.memory_space<vmem>>, vector<256x256xf32>,
    %eq3A = arith.constant 0 : i32
    %eq3A_706 = arith.cmpi eq, %arg0, %eq3A : i32
    %convert_element_type3A = arith.extui %eq3A_706 : i1 to i32
    %cond3A = arith.constant 0 : i32
    %cond3A_707 = arith.cmpi ne, %convert_element_type3A, %cond3A : i32
    scf.if %cond3A_707 {
      %swap3A_712 = arith.constant 0 : index
      %swap3A_713 = arith.constant 0 : index
      %swap3A_714 = vector.load %arg5[%swap3A_712, %swap3A_713] : memref<1x256xf32, #tpu.memory_space<vmem>>, vector<1x256xf32>
      tpu.vector_store %arg5[%swap3A_712, %swap3A_713], %add3A_698 {strides = array<i32>} : memref<1x256xf32, #tpu.memory_space<vmem>>, vector<1x256xf32>,
      %swap3A_715 = arith.constant 0 : index
      %swap3A_716 = arith.constant 0 : index
      %swap3A_717 = vector.load %arg6[%swap3A_715, %swap3A_716] : memref<1x256xf32, #tpu.memory_space<vmem>>, vector<1x256xf32>
      tpu.vector_store %arg6[%swap3A_715, %swap3A_716], %add3A_703 {strides = array<i32>} : memref<1x256xf32, #tpu.memory_space<vmem>>, vector<1x256xf32>,
    } else {
    }
    %gt3A = arith.constant 0 : i32
    %gt3A_708 = arith.cmpi sgt, %arg0, %gt3A : i32
    %convert_element_type3A_709 = arith.extui %gt3A_708 : i1 to i32
    %cond3A_710 = arith.constant 0 : i32
    %cond3A_711 = arith.cmpi ne, %convert_element_type3A_709, %cond3A_710 : i32
    scf.if %cond3A_711 {
      %get3A_712 = arith.constant 0 : index
      %get3A_713 = arith.constant 0 : index
      %get3A_714 = vector.load %arg5[%get3A_712, %get3A_713] : memref<1x256xf32, #tpu.memory_space<vmem>>, vector<1x256xf32>
      %add3A_715 = arith.addf %get3A_714, %add3A_698 : vector<1x256xf32>
      %swap3A_716 = arith.constant 0 : index
      %swap3A_717 = arith.constant 0 : index
      %swap3A_718 = vector.load %arg5[%swap3A_716, %swap3A_717] : memref<1x256xf32, #tpu.memory_space<vmem>>, vector<1x256xf32>
      tpu.vector_store %arg5[%swap3A_716, %swap3A_717], %add3A_715 {strides = array<i32>} : memref<1x256xf32, #tpu.memory_space<vmem>>, vector<1x256xf32>,
      %get3A_719 = arith.constant 0 : index
      %get3A_720 = arith.constant 0 : index
      %get3A_721 = vector.load %arg6[%get3A_719, %get3A_720] : memref<1x256xf32, #tpu.memory_space<vmem>>, vector<1x256xf32>
      %add3A_722 = arith.addf %get3A_721, %add3A_703 : vector<1x256xf32>
      %swap3A_723 = arith.constant 0 : index
      %swap3A_724 = arith.constant 0 : index
      %swap3A_725 = vector.load %arg6[%swap3A_723, %swap3A_724] : memref<1x256xf32, #tpu.memory_space<vmem>>, vector<1x256xf32>
      tpu.vector_store %arg6[%swap3A_723, %swap3A_724], %add3A_722 {strides = array<i32>} : memref<1x256xf32, #tpu.memory_space<vmem>>, vector<1x256xf32>,
    } else {
    }
    return
  }
  func.func @transform_0(%arg0: i32) -> (i32, i32, i32) {
    %c0_i32 = arith.constant 0 : i32
    %c0_i32_0 = arith.constant 0 : i32
    %c0_i32_1 = arith.constant 0 : i32
    return %arg0, %c0_i32, %c0_i32_0 : i32, i32, i32
  }
  func.func @transform_1(%arg0: i32) -> (i32, i32) {
    %c0_i32 = arith.constant 0 : i32
    %c0_i32_0 = arith.constant 0 : i32
    return %arg0, %c0_i32 : i32, i32
  }
  func.func @transform_2(%arg0: i32) -> (i32, i32) {
    %c0_i32 = arith.constant 0 : i32
    %c0_i32_0 = arith.constant 0 : i32
    %c0_i32_1 = arith.constant 0 : i32
    return %c0_i32, %c0_i32_0 : i32, i32
  }
  func.func @transform_3(%arg0: i32) -> (i32, i32) {
    %c0_i32 = arith.constant 0 : i32
    %c0_i32_0 = arith.constant 0 : i32
    return %arg0, %c0_i32 : i32, i32
  }
  func.func @transform_4(%arg0: i32) -> (i32, i32) {
    %c0_i32 = arith.constant 0 : i32
    %c0_i32_0 = arith.constant 0 : i32
    %c0_i32_1 = arith.constant 0 : i32
    return %c0_i32, %c0_i32_0 : i32, i32
  }
  func.func @transform_5(%arg0: i32) -> (i32, i32) {
    %c0_i32 = arith.constant 0 : i32
    %c0_i32_0 = arith.constant 0 : i32
    %c0_i32_1 = arith.constant 0 : i32
    return %c0_i32, %c0_i32_0 : i32, i32
  }
}

module attributes {stable_mosaic.version = 14 : i64} {
  func.func @body(%arg0: i32, %arg1: memref<256x256xf32, #tpu.memory_space<vmem>>, %arg2: memref<1x256xf32, #tpu.memory_space<vmem>>, %arg3: memref<1x256xf32, #tpu.memory_space<vmem>>, %arg4: memref<256x256xf32, #tpu.memory_space<vmem>>) attributes {dimension_semantics = [#tpu.dimension_semantics<arbitrary>], iteration_bounds = array<i64: 32>, scalar_prefetch = 0 : i64, scratch_operands = 0 : i64, tpu.core_type = #tpu.core_type<tc>, window_params = [{transform_indices = @transform_0, window_bounds = array<i64: 256, 256>}, {pipeline_mode = #tpu.pipeline_mode<synchronous>, transform_indices = @transform_1, window_bounds = array<i64: 1, 256>}, {pipeline_mode = #tpu.pipeline_mode<synchronous>, transform_indices = @transform_2, window_bounds = array<i64: 1, 256>}, {transform_indices = @transform_3, window_bounds = array<i64: 256, 256>}]} {
    %get3A = arith.constant 0 : index
    %get3A_0 = arith.constant 0 : index
    %get3A_1 = vector.load %arg1[%get3A, %get3A_0] : memref<256x256xf32, #tpu.memory_space<vmem>>, vector<256x256xf32>
    %get3A_2 = arith.constant 0 : index
    %get3A_3 = arith.constant 0 : index
    %get3A_4 = vector.load %arg2[%get3A_2, %get3A_3] : memref<1x256xf32, #tpu.memory_space<vmem>>, vector<1x256xf32>
    %sub3A = vector.broadcast %get3A_4 : vector<1x256xf32> to vector<256x256xf32>
    %sub3A_5 = arith.subf %get3A_1, %sub3A : vector<256x256xf32>
    %get3A_6 = arith.constant 0 : index
    %get3A_7 = arith.constant 0 : index
    %get3A_8 = vector.load %arg3[%get3A_6, %get3A_7] : memref<1x256xf32, #tpu.memory_space<vmem>>, vector<1x256xf32>
    %div3A = vector.broadcast %get3A_8 : vector<1x256xf32> to vector<256x256xf32>
    %div3A_9 = arith.divf %sub3A_5, %div3A : vector<256x256xf32>
    %ge3A = arith.constant 0.000000e+00 : f32
    %ge3A_10 = vector.broadcast %ge3A : f32 to vector<256x256xf32>
    %ge3A_11 = arith.cmpf oge, %div3A_9, %ge3A_10 : vector<256x256xf32>
    %mul3A = arith.constant 2.000000e-01 : f32
    %mul3A_12 = vector.broadcast %mul3A : f32 to vector<256x256xf32>
    %mul3A_13 = arith.mulf %mul3A_12, %div3A_9 : vector<256x256xf32>
    %select_n3A = arith.select %ge3A_11, %div3A_9, %mul3A_13 : vector<256x256xi1>, vector<256x256xf32>
    %swap3A = arith.constant 0 : index
    %swap3A_14 = arith.constant 0 : index
    %swap3A_15 = vector.load %arg4[%swap3A, %swap3A_14] : memref<256x256xf32, #tpu.memory_space<vmem>>, vector<256x256xf32>
    tpu.vector_store %arg4[%swap3A, %swap3A_14], %select_n3A {strides = array<i32>} : memref<256x256xf32, #tpu.memory_space<vmem>>, vector<256x256xf32>,
    return
  }
  func.func @transform_0(%arg0: i32) -> (i32, i32) {
    %c0_i32 = arith.constant 0 : i32
    %c0_i32_0 = arith.constant 0 : i32
    return %arg0, %c0_i32 : i32, i32
  }
  func.func @transform_1(%arg0: i32) -> (i32, i32) {
    %c0_i32 = arith.constant 0 : i32
    %c0_i32_0 = arith.constant 0 : i32
    %c0_i32_1 = arith.constant 0 : i32
    return %c0_i32, %c0_i32_0 : i32, i32
  }
  func.func @transform_2(%arg0: i32) -> (i32, i32) {
    %c0_i32 = arith.constant 0 : i32
    %c0_i32_0 = arith.constant 0 : i32
    %c0_i32_1 = arith.constant 0 : i32
    return %c0_i32, %c0_i32_0 : i32, i32
  }
  func.func @transform_3(%arg0: i32) -> (i32, i32) {
    %c0_i32 = arith.constant 0 : i32
    %c0_i32_0 = arith.constant 0 : i32
    return %arg0, %c0_i32 : i32, i32
  }
}

module attributes {stable_mosaic.version = 14 : i64} {
  func.func @body(%arg0: i32, %arg1: memref<256x512xf32, #tpu.memory_space<vmem>>, %arg2: memref<512x1024xf32, #tpu.memory_space<vmem>>, %arg3: memref<256x1024xf32, #tpu.memory_space<vmem>>, %arg4: memref<1x1024xf32, #tpu.memory_space<vmem>>, %arg5: memref<1x1024xf32, #tpu.memory_space<vmem>>) attributes {dimension_semantics = [#tpu.dimension_semantics<arbitrary>], iteration_bounds = array<i64: 32>, scalar_prefetch = 0 : i64, scratch_operands = 0 : i64, tpu.core_type = #tpu.core_type<tc>, window_params = [{transform_indices = @transform_0, window_bounds = array<i64: 256, 512>}, {pipeline_mode = #tpu.pipeline_mode<synchronous>, transform_indices = @transform_1, window_bounds = array<i64: 512, 1024>}, {transform_indices = @transform_2, window_bounds = array<i64: 256, 1024>}, {pipeline_mode = #tpu.pipeline_mode<synchronous>, transform_indices = @transform_3, window_bounds = array<i64: 1, 1024>}, {pipeline_mode = #tpu.pipeline_mode<synchronous>, transform_indices = @transform_4, window_bounds = array<i64: 1, 1024>}]} {
    %get3A = arith.constant 0 : index
    %get3A_0 = arith.constant 0 : index
    %get3A_1 = vector.load %arg1[%get3A, %get3A_0] : memref<256x512xf32, #tpu.memory_space<vmem>>, vector<256x512xf32>
    %get3A_2 = arith.constant 0 : index
    %get3A_3 = arith.constant 0 : index
    %get3A_4 = vector.load %arg2[%get3A_2, %get3A_3] : memref<512x1024xf32, #tpu.memory_space<vmem>>, vector<512x1024xf32>
    %dot_general3A = arith.constant dense<0.000000e+00> : vector<256x1024xf32>
    %dot_general3A_5 = tpu.matmul %get3A_1, %get3A_4, %dot_general3A {dimension_numbers = #tpu.dot_dimension_numbers<[1], [0], [0], [1], [0, 0, 1, 1], [], []>, transpose_lhs_hint = false} : vector<256x512xf32>, vector<512x1024xf32>, vector<256x1024xf32> -> vector<256x1024xf32>
    %swap3A = arith.constant 0 : index
    %swap3A_6 = arith.constant 0 : index
    %swap3A_7 = vector.load %arg3[%swap3A, %swap3A_6] : memref<256x1024xf32, #tpu.memory_space<vmem>>, vector<256x1024xf32>
    tpu.vector_store %arg3[%swap3A, %swap3A_6], %dot_general3A_5 {strides = array<i32>} : memref<256x1024xf32, #tpu.memory_space<vmem>>, vector<256x1024xf32>,
    %reduce_sum3A = arith.constant dense<0.000000e+00> : vector<1024xf32>
    %reduce_sum3A_8 = vector.multi_reduction <add>, %dot_general3A_5, %reduce_sum3A [0] : vector<256x1024xf32> to vector<1024xf32>
    %broadcast_in_dim3A = vector.shape_cast %reduce_sum3A_8 : vector<1024xf32> to vector<1x1024xf32>
    %mul3A = arith.mulf %dot_general3A_5, %dot_general3A_5 : vector<256x1024xf32>
    %reduce_sum3A_9 = arith.constant dense<0.000000e+00> : vector<1024xf32>
    %reduce_sum3A_10 = vector.multi_reduction <add>, %mul3A, %reduce_sum3A_9 [0] : vector<256x1024xf32> to vector<1024xf32>
    %broadcast_in_dim3A_11 = vector.shape_cast %reduce_sum3A_10 : vector<1024xf32> to vector<1x1024xf32>
    %eq3A = arith.constant 0 : i32
    %eq3A_12 = arith.cmpi eq, %arg0, %eq3A : i32
    %convert_element_type3A = arith.extui %eq3A_12 : i1 to i32
    %cond3A = arith.constant 0 : i32
    %cond3A_13 = arith.cmpi ne, %convert_element_type3A, %cond3A : i32
    scf.if %cond3A_13 {
      %swap3A_18 = arith.constant 0 : index
      %swap3A_19 = arith.constant 0 : index
      %swap3A_20 = vector.load %arg4[%swap3A_18, %swap3A_19] : memref<1x1024xf32, #tpu.memory_space<vmem>>, vector<1x1024xf32>
      tpu.vector_store %arg4[%swap3A_18, %swap3A_19], %broadcast_in_dim3A {strides = array<i32>} : memref<1x1024xf32, #tpu.memory_space<vmem>>, vector<1x1024xf32>,
      %swap3A_21 = arith.constant 0 : index
      %swap3A_22 = arith.constant 0 : index
      %swap3A_23 = vector.load %arg5[%swap3A_21, %swap3A_22] : memref<1x1024xf32, #tpu.memory_space<vmem>>, vector<1x1024xf32>
      tpu.vector_store %arg5[%swap3A_21, %swap3A_22], %broadcast_in_dim3A_11 {strides = array<i32>} : memref<1x1024xf32, #tpu.memory_space<vmem>>, vector<1x1024xf32>,
    } else {
    }
    %gt3A = arith.constant 0 : i32
    %gt3A_14 = arith.cmpi sgt, %arg0, %gt3A : i32
    %convert_element_type3A_15 = arith.extui %gt3A_14 : i1 to i32
    %cond3A_16 = arith.constant 0 : i32
    %cond3A_17 = arith.cmpi ne, %convert_element_type3A_15, %cond3A_16 : i32
    scf.if %cond3A_17 {
      %get3A_18 = arith.constant 0 : index
      %get3A_19 = arith.constant 0 : index
      %get3A_20 = vector.load %arg4[%get3A_18, %get3A_19] : memref<1x1024xf32, #tpu.memory_space<vmem>>, vector<1x1024xf32>
      %add3A = arith.addf %get3A_20, %broadcast_in_dim3A : vector<1x1024xf32>
      %swap3A_21 = arith.constant 0 : index
      %swap3A_22 = arith.constant 0 : index
      %swap3A_23 = vector.load %arg4[%swap3A_21, %swap3A_22] : memref<1x1024xf32, #tpu.memory_space<vmem>>, vector<1x1024xf32>
      tpu.vector_store %arg4[%swap3A_21, %swap3A_22], %add3A {strides = array<i32>} : memref<1x1024xf32, #tpu.memory_space<vmem>>, vector<1x1024xf32>,
      %get3A_24 = arith.constant 0 : index
      %get3A_25 = arith.constant 0 : index
      %get3A_26 = vector.load %arg5[%get3A_24, %get3A_25] : memref<1x1024xf32, #tpu.memory_space<vmem>>, vector<1x1024xf32>
      %add3A_27 = arith.addf %get3A_26, %broadcast_in_dim3A_11 : vector<1x1024xf32>
      %swap3A_28 = arith.constant 0 : index
      %swap3A_29 = arith.constant 0 : index
      %swap3A_30 = vector.load %arg5[%swap3A_28, %swap3A_29] : memref<1x1024xf32, #tpu.memory_space<vmem>>, vector<1x1024xf32>
      tpu.vector_store %arg5[%swap3A_28, %swap3A_29], %add3A_27 {strides = array<i32>} : memref<1x1024xf32, #tpu.memory_space<vmem>>, vector<1x1024xf32>,
    } else {
    }
    return
  }
  func.func @transform_0(%arg0: i32) -> (i32, i32) {
    %c0_i32 = arith.constant 0 : i32
    %c0_i32_0 = arith.constant 0 : i32
    return %arg0, %c0_i32 : i32, i32
  }
  func.func @transform_1(%arg0: i32) -> (i32, i32) {
    %c0_i32 = arith.constant 0 : i32
    %c0_i32_0 = arith.constant 0 : i32
    %c0_i32_1 = arith.constant 0 : i32
    return %c0_i32, %c0_i32_0 : i32, i32
  }
  func.func @transform_2(%arg0: i32) -> (i32, i32) {
    %c0_i32 = arith.constant 0 : i32
    %c0_i32_0 = arith.constant 0 : i32
    return %arg0, %c0_i32 : i32, i32
  }
  func.func @transform_3(%arg0: i32) -> (i32, i32) {
    %c0_i32 = arith.constant 0 : i32
    %c0_i32_0 = arith.constant 0 : i32
    %c0_i32_1 = arith.constant 0 : i32
    return %c0_i32, %c0_i32_0 : i32, i32
  }
  func.func @transform_4(%arg0: i32) -> (i32, i32) {
    %c0_i32 = arith.constant 0 : i32
    %c0_i32_0 = arith.constant 0 : i32
    %c0_i32_1 = arith.constant 0 : i32
    return %c0_i32, %c0_i32_0 : i32, i32
  }
}

module attributes {stable_mosaic.version = 14 : i64} {
  func.func @body(%arg0: i32, %arg1: i32, %arg2: memref<1x256x1024xf32, #tpu.memory_space<vmem>>, %arg3: memref<1x1024xf32, #tpu.memory_space<vmem>>, %arg4: memref<1x1024xf32, #tpu.memory_space<vmem>>, %arg5: memref<1x256x1024xf32, #tpu.memory_space<vmem>>, %arg6: memref<1x1x1024xf32, #tpu.memory_space<vmem>>) attributes {dimension_semantics = [#tpu.dimension_semantics<arbitrary>, #tpu.dimension_semantics<arbitrary>], iteration_bounds = array<i64: 8, 4>, scalar_prefetch = 0 : i64, scratch_operands = 0 : i64, tpu.core_type = #tpu.core_type<tc>, window_params = [{transform_indices = @transform_0, window_bounds = array<i64: 1, 256, 1024>}, {pipeline_mode = #tpu.pipeline_mode<synchronous>, transform_indices = @transform_1, window_bounds = array<i64: 1, 1024>}, {pipeline_mode = #tpu.pipeline_mode<synchronous>, transform_indices = @transform_2, window_bounds = array<i64: 1, 1024>}, {transform_indices = @transform_3, window_bounds = array<i64: 1, 256, 1024>}, {transform_indices = @transform_4, window_bounds = array<i64: 1, 1, 1024>}]} {
    %get3A = arith.constant 0 : index
    %get3A_0 = arith.constant 0 : index
    %get3A_1 = arith.constant 0 : index
    %get3A_2 = vector.load %arg2[%get3A, %get3A_0, %get3A_1] : memref<1x256x1024xf32, #tpu.memory_space<vmem>>, vector<1x256x1024xf32>
    %get3A_3 = vector.shape_cast %get3A_2 : vector<1x256x1024xf32> to vector<256x1024xf32>
    %get3A_4 = arith.constant 0 : index
    %get3A_5 = arith.constant 0 : index
    %get3A_6 = vector.load %arg3[%get3A_4, %get3A_5] : memref<1x1024xf32, #tpu.memory_space<vmem>>, vector<1x1024xf32>
    %sub3A = vector.broadcast %get3A_6 : vector<1x1024xf32> to vector<256x1024xf32>
    %sub3A_7 = arith.subf %get3A_3, %sub3A : vector<256x1024xf32>
    %get3A_8 = arith.constant 0 : index
    %get3A_9 = arith.constant 0 : index
    %get3A_10 = vector.load %arg4[%get3A_8, %get3A_9] : memref<1x1024xf32, #tpu.memory_space<vmem>>, vector<1x1024xf32>
    %div3A = vector.broadcast %get3A_10 : vector<1x1024xf32> to vector<256x1024xf32>
    %div3A_11 = arith.divf %sub3A_7, %div3A : vector<256x1024xf32>
    %ge3A = arith.constant 0.000000e+00 : f32
    %ge3A_12 = vector.broadcast %ge3A : f32 to vector<256x1024xf32>
    %ge3A_13 = arith.cmpf oge, %div3A_11, %ge3A_12 : vector<256x1024xf32>
    %mul3A = arith.constant 2.000000e-01 : f32
    %mul3A_14 = vector.broadcast %mul3A : f32 to vector<256x1024xf32>
    %mul3A_15 = arith.mulf %mul3A_14, %div3A_11 : vector<256x1024xf32>
    %select_n3A = arith.select %ge3A_13, %div3A_11, %mul3A_15 : vector<256x1024xi1>, vector<256x1024xf32>
    %swap3A = arith.constant 0 : index
    %swap3A_16 = arith.constant 0 : index
    %swap3A_17 = arith.constant 0 : index
    %swap3A_18 = vector.load %arg5[%swap3A, %swap3A_16, %swap3A_17] : memref<1x256x1024xf32, #tpu.memory_space<vmem>>, vector<1x256x1024xf32>
    %swap3A_19 = vector.shape_cast %swap3A_18 : vector<1x256x1024xf32> to vector<256x1024xf32>
    %swap3A_20 = vector.shape_cast %select_n3A : vector<256x1024xf32> to vector<1x256x1024xf32>
    tpu.vector_store %arg5[%swap3A, %swap3A_16, %swap3A_17], %swap3A_20 {strides = array<i32>} : memref<1x256x1024xf32, #tpu.memory_space<vmem>>, vector<1x256x1024xf32>,
    %reduce_max3A = arith.constant dense<0xFF800000> : vector<1024xf32>
    %reduce_max3A_21 = vector.multi_reduction <maximumf>, %select_n3A, %reduce_max3A [0] : vector<256x1024xf32> to vector<1024xf32>
    %broadcast_in_dim3A = vector.shape_cast %reduce_max3A_21 : vector<1024xf32> to vector<1x1024xf32>
    %eq3A = arith.constant 0 : i32
    %eq3A_22 = arith.cmpi eq, %arg1, %eq3A : i32
    %convert_element_type3A = arith.extui %eq3A_22 : i1 to i32
    %cond3A = arith.constant 0 : i32
    %cond3A_23 = arith.cmpi ne, %convert_element_type3A, %cond3A : i32
    scf.if %cond3A_23 {
      %swap3A_28 = arith.constant 0 : index
      %swap3A_29 = arith.constant 0 : index
      %swap3A_30 = arith.constant 0 : index
      %swap3A_31 = vector.load %arg6[%swap3A_28, %swap3A_29, %swap3A_30] : memref<1x1x1024xf32, #tpu.memory_space<vmem>>, vector<1x1x1024xf32>
      %swap3A_32 = vector.shape_cast %swap3A_31 : vector<1x1x1024xf32> to vector<1x1024xf32>
      %swap3A_33 = vector.shape_cast %broadcast_in_dim3A : vector<1x1024xf32> to vector<1x1x1024xf32>
      tpu.vector_store %arg6[%swap3A_28, %swap3A_29, %swap3A_30], %swap3A_33 {strides = array<i32>} : memref<1x1x1024xf32, #tpu.memory_space<vmem>>, vector<1x1x1024xf32>,
    } else {
    }
    %gt3A = arith.constant 0 : i32
    %gt3A_24 = arith.cmpi sgt, %arg1, %gt3A : i32
    %convert_element_type3A_25 = arith.extui %gt3A_24 : i1 to i32
    %cond3A_26 = arith.constant 0 : i32
    %cond3A_27 = arith.cmpi ne, %convert_element_type3A_25, %cond3A_26 : i32
    scf.if %cond3A_27 {
      %get3A_28 = arith.constant 0 : index
      %get3A_29 = arith.constant 0 : index
      %get3A_30 = arith.constant 0 : index
      %get3A_31 = vector.load %arg6[%get3A_28, %get3A_29, %get3A_30] : memref<1x1x1024xf32, #tpu.memory_space<vmem>>, vector<1x1x1024xf32>
      %get3A_32 = vector.shape_cast %get3A_31 : vector<1x1x1024xf32> to vector<1x1024xf32>
      %max3A = arith.maximumf %get3A_32, %broadcast_in_dim3A : vector<1x1024xf32>
      %swap3A_33 = arith.constant 0 : index
      %swap3A_34 = arith.constant 0 : index
      %swap3A_35 = arith.constant 0 : index
      %swap3A_36 = vector.load %arg6[%swap3A_33, %swap3A_34, %swap3A_35] : memref<1x1x1024xf32, #tpu.memory_space<vmem>>, vector<1x1x1024xf32>
      %swap3A_37 = vector.shape_cast %swap3A_36 : vector<1x1x1024xf32> to vector<1x1024xf32>
      %swap3A_38 = vector.shape_cast %max3A : vector<1x1024xf32> to vector<1x1x1024xf32>
      tpu.vector_store %arg6[%swap3A_33, %swap3A_34, %swap3A_35], %swap3A_38 {strides = array<i32>} : memref<1x1x1024xf32, #tpu.memory_space<vmem>>, vector<1x1x1024xf32>,
    } else {
    }
    return
  }
  func.func @transform_0(%arg0: i32, %arg1: i32) -> (i32, i32, i32) {
    %c0_i32 = arith.constant 0 : i32
    %c0_i32_0 = arith.constant 0 : i32
    return %arg0, %arg1, %c0_i32 : i32, i32, i32
  }
  func.func @transform_1(%arg0: i32, %arg1: i32) -> (i32, i32) {
    %c0_i32 = arith.constant 0 : i32
    %c0_i32_0 = arith.constant 0 : i32
    %c0_i32_1 = arith.constant 0 : i32
    return %c0_i32, %c0_i32_0 : i32, i32
  }
  func.func @transform_2(%arg0: i32, %arg1: i32) -> (i32, i32) {
    %c0_i32 = arith.constant 0 : i32
    %c0_i32_0 = arith.constant 0 : i32
    %c0_i32_1 = arith.constant 0 : i32
    return %c0_i32, %c0_i32_0 : i32, i32
  }
  func.func @transform_3(%arg0: i32, %arg1: i32) -> (i32, i32, i32) {
    %c0_i32 = arith.constant 0 : i32
    %c0_i32_0 = arith.constant 0 : i32
    return %arg0, %arg1, %c0_i32 : i32, i32, i32
  }
  func.func @transform_4(%arg0: i32, %arg1: i32) -> (i32, i32, i32) {
    %c0_i32 = arith.constant 0 : i32
    %c0_i32_0 = arith.constant 0 : i32
    %c0_i32_1 = arith.constant 0 : i32
    return %arg0, %c0_i32, %c0_i32_0 : i32, i32, i32
  }
}

</mosaic_0001>

<sc_bundles>
// kernel: kernel.20.cloned.1.call-start
scs
__scs_entry_jumppad:
0x0: {  	(pc) =	sbr.rel $0x88, $3  }
0x1: {  	(tag) =	ssettag $0x0;
	lr =	simm.s32 $0x1  }
0x2: {  	[smem:$0x3F9B] =	sst lr;
	_ =	strace $0xD0000000  }
0x3: {  	_ = 	snop  }
0x4: {  	_ = 	snop  }
0x5: {  	_ = 	snop  }
0x6: {  	_ = 	snop  }
0x7: {  	_ = 	snop  }
__scs_overlays_trampoline_lowered:
0x8: {  	[smem:$0x3FAA] =	sst s0  }
0x9: {  	[smem:$0x3FAB] =	sst s1  }
0xa: {  	[smem:$0x3FAC] =	sst s2  }
0xb: {  	[smem:$0x3FAD] =	sst s3  }
0xc: {  	[smem:$0x3FAE] =	sst s4  }
0xd: {  	[smem:$0x3FAF] =	sst s5  }
0xe: {  	[smem:$0x3FB0] =	sst s6  }
0xf: {  	[smem:$0x3FB1] =	sst s7  }
0x10: {  	[smem:$0x3FB2] =	sst s8  }
0x11: {  	[smem:$0x3FB3] =	sst s9;
	s0 =	simm.s32 @!p0 $0x0  }
0x12: {  	s1 =	sld [smem:$0x3F99];
	s0 =	simm.s32 @p0 $0x1  }
0x13: {  	[smem:$0x3FB4] =	sst s0;
	s0 =	simm.s32 @!p1 $0x0  }
0x14: {  	s2 =	sld [smem:$0x3F98];
	s0 =	simm.s32 @p1 $0x1  }
0x15: {  	[smem:$0x3FB5] =	sst s0;
	s0 =	simm.s32 @!p2 $0x0  }
0x16: {  	s3 =	sld [smem:$0x3FDB];
	s0 =	simm.s32 @p2 $0x1  }
0x17: {  	s4 =	simm.s32 $0x1BF5;
	[smem:$0x3FB7] =	sst s0  }
0x18: {  	s0 =	sld [smem:$0x3F9A];
	_ =	swait.ge [sflag:s4], $0x0  }
0x19: {  	s7 =	sld [smem:$0x3F9B]  }
0x1a: {  	s8 =	sadd.s32 $0xFFFFE003, lr  }
0x1b: {  	s9 =	sadd.s32 $0xFFFFFEF7, lr;
	s5 =	simm.s32 $0xFFFFFFFF;
	p2 =	slt.u32 s8, $0xFFFFF086  }
0x1c: {  	p1 =	slt.u32 s9, $0xF7A;
	s5 =	simm.s32 @!p2 $0x0  }
0x1d: {  	s5 =	simm.s32 @p1 $0x1;
	p0 =	seq.s32 s7, s2  }
0x1e: {  	s7 =	smul.u32 @!p0 $0xF7A, s2;
	p2 =	seq.s32 @!p0 s5, $0x0  }
0x1f: {  	s9 =	smul.u32 $0xF7A, s1;
	s8 =	simm.s32 @!p0 $0x1BF5;
	p2 =	por !p2, p0  }
0x20: {  	[sflag:s8] =	ssyncset.s32 @!p0 $0xFFFFF086;
	s6 =	sadd.s32 @!p0 s3, s7;
	s7 =	simm.s32 @!p0 $0x108  }
0x21: {  	s3 =	sadd.s32 s3, s9;
	s6 =	sadd.s32 @!p0 $0x88, s6;
	s7 =	simm.s32 @p2 $0x1082  }
0x22: {  	[simem:s7], [sflag:s8] =	dma.local @!p0 [hbm:s6], $0xF7A  }
0x23: {  	s9 =	sor.u32 $0xD0000000, s2;
	s6 =	simm.s32 $0x108;
	_ =	swait.ge @!p0 [sflag:s8], $0x0  }
0x24: {  	s3 =	sadd.s32 $0x88, s3;
	s6 =	simm.s32 @!p1 $0x1082;
	[sflag:s4] =	ssyncset.s32 $0xFFFFF086  }
0x25: {  	[simem:s6], [sflag:s4] =	dma.local [hbm:s3], $0xF7A  }
0x26: {  	[smem:$0x3F9B] =	sst s1;
	(tag) =	ssettag s2;
	_ =	strace s9  }
0x27: {  	s1 =	sld [smem:$0x3FAB]  }
0x28: {  	s2 =	sld [smem:$0x3FAC]  }
0x29: {  	s4 =	sld [smem:$0x3FAE]  }
0x2a: {  	p0 =	seq.s32 s5, $0x0;
	s5 =	sld [smem:$0x3FAF]  }
0x2b: {  	s6 =	sld [smem:$0x3FB0]  }
0x2c: {  	s7 =	sld [smem:$0x3FB1]  }
0x2d: {  	s3 =	simm.s32 $0x108;
	s8 =	sld [smem:$0x3FB2]  }
0x2e: {  	s3 =	simm.s32 @!p0 $0x1082;
	s9 =	sld [smem:$0x3FB3]  }
0x2f: {  	lr =	sadd.s32 s0, s3;
	s0 =	sld [smem:$0x3FAA]  }
0x30: {  	s3 =	sld [smem:$0x3FAD]  }
0x31: {  	[smem:$0x3FB6] =	sst s10  }
0x32: {  	s10 =	sld [smem:$0x3FB4];
	_ =	sdelay $0x3  }
0x33: {  	p0 =	seq.s32 s10, $0x1;
	s10 =	sld [smem:$0x3FB6];
	_ =	sdelay $0x3  }
0x34: {  	[smem:$0x3FB6] =	sst s10  }
0x35: {  	s10 =	sld [smem:$0x3FB5];
	_ =	sdelay $0x3  }
0x36: {  	p1 =	seq.s32 s10, $0x1;
	s10 =	sld [smem:$0x3FB6];
	_ =	sdelay $0x3  }
0x37: {  	[smem:$0x3FB6] =	sst s10  }
0x38: {  	s10 =	sld [smem:$0x3FB7]  }
0x39: {  	_ = 	snop;
	(pc) =	sbr.ind lr, $3  }
0x3a: {  	_ = 	snop  }
0x3b: {  	_ = 	snop  }
0x3c: {  	p2 =	seq.s32 s10, $0x1;
	s10 =	sld [smem:$0x3FB6]  }
0x3d: {  	_ =	shalt  }
0x3e: {  	_ =	shalt  }
0x3f: {  	_ =	shalt  }
0x40: {  	_ =	shalt  }
0x41: {  	_ =	shalt  }
0x42: {  	_ =	shalt  }
0x43: {  	_ =	shalt  }
0x44: {  	_ =	shalt  }
0x45: {  	_ =	shalt  }
0x46: {  	_ =	shalt  }
0x47: {  	_ =	shalt  }
0x48: {  	_ =	shalt  }
0x49: {  	_ =	shalt  }
0x4a: {  	_ =	shalt  }
0x4b: {  	_ =	shalt  }
0x4c: {  	_ =	shalt  }
0x4d: {  	_ =	shalt  }
0x4e: {  	_ =	shalt  }
0x4f: {  	_ =	shalt  }
0x50: {  	_ =	shalt  }
0x51: {  	_ =	shalt  }
0x52: {  	_ =	shalt  }
0x53: {  	_ =	shalt  }
0x54: {  	_ =	shalt  }
0x55: {  	_ =	shalt  }
0x56: {  	_ =	shalt  }
0x57: {  	_ =	shalt  }
0x58: {  	_ =	shalt  }
0x59: {  	_ =	shalt  }
0x5a: {  	_ =	shalt  }
0x5b: {  	_ =	shalt  }
0x5c: {  	_ =	shalt  }
0x5d: {  	_ =	shalt  }
0x5e: {  	_ =	shalt  }
0x5f: {  	_ =	shalt  }
0x60: {  	_ =	shalt  }
0x61: {  	_ =	shalt  }
0x62: {  	_ =	shalt  }
0x63: {  	_ =	shalt  }
0x64: {  	_ =	shalt  }
0x65: {  	_ =	shalt  }
0x66: {  	_ =	shalt  }
0x67: {  	_ =	shalt  }
0x68: {  	_ =	shalt  }
0x69: {  	_ =	shalt  }
0x6a: {  	_ =	shalt  }
0x6b: {  	_ =	shalt  }
0x6c: {  	_ =	shalt  }
0x6d: {  	_ =	shalt  }
0x6e: {  	_ =	shalt  }
0x6f: {  	_ =	shalt  }
0x70: {  	_ =	shalt  }
0x71: {  	_ =	shalt  }
0x72: {  	_ =	shalt  }
0x73: {  	_ =	shalt  }
0x74: {  	_ =	shalt  }
0x75: {  	_ =	shalt  }
0x76: {  	_ =	shalt  }
0x77: {  	_ =	shalt  }
0x78: {  	_ =	shalt  }
0x79: {  	_ =	shalt  }
0x7a: {  	_ =	shalt  }
0x7b: {  	_ =	shalt  }
0x7c: {  	_ =	shalt  }
0x7d: {  	_ =	shalt  }
0x7e: {  	_ =	shalt  }
0x7f: {  	_ =	shalt  }
0x80: {  	_ =	shalt  }
0x81: {  	_ =	shalt  }
0x82: {  	_ =	shalt  }
0x83: {  	_ =	shalt  }
0x84: {  	_ =	shalt  }
0x85: {  	_ =	shalt  }
0x86: {  	_ =	shalt  }
0x87: {  	_ =	shalt  }
.Lfunc_end0:
.L_simem_size_0:
called_computation.1_lowered:
.L_overlay_start_0:
0x88: {  	s2 =	sld [smem:$0x3FD9]  }
0x89: {  	s3 =	sld [smem:$0x3FFE];
	_ =	sdelay $0x1  }
0x8a: {  	s1 =	srdreg.scid  }
0x8b: {  	s0 =	sand.u32 $0x1, s1  }
0x8c: {  	s14 =	sshll.u32 s0, $0xA;
	s2 =	sadd.s32 s3, s2  }
0x8d: {  	s2 =	sadd.s32 s2, s14  }
0x8e: {  	[smem:$0x3FC2] =	sst s2  }
0x8f: {  	_ = 	snop  }
0x90: {  	s2 =	sld [smem:$0x3FD0];
	_ =	sdelay $0x2  }
0x91: {  	s15 =	simm.s32 $0xA;
	s4 =	simm.s32 $0x10  }
0x92: {  	[smem:s4], [sflag:s15] =	dma.local [hbm:s2], $0x1  }
0x93: {  	_ =	swait.eq [sflag:s15], $0x1  }
0x94: {  	[sflag:s15] =	ssyncset.done $0x0  }
0x95: {  	s16 =	sld [smem:$0x10];
	[sflag:s15] =	ssyncadd.s32 $0xFFFFFFFF  }
0x96: {  	s17 =	sld [smem:$0x11];
	(tm) =	ssettm $0x1  }
0x97: {  	s18 =	sld [smem:$0x3FFB];
	_ =	sdelay $0x3  }
0x98: {  	_ =	strace s18  }
0x99: {  	s4 =	sld [smem:$0x3FFC];
	_ =	sdelay $0x3  }
0x9a: {  	_ =	strace s4  }
0x9b: {  	s4 =	sld [smem:$0x3FFD];
	_ =	sdelay $0x3  }
0x9c: {  	_ =	strace s4  }
0x9d: {  	_ =	strace $0x8FFFFFFF  }
0x9e: {  	s19 =	sld [smem:$0x3FDB];
	_ =	sdelay $0x1  }
0x9f: {  	s5 =	simm.s32 $_scs_section_size  }
0xa0: {  	s6 =	simm.s32 $_size__tile_overlayer_lowered;
	s7 =	simm.s32 $_tile_overlayer_lowered  }
0xa1: {  	s22 =	simm.s32 $0x1BFF;
	s21 =	sshll.u32 s7, $0x1;
	s4 =	sadd.s32 s5, s19  }
0xa2: {  	s8 =	simm.s32 $0x0;
	s20 =	sshll.u32 s6, $0x1;
	s6 =	sadd.s32 s21, s4  }
0xa3: {  	[timem:s8], [sflag:s22] =	dma.local [hbm:s6], s20  }
0xa4: {  	_ =	swait.ge [sflag:s22], s20  }
0xa5: {  	s5 =	ssub.s32 $0x0, s20;
	[sflag:s22] =	ssyncset.done $0x0  }
0xa6: {  	[sflag:s22] =	ssyncadd.s32 s5;
	_ =	sdelay $0x1  }
0xa7: {  	s23 =	simm.s32 $0x1B8B  }
0xa8: {  	_ =	swait.ge [sflag:s23], $0x1  }
0xa9: {  	[sflag:s23] =	ssyncset.done $0x0  }
0xaa: {  	s25 =	simm.s32 $0x1B8E;
	s24 =	sld [smem:$0x3FFE];
	[sflag:s23] =	ssyncadd.s32 $0xFFFFFFFF  }
0xab: {  	s26 =	simm.s32 $execute0_lowered;
	[smem:$0x3FD2] =	sst s25  }
0xac: {  	s6 =	sshll.u32 s26, $0x1;
	_ =	strace $0x80000046;
	[dreg:$0x1] =	wrdreg $0xFFFFFFFF  }
0xad: {  	s28 =	simm.s32 $_size_execute0_lowered;
	s4 =	sadd.s32 s4, s6;
	[dreg:$0x0] =	wrdreg $0x0  }
0xae: {  	s6 =	sshll.u32 s28, $0x1;
	[dreg:$0x2] =	wrdreg s4  }
0xaf: {  	[dreg:$0x3] =	wrdreg s6  }
0xb0: {  	[dreg:$0x4] =	wrdreg $0xC0  }
0xb1: {  	_ =	task [dreg:s8], $0x5FFFF  }
0xb2: {  	[dreg:$0x1] =	wrdreg $0xFFFFFFFF  }
0xb3: {  	[dreg:$0x0] =	wrdreg $0x60  }
0xb4: {  	[dreg:$0x2] =	wrdreg s17  }
0xb5: {  	[dreg:$0x3] =	wrdreg s16  }
0xb6: {  	[dreg:$0x4] =	wrdreg s24  }
0xb7: {  	[dreg:$0x5] =	wrdreg $0x9  }
0xb8: {  	_ =	task.clear_ibuf [dreg:s8], $0x6FFFF;
	_ =	strace $0x90000046  }
0xb9: {  	s29 =	simm.s32 $0x9;
	_ =	strace $0x80000048  }
0xba: {  	_ =	swait.ge [sflag:s29], $0x1  }
0xbb: {  	[sflag:s29] =	ssyncadd.s32 $0xFFFFFFFF  }
0xbc: {  	_ =	strace $0x90000048  }
0xbd: {  	_ =	sfence  }
0xbe: {  	s30 =	sld [smem:$0x0];
	_ =	sdelay $0x2  }
0xbf: {  	s31 =	sshll.u32 s1, $0xD;
	s1 =	sshrl.u32 s1, $0x2  }
0xc0: {  	s3 =	sand.u32 $0x4000, s31;
	s1 =	sadd.s32 s1, s30  }
0xc1: {  	s0 =	sor.u32 s3, s0;
	s1 =	sshll.u32 s1, $0x11  }
0xc2: {  	s0 =	sor.u32 s1, s0  }
0xc3: {  	s0 =	sadd.s32 $0x8F2B, s0  }
0xc4: {  	[sflag:s0] =	ssyncadd.remote.s32 $0x1  }
0xc5: {  	_ =	sfence.sel $0xFFFF  }
0xc6: {  	[dreg:$0x0] =	wrdreg $0xFFFFFFFF;
	(pc) =	sbr.abs _section_cstart, $3  }
0xc7: {  	[dreg:$0x1] =	wrdreg $0xFFFFFFFF  }
0xc8: {  	_ =	task.clear_ibuf [dreg:s8], $0x2FFFF;
	_ =	strace $0x9FFFFFFF  }
0xc9: {  	(tm) =	ssettm $0x7FFFFFFF  }
tec
execute0_lowered:
.L_overlay_start_1:
0x0: {  	(tag) =	ssettag $0x1  }
0x1: {  	s1 =	rddreg [dreg:$0x0]  }
0x2: {  	s4 =	rddreg [dreg:$0x1]  }
0x3: {  	s5 =	rddreg [dreg:$0x2]  }
0x4: {  	s0 =	rddreg [dreg:$0x3]  }
0x5: {  	s3 =	simm.s32 $0x0;
	s2 =	stileid.u32;
	s6 =	srdreg.scid  }
0x6: {  	s11 =	simm.s32 $0x0;
	[smem:$0x7FF] =	sst s3;
	s7 =	sshll.u32 s2, $0x12  }
0x7: {  	s6 =	sand.u32 $0x1, s6;
	s9 =	sshll.u32 s2, $0xB;
	_ =	strace $0x80000047  }
0x8: {  	s7 =	sadd.s32 s7, s5;
	s30 =	ssub.s32 $0x2, s6;
	s10 =	sshll.u32 s6, $0xA  }
0x9: {  	s6 =	sshll.u32 s6, $0x11;
	s8 =	sshrl.u32 s30, $0x1;
	s31 =	sor.u32 s10, s9  }
0xa: {  	s6 =	sadd.s32 s6, s7;
	s7 =	simm.s32 $0x2;
	s9 =	simm.s32 $0x2000  }
0xb: {  	s10 =	simm.s32 $0x1;
	s5 =	ssub.s32 s30, s8;
	s4 =	sadd.s32 s4, s31  }
0xc: {  	s6 =	sadd.s32 $0x6200, s6;
	s8 =	simm.s32 $0x200;
	s5 =	smax.u32 s5, $0x1  }
.LBB2_1:
0xd: {  	[tilespmem:s3], [sflag:$0x2] =	stream.linear.gather [hbm4b:s4+s3], $0x2000, $0x38;
	[tilespmem:$0x12000] =	vst v63  }
0xe: {  	_ =	swait.ge [sflag:s7], $0x2000  }
0xf: {  	[sflag:s7] =	ssyncset.done $0x0  }
0x10: {  	s12 =	simm.s32 $0x0;
	[sflag:s7] =	ssyncadd.s32 $0xFFFFE000  }
0x11: {  	[tilespmem:s9], [sflag:$0x1] =	stream.indirect.gather [hbm4b:s1+s8], $0x80, s12, s8, $0xb8;
	[tilespmem:$0x12000] =	vst v63  }
0x12: {  	_ =	swait.ge [sflag:s10], $0x10000  }
0x13: {  	[sflag:s10] =	ssyncset.done $0x0  }
0x14: {  	[sflag:s10] =	ssyncadd.s32 $0xFFFF0000  }
0x15: {  	[hbm4b:s6+s3] =	stream.linear.scatter [tilespmem:s9], [sflag:$0x2], $0x10000, $0x38;
	[tilespmem:$0x12000] =	vst v63  }
0x16: {  	s13 =	simm.s32 $0x800;
	_ =	swait.ge [sflag:s7], $0x10000  }
0x17: {  	s14 =	simm.s32 $0x1000;
	s12 =	sadd.s32 $0x2000, s6;
	[sflag:s7] =	ssyncset.done $0x0  }
.LBB2_2:
0x18: {  	s15 =	sshra.s32 s13, $0x2  }
0x19: {  	[sflag:s7] =	ssyncadd.s32 $0xFFFF0000;
	s13 =	smov.u32 s14;
	s16 =	sadd.s32 $0x800, s14  }
0x1a: {  	[tilespmem:s9], [sflag:$0x1] =	stream.indirect.gather [hbm4b:s1+s8], $0x80, s15, s8, $0xb8;
	[tilespmem:$0x12000] =	vst v63  }
0x1b: {  	p0 =	sne.s32 s14, $0x7800;
	_ =	swait.ge [sflag:s10], $0x10000  }
.Ltmp0:
0x1c: {  	[sflag:s10] =	ssyncset.done $0x0;
	(pc) =	sbr.rel @p0 .LBB2_2-.Ltmp0, $4  }
0x1d: {  	[sflag:s10] =	ssyncadd.s32 $0xFFFF0000  }
0x1e: {  	[hbm4b:s12+s3] =	stream.linear.scatter [tilespmem:s9], [sflag:$0x2], $0x10000, $0x38;
	[tilespmem:$0x12000] =	vst v63  }
0x1f: {  	_ =	swait.ge [sflag:s7], $0x10000  }
0x20: {  	s14 =	smov.u32 s16;
	s12 =	sadd.s32 $0x2000, s12;
	[sflag:s7] =	ssyncset.done $0x0  }
0x21: {  	s13 =	sshra.s32 s13, $0x2;
	[sflag:s7] =	ssyncadd.s32 $0xFFFF0000  }
0x22: {  	[tilespmem:s9], [sflag:$0x1] =	stream.indirect.gather [hbm4b:s1+s8], $0x80, s13, s8, $0xb8;
	[tilespmem:$0x12000] =	vst v63  }
0x23: {  	s11 =	sadd.s32 $0x1, s11;
	_ =	swait.ge [sflag:s10], $0x10000  }
0x24: {  	p0 =	sne.s32 s11, s5;
	[sflag:s10] =	ssyncset.done $0x0  }
.Ltmp1:
0x25: {  	[sflag:s10] =	ssyncadd.s32 $0xFFFF0000;
	(pc) =	sbr.rel @p0 .LBB2_1-.Ltmp1, $4  }
0x26: {  	[hbm4b:s12+s3] =	stream.linear.scatter [tilespmem:s9], [sflag:$0x2], $0x10000, $0x38;
	[tilespmem:$0x12000] =	vst v63  }
0x27: {  	_ =	swait.ge [sflag:s7], $0x10000  }
0x28: {  	[sflag:s7] =	ssyncset.done $0x0  }
0x29: {  	[sflag:s7] =	ssyncadd.s32 $0xFFFF0000  }
0x2a: {  	_ =	sfence.sel $0x180000  }
0x2b: {  	[bflag:$0x0] =	sbarrier.arrive $0xFFFF  }
0x2c: {  	p0 =	sne.s32 s2, $0x0;
	_ =	strace $0x90000047  }
0x2d: {  	s0 =	sadd.s32 @!p0 $0x100000, s0;
	[bflag:$0x2] =	sbarrier.arrive $0xFFFF  }
0x2e: {  	[sflag:s0] =	ssyncadd.tile.s32 @!p0 $0x1;
	_ =	shalt  }
.Lfunc_end2:
_tile_overlayer_lowered:
.L_overlay_start_2:
0x2f: {  	(tag) =	ssettag $0x2  }
0x30: {  	s0 =	rddreg [dreg:$0x0];
	s2 =	stileid.u32  }
0x31: {  	s1 =	rddreg [dreg:$0x1];
	p0 =	sne.s32 s2, $0x0  }
0x32: {  	s3 =	rddreg [dreg:$0x2];
	[bflag:$0x3] =	sbarrier.arrive $0xFFFF;
	s2 =	simm.s32 @!p0 $0x1C02  }
0x33: {  	[timem:s3], [sflag:s2] =	dma.local @!p0 [hbm:s0], s1  }
0x34: {  	s0 =	simm.s32 @!p0 $0x2  }
0x35: {  	_ =	swait.ge @!p0 [sflag:s0], s1  }
0x36: {  	s1 =	ssub.s32 @!p0 $0x0, s1;
	[sflag:s0] =	ssyncset.done @!p0 $0x0  }
0x37: {  	[sflag:s0] =	ssyncadd.s32 @!p0 s1  }
0x38: {  	[bflag:$0x3] =	sbarrier.arrive $0xFFFF  }
0x39: {  	_ =	shalt  }

// kernel: kernel.23.cloned.1.call-start
scs
__scs_entry_jumppad:
0x0: {  	(pc) =	sbr.rel $0x88, $3  }
0x1: {  	(tag) =	ssettag $0x0;
	lr =	simm.s32 $0x1  }
0x2: {  	[smem:$0x3F9B] =	sst lr;
	_ =	strace $0xD0000000  }
0x3: {  	_ = 	snop  }
0x4: {  	_ = 	snop  }
0x5: {  	_ = 	snop  }
0x6: {  	_ = 	snop  }
0x7: {  	_ = 	snop  }
__scs_overlays_trampoline_lowered:
0x8: {  	[smem:$0x3FAA] =	sst s0  }
0x9: {  	[smem:$0x3FAB] =	sst s1  }
0xa: {  	[smem:$0x3FAC] =	sst s2  }
0xb: {  	[smem:$0x3FAD] =	sst s3  }
0xc: {  	[smem:$0x3FAE] =	sst s4  }
0xd: {  	[smem:$0x3FAF] =	sst s5  }
0xe: {  	[smem:$0x3FB0] =	sst s6  }
0xf: {  	[smem:$0x3FB1] =	sst s7  }
0x10: {  	[smem:$0x3FB2] =	sst s8  }
0x11: {  	[smem:$0x3FB3] =	sst s9;
	s0 =	simm.s32 @!p0 $0x0  }
0x12: {  	s1 =	sld [smem:$0x3F99];
	s0 =	simm.s32 @p0 $0x1  }
0x13: {  	[smem:$0x3FB4] =	sst s0;
	s0 =	simm.s32 @!p1 $0x0  }
0x14: {  	s2 =	sld [smem:$0x3F98];
	s0 =	simm.s32 @p1 $0x1  }
0x15: {  	[smem:$0x3FB5] =	sst s0;
	s0 =	simm.s32 @!p2 $0x0  }
0x16: {  	s3 =	sld [smem:$0x3FDB];
	s0 =	simm.s32 @p2 $0x1  }
0x17: {  	s4 =	simm.s32 $0x1BF5;
	[smem:$0x3FB7] =	sst s0  }
0x18: {  	s0 =	sld [smem:$0x3F9A];
	_ =	swait.ge [sflag:s4], $0x0  }
0x19: {  	s7 =	sld [smem:$0x3F9B]  }
0x1a: {  	s8 =	sadd.s32 $0xFFFFE003, lr  }
0x1b: {  	s9 =	sadd.s32 $0xFFFFFEF7, lr;
	s5 =	simm.s32 $0xFFFFFFFF;
	p2 =	slt.u32 s8, $0xFFFFF086  }
0x1c: {  	p1 =	slt.u32 s9, $0xF7A;
	s5 =	simm.s32 @!p2 $0x0  }
0x1d: {  	s5 =	simm.s32 @p1 $0x1;
	p0 =	seq.s32 s7, s2  }
0x1e: {  	s7 =	smul.u32 @!p0 $0xF7A, s2;
	p2 =	seq.s32 @!p0 s5, $0x0  }
0x1f: {  	s9 =	smul.u32 $0xF7A, s1;
	s8 =	simm.s32 @!p0 $0x1BF5;
	p2 =	por !p2, p0  }
0x20: {  	[sflag:s8] =	ssyncset.s32 @!p0 $0xFFFFF086;
	s6 =	sadd.s32 @!p0 s3, s7;
	s7 =	simm.s32 @!p0 $0x108  }
0x21: {  	s3 =	sadd.s32 s3, s9;
	s6 =	sadd.s32 @!p0 $0x88, s6;
	s7 =	simm.s32 @p2 $0x1082  }
0x22: {  	[simem:s7], [sflag:s8] =	dma.local @!p0 [hbm:s6], $0xF7A  }
0x23: {  	s9 =	sor.u32 $0xD0000000, s2;
	s6 =	simm.s32 $0x108;
	_ =	swait.ge @!p0 [sflag:s8], $0x0  }
0x24: {  	s3 =	sadd.s32 $0x88, s3;
	s6 =	simm.s32 @!p1 $0x1082;
	[sflag:s4] =	ssyncset.s32 $0xFFFFF086  }
0x25: {  	[simem:s6], [sflag:s4] =	dma.local [hbm:s3], $0xF7A  }
0x26: {  	[smem:$0x3F9B] =	sst s1;
	(tag) =	ssettag s2;
	_ =	strace s9  }
0x27: {  	s1 =	sld [smem:$0x3FAB]  }
0x28: {  	s2 =	sld [smem:$0x3FAC]  }
0x29: {  	s4 =	sld [smem:$0x3FAE]  }
0x2a: {  	p0 =	seq.s32 s5, $0x0;
	s5 =	sld [smem:$0x3FAF]  }
0x2b: {  	s6 =	sld [smem:$0x3FB0]  }
0x2c: {  	s7 =	sld [smem:$0x3FB1]  }
0x2d: {  	s3 =	simm.s32 $0x108;
	s8 =	sld [smem:$0x3FB2]  }
0x2e: {  	s3 =	simm.s32 @!p0 $0x1082;
	s9 =	sld [smem:$0x3FB3]  }
0x2f: {  	lr =	sadd.s32 s0, s3;
	s0 =	sld [smem:$0x3FAA]  }
0x30: {  	s3 =	sld [smem:$0x3FAD]  }
0x31: {  	[smem:$0x3FB6] =	sst s10  }
0x32: {  	s10 =	sld [smem:$0x3FB4];
	_ =	sdelay $0x3  }
0x33: {  	p0 =	seq.s32 s10, $0x1;
	s10 =	sld [smem:$0x3FB6];
	_ =	sdelay $0x3  }
0x34: {  	[smem:$0x3FB6] =	sst s10  }
0x35: {  	s10 =	sld [smem:$0x3FB5];
	_ =	sdelay $0x3  }
0x36: {  	p1 =	seq.s32 s10, $0x1;
	s10 =	sld [smem:$0x3FB6];
	_ =	sdelay $0x3  }
0x37: {  	[smem:$0x3FB6] =	sst s10  }
0x38: {  	s10 =	sld [smem:$0x3FB7]  }
0x39: {  	_ = 	snop;
	(pc) =	sbr.ind lr, $3  }
0x3a: {  	_ = 	snop  }
0x3b: {  	_ = 	snop  }
0x3c: {  	p2 =	seq.s32 s10, $0x1;
	s10 =	sld [smem:$0x3FB6]  }
0x3d: {  	_ =	shalt  }
0x3e: {  	_ =	shalt  }
0x3f: {  	_ =	shalt  }
0x40: {  	_ =	shalt  }
0x41: {  	_ =	shalt  }
0x42: {  	_ =	shalt  }
0x43: {  	_ =	shalt  }
0x44: {  	_ =	shalt  }
0x45: {  	_ =	shalt  }
0x46: {  	_ =	shalt  }
0x47: {  	_ =	shalt  }
0x48: {  	_ =	shalt  }
0x49: {  	_ =	shalt  }
0x4a: {  	_ =	shalt  }
0x4b: {  	_ =	shalt  }
0x4c: {  	_ =	shalt  }
0x4d: {  	_ =	shalt  }
0x4e: {  	_ =	shalt  }
0x4f: {  	_ =	shalt  }
0x50: {  	_ =	shalt  }
0x51: {  	_ =	shalt  }
0x52: {  	_ =	shalt  }
0x53: {  	_ =	shalt  }
0x54: {  	_ =	shalt  }
0x55: {  	_ =	shalt  }
0x56: {  	_ =	shalt  }
0x57: {  	_ =	shalt  }
0x58: {  	_ =	shalt  }
0x59: {  	_ =	shalt  }
0x5a: {  	_ =	shalt  }
0x5b: {  	_ =	shalt  }
0x5c: {  	_ =	shalt  }
0x5d: {  	_ =	shalt  }
0x5e: {  	_ =	shalt  }
0x5f: {  	_ =	shalt  }
0x60: {  	_ =	shalt  }
0x61: {  	_ =	shalt  }
0x62: {  	_ =	shalt  }
0x63: {  	_ =	shalt  }
0x64: {  	_ =	shalt  }
0x65: {  	_ =	shalt  }
0x66: {  	_ =	shalt  }
0x67: {  	_ =	shalt  }
0x68: {  	_ =	shalt  }
0x69: {  	_ =	shalt  }
0x6a: {  	_ =	shalt  }
0x6b: {  	_ =	shalt  }
0x6c: {  	_ =	shalt  }
0x6d: {  	_ =	shalt  }
0x6e: {  	_ =	shalt  }
0x6f: {  	_ =	shalt  }
0x70: {  	_ =	shalt  }
0x71: {  	_ =	shalt  }
0x72: {  	_ =	shalt  }
0x73: {  	_ =	shalt  }
0x74: {  	_ =	shalt  }
0x75: {  	_ =	shalt  }
0x76: {  	_ =	shalt  }
0x77: {  	_ =	shalt  }
0x78: {  	_ =	shalt  }
0x79: {  	_ =	shalt  }
0x7a: {  	_ =	shalt  }
0x7b: {  	_ =	shalt  }
0x7c: {  	_ =	shalt  }
0x7d: {  	_ =	shalt  }
0x7e: {  	_ =	shalt  }
0x7f: {  	_ =	shalt  }
0x80: {  	_ =	shalt  }
0x81: {  	_ =	shalt  }
0x82: {  	_ =	shalt  }
0x83: {  	_ =	shalt  }
0x84: {  	_ =	shalt  }
0x85: {  	_ =	shalt  }
0x86: {  	_ =	shalt  }
0x87: {  	_ =	shalt  }
.Lfunc_end0:
.L_simem_size_0:
called_computation.2_lowered:
.L_overlay_start_0:
0x88: {  	s2 =	sld [smem:$0x3FD9]  }
0x89: {  	s3 =	sld [smem:$0x3FFE];
	_ =	sdelay $0x1  }
0x8a: {  	s1 =	srdreg.scid  }
0x8b: {  	s0 =	sand.u32 $0x1, s1  }
0x8c: {  	s14 =	sshll.u32 s0, $0xA;
	s2 =	sadd.s32 s3, s2  }
0x8d: {  	s2 =	sadd.s32 s2, s14  }
0x8e: {  	[smem:$0x3FC2] =	sst s2  }
0x8f: {  	_ = 	snop  }
0x90: {  	s2 =	sld [smem:$0x3FD0];
	_ =	sdelay $0x2  }
0x91: {  	s15 =	simm.s32 $0xA;
	s4 =	simm.s32 $0x10  }
0x92: {  	[smem:s4], [sflag:s15] =	dma.local [hbm:s2], $0x1  }
0x93: {  	_ =	swait.eq [sflag:s15], $0x1  }
0x94: {  	[sflag:s15] =	ssyncset.done $0x0  }
0x95: {  	[sflag:s15] =	ssyncadd.s32 $0xFFFFFFFF  }
0x96: {  	s16 =	sld [smem:$0x11];
	(tm) =	ssettm $0x1  }
0x97: {  	s17 =	sld [smem:$0x3FFB];
	_ =	sdelay $0x3  }
0x98: {  	_ =	strace s17  }
0x99: {  	s3 =	sld [smem:$0x3FFC];
	_ =	sdelay $0x3  }
0x9a: {  	_ =	strace s3  }
0x9b: {  	s3 =	sld [smem:$0x3FFD];
	_ =	sdelay $0x3  }
0x9c: {  	_ =	strace s3  }
0x9d: {  	_ =	strace $0x8FFFFFFF  }
0x9e: {  	s18 =	sld [smem:$0x3FDB];
	_ =	sdelay $0x1  }
0x9f: {  	s19 =	simm.s32 $_scs_section_size  }
0xa0: {  	s5 =	simm.s32 $_size__tile_overlayer_lowered;
	s6 =	simm.s32 $_tile_overlayer_lowered  }
0xa1: {  	s22 =	simm.s32 $0x1BFF;
	s21 =	sshll.u32 s6, $0x1;
	s3 =	sadd.s32 s19, s18  }
0xa2: {  	s7 =	simm.s32 $0x0;
	s20 =	sshll.u32 s5, $0x1;
	s5 =	sadd.s32 s21, s3  }
0xa3: {  	[timem:s7], [sflag:s22] =	dma.local [hbm:s5], s20  }
0xa4: {  	_ =	swait.ge [sflag:s22], s20  }
0xa5: {  	s4 =	ssub.s32 $0x0, s20;
	[sflag:s22] =	ssyncset.done $0x0  }
0xa6: {  	[sflag:s22] =	ssyncadd.s32 s4;
	_ =	sdelay $0x1  }
0xa7: {  	s23 =	simm.s32 $0x1B8B  }
0xa8: {  	_ =	swait.ge [sflag:s23], $0x1  }
0xa9: {  	[sflag:s23] =	ssyncset.done $0x0  }
0xaa: {  	s25 =	simm.s32 $0x1B8E;
	s24 =	sld [smem:$0x3FFE];
	[sflag:s23] =	ssyncadd.s32 $0xFFFFFFFF  }
0xab: {  	s26 =	simm.s32 $execute0_lowered;
	[smem:$0x3FD2] =	sst s25  }
0xac: {  	s5 =	sshll.u32 s26, $0x1;
	_ =	strace $0x80000049;
	[dreg:$0x1] =	wrdreg $0xFFFFFFFF  }
0xad: {  	s28 =	simm.s32 $_size_execute0_lowered;
	s3 =	sadd.s32 s3, s5;
	[dreg:$0x0] =	wrdreg $0x0  }
0xae: {  	s5 =	sshll.u32 s28, $0x1;
	[dreg:$0x2] =	wrdreg s3  }
0xaf: {  	[dreg:$0x3] =	wrdreg s5  }
0xb0: {  	[dreg:$0x4] =	wrdreg $0xC0  }
0xb1: {  	_ =	task [dreg:s7], $0x5FFFF  }
0xb2: {  	[dreg:$0x1] =	wrdreg $0xFFFFFFFF  }
0xb3: {  	[dreg:$0x0] =	wrdreg $0x60  }
0xb4: {  	[dreg:$0x2] =	wrdreg s16  }
0xb5: {  	[dreg:$0x3] =	wrdreg s24  }
0xb6: {  	[dreg:$0x4] =	wrdreg $0x9  }
0xb7: {  	_ =	task.clear_ibuf [dreg:s7], $0x5FFFF;
	_ =	strace $0x90000049  }
0xb8: {  	s29 =	simm.s32 $0x9;
	_ =	strace $0x8000004B  }
0xb9: {  	_ =	swait.ge [sflag:s29], $0x1  }
0xba: {  	[sflag:s29] =	ssyncadd.s32 $0xFFFFFFFF  }
0xbb: {  	_ =	strace $0x9000004B  }
0xbc: {  	_ =	sfence  }
0xbd: {  	s30 =	sld [smem:$0x0];
	_ =	sdelay $0x2  }
0xbe: {  	s31 =	sshll.u32 s1, $0xD;
	s1 =	sshrl.u32 s1, $0x2  }
0xbf: {  	s3 =	sand.u32 $0x4000, s31;
	s1 =	sadd.s32 s1, s30  }
0xc0: {  	s0 =	sor.u32 s3, s0;
	s1 =	sshll.u32 s1, $0x11  }
0xc1: {  	s0 =	sor.u32 s1, s0  }
0xc2: {  	s0 =	sadd.s32 $0x8F2B, s0  }
0xc3: {  	[sflag:s0] =	ssyncadd.remote.s32 $0x1  }
0xc4: {  	_ =	sfence.sel $0xFFFF  }
0xc5: {  	[dreg:$0x0] =	wrdreg $0xFFFFFFFF;
	(pc) =	sbr.abs _section_cstart, $3  }
0xc6: {  	[dreg:$0x1] =	wrdreg $0xFFFFFFFF  }
0xc7: {  	_ =	task.clear_ibuf [dreg:s7], $0x2FFFF;
	_ =	strace $0x9FFFFFFF  }
0xc8: {  	(tm) =	ssettm $0x7FFFFFFF  }
0xc9: {  	_ =	shalt  }
tec
execute0_lowered:
.L_overlay_start_1:
0x0: {  	(tag) =	ssettag $0x1  }
0x1: {  	s1 =	rddreg [dreg:$0x0]  }
0x2: {  	s4 =	rddreg [dreg:$0x1]  }
0x3: {  	s0 =	rddreg [dreg:$0x2];
	s5 =	srdreg.scid  }
0x4: {  	s3 =	simm.s32 $0x0;
	s2 =	stileid.u32;
	s10 =	simm.s32 $0x1  }
0x5: {  	s11 =	simm.s32 $0x0;
	s5 =	sand.u32 $0x1, s5;
	[smem:$0x7FF] =	sst s3  }
0x6: {  	s6 =	sshll.u32 s2, $0xB;
	s8 =	sshll.u32 s2, $0x12;
	s7 =	sshll.u32 s5, $0xA  }
0x7: {  	_ =	strace $0x8000004A;
	s29 =	ssub.s32 $0x2, s5;
	s8 =	sadd.s32 s8, s4  }
0x8: {  	s30 =	sshll.u32 s5, $0x11;
	s6 =	sor.u32 s7, s6;
	s9 =	sshrl.u32 s29, $0x1  }
0x9: {  	s31 =	sadd.s32 s30, s8;
	s8 =	simm.s32 $0x200;
	s6 =	sadd.s32 s6, s4  }
0xa: {  	s7 =	ssub.s32 s29, s9;
	s9 =	simm.s32 $0x2000;
	s4 =	sadd.s32 $0x26200, s6  }
0xb: {  	s5 =	smax.u32 s7, $0x1;
	s6 =	sadd.s32 $0x2E200, s31;
	s7 =	simm.s32 $0x2  }
.LBB2_1:
0xc: {  	[tilespmem:s3], [sflag:$0x2] =	stream.linear.gather [hbm4b:s4+s3], $0x2000, $0x38;
	[tilespmem:$0x12000] =	vst v63  }
0xd: {  	_ =	swait.ge [sflag:s7], $0x2000  }
0xe: {  	[sflag:s7] =	ssyncset.done $0x0  }
0xf: {  	s12 =	simm.s32 $0x0;
	[sflag:s7] =	ssyncadd.s32 $0xFFFFE000  }
0x10: {  	[tilespmem:s9], [sflag:$0x1] =	stream.indirect.gather [hbm4b:s1+s8], $0x80, s12, s8, $0xb8;
	[tilespmem:$0x12000] =	vst v63  }
0x11: {  	_ =	swait.ge [sflag:s10], $0x10000  }
0x12: {  	[sflag:s10] =	ssyncset.done $0x0  }
0x13: {  	[sflag:s10] =	ssyncadd.s32 $0xFFFF0000  }
0x14: {  	[hbm4b:s6+s3] =	stream.linear.scatter [tilespmem:s9], [sflag:$0x2], $0x10000, $0x38;
	[tilespmem:$0x12000] =	vst v63  }
0x15: {  	s13 =	simm.s32 $0x800;
	_ =	swait.ge [sflag:s7], $0x10000  }
0x16: {  	s14 =	simm.s32 $0x1000;
	s12 =	sadd.s32 $0x2000, s6;
	[sflag:s7] =	ssyncset.done $0x0  }
.LBB2_2:
0x17: {  	s15 =	sshra.s32 s13, $0x2  }
0x18: {  	[sflag:s7] =	ssyncadd.s32 $0xFFFF0000;
	s13 =	smov.u32 s14;
	s16 =	sadd.s32 $0x800, s14  }
0x19: {  	[tilespmem:s9], [sflag:$0x1] =	stream.indirect.gather [hbm4b:s1+s8], $0x80, s15, s8, $0xb8;
	[tilespmem:$0x12000] =	vst v63  }
0x1a: {  	p0 =	sne.s32 s14, $0x7800;
	_ =	swait.ge [sflag:s10], $0x10000  }
.Ltmp0:
0x1b: {  	[sflag:s10] =	ssyncset.done $0x0;
	(pc) =	sbr.rel @p0 .LBB2_2-.Ltmp0, $4  }
0x1c: {  	[sflag:s10] =	ssyncadd.s32 $0xFFFF0000  }
0x1d: {  	[hbm4b:s12+s3] =	stream.linear.scatter [tilespmem:s9], [sflag:$0x2], $0x10000, $0x38;
	[tilespmem:$0x12000] =	vst v63  }
0x1e: {  	_ =	swait.ge [sflag:s7], $0x10000  }
0x1f: {  	s14 =	smov.u32 s16;
	s12 =	sadd.s32 $0x2000, s12;
	[sflag:s7] =	ssyncset.done $0x0  }
0x20: {  	s13 =	sshra.s32 s13, $0x2;
	[sflag:s7] =	ssyncadd.s32 $0xFFFF0000  }
0x21: {  	[tilespmem:s9], [sflag:$0x1] =	stream.indirect.gather [hbm4b:s1+s8], $0x80, s13, s8, $0xb8;
	[tilespmem:$0x12000] =	vst v63  }
0x22: {  	s11 =	sadd.s32 $0x1, s11;
	_ =	swait.ge [sflag:s10], $0x10000  }
0x23: {  	p0 =	sne.s32 s11, s5;
	[sflag:s10] =	ssyncset.done $0x0  }
.Ltmp1:
0x24: {  	[sflag:s10] =	ssyncadd.s32 $0xFFFF0000;
	(pc) =	sbr.rel @p0 .LBB2_1-.Ltmp1, $4  }
0x25: {  	[hbm4b:s12+s3] =	stream.linear.scatter [tilespmem:s9], [sflag:$0x2], $0x10000, $0x38;
	[tilespmem:$0x12000] =	vst v63  }
0x26: {  	_ =	swait.ge [sflag:s7], $0x10000  }
0x27: {  	[sflag:s7] =	ssyncset.done $0x0  }
0x28: {  	[sflag:s7] =	ssyncadd.s32 $0xFFFF0000  }
0x29: {  	_ =	sfence.sel $0x180000  }
0x2a: {  	[bflag:$0x0] =	sbarrier.arrive $0xFFFF  }
0x2b: {  	p0 =	sne.s32 s2, $0x0;
	_ =	strace $0x9000004A  }
0x2c: {  	s0 =	sadd.s32 @!p0 $0x100000, s0;
	[bflag:$0x2] =	sbarrier.arrive $0xFFFF  }
0x2d: {  	[sflag:s0] =	ssyncadd.tile.s32 @!p0 $0x1;
	_ =	shalt  }
.Lfunc_end2:
_tile_overlayer_lowered:
.L_overlay_start_2:
0x2e: {  	(tag) =	ssettag $0x2  }
0x2f: {  	s0 =	rddreg [dreg:$0x0];
	s2 =	stileid.u32  }
0x30: {  	s1 =	rddreg [dreg:$0x1];
	p0 =	sne.s32 s2, $0x0  }
0x31: {  	s3 =	rddreg [dreg:$0x2];
	[bflag:$0x3] =	sbarrier.arrive $0xFFFF;
	s2 =	simm.s32 @!p0 $0x1C02  }
0x32: {  	[timem:s3], [sflag:s2] =	dma.local @!p0 [hbm:s0], s1  }
0x33: {  	s0 =	simm.s32 @!p0 $0x2  }
0x34: {  	_ =	swait.ge @!p0 [sflag:s0], s1  }
0x35: {  	s1 =	ssub.s32 @!p0 $0x0, s1;
	[sflag:s0] =	ssyncset.done @!p0 $0x0  }
0x36: {  	[sflag:s0] =	ssyncadd.s32 @!p0 s1  }
0x37: {  	[bflag:$0x3] =	sbarrier.arrive $0xFFFF  }
0x38: {  	_ =	shalt  }

// kernel: kernel.26.cloned.1.call-start
scs
__scs_entry_jumppad:
0x0: {  	(pc) =	sbr.rel $0x88, $3  }
0x1: {  	(tag) =	ssettag $0x0;
	lr =	simm.s32 $0x1  }
0x2: {  	[smem:$0x3F9B] =	sst lr;
	_ =	strace $0xD0000000  }
0x3: {  	_ = 	snop  }
0x4: {  	_ = 	snop  }
0x5: {  	_ = 	snop  }
0x6: {  	_ = 	snop  }
0x7: {  	_ = 	snop  }
__scs_overlays_trampoline_lowered:
0x8: {  	[smem:$0x3FAA] =	sst s0  }
0x9: {  	[smem:$0x3FAB] =	sst s1  }
0xa: {  	[smem:$0x3FAC] =	sst s2  }
0xb: {  	[smem:$0x3FAD] =	sst s3  }
0xc: {  	[smem:$0x3FAE] =	sst s4  }
0xd: {  	[smem:$0x3FAF] =	sst s5  }
0xe: {  	[smem:$0x3FB0] =	sst s6  }
0xf: {  	[smem:$0x3FB1] =	sst s7  }
0x10: {  	[smem:$0x3FB2] =	sst s8  }
0x11: {  	[smem:$0x3FB3] =	sst s9;
	s0 =	simm.s32 @!p0 $0x0  }
0x12: {  	s1 =	sld [smem:$0x3F99];
	s0 =	simm.s32 @p0 $0x1  }
0x13: {  	[smem:$0x3FB4] =	sst s0;
	s0 =	simm.s32 @!p1 $0x0  }
0x14: {  	s2 =	sld [smem:$0x3F98];
	s0 =	simm.s32 @p1 $0x1  }
0x15: {  	[smem:$0x3FB5] =	sst s0;
	s0 =	simm.s32 @!p2 $0x0  }
0x16: {  	s3 =	sld [smem:$0x3FDB];
	s0 =	simm.s32 @p2 $0x1  }
0x17: {  	s4 =	simm.s32 $0x1BF5;
	[smem:$0x3FB7] =	sst s0  }
0x18: {  	s0 =	sld [smem:$0x3F9A];
	_ =	swait.ge [sflag:s4], $0x0  }
0x19: {  	s7 =	sld [smem:$0x3F9B]  }
0x1a: {  	s8 =	sadd.s32 $0xFFFFE003, lr  }
0x1b: {  	s9 =	sadd.s32 $0xFFFFFEF7, lr;
	s5 =	simm.s32 $0xFFFFFFFF;
	p2 =	slt.u32 s8, $0xFFFFF086  }
0x1c: {  	p1 =	slt.u32 s9, $0xF7A;
	s5 =	simm.s32 @!p2 $0x0  }
0x1d: {  	s5 =	simm.s32 @p1 $0x1;
	p0 =	seq.s32 s7, s2  }
0x1e: {  	s7 =	smul.u32 @!p0 $0xF7A, s2;
	p2 =	seq.s32 @!p0 s5, $0x0  }
0x1f: {  	s9 =	smul.u32 $0xF7A, s1;
	s8 =	simm.s32 @!p0 $0x1BF5;
	p2 =	por !p2, p0  }
0x20: {  	[sflag:s8] =	ssyncset.s32 @!p0 $0xFFFFF086;
	s6 =	sadd.s32 @!p0 s3, s7;
	s7 =	simm.s32 @!p0 $0x108  }
0x21: {  	s3 =	sadd.s32 s3, s9;
	s6 =	sadd.s32 @!p0 $0x88, s6;
	s7 =	simm.s32 @p2 $0x1082  }
0x22: {  	[simem:s7], [sflag:s8] =	dma.local @!p0 [hbm:s6], $0xF7A  }
0x23: {  	s9 =	sor.u32 $0xD0000000, s2;
	s6 =	simm.s32 $0x108;
	_ =	swait.ge @!p0 [sflag:s8], $0x0  }
0x24: {  	s3 =	sadd.s32 $0x88, s3;
	s6 =	simm.s32 @!p1 $0x1082;
	[sflag:s4] =	ssyncset.s32 $0xFFFFF086  }
0x25: {  	[simem:s6], [sflag:s4] =	dma.local [hbm:s3], $0xF7A  }
0x26: {  	[smem:$0x3F9B] =	sst s1;
	(tag) =	ssettag s2;
	_ =	strace s9  }
0x27: {  	s1 =	sld [smem:$0x3FAB]  }
0x28: {  	s2 =	sld [smem:$0x3FAC]  }
0x29: {  	s4 =	sld [smem:$0x3FAE]  }
0x2a: {  	p0 =	seq.s32 s5, $0x0;
	s5 =	sld [smem:$0x3FAF]  }
0x2b: {  	s6 =	sld [smem:$0x3FB0]  }
0x2c: {  	s7 =	sld [smem:$0x3FB1]  }
0x2d: {  	s3 =	simm.s32 $0x108;
	s8 =	sld [smem:$0x3FB2]  }
0x2e: {  	s3 =	simm.s32 @!p0 $0x1082;
	s9 =	sld [smem:$0x3FB3]  }
0x2f: {  	lr =	sadd.s32 s0, s3;
	s0 =	sld [smem:$0x3FAA]  }
0x30: {  	s3 =	sld [smem:$0x3FAD]  }
0x31: {  	[smem:$0x3FB6] =	sst s10  }
0x32: {  	s10 =	sld [smem:$0x3FB4];
	_ =	sdelay $0x3  }
0x33: {  	p0 =	seq.s32 s10, $0x1;
	s10 =	sld [smem:$0x3FB6];
	_ =	sdelay $0x3  }
0x34: {  	[smem:$0x3FB6] =	sst s10  }
0x35: {  	s10 =	sld [smem:$0x3FB5];
	_ =	sdelay $0x3  }
0x36: {  	p1 =	seq.s32 s10, $0x1;
	s10 =	sld [smem:$0x3FB6];
	_ =	sdelay $0x3  }
0x37: {  	[smem:$0x3FB6] =	sst s10  }
0x38: {  	s10 =	sld [smem:$0x3FB7]  }
0x39: {  	_ = 	snop;
	(pc) =	sbr.ind lr, $3  }
0x3a: {  	_ = 	snop  }
0x3b: {  	_ = 	snop  }
0x3c: {  	p2 =	seq.s32 s10, $0x1;
	s10 =	sld [smem:$0x3FB6]  }
0x3d: {  	_ =	shalt  }
0x3e: {  	_ =	shalt  }
0x3f: {  	_ =	shalt  }
0x40: {  	_ =	shalt  }
0x41: {  	_ =	shalt  }
0x42: {  	_ =	shalt  }
0x43: {  	_ =	shalt  }
0x44: {  	_ =	shalt  }
0x45: {  	_ =	shalt  }
0x46: {  	_ =	shalt  }
0x47: {  	_ =	shalt  }
0x48: {  	_ =	shalt  }
0x49: {  	_ =	shalt  }
0x4a: {  	_ =	shalt  }
0x4b: {  	_ =	shalt  }
0x4c: {  	_ =	shalt  }
0x4d: {  	_ =	shalt  }
0x4e: {  	_ =	shalt  }
0x4f: {  	_ =	shalt  }
0x50: {  	_ =	shalt  }
0x51: {  	_ =	shalt  }
0x52: {  	_ =	shalt  }
0x53: {  	_ =	shalt  }
0x54: {  	_ =	shalt  }
0x55: {  	_ =	shalt  }
0x56: {  	_ =	shalt  }
0x57: {  	_ =	shalt  }
0x58: {  	_ =	shalt  }
0x59: {  	_ =	shalt  }
0x5a: {  	_ =	shalt  }
0x5b: {  	_ =	shalt  }
0x5c: {  	_ =	shalt  }
0x5d: {  	_ =	shalt  }
0x5e: {  	_ =	shalt  }
0x5f: {  	_ =	shalt  }
0x60: {  	_ =	shalt  }
0x61: {  	_ =	shalt  }
0x62: {  	_ =	shalt  }
0x63: {  	_ =	shalt  }
0x64: {  	_ =	shalt  }
0x65: {  	_ =	shalt  }
0x66: {  	_ =	shalt  }
0x67: {  	_ =	shalt  }
0x68: {  	_ =	shalt  }
0x69: {  	_ =	shalt  }
0x6a: {  	_ =	shalt  }
0x6b: {  	_ =	shalt  }
0x6c: {  	_ =	shalt  }
0x6d: {  	_ =	shalt  }
0x6e: {  	_ =	shalt  }
0x6f: {  	_ =	shalt  }
0x70: {  	_ =	shalt  }
0x71: {  	_ =	shalt  }
0x72: {  	_ =	shalt  }
0x73: {  	_ =	shalt  }
0x74: {  	_ =	shalt  }
0x75: {  	_ =	shalt  }
0x76: {  	_ =	shalt  }
0x77: {  	_ =	shalt  }
0x78: {  	_ =	shalt  }
0x79: {  	_ =	shalt  }
0x7a: {  	_ =	shalt  }
0x7b: {  	_ =	shalt  }
0x7c: {  	_ =	shalt  }
0x7d: {  	_ =	shalt  }
0x7e: {  	_ =	shalt  }
0x7f: {  	_ =	shalt  }
0x80: {  	_ =	shalt  }
0x81: {  	_ =	shalt  }
0x82: {  	_ =	shalt  }
0x83: {  	_ =	shalt  }
0x84: {  	_ =	shalt  }
0x85: {  	_ =	shalt  }
0x86: {  	_ =	shalt  }
0x87: {  	_ =	shalt  }
.Lfunc_end0:
.L_simem_size_0:
called_computation.3_lowered:
.L_overlay_start_0:
0x88: {  	s2 =	sld [smem:$0x3FD9]  }
0x89: {  	s3 =	sld [smem:$0x3FFE];
	_ =	sdelay $0x1  }
0x8a: {  	s1 =	srdreg.scid  }
0x8b: {  	s0 =	sand.u32 $0x1, s1  }
0x8c: {  	s14 =	sshll.u32 s0, $0xA;
	s2 =	sadd.s32 s3, s2  }
0x8d: {  	s2 =	sadd.s32 s2, s14  }
0x8e: {  	[smem:$0x3FC2] =	sst s2  }
0x8f: {  	_ = 	snop  }
0x90: {  	s2 =	sld [smem:$0x3FD0];
	_ =	sdelay $0x2  }
0x91: {  	s15 =	simm.s32 $0xA;
	s4 =	simm.s32 $0x10  }
0x92: {  	[smem:s4], [sflag:s15] =	dma.local [hbm:s2], $0x1  }
0x93: {  	_ =	swait.eq [sflag:s15], $0x1  }
0x94: {  	[sflag:s15] =	ssyncset.done $0x0  }
0x95: {  	[sflag:s15] =	ssyncadd.s32 $0xFFFFFFFF  }
0x96: {  	s16 =	sld [smem:$0x11];
	(tm) =	ssettm $0x1  }
0x97: {  	s17 =	sld [smem:$0x3FFB];
	_ =	sdelay $0x3  }
0x98: {  	_ =	strace s17  }
0x99: {  	s3 =	sld [smem:$0x3FFC];
	_ =	sdelay $0x3  }
0x9a: {  	_ =	strace s3  }
0x9b: {  	s3 =	sld [smem:$0x3FFD];
	_ =	sdelay $0x3  }
0x9c: {  	_ =	strace s3  }
0x9d: {  	_ =	strace $0x8FFFFFFF  }
0x9e: {  	s18 =	sld [smem:$0x3FDB];
	_ =	sdelay $0x1  }
0x9f: {  	s19 =	simm.s32 $_scs_section_size  }
0xa0: {  	s5 =	simm.s32 $_size__tile_overlayer_lowered;
	s6 =	simm.s32 $_tile_overlayer_lowered  }
0xa1: {  	s22 =	simm.s32 $0x1BFF;
	s21 =	sshll.u32 s6, $0x1;
	s3 =	sadd.s32 s19, s18  }
0xa2: {  	s7 =	simm.s32 $0x0;
	s20 =	sshll.u32 s5, $0x1;
	s5 =	sadd.s32 s21, s3  }
0xa3: {  	[timem:s7], [sflag:s22] =	dma.local [hbm:s5], s20  }
0xa4: {  	_ =	swait.ge [sflag:s22], s20  }
0xa5: {  	s4 =	ssub.s32 $0x0, s20;
	[sflag:s22] =	ssyncset.done $0x0  }
0xa6: {  	[sflag:s22] =	ssyncadd.s32 s4;
	_ =	sdelay $0x1  }
0xa7: {  	s23 =	simm.s32 $0x1B8B  }
0xa8: {  	_ =	swait.ge [sflag:s23], $0x1  }
0xa9: {  	[sflag:s23] =	ssyncset.done $0x0  }
0xaa: {  	s25 =	simm.s32 $0x1B8E;
	s24 =	sld [smem:$0x3FFE];
	[sflag:s23] =	ssyncadd.s32 $0xFFFFFFFF  }
0xab: {  	s26 =	simm.s32 $execute0_lowered;
	[smem:$0x3FD2] =	sst s25  }
0xac: {  	s5 =	sshll.u32 s26, $0x1;
	_ =	strace $0x8000004C;
	[dreg:$0x1] =	wrdreg $0xFFFFFFFF  }
0xad: {  	s28 =	simm.s32 $_size_execute0_lowered;
	s3 =	sadd.s32 s3, s5;
	[dreg:$0x0] =	wrdreg $0x0  }
0xae: {  	s5 =	sshll.u32 s28, $0x1;
	[dreg:$0x2] =	wrdreg s3  }
0xaf: {  	[dreg:$0x3] =	wrdreg s5  }
0xb0: {  	[dreg:$0x4] =	wrdreg $0xC0  }
0xb1: {  	_ =	task [dreg:s7], $0x5FFFF  }
0xb2: {  	[dreg:$0x1] =	wrdreg $0xFFFFFFFF  }
0xb3: {  	[dreg:$0x0] =	wrdreg $0x60  }
0xb4: {  	[dreg:$0x2] =	wrdreg s16  }
0xb5: {  	[dreg:$0x3] =	wrdreg s24  }
0xb6: {  	[dreg:$0x4] =	wrdreg $0x9  }
0xb7: {  	_ =	task.clear_ibuf [dreg:s7], $0x5FFFF;
	_ =	strace $0x9000004C  }
0xb8: {  	s29 =	simm.s32 $0x9;
	_ =	strace $0x8000004E  }
0xb9: {  	_ =	swait.ge [sflag:s29], $0x1  }
0xba: {  	[sflag:s29] =	ssyncadd.s32 $0xFFFFFFFF  }
0xbb: {  	_ =	strace $0x9000004E  }
0xbc: {  	_ =	sfence  }
0xbd: {  	s30 =	sld [smem:$0x0];
	_ =	sdelay $0x2  }
0xbe: {  	s31 =	sshll.u32 s1, $0xD;
	s1 =	sshrl.u32 s1, $0x2  }
0xbf: {  	s3 =	sand.u32 $0x4000, s31;
	s1 =	sadd.s32 s1, s30  }
0xc0: {  	s0 =	sor.u32 s3, s0;
	s1 =	sshll.u32 s1, $0x11  }
0xc1: {  	s0 =	sor.u32 s1, s0  }
0xc2: {  	s0 =	sadd.s32 $0x8F2B, s0  }
0xc3: {  	[sflag:s0] =	ssyncadd.remote.s32 $0x1  }
0xc4: {  	_ =	sfence.sel $0xFFFF  }
0xc5: {  	[dreg:$0x0] =	wrdreg $0xFFFFFFFF;
	(pc) =	sbr.abs _section_cstart, $3  }
0xc6: {  	[dreg:$0x1] =	wrdreg $0xFFFFFFFF  }
0xc7: {  	_ =	task.clear_ibuf [dreg:s7], $0x2FFFF;
	_ =	strace $0x9FFFFFFF  }
0xc8: {  	(tm) =	ssettm $0x7FFFFFFF  }
0xc9: {  	_ =	shalt  }
tec
execute0_lowered:
.L_overlay_start_1:
0x0: {  	(tag) =	ssettag $0x1  }
0x1: {  	s1 =	rddreg [dreg:$0x0]  }
0x2: {  	s4 =	rddreg [dreg:$0x1]  }
0x3: {  	s0 =	rddreg [dreg:$0x2];
	s5 =	srdreg.scid  }
0x4: {  	s3 =	simm.s32 $0x0;
	s2 =	stileid.u32;
	s10 =	simm.s32 $0x1  }
0x5: {  	s11 =	simm.s32 $0x0;
	s5 =	sand.u32 $0x1, s5;
	[smem:$0x7FF] =	sst s3  }
0x6: {  	s6 =	sshll.u32 s2, $0xB;
	s8 =	sshll.u32 s2, $0x12;
	s7 =	sshll.u32 s5, $0xA  }
0x7: {  	_ =	strace $0x8000004D;
	s29 =	ssub.s32 $0x2, s5;
	s8 =	sadd.s32 s8, s4  }
0x8: {  	s30 =	sshll.u32 s5, $0x11;
	s6 =	sor.u32 s7, s6;
	s9 =	sshrl.u32 s29, $0x1  }
0x9: {  	s31 =	sadd.s32 s30, s8;
	s8 =	simm.s32 $0x200;
	s6 =	sadd.s32 s6, s4  }
0xa: {  	s7 =	ssub.s32 s29, s9;
	s9 =	simm.s32 $0x2000;
	s4 =	sadd.s32 $0x56200, s6  }
0xb: {  	s5 =	smax.u32 s7, $0x1;
	s6 =	sadd.s32 $0x5E200, s31;
	s7 =	simm.s32 $0x2  }
.LBB2_1:
0xc: {  	[tilespmem:s3], [sflag:$0x2] =	stream.linear.gather [hbm4b:s4+s3], $0x2000, $0x38;
	[tilespmem:$0x12000] =	vst v63  }
0xd: {  	_ =	swait.ge [sflag:s7], $0x2000  }
0xe: {  	[sflag:s7] =	ssyncset.done $0x0  }
0xf: {  	s12 =	simm.s32 $0x0;
	[sflag:s7] =	ssyncadd.s32 $0xFFFFE000  }
0x10: {  	[tilespmem:s9], [sflag:$0x1] =	stream.indirect.gather [hbm4b:s1+s8], $0x80, s12, s8, $0xb8;
	[tilespmem:$0x12000] =	vst v63  }
0x11: {  	_ =	swait.ge [sflag:s10], $0x10000  }
0x12: {  	[sflag:s10] =	ssyncset.done $0x0  }
0x13: {  	[sflag:s10] =	ssyncadd.s32 $0xFFFF0000  }
0x14: {  	[hbm4b:s6+s3] =	stream.linear.scatter [tilespmem:s9], [sflag:$0x2], $0x10000, $0x38;
	[tilespmem:$0x12000] =	vst v63  }
0x15: {  	s13 =	simm.s32 $0x800;
	_ =	swait.ge [sflag:s7], $0x10000  }
0x16: {  	s14 =	simm.s32 $0x1000;
	s12 =	sadd.s32 $0x2000, s6;
	[sflag:s7] =	ssyncset.done $0x0  }
.LBB2_2:
0x17: {  	s15 =	sshra.s32 s13, $0x2  }
0x18: {  	[sflag:s7] =	ssyncadd.s32 $0xFFFF0000;
	s13 =	smov.u32 s14;
	s16 =	sadd.s32 $0x800, s14  }
0x19: {  	[tilespmem:s9], [sflag:$0x1] =	stream.indirect.gather [hbm4b:s1+s8], $0x80, s15, s8, $0xb8;
	[tilespmem:$0x12000] =	vst v63  }
0x1a: {  	p0 =	sne.s32 s14, $0x7800;
	_ =	swait.ge [sflag:s10], $0x10000  }
.Ltmp0:
0x1b: {  	[sflag:s10] =	ssyncset.done $0x0;
	(pc) =	sbr.rel @p0 .LBB2_2-.Ltmp0, $4  }
0x1c: {  	[sflag:s10] =	ssyncadd.s32 $0xFFFF0000  }
0x1d: {  	[hbm4b:s12+s3] =	stream.linear.scatter [tilespmem:s9], [sflag:$0x2], $0x10000, $0x38;
	[tilespmem:$0x12000] =	vst v63  }
0x1e: {  	_ =	swait.ge [sflag:s7], $0x10000  }
0x1f: {  	s14 =	smov.u32 s16;
	s12 =	sadd.s32 $0x2000, s12;
	[sflag:s7] =	ssyncset.done $0x0  }
0x20: {  	s13 =	sshra.s32 s13, $0x2;
	[sflag:s7] =	ssyncadd.s32 $0xFFFF0000  }
0x21: {  	[tilespmem:s9], [sflag:$0x1] =	stream.indirect.gather [hbm4b:s1+s8], $0x80, s13, s8, $0xb8;
	[tilespmem:$0x12000] =	vst v63  }
0x22: {  	s11 =	sadd.s32 $0x1, s11;
	_ =	swait.ge [sflag:s10], $0x10000  }
0x23: {  	p0 =	sne.s32 s11, s5;
	[sflag:s10] =	ssyncset.done $0x0  }
.Ltmp1:
0x24: {  	[sflag:s10] =	ssyncadd.s32 $0xFFFF0000;
	(pc) =	sbr.rel @p0 .LBB2_1-.Ltmp1, $4  }
0x25: {  	[hbm4b:s12+s3] =	stream.linear.scatter [tilespmem:s9], [sflag:$0x2], $0x10000, $0x38;
	[tilespmem:$0x12000] =	vst v63  }
0x26: {  	_ =	swait.ge [sflag:s7], $0x10000  }
0x27: {  	[sflag:s7] =	ssyncset.done $0x0  }
0x28: {  	[sflag:s7] =	ssyncadd.s32 $0xFFFF0000  }
0x29: {  	_ =	sfence.sel $0x180000  }
0x2a: {  	[bflag:$0x0] =	sbarrier.arrive $0xFFFF  }
0x2b: {  	p0 =	sne.s32 s2, $0x0;
	_ =	strace $0x9000004D  }
0x2c: {  	s0 =	sadd.s32 @!p0 $0x100000, s0;
	[bflag:$0x2] =	sbarrier.arrive $0xFFFF  }
0x2d: {  	[sflag:s0] =	ssyncadd.tile.s32 @!p0 $0x1;
	_ =	shalt  }
.Lfunc_end2:
_tile_overlayer_lowered:
.L_overlay_start_2:
0x2e: {  	(tag) =	ssettag $0x2  }
0x2f: {  	s0 =	rddreg [dreg:$0x0];
	s2 =	stileid.u32  }
0x30: {  	s1 =	rddreg [dreg:$0x1];
	p0 =	sne.s32 s2, $0x0  }
0x31: {  	s3 =	rddreg [dreg:$0x2];
	[bflag:$0x3] =	sbarrier.arrive $0xFFFF;
	s2 =	simm.s32 @!p0 $0x1C02  }
0x32: {  	[timem:s3], [sflag:s2] =	dma.local @!p0 [hbm:s0], s1  }
0x33: {  	s0 =	simm.s32 @!p0 $0x2  }
0x34: {  	_ =	swait.ge @!p0 [sflag:s0], s1  }
0x35: {  	s1 =	ssub.s32 @!p0 $0x0, s1;
	[sflag:s0] =	ssyncset.done @!p0 $0x0  }
0x36: {  	[sflag:s0] =	ssyncadd.s32 @!p0 s1  }
0x37: {  	[bflag:$0x3] =	sbarrier.arrive $0xFFFF  }
0x38: {  	_ =	shalt  }

// kernel: kernel.29.cloned.1.call-start
scs
__scs_entry_jumppad:
0x0: {  	(pc) =	sbr.rel $0x88, $3  }
0x1: {  	(tag) =	ssettag $0x0;
	lr =	simm.s32 $0x1  }
0x2: {  	[smem:$0x3F9B] =	sst lr;
	_ =	strace $0xD0000000  }
0x3: {  	_ = 	snop  }
0x4: {  	_ = 	snop  }
0x5: {  	_ = 	snop  }
0x6: {  	_ = 	snop  }
0x7: {  	_ = 	snop  }
__scs_overlays_trampoline_lowered:
0x8: {  	[smem:$0x3FAA] =	sst s0  }
0x9: {  	[smem:$0x3FAB] =	sst s1  }
0xa: {  	[smem:$0x3FAC] =	sst s2  }
0xb: {  	[smem:$0x3FAD] =	sst s3  }
0xc: {  	[smem:$0x3FAE] =	sst s4  }
0xd: {  	[smem:$0x3FAF] =	sst s5  }
0xe: {  	[smem:$0x3FB0] =	sst s6  }
0xf: {  	[smem:$0x3FB1] =	sst s7  }
0x10: {  	[smem:$0x3FB2] =	sst s8  }
0x11: {  	[smem:$0x3FB3] =	sst s9;
	s0 =	simm.s32 @!p0 $0x0  }
0x12: {  	s1 =	sld [smem:$0x3F99];
	s0 =	simm.s32 @p0 $0x1  }
0x13: {  	[smem:$0x3FB4] =	sst s0;
	s0 =	simm.s32 @!p1 $0x0  }
0x14: {  	s2 =	sld [smem:$0x3F98];
	s0 =	simm.s32 @p1 $0x1  }
0x15: {  	[smem:$0x3FB5] =	sst s0;
	s0 =	simm.s32 @!p2 $0x0  }
0x16: {  	s3 =	sld [smem:$0x3FDB];
	s0 =	simm.s32 @p2 $0x1  }
0x17: {  	s4 =	simm.s32 $0x1BF5;
	[smem:$0x3FB7] =	sst s0  }
0x18: {  	s0 =	sld [smem:$0x3F9A];
	_ =	swait.ge [sflag:s4], $0x0  }
0x19: {  	s7 =	sld [smem:$0x3F9B]  }
0x1a: {  	s8 =	sadd.s32 $0xFFFFE003, lr  }
0x1b: {  	s9 =	sadd.s32 $0xFFFFFEF7, lr;
	s5 =	simm.s32 $0xFFFFFFFF;
	p2 =	slt.u32 s8, $0xFFFFF086  }
0x1c: {  	p1 =	slt.u32 s9, $0xF7A;
	s5 =	simm.s32 @!p2 $0x0  }
0x1d: {  	s5 =	simm.s32 @p1 $0x1;
	p0 =	seq.s32 s7, s2  }
0x1e: {  	s7 =	smul.u32 @!p0 $0xF7A, s2;
	p2 =	seq.s32 @!p0 s5, $0x0  }
0x1f: {  	s9 =	smul.u32 $0xF7A, s1;
	s8 =	simm.s32 @!p0 $0x1BF5;
	p2 =	por !p2, p0  }
0x20: {  	[sflag:s8] =	ssyncset.s32 @!p0 $0xFFFFF086;
	s6 =	sadd.s32 @!p0 s3, s7;
	s7 =	simm.s32 @!p0 $0x108  }
0x21: {  	s3 =	sadd.s32 s3, s9;
	s6 =	sadd.s32 @!p0 $0x88, s6;
	s7 =	simm.s32 @p2 $0x1082  }
0x22: {  	[simem:s7], [sflag:s8] =	dma.local @!p0 [hbm:s6], $0xF7A  }
0x23: {  	s9 =	sor.u32 $0xD0000000, s2;
	s6 =	simm.s32 $0x108;
	_ =	swait.ge @!p0 [sflag:s8], $0x0  }
0x24: {  	s3 =	sadd.s32 $0x88, s3;
	s6 =	simm.s32 @!p1 $0x1082;
	[sflag:s4] =	ssyncset.s32 $0xFFFFF086  }
0x25: {  	[simem:s6], [sflag:s4] =	dma.local [hbm:s3], $0xF7A  }
0x26: {  	[smem:$0x3F9B] =	sst s1;
	(tag) =	ssettag s2;
	_ =	strace s9  }
0x27: {  	s1 =	sld [smem:$0x3FAB]  }
0x28: {  	s2 =	sld [smem:$0x3FAC]  }
0x29: {  	s4 =	sld [smem:$0x3FAE]  }
0x2a: {  	p0 =	seq.s32 s5, $0x0;
	s5 =	sld [smem:$0x3FAF]  }
0x2b: {  	s6 =	sld [smem:$0x3FB0]  }
0x2c: {  	s7 =	sld [smem:$0x3FB1]  }
0x2d: {  	s3 =	simm.s32 $0x108;
	s8 =	sld [smem:$0x3FB2]  }
0x2e: {  	s3 =	simm.s32 @!p0 $0x1082;
	s9 =	sld [smem:$0x3FB3]  }
0x2f: {  	lr =	sadd.s32 s0, s3;
	s0 =	sld [smem:$0x3FAA]  }
0x30: {  	s3 =	sld [smem:$0x3FAD]  }
0x31: {  	[smem:$0x3FB6] =	sst s10  }
0x32: {  	s10 =	sld [smem:$0x3FB4];
	_ =	sdelay $0x3  }
0x33: {  	p0 =	seq.s32 s10, $0x1;
	s10 =	sld [smem:$0x3FB6];
	_ =	sdelay $0x3  }
0x34: {  	[smem:$0x3FB6] =	sst s10  }
0x35: {  	s10 =	sld [smem:$0x3FB5];
	_ =	sdelay $0x3  }
0x36: {  	p1 =	seq.s32 s10, $0x1;
	s10 =	sld [smem:$0x3FB6];
	_ =	sdelay $0x3  }
0x37: {  	[smem:$0x3FB6] =	sst s10  }
0x38: {  	s10 =	sld [smem:$0x3FB7]  }
0x39: {  	_ = 	snop;
	(pc) =	sbr.ind lr, $3  }
0x3a: {  	_ = 	snop  }
0x3b: {  	_ = 	snop  }
0x3c: {  	p2 =	seq.s32 s10, $0x1;
	s10 =	sld [smem:$0x3FB6]  }
0x3d: {  	_ =	shalt  }
0x3e: {  	_ =	shalt  }
0x3f: {  	_ =	shalt  }
0x40: {  	_ =	shalt  }
0x41: {  	_ =	shalt  }
0x42: {  	_ =	shalt  }
0x43: {  	_ =	shalt  }
0x44: {  	_ =	shalt  }
0x45: {  	_ =	shalt  }
0x46: {  	_ =	shalt  }
0x47: {  	_ =	shalt  }
0x48: {  	_ =	shalt  }
0x49: {  	_ =	shalt  }
0x4a: {  	_ =	shalt  }
0x4b: {  	_ =	shalt  }
0x4c: {  	_ =	shalt  }
0x4d: {  	_ =	shalt  }
0x4e: {  	_ =	shalt  }
0x4f: {  	_ =	shalt  }
0x50: {  	_ =	shalt  }
0x51: {  	_ =	shalt  }
0x52: {  	_ =	shalt  }
0x53: {  	_ =	shalt  }
0x54: {  	_ =	shalt  }
0x55: {  	_ =	shalt  }
0x56: {  	_ =	shalt  }
0x57: {  	_ =	shalt  }
0x58: {  	_ =	shalt  }
0x59: {  	_ =	shalt  }
0x5a: {  	_ =	shalt  }
0x5b: {  	_ =	shalt  }
0x5c: {  	_ =	shalt  }
0x5d: {  	_ =	shalt  }
0x5e: {  	_ =	shalt  }
0x5f: {  	_ =	shalt  }
0x60: {  	_ =	shalt  }
0x61: {  	_ =	shalt  }
0x62: {  	_ =	shalt  }
0x63: {  	_ =	shalt  }
0x64: {  	_ =	shalt  }
0x65: {  	_ =	shalt  }
0x66: {  	_ =	shalt  }
0x67: {  	_ =	shalt  }
0x68: {  	_ =	shalt  }
0x69: {  	_ =	shalt  }
0x6a: {  	_ =	shalt  }
0x6b: {  	_ =	shalt  }
0x6c: {  	_ =	shalt  }
0x6d: {  	_ =	shalt  }
0x6e: {  	_ =	shalt  }
0x6f: {  	_ =	shalt  }
0x70: {  	_ =	shalt  }
0x71: {  	_ =	shalt  }
0x72: {  	_ =	shalt  }
0x73: {  	_ =	shalt  }
0x74: {  	_ =	shalt  }
0x75: {  	_ =	shalt  }
0x76: {  	_ =	shalt  }
0x77: {  	_ =	shalt  }
0x78: {  	_ =	shalt  }
0x79: {  	_ =	shalt  }
0x7a: {  	_ =	shalt  }
0x7b: {  	_ =	shalt  }
0x7c: {  	_ =	shalt  }
0x7d: {  	_ =	shalt  }
0x7e: {  	_ =	shalt  }
0x7f: {  	_ =	shalt  }
0x80: {  	_ =	shalt  }
0x81: {  	_ =	shalt  }
0x82: {  	_ =	shalt  }
0x83: {  	_ =	shalt  }
0x84: {  	_ =	shalt  }
0x85: {  	_ =	shalt  }
0x86: {  	_ =	shalt  }
0x87: {  	_ =	shalt  }
.Lfunc_end0:
.L_simem_size_0:
called_computation.4_lowered:
.L_overlay_start_0:
0x88: {  	s2 =	sld [smem:$0x3FD9]  }
0x89: {  	s3 =	sld [smem:$0x3FFE];
	_ =	sdelay $0x1  }
0x8a: {  	s1 =	srdreg.scid  }
0x8b: {  	s0 =	sand.u32 $0x1, s1  }
0x8c: {  	s16 =	sshll.u32 s0, $0xA;
	s2 =	sadd.s32 s3, s2  }
0x8d: {  	s2 =	sadd.s32 s2, s16  }
0x8e: {  	[smem:$0x3FC2] =	sst s2  }
0x8f: {  	_ = 	snop  }
0x90: {  	(tm) =	ssettm $0x1  }
0x91: {  	s17 =	sld [smem:$0x3FFB];
	_ =	sdelay $0x3  }
0x92: {  	_ =	strace s17  }
0x93: {  	s2 =	sld [smem:$0x3FFC];
	_ =	sdelay $0x3  }
0x94: {  	_ =	strace s2  }
0x95: {  	s2 =	sld [smem:$0x3FFD];
	_ =	sdelay $0x3  }
0x96: {  	_ =	strace s2  }
0x97: {  	_ =	strace $0x8FFFFFFF  }
0x98: {  	s18 =	sld [smem:$0x3FDB];
	_ =	sdelay $0x1  }
0x99: {  	s19 =	simm.s32 $_scs_section_size  }
0x9a: {  	s4 =	simm.s32 $_size__tile_overlayer_lowered;
	s5 =	simm.s32 $_tile_overlayer_lowered  }
0x9b: {  	s22 =	simm.s32 $0x1BFF;
	s21 =	sshll.u32 s5, $0x1;
	s2 =	sadd.s32 s19, s18  }
0x9c: {  	s6 =	simm.s32 $0x0;
	s20 =	sshll.u32 s4, $0x1;
	s4 =	sadd.s32 s21, s2  }
0x9d: {  	[timem:s6], [sflag:s22] =	dma.local [hbm:s4], s20  }
0x9e: {  	_ =	swait.ge [sflag:s22], s20  }
0x9f: {  	s3 =	ssub.s32 $0x0, s20;
	[sflag:s22] =	ssyncset.done $0x0  }
0xa0: {  	[sflag:s22] =	ssyncadd.s32 s3;
	_ =	sdelay $0x1  }
0xa1: {  	s23 =	simm.s32 $0x1B8B  }
0xa2: {  	_ =	swait.ge [sflag:s23], $0x1  }
0xa3: {  	[sflag:s23] =	ssyncset.done $0x0  }
0xa4: {  	s25 =	simm.s32 $0x1B8E;
	s24 =	sld [smem:$0x3FFE];
	[sflag:s23] =	ssyncadd.s32 $0xFFFFFFFF  }
0xa5: {  	s26 =	simm.s32 $execute0_lowered;
	[smem:$0x3FD2] =	sst s25  }
0xa6: {  	s4 =	sshll.u32 s26, $0x1;
	_ =	strace $0x8000004F;
	[dreg:$0x1] =	wrdreg $0xFFFFFFFF  }
0xa7: {  	s28 =	simm.s32 $_size_execute0_lowered;
	s2 =	sadd.s32 s2, s4;
	[dreg:$0x0] =	wrdreg $0x0  }
0xa8: {  	s4 =	sshll.u32 s28, $0x1;
	[dreg:$0x2] =	wrdreg s2  }
0xa9: {  	[dreg:$0x3] =	wrdreg s4  }
0xaa: {  	[dreg:$0x4] =	wrdreg $0xC0  }
0xab: {  	_ =	task [dreg:s6], $0x5FFFF  }
0xac: {  	[dreg:$0x1] =	wrdreg $0xFFFFFFFF  }
0xad: {  	[dreg:$0x0] =	wrdreg $0x60  }
0xae: {  	[dreg:$0x2] =	wrdreg s24  }
0xaf: {  	[dreg:$0x3] =	wrdreg $0x9  }
0xb0: {  	_ =	task.clear_ibuf [dreg:s6], $0x4FFFF;
	_ =	strace $0x9000004F  }
0xb1: {  	s29 =	simm.s32 $0x9;
	_ =	strace $0x80000051  }
0xb2: {  	_ =	swait.ge [sflag:s29], $0x1  }
0xb3: {  	[sflag:s29] =	ssyncadd.s32 $0xFFFFFFFF  }
0xb4: {  	_ =	strace $0x90000051  }
0xb5: {  	_ =	sfence  }
0xb6: {  	s30 =	sld [smem:$0x0];
	_ =	sdelay $0x2  }
0xb7: {  	s31 =	sshll.u32 s1, $0xD;
	s1 =	sshrl.u32 s1, $0x2  }
0xb8: {  	s3 =	sand.u32 $0x4000, s31;
	s1 =	sadd.s32 s1, s30  }
0xb9: {  	s0 =	sor.u32 s3, s0;
	s1 =	sshll.u32 s1, $0x11  }
0xba: {  	s0 =	sor.u32 s1, s0  }
0xbb: {  	s0 =	sadd.s32 $0x8F2B, s0  }
0xbc: {  	[sflag:s0] =	ssyncadd.remote.s32 $0x1  }
0xbd: {  	_ =	sfence.sel $0xFFFF  }
0xbe: {  	[dreg:$0x0] =	wrdreg $0xFFFFFFFF;
	(pc) =	sbr.abs _section_cstart, $3  }
0xbf: {  	[dreg:$0x1] =	wrdreg $0xFFFFFFFF  }
0xc0: {  	_ =	task.clear_ibuf [dreg:s6], $0x2FFFF;
	_ =	strace $0x9FFFFFFF  }
0xc1: {  	(tm) =	ssettm $0x7FFFFFFF  }
tec
execute0_lowered:
.L_overlay_start_1:
0x0: {  	(tag) =	ssettag $0x1  }
0x1: {  	s4 =	rddreg [dreg:$0x0]  }
0x2: {  	s0 =	rddreg [dreg:$0x1];
	s2 =	simm.s32 $0x0;
	s3 =	srdreg.scid  }
0x3: {  	s1 =	stileid.u32;
	s10 =	simm.s32 $0x1;
	s11 =	simm.s32 $0x0  }
0x4: {  	[smem:$0x7FF] =	sst s2;
	s5 =	sand.u32 $0x1, s3;
	s6 =	sshll.u32 s1, $0xB  }
0x5: {  	s3 =	sadd.s32 $0x56200, s4;
	s8 =	sshll.u32 s1, $0x12;
	_ =	strace $0x80000050  }
0x6: {  	s7 =	sshll.u32 s5, $0xA;
	s29 =	ssub.s32 $0x2, s5;
	s8 =	sadd.s32 s8, s4  }
0x7: {  	s30 =	sshll.u32 s5, $0x11;
	s6 =	sor.u32 s7, s6;
	s9 =	sshrl.u32 s29, $0x1  }
0x8: {  	s31 =	sadd.s32 s30, s8;
	s8 =	simm.s32 $0x200;
	s6 =	sadd.s32 s6, s4  }
0x9: {  	s7 =	ssub.s32 s29, s9;
	s9 =	simm.s32 $0x2000;
	s4 =	sadd.s32 $0x76200, s6  }
0xa: {  	s5 =	smax.u32 s7, $0x1;
	s6 =	sadd.s32 $0x7E200, s31;
	s7 =	simm.s32 $0x2  }
.LBB2_1:
0xb: {  	[tilespmem:s2], [sflag:$0x2] =	stream.linear.gather [hbm4b:s4+s2], $0x2000, $0x38;
	[tilespmem:$0x12000] =	vst v63  }
0xc: {  	_ =	swait.ge [sflag:s7], $0x2000  }
0xd: {  	[sflag:s7] =	ssyncset.done $0x0  }
0xe: {  	s12 =	simm.s32 $0x0;
	[sflag:s7] =	ssyncadd.s32 $0xFFFFE000  }
0xf: {  	[tilespmem:s9], [sflag:$0x1] =	stream.indirect.gather [hbm4b:s3+s8], $0x80, s12, s8, $0xb8;
	[tilespmem:$0x12000] =	vst v63  }
0x10: {  	_ =	swait.ge [sflag:s10], $0x10000  }
0x11: {  	[sflag:s10] =	ssyncset.done $0x0  }
0x12: {  	[sflag:s10] =	ssyncadd.s32 $0xFFFF0000  }
0x13: {  	[hbm4b:s6+s2] =	stream.linear.scatter [tilespmem:s9], [sflag:$0x2], $0x10000, $0x38;
	[tilespmem:$0x12000] =	vst v63  }
0x14: {  	s13 =	simm.s32 $0x800;
	_ =	swait.ge [sflag:s7], $0x10000  }
0x15: {  	s14 =	simm.s32 $0x1000;
	s12 =	sadd.s32 $0x2000, s6;
	[sflag:s7] =	ssyncset.done $0x0  }
.LBB2_2:
0x16: {  	s15 =	sshra.s32 s13, $0x2  }
0x17: {  	[sflag:s7] =	ssyncadd.s32 $0xFFFF0000;
	s13 =	smov.u32 s14;
	s16 =	sadd.s32 $0x800, s14  }
0x18: {  	[tilespmem:s9], [sflag:$0x1] =	stream.indirect.gather [hbm4b:s3+s8], $0x80, s15, s8, $0xb8;
	[tilespmem:$0x12000] =	vst v63  }
0x19: {  	p0 =	sne.s32 s14, $0x7800;
	_ =	swait.ge [sflag:s10], $0x10000  }
.Ltmp0:
0x1a: {  	[sflag:s10] =	ssyncset.done $0x0;
	(pc) =	sbr.rel @p0 .LBB2_2-.Ltmp0, $4  }
0x1b: {  	[sflag:s10] =	ssyncadd.s32 $0xFFFF0000  }
0x1c: {  	[hbm4b:s12+s2] =	stream.linear.scatter [tilespmem:s9], [sflag:$0x2], $0x10000, $0x38;
	[tilespmem:$0x12000] =	vst v63  }
0x1d: {  	_ =	swait.ge [sflag:s7], $0x10000  }
0x1e: {  	s14 =	smov.u32 s16;
	s12 =	sadd.s32 $0x2000, s12;
	[sflag:s7] =	ssyncset.done $0x0  }
0x1f: {  	s13 =	sshra.s32 s13, $0x2;
	[sflag:s7] =	ssyncadd.s32 $0xFFFF0000  }
0x20: {  	[tilespmem:s9], [sflag:$0x1] =	stream.indirect.gather [hbm4b:s3+s8], $0x80, s13, s8, $0xb8;
	[tilespmem:$0x12000] =	vst v63  }
0x21: {  	s11 =	sadd.s32 $0x1, s11;
	_ =	swait.ge [sflag:s10], $0x10000  }
0x22: {  	p0 =	sne.s32 s11, s5;
	[sflag:s10] =	ssyncset.done $0x0  }
.Ltmp1:
0x23: {  	[sflag:s10] =	ssyncadd.s32 $0xFFFF0000;
	(pc) =	sbr.rel @p0 .LBB2_1-.Ltmp1, $4  }
0x24: {  	[hbm4b:s12+s2] =	stream.linear.scatter [tilespmem:s9], [sflag:$0x2], $0x10000, $0x38;
	[tilespmem:$0x12000] =	vst v63  }
0x25: {  	_ =	swait.ge [sflag:s7], $0x10000  }
0x26: {  	[sflag:s7] =	ssyncset.done $0x0  }
0x27: {  	[sflag:s7] =	ssyncadd.s32 $0xFFFF0000  }
0x28: {  	_ =	sfence.sel $0x180000  }
0x29: {  	[bflag:$0x0] =	sbarrier.arrive $0xFFFF  }
0x2a: {  	p0 =	sne.s32 s1, $0x0;
	_ =	strace $0x90000050  }
0x2b: {  	s0 =	sadd.s32 @!p0 $0x100000, s0;
	[bflag:$0x2] =	sbarrier.arrive $0xFFFF  }
0x2c: {  	[sflag:s0] =	ssyncadd.tile.s32 @!p0 $0x1;
	_ =	shalt  }
.Lfunc_end2:
_tile_overlayer_lowered:
.L_overlay_start_2:
0x2d: {  	(tag) =	ssettag $0x2  }
0x2e: {  	s0 =	rddreg [dreg:$0x0];
	s2 =	stileid.u32  }
0x2f: {  	s1 =	rddreg [dreg:$0x1];
	p0 =	sne.s32 s2, $0x0  }
0x30: {  	s3 =	rddreg [dreg:$0x2];
	[bflag:$0x3] =	sbarrier.arrive $0xFFFF;
	s2 =	simm.s32 @!p0 $0x1C02  }
0x31: {  	[timem:s3], [sflag:s2] =	dma.local @!p0 [hbm:s0], s1  }
0x32: {  	s0 =	simm.s32 @!p0 $0x2  }
0x33: {  	_ =	swait.ge @!p0 [sflag:s0], s1  }
0x34: {  	s1 =	ssub.s32 @!p0 $0x0, s1;
	[sflag:s0] =	ssyncset.done @!p0 $0x0  }
0x35: {  	[sflag:s0] =	ssyncadd.s32 @!p0 s1  }
0x36: {  	[bflag:$0x3] =	sbarrier.arrive $0xFFFF  }
0x37: {  	_ =	shalt  }

// kernel: sparse-core-data-format-call.cloned.1.call-start
scs
called_computation_lowered:
.L_overlay_start_0:
0x0: {  	s2 =	sld [smem:$0x3FD9]  }
0x1: {  	s3 =	sld [smem:$0x3FFE];
	_ =	sdelay $0x1  }
0x2: {  	s1 =	srdreg.scid  }
0x3: {  	s0 =	sand.u32 $0x1, s1  }
0x4: {  	s15 =	sshll.u32 s0, $0xA;
	s2 =	sadd.s32 s3, s2  }
0x5: {  	s2 =	sadd.s32 s2, s15  }
0x6: {  	[smem:$0x3FC2] =	sst s2  }
0x7: {  	_ = 	snop  }
0x8: {  	s2 =	sld [smem:$0x3FD0];
	_ =	sdelay $0x2  }
0x9: {  	s16 =	simm.s32 $0xA;
	s4 =	simm.s32 $0x10  }
0xa: {  	[smem:s4], [sflag:s16] =	dma.local [hbm:s2], $0x1  }
0xb: {  	_ =	swait.eq [sflag:s16], $0x1  }
0xc: {  	[sflag:s16] =	ssyncset.done $0x0  }
0xd: {  	[sflag:s16] =	ssyncadd.s32 $0xFFFFFFFF  }
0xe: {  	s17 =	sld [smem:$0x11];
	(tm) =	ssettm $0x1  }
0xf: {  	s18 =	sld [smem:$0x3FFB];
	_ =	sdelay $0x3  }
0x10: {  	_ =	strace s18  }
0x11: {  	s3 =	sld [smem:$0x3FFC];
	_ =	sdelay $0x3  }
0x12: {  	_ =	strace s3  }
0x13: {  	s3 =	sld [smem:$0x3FFD];
	_ =	sdelay $0x3  }
0x14: {  	_ =	strace s3  }
0x15: {  	_ =	strace $0x8FFFFFFF  }
0x16: {  	s19 =	sld [smem:$0x3FDB];
	_ =	sdelay $0x1  }
0x17: {  	s20 =	simm.s32 $_scs_section_size  }
0x18: {  	s5 =	simm.s32 $_size__tile_overlayer_lowered;
	s6 =	simm.s32 $_tile_overlayer_lowered  }
0x19: {  	s23 =	simm.s32 $0x1BFF;
	s22 =	sshll.u32 s6, $0x1;
	s3 =	sadd.s32 s20, s19  }
0x1a: {  	s7 =	simm.s32 $0x0;
	s21 =	sshll.u32 s5, $0x1;
	s5 =	sadd.s32 s22, s3  }
0x1b: {  	[timem:s7], [sflag:s23] =	dma.local [hbm:s5], s21  }
0x1c: {  	_ =	swait.ge [sflag:s23], s21  }
0x1d: {  	s4 =	ssub.s32 $0x0, s21;
	[sflag:s23] =	ssyncset.done $0x0  }
0x1e: {  	[sflag:s23] =	ssyncadd.s32 s4;
	_ =	sdelay $0x1  }
0x1f: {  	s24 =	simm.s32 $0x1B8B  }
0x20: {  	_ =	swait.ge [sflag:s24], $0x1  }
0x21: {  	[sflag:s24] =	ssyncset.done $0x0  }
0x22: {  	s26 =	simm.s32 $0x1B8E;
	s25 =	sld [smem:$0x3FFE];
	[sflag:s24] =	ssyncadd.s32 $0xFFFFFFFF  }
0x23: {  	s27 =	simm.s32 $execute0_lowered;
	[smem:$0x3FD2] =	sst s26  }
0x24: {  	s5 =	sshll.u32 s27, $0x1;
	_ =	strace $0x80000052;
	[dreg:$0x1] =	wrdreg $0xFFFFFFFF  }
0x25: {  	s28 =	simm.s32 $_size_execute0_lowered;
	s3 =	sadd.s32 s3, s5;
	[dreg:$0x0] =	wrdreg $0x0  }
0x26: {  	s5 =	sshll.u32 s28, $0x1;
	[dreg:$0x2] =	wrdreg s3  }
0x27: {  	[dreg:$0x3] =	wrdreg s5  }
0x28: {  	[dreg:$0x4] =	wrdreg $0xC0  }
0x29: {  	_ =	task [dreg:s7], $0x5FFFF  }
0x2a: {  	[dreg:$0x1] =	wrdreg $0xFFFFFFFF  }
0x2b: {  	[dreg:$0x0] =	wrdreg $0x60  }
0x2c: {  	[dreg:$0x2] =	wrdreg s25  }
0x2d: {  	[dreg:$0x3] =	wrdreg s17  }
0x2e: {  	[dreg:$0x4] =	wrdreg $0x9  }
0x2f: {  	_ =	task.clear_ibuf [dreg:s7], $0x5FFFF;
	_ =	strace $0x90000052  }
0x30: {  	s29 =	simm.s32 $0x9;
	_ =	strace $0x80000054  }
0x31: {  	_ =	swait.ge [sflag:s29], $0x1  }
0x32: {  	[sflag:s29] =	ssyncadd.s32 $0xFFFFFFFF  }
0x33: {  	_ =	strace $0x90000054  }
0x34: {  	_ =	sfence  }
0x35: {  	s30 =	sld [smem:$0x0];
	_ =	sdelay $0x2  }
0x36: {  	s31 =	sshll.u32 s1, $0xD;
	s1 =	sshrl.u32 s1, $0x2  }
0x37: {  	s3 =	sand.u32 $0x4000, s31;
	s1 =	sadd.s32 s1, s30  }
0x38: {  	s0 =	sor.u32 s3, s0;
	s1 =	sshll.u32 s1, $0x11  }
0x39: {  	s0 =	sor.u32 s1, s0  }
0x3a: {  	s0 =	sadd.s32 $0x8F2B, s0  }
0x3b: {  	[sflag:s0] =	ssyncadd.remote.s32 $0x1  }
0x3c: {  	_ =	sfence.sel $0xFFFF  }
0x3d: {  	[dreg:$0x0] =	wrdreg $0xFFFFFFFF;
	(pc) =	sbr.abs _section_cstart, $3  }
0x3e: {  	[dreg:$0x1] =	wrdreg $0xFFFFFFFF  }
0x3f: {  	_ =	task.clear_ibuf [dreg:s7], $0x2FFFF;
	_ =	strace $0x9FFFFFFF  }
0x40: {  	(tm) =	ssettm $0x7FFFFFFF  }
0x41: {  	_ =	shalt  }
tec
execute0_lowered:
.L_overlay_start_1:
0x0: {  	(tag) =	ssettag $0x1  }
0x1: {  	s0 =	stileid.u32;
	s4 =	rddreg [dreg:$0x0]  }
0x2: {  	s1 =	srdreg.scid;
	s3 =	rddreg [dreg:$0x1];
	s7 =	simm.s32 $0x1  }
0x3: {  	s31 =	simm.s32 $0x2;
	s2 =	sshll.u32 s0, $0x4;
	s1 =	sshll.u32 s1, $0x8  }
0x4: {  	s16 =	simm.s32 $0x0;
	s9 =	simm.s32 $0x2000;
	s1 =	sor.u32 s2, s1  }
0x5: {  	s14 =	simm.s32 $0x0;
	s15 =	simm.s32 $0x0;
	s2 =	sand.u32 $0x180, s1  }
0x6: {  	s10 =	simm.s32 $0x0;
	s13 =	simm.s32 $0x0;
	s5 =	ssub.s32 $0x400, s2  }
0x7: {  	s4 =	sadd.s32 $0x46200, s4;
	s1 =	rddreg [dreg:$0x2];
	s6 =	sand.u32 $0x180, s5  }
.Ltmp0:
0x8: {  	_ =	strace $0x80000053;
	p0 =	sne.s32 s6, $0x0;
	(pc) =	sbr.rel .LBB1_1-.Ltmp0, $4  }
0x9: {  	s11 =	smov.u32 s2;
	s8 =	sshrl.u32 s5, $0x9;
	s7 =	simm.s32 @!p0 $0x0  }
0xa: {  	s5 =	sand.u32 $0x7, s0;
	s6 =	simm.s32 $0x1;
	s7 =	sadd.s32 s7, s8  }
0xb: {  	s12 =	smov.u32 s5;
	[sflag:s6] =	ssyncpa.u1 $0x0;
	s7 =	sshll.u32 s7, $0x3  }
0xc: {  	p0 =	por $0x0, $0x0;
	[sflag:s31] =	ssyncpa.u1 $0x0;
	s8 =	sor.u32 $0x1, s7  }
.LBB1_4:
0xd: {  	v5 =	vld [tilespmem:s20+$0xFFFFFFD0];
	[tilespmem:s19+$0x2040 ss:$0x81] =	vst.msk $0xffff, v1  }
0xe: {  	v58 =	vld [tilespmem:s20+$0xFFFFFFE0];
	[tilespmem:s19+$0x2850 ss:$0x81] =	vst.msk $0xffff, v2  }
0xf: {  	s21 =	sshra.s32 s21, $0x2;
	v59 =	vld [tilespmem:s20+$0xFFFFFFF0];
	[tilespmem:s19+$0x3060 ss:$0x81] =	vst.msk $0xffff, v3  }
0x10: {  	v60 =	vld [tilespmem:s20+$0x0];
	[tilespmem:s19+$0x0 ss:$0x81] =	vst.msk $0xffff, v0;
	s18 =	sadd.s32 s21, s18  }
0x11: {  	v61 =	vld [tilespmem:s20+$0x10];
	[tilespmem:s18+$0x3870 ss:$0x81] =	vst.msk $0xffff, v4  }
0x12: {  	v62 =	vld [tilespmem:s20+$0x20];
	s26 =	sshll.u32 s16, $0xA;
	s27 =	sshll.u32 s14, $0x3;
	[tilespmem:s18+$0x810 ss:$0x81] =	vst.msk $0xffff, v5  }
0x13: {  	v63 =	vld [tilespmem:s20+$0xFFFFFFC0];
	s29 =	sshll.u32 s16, $0x7;
	s30 =	sand.u32 $0x78, s14;
	s15 =	sshll.u32 s15, $0x11;
	[tilespmem:s18+$0x1020 ss:$0x81] =	vst.msk $0xffff, v58  }
0x14: {  	s19 =	sand.u32 $0xFE000, s26;
	s28 =	sand.u32 $0xFFC00, s27;
	s16 =	sand.u32 $0x380, s29;
	[tilespmem:s18+$0x1830 ss:$0x81] =	vst.msk $0xffff, v59  }
0x15: {  	s31 =	sand.u32 $0x7, s14;
	s19 =	sadd.s32 s28, s19;
	s16 =	sor.u32 s30, s16;
	[tilespmem:s18+$0x2040 ss:$0x81] =	vst.msk $0xffff, v60  }
0x16: {  	s15 =	sadd.s32 s3, s15;
	s19 =	sshrl.u32 s19, $0x3;
	s16 =	sshrl.u32 s16, $0x3;
	[tilespmem:s18+$0x2850 ss:$0x81] =	vst.msk $0xffff, v61  }
0x17: {  	s14 =	sshll.u32 s31, $0x12;
	s19 =	sand.u32 $0x1FF80, s19;
	s15 =	sadd.s32 s16, s15;
	[tilespmem:s18+$0x3060 ss:$0x81] =	vst.msk $0xffff, v62  }
0x18: {  	s14 =	sor.u32 $0x400, s14;
	[tilespmem:s18+$0x0 ss:$0x81] =	vst.msk $0xffff, v63;
	s15 =	sadd.s32 s19, s15  }
0x19: {  	[hbm4b:s15+s14] =	stream.strided.scatter [tilespmem:s17], [sflag:$0x2], $0x4000, s9, s14, $0x20;
	[tilespmem:$0x10100] =	vst v63  }
.LBB1_5:
0x1a: {  	s17 =	sadd.s32 $0x80, s10  }
0x1b: {  	s14 =	sadd.s32 $0x200, s11;
	s18 =	smov.u32 s11;
	p2 =	sgt.s32 s17, $0x3FF  }
0x1c: {  	s18 =	smov.u32 @p2 s14  }
0x1d: {  	s20 =	smov.u32 s12;
	s14 =	sadd.s32 $0x8, s12;
	p3 =	sgt.s32 s18, $0x3FF  }
0x1e: {  	s20 =	smov.u32 @p3 s14  }
0x1f: {  	s17 =	simm.s32 @p2 $0x0;
	p2 =	sgt.s32 s20, $0x7  }
0x20: {  	p1 =	slt.u32 s13, $0x2;
	s20 =	smov.u32 @p2 s5;
	p2 =	sne.s32 s13, s8  }
.Ltmp1:
0x21: {  	s19 =	simm.s32 @!p1 $0x2;
	(pc) =	sbr.rel @!p2 .LBB1_6-.Ltmp1, $4  }
0x22: {  	s16 =	smov.u32 s10;
	s15 =	smov.u32 s12;
	_ =	swait.ge @!p1 [sflag:s19], $0x4000  }
0x23: {  	p0 =	por !p0, !p0;
	[sflag:s19] =	ssyncset.done @!p1 $0x0;
	s10 =	smov.u32 s17  }
0x24: {  	s18 =	smov.u32 @p3 s2;
	s14 =	smov.u32 s11;
	[sflag:s19] =	ssyncadd.s32 @!p1 $0xFFFFC000  }
0x25: {  	s11 =	smov.u32 s18;
	s13 =	sadd.s32 $0x1, s13;
	s12 =	smov.u32 s20  }
.LBB1_1:
0x26: {  	p1 =	sge.u32 s13, s7  }
0x27: {  	s31 =	sadd.s32 $0xFFFFFFFF, s13;
	s17 =	sshll.u32 @!p1 s11, $0x7  }
0x28: {  	s18 =	sxor.u32 @!p1 $0xFFFFFFFF, s13;
	s19 =	sand.u32 @!p1 $0x78, s10;
	s20 =	sand.u32 @!p1 $0x380, s17  }
0x29: {  	s18 =	sshll.u32 @!p1 s18, $0xE;
	s19 =	sor.u32 @!p1 s19, s20;
	s20 =	sshll.u32 @!p1 s12, $0x11  }
0x2a: {  	s17 =	sand.u32 @!p1 $0x1FC00, s17;
	s19 =	sshrl.u32 @!p1 s19, $0x3;
	s20 =	sadd.s32 @!p1 s4, s20  }
0x2b: {  	s17 =	sadd.s32 @!p1 s10, s17;
	s19 =	sadd.s32 @!p1 s19, s20;
	s20 =	sand.u32 @!p1 $0x7, s10  }
0x2c: {  	s18 =	sand.u32 @!p1 $0x4000, s18;
	s17 =	sand.u32 @!p1 $0x1FF80, s17;
	s20 =	sshll.u32 @!p1 s20, $0x12  }
0x2d: {  	s17 =	sadd.s32 @!p1 s17, s19;
	s19 =	sor.u32 @!p1 $0x400, s20;
	s20 =	simm.s32 @!p1 $0x2000  }
0x2e: {  	[tilespmem:s18], [sflag:$0x1] =	stream.strided.gather @!p1 [hbm4b:s17+s19], $0x4000, s20, s19, $0x38;
	[tilespmem:$0x10100] =	vst v63  }
0x2f: {  	p1 =	sge.u32 s31, s7  }
.Ltmp2:
0x30: {  	_ = 	snop;
	(pc) =	sbr.rel @p1 .LBB1_5-.Ltmp2, $1  }
0x31: {  	_ =	sdelay $0x3  }
0x32: {  	s17 =	simm.s32 $0x1  }
0x33: {  	_ =	swait.ge [sflag:s6], $0x4000;
	s17 =	simm.s32 @!p0 $0x0  }
0x34: {  	[sflag:s6] =	ssyncset.done $0x0;
	s18 =	sshll.u32 s17, $0xE  }
0x35: {  	[sflag:s6] =	ssyncadd.s32 $0xFFFFC000;
	s20 =	sor.u32 $0x40, s18  }
0x36: {  	s17 =	smul.u32 $0x10200, s17;
	v0 =	vld [tilespmem:s20+$0x30]  }
0x37: {  	v3 =	vld [tilespmem:s20+$0xFFFFFFD0]  }
0x38: {  	s17 =	sshrl.u32 s17, $0x2;
	v4 =	vld [tilespmem:s20+$0xFFFFFFE0]  }
0x39: {  	v5 =	vld [tilespmem:s20+$0xFFFFFFF0];
	s18 =	sor.u32 $0x8000, s17  }
0x3a: {  	s31 =	sand.u32 $0x1, s13;
	v1 =	vld [tilespmem:s20+$0x0];
	s19 =	sadd.s32 $0x0, s18  }
0x3b: {  	v2 =	vld [tilespmem:s20+$0x10];
	s17 =	smul.u32 $0x10200, s31;
	[tilespmem:s19+$0x3870 ss:$0x81] =	vst.msk $0xffff, v0  }
0x3c: {  	[tilespmem:s19+$0x810 ss:$0x81] =	vst.msk $0xffff, v3;
	v3 =	vld [tilespmem:s20+$0x20]  }
0x3d: {  	s17 =	sshrl.u32 s17, $0x2;
	v0 =	vld [tilespmem:s20+$0xFFFFFFC0];
	[tilespmem:s19+$0x1020 ss:$0x81] =	vst.msk $0xffff, v4;
	s20 =	sadd.s32 $0x80, s20  }
0x3e: {  	s21 =	simm.s32 $0x4;
	s22 =	simm.s32 $0x8;
	s17 =	sor.u32 $0x8000, s17;
	[tilespmem:s19+$0x1830 ss:$0x81] =	vst.msk $0xffff, v5;
	v4 =	vld [tilespmem:s20+$0x30]  }
.LBB1_3:
0x3f: {  	p1 =	sne.s32 s22, $0x1FC;
	v5 =	vld [tilespmem:s20+$0xFFFFFFD0];
	[tilespmem:s19+$0x2040 ss:$0x81] =	vst.msk $0xffff, v1  }
0x40: {  	v6 =	vld [tilespmem:s20+$0xFFFFFFE0];
	[tilespmem:s19+$0x2850 ss:$0x81] =	vst.msk $0xffff, v2  }
0x41: {  	s23 =	sshra.s32 s21, $0x2;
	s21 =	smov.u32 s22;
	v7 =	vld [tilespmem:s20+$0xFFFFFFF0];
	[tilespmem:s19+$0x3060 ss:$0x81] =	vst.msk $0xffff, v3  }
.Ltmp3:
0x42: {  	v1 =	vld [tilespmem:s20+$0x0];
	[tilespmem:s19+$0x0 ss:$0x81] =	vst.msk $0xffff, v0;
	s19 =	sadd.s32 s23, s18;
	(pc) =	sbr.rel @p1 .LBB1_3-.Ltmp3, $4  }
0x43: {  	v2 =	vld [tilespmem:s20+$0x10];
	[tilespmem:s19+$0x3870 ss:$0x81] =	vst.msk $0xffff, v4  }
0x44: {  	[tilespmem:s19+$0x810 ss:$0x81] =	vst.msk $0xffff, v5;
	v3 =	vld [tilespmem:s20+$0x20]  }
0x45: {  	v0 =	vld [tilespmem:s20+$0xFFFFFFC0];
	[tilespmem:s19+$0x1020 ss:$0x81] =	vst.msk $0xffff, v6;
	s20 =	sadd.s32 $0x80, s20  }
0x46: {  	s22 =	sadd.s32 $0x4, s22;
	v4 =	vld [tilespmem:s20+$0x30];
	[tilespmem:s19+$0x1830 ss:$0x81] =	vst.msk $0xffff, v7  }
.Ltmp4:
0x47: {  	_ = 	snop;
	(pc) =	sbr.rel .LBB1_4-.Ltmp4, $1  }
0x48: {  	_ =	sdelay $0x3  }
.LBB1_6:
0x49: {  	_ =	sfence.sel $0x180000  }
0x4a: {  	s2 =	simm.s32 $0x1;
	[bflag:$0x0] =	sbarrier.arrive $0xFFFF  }
0x4b: {  	s31 =	simm.s32 $0x2;
	[sflag:s2] =	ssyncpa.u1 $0x1  }
0x4c: {  	[sflag:s31] =	ssyncpa.u1 $0x1  }
0x4d: {  	p0 =	sne.s32 s0, $0x0;
	_ =	strace $0x90000053  }
0x4e: {  	s0 =	sadd.s32 @!p0 $0x100000, s1;
	[bflag:$0x2] =	sbarrier.arrive $0xFFFF  }
0x4f: {  	[sflag:s0] =	ssyncadd.tile.s32 @!p0 $0x1;
	_ =	shalt  }
.Lfunc_end1:
_tile_overlayer_lowered:
.L_overlay_start_2:
0x50: {  	(tag) =	ssettag $0x2  }
0x51: {  	s0 =	rddreg [dreg:$0x0];
	s2 =	stileid.u32  }
0x52: {  	s1 =	rddreg [dreg:$0x1];
	p0 =	sne.s32 s2, $0x0  }
0x53: {  	s3 =	rddreg [dreg:$0x2];
	[bflag:$0x3] =	sbarrier.arrive $0xFFFF;
	s2 =	simm.s32 @!p0 $0x1C01  }
0x54: {  	[timem:s3], [sflag:s2] =	dma.local @!p0 [hbm:s0], s1  }
0x55: {  	s0 =	simm.s32 @!p0 $0x1  }
0x56: {  	_ =	swait.ge @!p0 [sflag:s0], s1  }
0x57: {  	s1 =	ssub.s32 @!p0 $0x0, s1;
	[sflag:s0] =	ssyncset.done @!p0 $0x0  }
0x58: {  	[sflag:s0] =	ssyncadd.s32 @!p0 s1  }
0x59: {  	[bflag:$0x3] =	sbarrier.arrive $0xFFFF  }
0x5a: {  	_ =	shalt  }

</sc_bundles>
